<compile_context>
chip_gen: v7x
topology: tpu7x:2x2x1
jax: 0.10.2.dev20260603
libtpu: 0.0.44.dev20260713+nightly
codegen_flags: <defaults>
</compile_context>

<pallas_src>
import functools

import jax
import jax.numpy as jnp
from jax import lax
from jax.experimental import pallas as pl
from jax.experimental.pallas import tpu as pltpu
from jax.experimental.pallas import tpu_sc as plsc

NUM_USERS = 10000
EMBED_DIM = 128
NUM_EDGES = 320000
BATCH = 16384

NC = 2
NS = 16
NW = NC * NS

DCOL = EMBED_DIM + 16

ECH = 128
NCH = 80
EPW = NCH * ECH
NROW = NW * NCH
EPAD = NROW * ECH

UPW = BATCH // NW
UCH = 64
NUCH = UPW // UCH

UPAD = 10240
ROWS_PER_TILE = UPAD // NS
ZR = 128
SROW = NUM_USERS // NS
SCH = 125

EGRID = 32
EBLK = NROW // EGRID * ECH


def _edge_fmt_body(ei_ref, src_ref, dst_ref):
  i = pl.program_id(0)
  rows = EBLK // ECH
  s = ei_ref[0:1, :].reshape(rows, ECH)
  d = ei_ref[1:2, :].reshape(rows, ECH)
  flat = (i * EBLK
          + jax.lax.broadcasted_iota(jnp.int32, (rows, ECH), 0) * ECH
          + jax.lax.broadcasted_iota(jnp.int32, (rows, ECH), 1))
  valid = flat < NUM_EDGES
  src_ref[...] = jnp.where(valid, s, (flat * 37) % NUM_USERS)
  dst_ref[...] = jnp.where(valid, d,
                           NUM_USERS + flat % (UPAD - NUM_USERS))


def _edge_fmt(edge_index):
  i32 = jnp.int32
  return pl.pallas_call(
      _edge_fmt_body,
      grid=(EGRID,),
      in_specs=[pl.BlockSpec((2, EBLK), lambda i: (0, i))],
      out_specs=[pl.BlockSpec((EBLK // ECH, ECH), lambda i: (i, 0)),
                 pl.BlockSpec((EBLK // ECH, ECH), lambda i: (i, 0))],
      out_shape=[jax.ShapeDtypeStruct((NROW, ECH), i32),
                 jax.ShapeDtypeStruct((NROW, ECH), i32)],
  )(edge_index)


def _zero_fill(ref, rows, cols):
  z = jnp.zeros((16,), jnp.float32)

  def body(i, _):
    r = i // (cols // 16)
    cidx = (i % (cols // 16)) * 16
    ref[r, pl.ds(cidx, 16)] = z
    return 0

  lax.fori_loop(0, rows * (cols // 16), body, 0)


def _stage_a(src2, dst2, u2e):
  mesh = plsc.VectorSubcoreMesh(core_axis_name="c", subcore_axis_name="s")
  f32 = jnp.float32

  @functools.partial(
      pl.kernel,
      mesh=mesh,
      compiler_params=pltpu.CompilerParams(use_tc_tiling_on_sc=False),
      out_type=[
          jax.ShapeDtypeStruct((UPAD, DCOL), f32),
          jax.ShapeDtypeStruct((UPAD, DCOL), f32),
      ],
      scratch_types=[
          pltpu.HBM((NC, NUM_USERS, DCOL), f32),
          pltpu.VMEM_SHARED((UPAD, DCOL), f32),
          pltpu.VMEM((4, ECH), jnp.int32),
          pltpu.VMEM((4, ECH), jnp.int32),
          pltpu.VMEM((ECH, DCOL), f32),
          pltpu.VMEM((ECH, DCOL), f32),
          pltpu.SemaphoreType.DMA,
          pltpu.SemaphoreType.DMA,
          pltpu.SemaphoreType.DMA,
          pltpu.SemaphoreType.DMA,
          pltpu.SemaphoreType.DMA,
          pltpu.SemaphoreType.DMA,
      ],
  )
  def k(src_hbm, dst_hbm, u2e_hbm, aggc0_hbm, aggc1_hbm,
        u2ex_hbm, agg_sh, sbufs, dbufs, rows0, rows1,
        gsem0, gsem1, isem0, isem1, isem2, isem3):
    c = lax.axis_index("c")
    s = lax.axis_index("s")
    wid = s * NC + c
    roff = wid * NCH

    one = jnp.ones((16,), f32)

    def ones_body(i, _):
      rows1[i, pl.ds(EMBED_DIM, 16)] = one
      return 0

    lax.fori_loop(0, SCH, ones_body, 0)
    for j in range(SROW // SCH):
      srow = s * SROW + j * SCH
      pltpu.sync_copy(u2e_hbm.at[pl.ds(srow, SCH)],
                      rows1.at[pl.ds(0, SCH), pl.ds(0, EMBED_DIM)])
      pltpu.sync_copy(rows1.at[pl.ds(0, SCH)],
                      u2ex_hbm.at[c, pl.ds(srow, SCH)])

    _zero_fill(rows0, ZR, DCOL)
    base_row = s * ROWS_PER_TILE
    for j in range(ROWS_PER_TILE // ZR):
      pltpu.sync_copy(rows0, agg_sh.at[pl.ds(base_row + j * ZR, ZR)])
    plsc.subcore_barrier()

    tab = u2ex_hbm.at[c]
    isems = (isem0, isem1, isem2, isem3)

    def load_idx_sync(kk, b):
      pltpu.sync_copy(src_hbm.at[roff + kk], sbufs.at[b])
      pltpu.sync_copy(dst_hbm.at[roff + kk], dbufs.at[b])

    def load_idx_async(kk, b):
      pltpu.async_copy(src_hbm.at[roff + kk], sbufs.at[b], isems[b])
      pltpu.async_copy(dst_hbm.at[roff + kk], dbufs.at[b], isems[b])

    def wait_idx(b):
      pltpu.make_async_copy(src_hbm.at[roff], sbufs.at[b], isems[b]).wait()
      pltpu.make_async_copy(dst_hbm.at[roff], dbufs.at[b], isems[b]).wait()

    def gather(b, buf, sem):
      pltpu.async_copy(tab.at[sbufs.at[b]], buf, sem)

    def wait_gather(buf, sem):
      pltpu.make_async_copy(tab.at[sbufs.at[0]], buf, sem).wait()

    def scatter(buf, b):
      pltpu.sync_copy(buf, agg_sh.at[dbufs.at[b]], add=True)

    load_idx_sync(0, 0)
    load_idx_sync(1, 1)
    gather(0, rows0, gsem0)
    gather(1, rows1, gsem1)
    load_idx_async(2, 2)
    load_idx_async(3, 3)

    def step(kk, b, rbuf, gsem):
      wait_gather(rbuf, gsem)
      scatter(rbuf, b)
      bn = (b + 2) % 4
      wait_idx(bn)
      gather(bn, rbuf, gsem)
      load_idx_async(kk + 4, b)

    def body(jj, _):
      kk = 4 * jj
      step(kk, 0, rows0, gsem0)
      step(kk + 1, 1, rows1, gsem1)
      step(kk + 2, 2, rows0, gsem0)
      step(kk + 3, 3, rows1, gsem1)
      return 0

    lax.fori_loop(0, (NCH - 4) // 4, body, 0)
    wait_gather(rows0, gsem0)
    scatter(rows0, 0)
    wait_idx(2)
    gather(2, rows0, gsem0)
    wait_gather(rows1, gsem1)
    scatter(rows1, 1)
    wait_idx(3)
    gather(3, rows1, gsem1)
    wait_gather(rows0, gsem0)
    scatter(rows0, 2)
    wait_gather(rows1, gsem1)
    scatter(rows1, 3)
    plsc.subcore_barrier()

    rr = pl.ds(base_row, ROWS_PER_TILE)

    @pl.when(c == 0)
    def _():
      pltpu.sync_copy(agg_sh.at[rr], aggc0_hbm.at[rr])

    @pl.when(c == 1)
    def _():
      pltpu.sync_copy(agg_sh.at[rr], aggc1_hbm.at[rr])

  return k(src2, dst2, u2e)


def _stage_b(users, u2e, aggc0, aggc1):
  mesh = plsc.VectorSubcoreMesh(core_axis_name="c", subcore_axis_name="s")
  f32 = jnp.float32

  @functools.partial(
      pl.kernel,
      mesh=mesh,
      compiler_params=pltpu.CompilerParams(use_tc_tiling_on_sc=False),
      out_type=[
          jax.ShapeDtypeStruct((BATCH, EMBED_DIM), f32),
          jax.ShapeDtypeStruct((BATCH, EMBED_DIM), f32),
          jax.ShapeDtypeStruct((BATCH, EMBED_DIM), f32),
          jax.ShapeDtypeStruct((BATCH, 16), f32),
      ],
      scratch_types=[
          pltpu.VMEM((2, UCH), jnp.int32),
          pltpu.VMEM((UCH, EMBED_DIM), f32),
          pltpu.VMEM((UCH, EMBED_DIM), f32),
          pltpu.VMEM((UCH, DCOL), f32),
          pltpu.VMEM((UCH, DCOL), f32),
          pltpu.VMEM((UCH, DCOL), f32),
          pltpu.VMEM((UCH, DCOL), f32),
          pltpu.VMEM((UCH, 16), f32),
          pltpu.VMEM((UCH, 16), f32),
          pltpu.SemaphoreType.DMA,
          pltpu.SemaphoreType.DMA,
          pltpu.SemaphoreType.DMA,
          pltpu.SemaphoreType.DMA,
      ],
  )
  def k(users_hbm, u2e_hbm, aggc0_hbm, aggc1_hbm,
        self_hbm, n0_hbm, n1_hbm, rec_hbm,
        uidx, sb0, sb1, a00, a01, a10, a11, rc0, rc1,
        gsem0, gsem1, wsem0, wsem1):
    c = lax.axis_index("c")
    s = lax.axis_index("s")
    wid = s * NC + c
    sets = ((sb0, a00, a10, rc0, gsem0, wsem0),
            (sb1, a01, a11, rc1, gsem1, wsem1))

    def base(kk):
      return wid * UPW + kk * UCH

    def load_uidx(kk, p):
      pltpu.sync_copy(users_hbm.at[pl.ds(base(kk), UCH)], uidx.at[p])

    def start_gathers(kk, p):
      sb, a0, a1, _, gsem, _ = sets[p]
      pltpu.async_copy(u2e_hbm.at[uidx.at[p]], sb, gsem)
      pltpu.async_copy(aggc0_hbm.at[uidx.at[p]], a0, gsem)
      pltpu.async_copy(aggc1_hbm.at[uidx.at[p]], a1, gsem)

    def wait_gathers(p):
      sb, a0, a1, _, gsem, _ = sets[p]
      pltpu.make_async_copy(u2e_hbm.at[uidx.at[p]], sb, gsem).wait()
      pltpu.make_async_copy(aggc0_hbm.at[uidx.at[p]], a0, gsem).wait()
      pltpu.make_async_copy(aggc1_hbm.at[uidx.at[p]], a1, gsem).wait()

    def start_writes(kk, p):
      sb, a0, a1, rc, _, wsem = sets[p]
      bb = pl.ds(base(kk), UCH)
      pltpu.async_copy(sb, self_hbm.at[bb], wsem)
      pltpu.async_copy(a0.at[pl.ds(0, UCH), pl.ds(0, EMBED_DIM)],
                       n0_hbm.at[bb], wsem)
      pltpu.async_copy(a1.at[pl.ds(0, UCH), pl.ds(0, EMBED_DIM)],
                       n1_hbm.at[bb], wsem)
      pltpu.async_copy(rc, rec_hbm.at[bb], wsem)

    def wait_writes(p):
      sb, a0, a1, rc, _, wsem = sets[p]
      bb = pl.ds(0, UCH)
      pltpu.make_async_copy(sb, self_hbm.at[pl.ds(0, UCH)], wsem).wait()
      pltpu.make_async_copy(a0.at[pl.ds(0, UCH), pl.ds(0, EMBED_DIM)],
                            n0_hbm.at[pl.ds(0, UCH)], wsem).wait()
      pltpu.make_async_copy(a1.at[pl.ds(0, UCH), pl.ds(0, EMBED_DIM)],
                            n1_hbm.at[pl.ds(0, UCH)], wsem).wait()
      pltpu.make_async_copy(rc, rec_hbm.at[pl.ds(0, UCH)], wsem).wait()

    def recip(p):
      _, a0, a1, rc, _, _ = sets[p]

      def rbody(i, _):
        dv = (a0[i, pl.ds(EMBED_DIM, 16)] + a1[i, pl.ds(EMBED_DIM, 16)])
        rc[i, pl.ds(0, 16)] = 1.0 / jnp.maximum(dv, 1.0)
        return 0

      lax.fori_loop(0, UCH, rbody, 0)

    load_uidx(0, 0)
    start_gathers(0, 0)
    for kk in range(NUCH):
      p = kk % 2
      if kk + 1 < NUCH:
        p1 = (kk + 1) % 2
        if kk >= 1:
          wait_writes(p1)
        load_uidx(kk + 1, p1)
        start_gathers(kk + 1, p1)
      wait_gathers(p)
      recip(p)
      start_writes(kk, p)
    wait_writes(0)
    wait_writes(1)

  return k(users, u2e, aggc0, aggc1)


def _bdot(a, b):
  return jnp.dot(a, b, preferred_element_type=jnp.float32)


def _stage_c_body(self_ref, n0_ref, n1_ref, rec_ref,
                  w_enc_ref, b_enc_ref, attn_w1_ref, attn_b1_ref,
                  attn_w2_ref, fc1_w_ref, fc1_b_ref, fc2_w_ref, fc2_b_ref,
                  gamma_ref, beta_ref, out_ref):
  neigh = (n0_ref[...] + n1_ref[...]) * rec_ref[:, 0:1]
  w_enc = w_enc_ref[...]
  h = (_bdot(self_ref[...], w_enc[:EMBED_DIM])
       + _bdot(neigh, w_enc[EMBED_DIM:])
       + b_enc_ref[...])
  h = jnp.maximum(h, 0.0)
  t = jnp.tanh(_bdot(h, attn_w1_ref[...]) + attn_b1_ref[...])
  e = _bdot(t, attn_w2_ref[...])
  m = jnp.max(e)
  a = jnp.exp(e - m)
  alpha = a / jnp.sum(a)
  x = _bdot(h * alpha, fc1_w_ref[...])
  x = x + fc1_b_ref[...]
  mu = jnp.mean(x, axis=0, keepdims=True)
  xc = x - mu
  var = jnp.mean(xc * xc, axis=0, keepdims=True)
  xn = xc * lax.rsqrt(var + 1e-5) * gamma_ref[...] + beta_ref[...]
  xr = jnp.maximum(xn, 0.0)
  out_ref[...] = _bdot(xr, fc2_w_ref[...]) + fc2_b_ref[...]


def _stage_c(self_feat, n0, n1, rec, w_enc, b_enc, attn_w1, attn_b1,
             attn_w2, fc1_w, fc1_b, fc2_w, fc2_b, gamma, beta):
  f32 = jnp.float32
  return pl.pallas_call(
      _stage_c_body,
      out_shape=jax.ShapeDtypeStruct((BATCH, EMBED_DIM), f32),
      compiler_params=pltpu.CompilerParams(
          vmem_limit_bytes=100 * 1024 * 1024),
  )(self_feat, n0, n1, rec, w_enc, b_enc, attn_w1, attn_b1, attn_w2,
    fc1_w, fc1_b, fc2_w, fc2_b, gamma, beta)


def kernel(users, edge_index, u2e, W_enc, b_enc, attn_W1, attn_b1, attn_w2,
           fc1_W, fc1_b, fc2_W, fc2_b, bn_gamma, bn_beta):
  users = users.astype(jnp.int32)
  edge_index = edge_index.astype(jnp.int32)
  src2, dst2 = _edge_fmt(edge_index)
  aggc0, aggc1 = _stage_a(src2, dst2, u2e)
  self_feat, n0, n1, rec = _stage_b(users, u2e, aggc0, aggc1)
  return _stage_c(
      self_feat, n0, n1, rec,
      W_enc, b_enc.reshape(1, EMBED_DIM),
      attn_W1, attn_b1.reshape(1, EMBED_DIM), attn_w2.reshape(EMBED_DIM, 1),
      fc1_W, fc1_b.reshape(1, EMBED_DIM),
      fc2_W, fc2_b.reshape(1, EMBED_DIM),
      bn_gamma.reshape(1, EMBED_DIM), bn_beta.reshape(1, EMBED_DIM))

# --- scband reference (transcript-rebuilt; emitter-appended) ---
"""Pipeline reference for scband-user-social-graph-1821066134232 (READ-ONLY COPY).

The authoritative reference and input builder live on the scoring server;
editing this copy changes nothing except your own understanding.
"""

import jax, jax.numpy as jnp
import numpy as np

NUM_USERS = 10000
EMBED_DIM = 128
USER_EMBED_DIM = 128
NUM_EDGES = 320000
BATCH = 16384


def setup_inputs(seed: int = 0) -> dict:
    key = jax.random.key(seed)
    ks = jax.random.split(key, 14)
    inp = {}
    inp["users"] = jax.random.randint(ks[0], (BATCH,), 0, NUM_USERS)
    inp["edge_index"] = jax.random.randint(ks[1], (2, NUM_EDGES), 0, NUM_USERS)
    # learned parameters
    inp["u2e"] = jax.random.normal(ks[2], (NUM_USERS, EMBED_DIM), jnp.float32) * 0.02
    inp["W_enc"] = jax.random.normal(ks[3], (2 * EMBED_DIM, EMBED_DIM), jnp.float32) * (1.0 / np.sqrt(2 * EMBED_DIM))
    inp["b_enc"] = jnp.zeros((EMBED_DIM,), jnp.float32)
    inp["attn_W1"] = jax.random.normal(ks[4], (EMBED_DIM, EMBED_DIM), jnp.float32) * (1.0 / np.sqrt(EMBED_DIM))
    inp["attn_b1"] = jnp.zeros((EMBED_DIM,), jnp.float32)
    inp["attn_w2"] = jax.random.normal(ks[5], (EMBED_DIM,), jnp.float32) * (1.0 / np.sqrt(EMBED_DIM))
    inp["fc1_W"] = jax.random.normal(ks[6], (EMBED_DIM, EMBED_DIM), jnp.float32) * (1.0 / np.sqrt(EMBED_DIM))
    inp["fc1_b"] = jnp.zeros((EMBED_DIM,), jnp.float32)
    inp["fc2_W"] = jax.random.normal(ks[7], (EMBED_DIM, USER_EMBED_DIM), jnp.float32) * (1.0 / np.sqrt(EMBED_DIM))
    inp["fc2_b"] = jnp.zeros((USER_EMBED_DIM,), jnp.float32)
    inp["bn_gamma"] = jnp.ones((EMBED_DIM,), jnp.float32)
    inp["bn_beta"] = jnp.zeros((EMBED_DIM,), jnp.float32)
    return inp


def reference(users, edge_index, u2e, W_enc, b_enc, attn_W1, attn_b1, attn_w2,
              fc1_W, fc1_b, fc2_W, fc2_b, bn_gamma, bn_beta):
    # --- Social_Aggregator: mean of neighbor embeddings over social adjacency ---
    src = edge_index[0]
    dst = edge_index[1]
    msgs = jnp.take(u2e, src, axis=0)                                   # gather [E, D]
    agg = jax.ops.segment_sum(msgs, dst, num_segments=NUM_USERS)        # scatter-add
    deg = jax.ops.segment_sum(jnp.ones((NUM_EDGES,), jnp.float32), dst, num_segments=NUM_USERS)
    agg = agg / jnp.clip(deg, 1.0)[:, None]
    # --- Social_Encoder: combine self embedding with aggregated neighbors ---
    self_feat = jnp.take(u2e, users, axis=0)                            # gather [B, D]
    neigh_feat = jnp.take(agg, users, axis=0)                           # gather [B, D]
    h = jnp.maximum(jnp.concatenate([self_feat, neigh_feat], axis=-1) @ W_enc + b_enc, 0.0)
    # --- SelfAttentionBatch over the batch of user reps ---
    e = jnp.tanh(h @ attn_W1 + attn_b1) @ attn_w2                       # [B]
    alpha = jax.nn.softmax(e)
    h_att = h * alpha[:, None]                                          # attention-weighted reps
    # --- user_social_project_head: fc1 -> BN -> relu -> fc2 ---
    x = h_att @ fc1_W + fc1_b
    mean = jnp.mean(x, axis=0)
    var = jnp.var(x, axis=0)
    x = (x - mean) / jnp.sqrt(var + 1e-5) * bn_gamma + bn_beta
    x = jnp.maximum(x, 0.0)
    out = x @ fc2_W + fc2_b
    return out

if __name__ == "__main__":
    import jax
    _d = setup_inputs()
    print(jax.jit(kernel)(*tuple(_d.values())))

</pallas_src>

<mosaic_0001>
#map = affine_map<(d0, d1) -> (0)>
#map1 = affine_map<(d0, d1) -> (0, 0)>
module attributes {stable_mosaic.version = 14 : i64} {
  func.func @k(%arg0: i32, %arg1: i32, %arg2: memref<16384xi32, #tpu.memory_space<hbm>>, %arg3: memref<10000x128xf32, #tpu.memory_space<hbm>>, %arg4: memref<10240x144xf32, #tpu.memory_space<hbm>>, %arg5: memref<10240x144xf32, #tpu.memory_space<hbm>>, %arg6: memref<16384x128xf32, #tpu.memory_space<hbm>>, %arg7: memref<16384x128xf32, #tpu.memory_space<hbm>>, %arg8: memref<16384x128xf32, #tpu.memory_space<hbm>>, %arg9: memref<16384x16xf32, #tpu.memory_space<hbm>>, %arg10: memref<2x64xi32, #tpu.memory_space<vmem>>, %arg11: memref<64x128xf32, #tpu.memory_space<vmem>>, %arg12: memref<64x128xf32, #tpu.memory_space<vmem>>, %arg13: memref<64x144xf32, #tpu.memory_space<vmem>>, %arg14: memref<64x144xf32, #tpu.memory_space<vmem>>, %arg15: memref<64x144xf32, #tpu.memory_space<vmem>>, %arg16: memref<64x144xf32, #tpu.memory_space<vmem>>, %arg17: memref<64x16xf32, #tpu.memory_space<vmem>>, %arg18: memref<64x16xf32, #tpu.memory_space<vmem>>, %arg19: memref<!tpu.dma_semaphore, #tpu.memory_space<semaphore_mem>>, %arg20: memref<!tpu.dma_semaphore, #tpu.memory_space<semaphore_mem>>, %arg21: memref<!tpu.dma_semaphore, #tpu.memory_space<semaphore_mem>>, %arg22: memref<!tpu.dma_semaphore, #tpu.memory_space<semaphore_mem>>) attributes {dimension_semantics = [#tpu.dimension_semantics<core_parallel>, #tpu.dimension_semantics<subcore_parallel>], iteration_bounds = array<i64: 2, 16>, scalar_prefetch = 0 : i64, scratch_operands = 13 : i64, tpu.core_type = #tpu.core_type<sc_vector_subcore>, window_params = [{transform_indices = #map}, {transform_indices = #map1}, {transform_indices = #map1}, {transform_indices = #map1}, {transform_indices = #map1}, {transform_indices = #map1}, {transform_indices = #map1}, {transform_indices = #map1}]} {
    %mul3A = arith.constant 2 : i32
    %mul3A_0 = arith.muli %arg1, %mul3A : i32
    %add3A = arith.addi %mul3A_0, %arg0 : i32
    %mul3A_1 = arith.constant 512 : i32
    %mul3A_2 = arith.muli %add3A, %mul3A_1 : i32
    %add3A_3 = arith.constant 0 : i32
    %add3A_4 = arith.addi %mul3A_2, %add3A_3 : i32
    %run_scoped3A = arith.constant 0 : i32
    "tpu.region"() ({
      %run_scoped3A_973 = tpu.sem_alloc : memref<!tpu.dma_semaphore, #tpu.memory_space<semaphore_mem>>
      %dma_start3A_974 = arith.constant 0 : i32
      %dma_start3A_975 = tpu.memref_slice %arg10[%run_scoped3A, %dma_start3A_974] : memref<2x64xi32, #tpu.memory_space<vmem>> -> memref<1x64xi32, #tpu.memory_space<vmem>>
      %dma_start3A_976 = tpu.memref_squeeze %dma_start3A_975 : memref<1x64xi32, #tpu.memory_space<vmem>> -> memref<64xi32, #tpu.memory_space<vmem>>
      %dma_start3A_977 = tpu.memref_slice %arg2[%add3A_4] : memref<16384xi32, #tpu.memory_space<hbm>> -> memref<64xi32, #tpu.memory_space<hbm>>
      %dma_start3A_978 = arith.constant 0 : i32
      %dma_start3A_979 = tpu.memref_slice %arg10[%run_scoped3A, %dma_start3A_978] : memref<2x64xi32, #tpu.memory_space<vmem>> -> memref<1x64xi32, #tpu.memory_space<vmem>>
      %dma_start3A_980 = tpu.memref_squeeze %dma_start3A_979 : memref<1x64xi32, #tpu.memory_space<vmem>> -> memref<64xi32, #tpu.memory_space<vmem>>
      %dma_start3A_981 = tpu.memref_slice %arg2[%add3A_4] : memref<16384xi32, #tpu.memory_space<hbm>> -> memref<64xi32, #tpu.memory_space<hbm>>
      tpu.enqueue_dma source(%dma_start3A_981 : memref<64xi32, #tpu.memory_space<hbm>>) target(%dma_start3A_980 : memref<64xi32, #tpu.memory_space<vmem>>) target_semaphore(%run_scoped3A_973 : memref<!tpu.dma_semaphore, #tpu.memory_space<semaphore_mem>>)
      %dma_wait3A_982 = arith.constant 0 : i32
      %dma_wait3A_983 = tpu.memref_slice %arg10[%run_scoped3A, %dma_wait3A_982] : memref<2x64xi32, #tpu.memory_space<vmem>> -> memref<1x64xi32, #tpu.memory_space<vmem>>
      %dma_wait3A_984 = tpu.memref_squeeze %dma_wait3A_983 : memref<1x64xi32, #tpu.memory_space<vmem>> -> memref<64xi32, #tpu.memory_space<vmem>>
      %dma_wait3A_985 = tpu.memref_slice %arg2[%add3A_4] : memref<16384xi32, #tpu.memory_space<hbm>> -> memref<64xi32, #tpu.memory_space<hbm>>
      %dma_wait3A_986 = arith.constant 0 : i32
      %dma_wait3A_987 = tpu.memref_slice %arg10[%run_scoped3A, %dma_wait3A_986] : memref<2x64xi32, #tpu.memory_space<vmem>> -> memref<1x64xi32, #tpu.memory_space<vmem>>
      %dma_wait3A_988 = tpu.memref_squeeze %dma_wait3A_987 : memref<1x64xi32, #tpu.memory_space<vmem>> -> memref<64xi32, #tpu.memory_space<vmem>>
      %dma_wait3A_989 = tpu.memref_slice %arg2[%add3A_4] : memref<16384xi32, #tpu.memory_space<hbm>> -> memref<64xi32, #tpu.memory_space<hbm>>
      tpu.wait_dma2 semaphore(%run_scoped3A_973 : memref<!tpu.dma_semaphore, #tpu.memory_space<semaphore_mem>>) src(%dma_wait3A_989 : memref<64xi32, #tpu.memory_space<hbm>>) dst(%dma_wait3A_988 : memref<64xi32, #tpu.memory_space<vmem>>)
      tpu.yield
    }) : () -> ()
    %dma_start3A = arith.constant 0 : i32
    %dma_start3A_5 = arith.constant 0 : i32
    %dma_start3A_6 = tpu.memref_slice %arg10[%dma_start3A, %dma_start3A_5] : memref<2x64xi32, #tpu.memory_space<vmem>> -> memref<1x64xi32, #tpu.memory_space<vmem>>
    %dma_start3A_7 = tpu.memref_squeeze %dma_start3A_6 : memref<1x64xi32, #tpu.memory_space<vmem>> -> memref<64xi32, #tpu.memory_space<vmem>>
    %dma_start3A_8 = arith.constant 0 : i32
    %dma_start3A_9 = arith.constant 0 : i32
    %dma_start3A_10 = tpu.memref_slice %arg3[%dma_start3A_8, %dma_start3A_9] : memref<10000x128xf32, #tpu.memory_space<hbm>> -> memref<10000x128xf32, #tpu.memory_space<hbm>>
    tpu.enqueue_indirect_dma source(%dma_start3A_10 : memref<10000x128xf32, #tpu.memory_space<hbm>>) target(%arg11 : memref<64x128xf32, #tpu.memory_space<vmem>>) offsets(%dma_start3A_7 : memref<64xi32, #tpu.memory_space<vmem>>) semaphore(%arg19 : memref<!tpu.dma_semaphore, #tpu.memory_space<semaphore_mem>>)
    %dma_start3A_11 = arith.constant 0 : i32
    %dma_start3A_12 = arith.constant 0 : i32
    %dma_start3A_13 = tpu.memref_slice %arg10[%dma_start3A_11, %dma_start3A_12] : memref<2x64xi32, #tpu.memory_space<vmem>> -> memref<1x64xi32, #tpu.memory_space<vmem>>
    %dma_start3A_14 = tpu.memref_squeeze %dma_start3A_13 : memref<1x64xi32, #tpu.memory_space<vmem>> -> memref<64xi32, #tpu.memory_space<vmem>>
    %dma_start3A_15 = arith.constant 0 : i32
    %dma_start3A_16 = arith.constant 0 : i32
    %dma_start3A_17 = tpu.memref_slice %arg4[%dma_start3A_15, %dma_start3A_16] : memref<10240x144xf32, #tpu.memory_space<hbm>> -> memref<10240x144xf32, #tpu.memory_space<hbm>>
    tpu.enqueue_indirect_dma source(%dma_start3A_17 : memref<10240x144xf32, #tpu.memory_space<hbm>>) target(%arg13 : memref<64x144xf32, #tpu.memory_space<vmem>>) offsets(%dma_start3A_14 : memref<64xi32, #tpu.memory_space<vmem>>) semaphore(%arg19 : memref<!tpu.dma_semaphore, #tpu.memory_space<semaphore_mem>>)
    %dma_start3A_18 = arith.constant 0 : i32
    %dma_start3A_19 = arith.constant 0 : i32
    %dma_start3A_20 = tpu.memref_slice %arg10[%dma_start3A_18, %dma_start3A_19] : memref<2x64xi32, #tpu.memory_space<vmem>> -> memref<1x64xi32, #tpu.memory_space<vmem>>
    %dma_start3A_21 = tpu.memref_squeeze %dma_start3A_20 : memref<1x64xi32, #tpu.memory_space<vmem>> -> memref<64xi32, #tpu.memory_space<vmem>>
    %dma_start3A_22 = arith.constant 0 : i32
    %dma_start3A_23 = arith.constant 0 : i32
    %dma_start3A_24 = tpu.memref_slice %arg5[%dma_start3A_22, %dma_start3A_23] : memref<10240x144xf32, #tpu.memory_space<hbm>> -> memref<10240x144xf32, #tpu.memory_space<hbm>>
    tpu.enqueue_indirect_dma source(%dma_start3A_24 : memref<10240x144xf32, #tpu.memory_space<hbm>>) target(%arg15 : memref<64x144xf32, #tpu.memory_space<vmem>>) offsets(%dma_start3A_21 : memref<64xi32, #tpu.memory_space<vmem>>) semaphore(%arg19 : memref<!tpu.dma_semaphore, #tpu.memory_space<semaphore_mem>>)
    %mul3A_25 = arith.constant 512 : i32
    %mul3A_26 = arith.muli %add3A, %mul3A_25 : i32
    %add3A_27 = arith.constant 64 : i32
    %add3A_28 = arith.addi %mul3A_26, %add3A_27 : i32
    %run_scoped3A_29 = arith.constant 1 : i32
    "tpu.region"() ({
      %run_scoped3A_973 = tpu.sem_alloc : memref<!tpu.dma_semaphore, #tpu.memory_space<semaphore_mem>>
      %dma_start3A_974 = arith.constant 0 : i32
      %dma_start3A_975 = tpu.memref_slice %arg10[%run_scoped3A_29, %dma_start3A_974] : memref<2x64xi32, #tpu.memory_space<vmem>> -> memref<1x64xi32, #tpu.memory_space<vmem>>
      %dma_start3A_976 = tpu.memref_squeeze %dma_start3A_975 : memref<1x64xi32, #tpu.memory_space<vmem>> -> memref<64xi32, #tpu.memory_space<vmem>>
      %dma_start3A_977 = tpu.memref_slice %arg2[%add3A_28] : memref<16384xi32, #tpu.memory_space<hbm>> -> memref<64xi32, #tpu.memory_space<hbm>>
      %dma_start3A_978 = arith.constant 0 : i32
      %dma_start3A_979 = tpu.memref_slice %arg10[%run_scoped3A_29, %dma_start3A_978] : memref<2x64xi32, #tpu.memory_space<vmem>> -> memref<1x64xi32, #tpu.memory_space<vmem>>
      %dma_start3A_980 = tpu.memref_squeeze %dma_start3A_979 : memref<1x64xi32, #tpu.memory_space<vmem>> -> memref<64xi32, #tpu.memory_space<vmem>>
      %dma_start3A_981 = tpu.memref_slice %arg2[%add3A_28] : memref<16384xi32, #tpu.memory_space<hbm>> -> memref<64xi32, #tpu.memory_space<hbm>>
      tpu.enqueue_dma source(%dma_start3A_981 : memref<64xi32, #tpu.memory_space<hbm>>) target(%dma_start3A_980 : memref<64xi32, #tpu.memory_space<vmem>>) target_semaphore(%run_scoped3A_973 : memref<!tpu.dma_semaphore, #tpu.memory_space<semaphore_mem>>)
      %dma_wait3A_982 = arith.constant 0 : i32
      %dma_wait3A_983 = tpu.memref_slice %arg10[%run_scoped3A_29, %dma_wait3A_982] : memref<2x64xi32, #tpu.memory_space<vmem>> -> memref<1x64xi32, #tpu.memory_space<vmem>>
      %dma_wait3A_984 = tpu.memref_squeeze %dma_wait3A_983 : memref<1x64xi32, #tpu.memory_space<vmem>> -> memref<64xi32, #tpu.memory_space<vmem>>
      %dma_wait3A_985 = tpu.memref_slice %arg2[%add3A_28] : memref<16384xi32, #tpu.memory_space<hbm>> -> memref<64xi32, #tpu.memory_space<hbm>>
      %dma_wait3A_986 = arith.constant 0 : i32
      %dma_wait3A_987 = tpu.memref_slice %arg10[%run_scoped3A_29, %dma_wait3A_986] : memref<2x64xi32, #tpu.memory_space<vmem>> -> memref<1x64xi32, #tpu.memory_space<vmem>>
      %dma_wait3A_988 = tpu.memref_squeeze %dma_wait3A_987 : memref<1x64xi32, #tpu.memory_space<vmem>> -> memref<64xi32, #tpu.memory_space<vmem>>
      %dma_wait3A_989 = tpu.memref_slice %arg2[%add3A_28] : memref<16384xi32, #tpu.memory_space<hbm>> -> memref<64xi32, #tpu.memory_space<hbm>>
      tpu.wait_dma2 semaphore(%run_scoped3A_973 : memref<!tpu.dma_semaphore, #tpu.memory_space<semaphore_mem>>) src(%dma_wait3A_989 : memref<64xi32, #tpu.memory_space<hbm>>) dst(%dma_wait3A_988 : memref<64xi32, #tpu.memory_space<vmem>>)
      tpu.yield
    }) : () -> ()
    %dma_start3A_30 = arith.constant 1 : i32
    %dma_start3A_31 = arith.constant 0 : i32
    %dma_start3A_32 = tpu.memref_slice %arg10[%dma_start3A_30, %dma_start3A_31] : memref<2x64xi32, #tpu.memory_space<vmem>> -> memref<1x64xi32, #tpu.memory_space<vmem>>
    %dma_start3A_33 = tpu.memref_squeeze %dma_start3A_32 : memref<1x64xi32, #tpu.memory_space<vmem>> -> memref<64xi32, #tpu.memory_space<vmem>>
    %dma_start3A_34 = arith.constant 0 : i32
    %dma_start3A_35 = arith.constant 0 : i32
    %dma_start3A_36 = tpu.memref_slice %arg3[%dma_start3A_34, %dma_start3A_35] : memref<10000x128xf32, #tpu.memory_space<hbm>> -> memref<10000x128xf32, #tpu.memory_space<hbm>>
    tpu.enqueue_indirect_dma source(%dma_start3A_36 : memref<10000x128xf32, #tpu.memory_space<hbm>>) target(%arg12 : memref<64x128xf32, #tpu.memory_space<vmem>>) offsets(%dma_start3A_33 : memref<64xi32, #tpu.memory_space<vmem>>) semaphore(%arg20 : memref<!tpu.dma_semaphore, #tpu.memory_space<semaphore_mem>>)
    %dma_start3A_37 = arith.constant 1 : i32
    %dma_start3A_38 = arith.constant 0 : i32
    %dma_start3A_39 = tpu.memref_slice %arg10[%dma_start3A_37, %dma_start3A_38] : memref<2x64xi32, #tpu.memory_space<vmem>> -> memref<1x64xi32, #tpu.memory_space<vmem>>
    %dma_start3A_40 = tpu.memref_squeeze %dma_start3A_39 : memref<1x64xi32, #tpu.memory_space<vmem>> -> memref<64xi32, #tpu.memory_space<vmem>>
    %dma_start3A_41 = arith.constant 0 : i32
    %dma_start3A_42 = arith.constant 0 : i32
    %dma_start3A_43 = tpu.memref_slice %arg4[%dma_start3A_41, %dma_start3A_42] : memref<10240x144xf32, #tpu.memory_space<hbm>> -> memref<10240x144xf32, #tpu.memory_space<hbm>>
    tpu.enqueue_indirect_dma source(%dma_start3A_43 : memref<10240x144xf32, #tpu.memory_space<hbm>>) target(%arg14 : memref<64x144xf32, #tpu.memory_space<vmem>>) offsets(%dma_start3A_40 : memref<64xi32, #tpu.memory_space<vmem>>) semaphore(%arg20 : memref<!tpu.dma_semaphore, #tpu.memory_space<semaphore_mem>>)
    %dma_start3A_44 = arith.constant 1 : i32
    %dma_start3A_45 = arith.constant 0 : i32
    %dma_start3A_46 = tpu.memref_slice %arg10[%dma_start3A_44, %dma_start3A_45] : memref<2x64xi32, #tpu.memory_space<vmem>> -> memref<1x64xi32, #tpu.memory_space<vmem>>
    %dma_start3A_47 = tpu.memref_squeeze %dma_start3A_46 : memref<1x64xi32, #tpu.memory_space<vmem>> -> memref<64xi32, #tpu.memory_space<vmem>>
    %dma_start3A_48 = arith.constant 0 : i32
    %dma_start3A_49 = arith.constant 0 : i32
    %dma_start3A_50 = tpu.memref_slice %arg5[%dma_start3A_48, %dma_start3A_49] : memref<10240x144xf32, #tpu.memory_space<hbm>> -> memref<10240x144xf32, #tpu.memory_space<hbm>>
    tpu.enqueue_indirect_dma source(%dma_start3A_50 : memref<10240x144xf32, #tpu.memory_space<hbm>>) target(%arg16 : memref<64x144xf32, #tpu.memory_space<vmem>>) offsets(%dma_start3A_47 : memref<64xi32, #tpu.memory_space<vmem>>) semaphore(%arg20 : memref<!tpu.dma_semaphore, #tpu.memory_space<semaphore_mem>>)
    %dma_wait3A = arith.constant 0 : i32
    %dma_wait3A_51 = arith.constant 0 : i32
    %dma_wait3A_52 = tpu.memref_slice %arg10[%dma_wait3A, %dma_wait3A_51] : memref<2x64xi32, #tpu.memory_space<vmem>> -> memref<1x64xi32, #tpu.memory_space<vmem>>
    %dma_wait3A_53 = tpu.memref_squeeze %dma_wait3A_52 : memref<1x64xi32, #tpu.memory_space<vmem>> -> memref<64xi32, #tpu.memory_space<vmem>>
    %dma_wait3A_54 = arith.constant 0 : i32
    %dma_wait3A_55 = arith.constant 0 : i32
    %dma_wait3A_56 = tpu.memref_slice %arg3[%dma_wait3A_54, %dma_wait3A_55] : memref<10000x128xf32, #tpu.memory_space<hbm>> -> memref<10000x128xf32, #tpu.memory_space<hbm>>
    tpu.wait_indirect_dma semaphore(%arg19 : memref<!tpu.dma_semaphore, #tpu.memory_space<semaphore_mem>>) src(%dma_wait3A_56 : memref<10000x128xf32, #tpu.memory_space<hbm>>) dst(%arg11 : memref<64x128xf32, #tpu.memory_space<vmem>>)
    %dma_wait3A_57 = arith.constant 0 : i32
    %dma_wait3A_58 = arith.constant 0 : i32
    %dma_wait3A_59 = tpu.memref_slice %arg10[%dma_wait3A_57, %dma_wait3A_58] : memref<2x64xi32, #tpu.memory_space<vmem>> -> memref<1x64xi32, #tpu.memory_space<vmem>>
    %dma_wait3A_60 = tpu.memref_squeeze %dma_wait3A_59 : memref<1x64xi32, #tpu.memory_space<vmem>> -> memref<64xi32, #tpu.memory_space<vmem>>
    %dma_wait3A_61 = arith.constant 0 : i32
    %dma_wait3A_62 = arith.constant 0 : i32
    %dma_wait3A_63 = tpu.memref_slice %arg4[%dma_wait3A_61, %dma_wait3A_62] : memref<10240x144xf32, #tpu.memory_space<hbm>> -> memref<10240x144xf32, #tpu.memory_space<hbm>>
    tpu.wait_indirect_dma semaphore(%arg19 : memref<!tpu.dma_semaphore, #tpu.memory_space<semaphore_mem>>) src(%dma_wait3A_63 : memref<10240x144xf32, #tpu.memory_space<hbm>>) dst(%arg13 : memref<64x144xf32, #tpu.memory_space<vmem>>)
    %dma_wait3A_64 = arith.constant 0 : i32
    %dma_wait3A_65 = arith.constant 0 : i32
    %dma_wait3A_66 = tpu.memref_slice %arg10[%dma_wait3A_64, %dma_wait3A_65] : memref<2x64xi32, #tpu.memory_space<vmem>> -> memref<1x64xi32, #tpu.memory_space<vmem>>
    %dma_wait3A_67 = tpu.memref_squeeze %dma_wait3A_66 : memref<1x64xi32, #tpu.memory_space<vmem>> -> memref<64xi32, #tpu.memory_space<vmem>>
    %dma_wait3A_68 = arith.constant 0 : i32
    %dma_wait3A_69 = arith.constant 0 : i32
    %dma_wait3A_70 = tpu.memref_slice %arg5[%dma_wait3A_68, %dma_wait3A_69] : memref<10240x144xf32, #tpu.memory_space<hbm>> -> memref<10240x144xf32, #tpu.memory_space<hbm>>
    tpu.wait_indirect_dma semaphore(%arg19 : memref<!tpu.dma_semaphore, #tpu.memory_space<semaphore_mem>>) src(%dma_wait3A_70 : memref<10240x144xf32, #tpu.memory_space<hbm>>) dst(%arg15 : memref<64x144xf32, #tpu.memory_space<vmem>>)
    %scan3A = arith.constant 0 : i32
    %scan3A_71 = arith.constant 0 : i32
    %scan3A_72 = arith.constant 64 : i32
    %scan3A_73 = arith.addi %scan3A_71, %scan3A_72 : i32
    %scan3A_74 = arith.constant 1 : i32
    %scan3A_75 = scf.for %scan3A_973 = %scan3A_71 to %scan3A_73 step %scan3A_74 iter_args(%scan3A_974 = %scan3A) -> (i32)  : i32 {
      %get3A = arith.index_cast %scan3A_973 : i32 to index
      %get3A_975 = arith.constant 128 : index
      %get3A_976 = tpu.vector_load %arg13[%get3A, %get3A_975] {strides = array<i32>} : memref<64x144xf32, #tpu.memory_space<vmem>>, vector<1x16xf32>,
      %get3A_977 = vector.shape_cast %get3A_976 : vector<1x16xf32> to vector<16xf32>
      %get3A_978 = arith.index_cast %scan3A_973 : i32 to index
      %get3A_979 = arith.constant 128 : index
      %get3A_980 = tpu.vector_load %arg15[%get3A_978, %get3A_979] {strides = array<i32>} : memref<64x144xf32, #tpu.memory_space<vmem>>, vector<1x16xf32>,
      %get3A_981 = vector.shape_cast %get3A_980 : vector<1x16xf32> to vector<16xf32>
      %add3A_982 = arith.addf %get3A_977, %get3A_981 : vector<16xf32>
      %max3A = arith.constant 1.000000e+00 : f32
      %max3A_983 = vector.broadcast %max3A : f32 to vector<16xf32>
      %max3A_984 = arith.maximumf %add3A_982, %max3A_983 : vector<16xf32>
      %div3A = arith.constant 1.000000e+00 : f32
      %div3A_985 = vector.broadcast %div3A : f32 to vector<16xf32>
      %div3A_986 = arith.divf %div3A_985, %max3A_984 : vector<16xf32>
      %swap3A = arith.index_cast %scan3A_973 : i32 to index
      %swap3A_987 = arith.constant 0 : index
      %swap3A_988 = tpu.vector_load %arg17[%swap3A, %swap3A_987] {strides = array<i32>} : memref<64x16xf32, #tpu.memory_space<vmem>>, vector<1x16xf32>,
      %swap3A_989 = vector.shape_cast %swap3A_988 : vector<1x16xf32> to vector<16xf32>
      %swap3A_990 = vector.shape_cast %div3A_986 : vector<16xf32> to vector<1x16xf32>
      tpu.vector_store %arg17[%swap3A, %swap3A_987], %swap3A_990 {strides = array<i32>} : memref<64x16xf32, #tpu.memory_space<vmem>>, vector<1x16xf32>,
      %scan3A_991 = arith.constant 0 : i32
      scf.yield %scan3A_991 : i32
    }
    %scan3A_76 = arith.constant 64 : i32
    %mul3A_77 = arith.constant 512 : i32
    %mul3A_78 = arith.muli %add3A, %mul3A_77 : i32
    %add3A_79 = arith.constant 0 : i32
    %add3A_80 = arith.addi %mul3A_78, %add3A_79 : i32
    %dma_start3A_81 = arith.constant 0 : i32
    %dma_start3A_82 = tpu.memref_slice %arg6[%add3A_80, %dma_start3A_81] : memref<16384x128xf32, #tpu.memory_space<hbm>> -> memref<64x128xf32, #tpu.memory_space<hbm>>
    %dma_start3A_83 = arith.constant 0 : i32
    %dma_start3A_84 = tpu.memref_slice %arg6[%add3A_80, %dma_start3A_83] : memref<16384x128xf32, #tpu.memory_space<hbm>> -> memref<64x128xf32, #tpu.memory_space<hbm>>
    tpu.enqueue_dma source(%arg11 : memref<64x128xf32, #tpu.memory_space<vmem>>) target(%dma_start3A_84 : memref<64x128xf32, #tpu.memory_space<hbm>>) target_semaphore(%arg21 : memref<!tpu.dma_semaphore, #tpu.memory_space<semaphore_mem>>)
    %dma_start3A_85 = arith.constant 0 : i32
    %dma_start3A_86 = arith.constant 0 : i32
    %dma_start3A_87 = tpu.memref_slice %arg13[%dma_start3A_85, %dma_start3A_86] : memref<64x144xf32, #tpu.memory_space<vmem>> -> memref<64x128xf32, #tpu.memory_space<vmem>>
    %dma_start3A_88 = arith.constant 0 : i32
    %dma_start3A_89 = tpu.memref_slice %arg7[%add3A_80, %dma_start3A_88] : memref<16384x128xf32, #tpu.memory_space<hbm>> -> memref<64x128xf32, #tpu.memory_space<hbm>>
    %dma_start3A_90 = arith.constant 0 : i32
    %dma_start3A_91 = tpu.memref_slice %arg7[%add3A_80, %dma_start3A_90] : memref<16384x128xf32, #tpu.memory_space<hbm>> -> memref<64x128xf32, #tpu.memory_space<hbm>>
    %dma_start3A_92 = arith.constant 0 : i32
    %dma_start3A_93 = arith.constant 0 : i32
    %dma_start3A_94 = tpu.memref_slice %arg13[%dma_start3A_92, %dma_start3A_93] : memref<64x144xf32, #tpu.memory_space<vmem>> -> memref<64x128xf32, #tpu.memory_space<vmem>>
    tpu.enqueue_dma source(%dma_start3A_94 : memref<64x128xf32, #tpu.memory_space<vmem>>) target(%dma_start3A_91 : memref<64x128xf32, #tpu.memory_space<hbm>>) target_semaphore(%arg21 : memref<!tpu.dma_semaphore, #tpu.memory_space<semaphore_mem>>)
    %dma_start3A_95 = arith.constant 0 : i32
    %dma_start3A_96 = arith.constant 0 : i32
    %dma_start3A_97 = tpu.memref_slice %arg15[%dma_start3A_95, %dma_start3A_96] : memref<64x144xf32, #tpu.memory_space<vmem>> -> memref<64x128xf32, #tpu.memory_space<vmem>>
    %dma_start3A_98 = arith.constant 0 : i32
    %dma_start3A_99 = tpu.memref_slice %arg8[%add3A_80, %dma_start3A_98] : memref<16384x128xf32, #tpu.memory_space<hbm>> -> memref<64x128xf32, #tpu.memory_space<hbm>>
    %dma_start3A_100 = arith.constant 0 : i32
    %dma_start3A_101 = tpu.memref_slice %arg8[%add3A_80, %dma_start3A_100] : memref<16384x128xf32, #tpu.memory_space<hbm>> -> memref<64x128xf32, #tpu.memory_space<hbm>>
    %dma_start3A_102 = arith.constant 0 : i32
    %dma_start3A_103 = arith.constant 0 : i32
    %dma_start3A_104 = tpu.memref_slice %arg15[%dma_start3A_102, %dma_start3A_103] : memref<64x144xf32, #tpu.memory_space<vmem>> -> memref<64x128xf32, #tpu.memory_space<vmem>>
    tpu.enqueue_dma source(%dma_start3A_104 : memref<64x128xf32, #tpu.memory_space<vmem>>) target(%dma_start3A_101 : memref<64x128xf32, #tpu.memory_space<hbm>>) target_semaphore(%arg21 : memref<!tpu.dma_semaphore, #tpu.memory_space<semaphore_mem>>)
    %dma_start3A_105 = arith.constant 0 : i32
    %dma_start3A_106 = tpu.memref_slice %arg9[%add3A_80, %dma_start3A_105] : memref<16384x16xf32, #tpu.memory_space<hbm>> -> memref<64x16xf32, #tpu.memory_space<hbm>>
    %dma_start3A_107 = arith.constant 0 : i32
    %dma_start3A_108 = tpu.memref_slice %arg9[%add3A_80, %dma_start3A_107] : memref<16384x16xf32, #tpu.memory_space<hbm>> -> memref<64x16xf32, #tpu.memory_space<hbm>>
    tpu.enqueue_dma source(%arg17 : memref<64x16xf32, #tpu.memory_space<vmem>>) target(%dma_start3A_108 : memref<64x16xf32, #tpu.memory_space<hbm>>) target_semaphore(%arg21 : memref<!tpu.dma_semaphore, #tpu.memory_space<semaphore_mem>>)
    %dma_wait3A_109 = arith.constant 0 : i32
    %dma_wait3A_110 = arith.constant 0 : i32
    %dma_wait3A_111 = tpu.memref_slice %arg6[%dma_wait3A_109, %dma_wait3A_110] : memref<16384x128xf32, #tpu.memory_space<hbm>> -> memref<64x128xf32, #tpu.memory_space<hbm>>
    %dma_wait3A_112 = arith.constant 0 : i32
    %dma_wait3A_113 = arith.constant 0 : i32
    %dma_wait3A_114 = tpu.memref_slice %arg6[%dma_wait3A_112, %dma_wait3A_113] : memref<16384x128xf32, #tpu.memory_space<hbm>> -> memref<64x128xf32, #tpu.memory_space<hbm>>
    tpu.wait_dma2 semaphore(%arg21 : memref<!tpu.dma_semaphore, #tpu.memory_space<semaphore_mem>>) src(%arg11 : memref<64x128xf32, #tpu.memory_space<vmem>>) dst(%dma_wait3A_114 : memref<64x128xf32, #tpu.memory_space<hbm>>)
    %dma_wait3A_115 = arith.constant 0 : i32
    %dma_wait3A_116 = arith.constant 0 : i32
    %dma_wait3A_117 = tpu.memref_slice %arg13[%dma_wait3A_115, %dma_wait3A_116] : memref<64x144xf32, #tpu.memory_space<vmem>> -> memref<64x128xf32, #tpu.memory_space<vmem>>
    %dma_wait3A_118 = arith.constant 0 : i32
    %dma_wait3A_119 = arith.constant 0 : i32
    %dma_wait3A_120 = tpu.memref_slice %arg7[%dma_wait3A_118, %dma_wait3A_119] : memref<16384x128xf32, #tpu.memory_space<hbm>> -> memref<64x128xf32, #tpu.memory_space<hbm>>
    %dma_wait3A_121 = arith.constant 0 : i32
    %dma_wait3A_122 = arith.constant 0 : i32
    %dma_wait3A_123 = tpu.memref_slice %arg7[%dma_wait3A_121, %dma_wait3A_122] : memref<16384x128xf32, #tpu.memory_space<hbm>> -> memref<64x128xf32, #tpu.memory_space<hbm>>
    %dma_wait3A_124 = arith.constant 0 : i32
    %dma_wait3A_125 = arith.constant 0 : i32
    %dma_wait3A_126 = tpu.memref_slice %arg13[%dma_wait3A_124, %dma_wait3A_125] : memref<64x144xf32, #tpu.memory_space<vmem>> -> memref<64x128xf32, #tpu.memory_space<vmem>>
    tpu.wait_dma2 semaphore(%arg21 : memref<!tpu.dma_semaphore, #tpu.memory_space<semaphore_mem>>) src(%dma_wait3A_126 : memref<64x128xf32, #tpu.memory_space<vmem>>) dst(%dma_wait3A_123 : memref<64x128xf32, #tpu.memory_space<hbm>>)
    %dma_wait3A_127 = arith.constant 0 : i32
    %dma_wait3A_128 = arith.constant 0 : i32
    %dma_wait3A_129 = tpu.memref_slice %arg15[%dma_wait3A_127, %dma_wait3A_128] : memref<64x144xf32, #tpu.memory_space<vmem>> -> memref<64x128xf32, #tpu.memory_space<vmem>>
    %dma_wait3A_130 = arith.constant 0 : i32
    %dma_wait3A_131 = arith.constant 0 : i32
    %dma_wait3A_132 = tpu.memref_slice %arg8[%dma_wait3A_130, %dma_wait3A_131] : memref<16384x128xf32, #tpu.memory_space<hbm>> -> memref<64x128xf32, #tpu.memory_space<hbm>>
    %dma_wait3A_133 = arith.constant 0 : i32
    %dma_wait3A_134 = arith.constant 0 : i32
    %dma_wait3A_135 = tpu.memref_slice %arg8[%dma_wait3A_133, %dma_wait3A_134] : memref<16384x128xf32, #tpu.memory_space<hbm>> -> memref<64x128xf32, #tpu.memory_space<hbm>>
    %dma_wait3A_136 = arith.constant 0 : i32
    %dma_wait3A_137 = arith.constant 0 : i32
    %dma_wait3A_138 = tpu.memref_slice %arg15[%dma_wait3A_136, %dma_wait3A_137] : memref<64x144xf32, #tpu.memory_space<vmem>> -> memref<64x128xf32, #tpu.memory_space<vmem>>
    tpu.wait_dma2 semaphore(%arg21 : memref<!tpu.dma_semaphore, #tpu.memory_space<semaphore_mem>>) src(%dma_wait3A_138 : memref<64x128xf32, #tpu.memory_space<vmem>>) dst(%dma_wait3A_135 : memref<64x128xf32, #tpu.memory_space<hbm>>)
    %dma_wait3A_139 = arith.constant 0 : i32
    %dma_wait3A_140 = arith.constant 0 : i32
    %dma_wait3A_141 = tpu.memref_slice %arg9[%dma_wait3A_139, %dma_wait3A_140] : memref<16384x16xf32, #tpu.memory_space<hbm>> -> memref<64x16xf32, #tpu.memory_space<hbm>>
    %dma_wait3A_142 = arith.constant 0 : i32
    %dma_wait3A_143 = arith.constant 0 : i32
    %dma_wait3A_144 = tpu.memref_slice %arg9[%dma_wait3A_142, %dma_wait3A_143] : memref<16384x16xf32, #tpu.memory_space<hbm>> -> memref<64x16xf32, #tpu.memory_space<hbm>>
    tpu.wait_dma2 semaphore(%arg21 : memref<!tpu.dma_semaphore, #tpu.memory_space<semaphore_mem>>) src(%arg17 : memref<64x16xf32, #tpu.memory_space<vmem>>) dst(%dma_wait3A_144 : memref<64x16xf32, #tpu.memory_space<hbm>>)
    %mul3A_145 = arith.constant 512 : i32
    %mul3A_146 = arith.muli %add3A, %mul3A_145 : i32
    %add3A_147 = arith.constant 128 : i32
    %add3A_148 = arith.addi %mul3A_146, %add3A_147 : i32
    %run_scoped3A_149 = arith.constant 0 : i32
    "tpu.region"() ({
      %run_scoped3A_973 = tpu.sem_alloc : memref<!tpu.dma_semaphore, #tpu.memory_space<semaphore_mem>>
      %dma_start3A_974 = arith.constant 0 : i32
      %dma_start3A_975 = tpu.memref_slice %arg10[%run_scoped3A_149, %dma_start3A_974] : memref<2x64xi32, #tpu.memory_space<vmem>> -> memref<1x64xi32, #tpu.memory_space<vmem>>
      %dma_start3A_976 = tpu.memref_squeeze %dma_start3A_975 : memref<1x64xi32, #tpu.memory_space<vmem>> -> memref<64xi32, #tpu.memory_space<vmem>>
      %dma_start3A_977 = tpu.memref_slice %arg2[%add3A_148] : memref<16384xi32, #tpu.memory_space<hbm>> -> memref<64xi32, #tpu.memory_space<hbm>>
      %dma_start3A_978 = arith.constant 0 : i32
      %dma_start3A_979 = tpu.memref_slice %arg10[%run_scoped3A_149, %dma_start3A_978] : memref<2x64xi32, #tpu.memory_space<vmem>> -> memref<1x64xi32, #tpu.memory_space<vmem>>
      %dma_start3A_980 = tpu.memref_squeeze %dma_start3A_979 : memref<1x64xi32, #tpu.memory_space<vmem>> -> memref<64xi32, #tpu.memory_space<vmem>>
      %dma_start3A_981 = tpu.memref_slice %arg2[%add3A_148] : memref<16384xi32, #tpu.memory_space<hbm>> -> memref<64xi32, #tpu.memory_space<hbm>>
      tpu.enqueue_dma source(%dma_start3A_981 : memref<64xi32, #tpu.memory_space<hbm>>) target(%dma_start3A_980 : memref<64xi32, #tpu.memory_space<vmem>>) target_semaphore(%run_scoped3A_973 : memref<!tpu.dma_semaphore, #tpu.memory_space<semaphore_mem>>)
      %dma_wait3A_982 = arith.constant 0 : i32
      %dma_wait3A_983 = tpu.memref_slice %arg10[%run_scoped3A_149, %dma_wait3A_982] : memref<2x64xi32, #tpu.memory_space<vmem>> -> memref<1x64xi32, #tpu.memory_space<vmem>>
      %dma_wait3A_984 = tpu.memref_squeeze %dma_wait3A_983 : memref<1x64xi32, #tpu.memory_space<vmem>> -> memref<64xi32, #tpu.memory_space<vmem>>
      %dma_wait3A_985 = tpu.memref_slice %arg2[%add3A_148] : memref<16384xi32, #tpu.memory_space<hbm>> -> memref<64xi32, #tpu.memory_space<hbm>>
      %dma_wait3A_986 = arith.constant 0 : i32
      %dma_wait3A_987 = tpu.memref_slice %arg10[%run_scoped3A_149, %dma_wait3A_986] : memref<2x64xi32, #tpu.memory_space<vmem>> -> memref<1x64xi32, #tpu.memory_space<vmem>>
      %dma_wait3A_988 = tpu.memref_squeeze %dma_wait3A_987 : memref<1x64xi32, #tpu.memory_space<vmem>> -> memref<64xi32, #tpu.memory_space<vmem>>
      %dma_wait3A_989 = tpu.memref_slice %arg2[%add3A_148] : memref<16384xi32, #tpu.memory_space<hbm>> -> memref<64xi32, #tpu.memory_space<hbm>>
      tpu.wait_dma2 semaphore(%run_scoped3A_973 : memref<!tpu.dma_semaphore, #tpu.memory_space<semaphore_mem>>) src(%dma_wait3A_989 : memref<64xi32, #tpu.memory_space<hbm>>) dst(%dma_wait3A_988 : memref<64xi32, #tpu.memory_space<vmem>>)
      tpu.yield
    }) : () -> ()
    %dma_start3A_150 = arith.constant 0 : i32
    %dma_start3A_151 = arith.constant 0 : i32
    %dma_start3A_152 = tpu.memref_slice %arg10[%dma_start3A_150, %dma_start3A_151] : memref<2x64xi32, #tpu.memory_space<vmem>> -> memref<1x64xi32, #tpu.memory_space<vmem>>
    %dma_start3A_153 = tpu.memref_squeeze %dma_start3A_152 : memref<1x64xi32, #tpu.memory_space<vmem>> -> memref<64xi32, #tpu.memory_space<vmem>>
    %dma_start3A_154 = arith.constant 0 : i32
    %dma_start3A_155 = arith.constant 0 : i32
    %dma_start3A_156 = tpu.memref_slice %arg3[%dma_start3A_154, %dma_start3A_155] : memref<10000x128xf32, #tpu.memory_space<hbm>> -> memref<10000x128xf32, #tpu.memory_space<hbm>>
    tpu.enqueue_indirect_dma source(%dma_start3A_156 : memref<10000x128xf32, #tpu.memory_space<hbm>>) target(%arg11 : memref<64x128xf32, #tpu.memory_space<vmem>>) offsets(%dma_start3A_153 : memref<64xi32, #tpu.memory_space<vmem>>) semaphore(%arg19 : memref<!tpu.dma_semaphore, #tpu.memory_space<semaphore_mem>>)
    %dma_start3A_157 = arith.constant 0 : i32
    %dma_start3A_158 = arith.constant 0 : i32
    %dma_start3A_159 = tpu.memref_slice %arg10[%dma_start3A_157, %dma_start3A_158] : memref<2x64xi32, #tpu.memory_space<vmem>> -> memref<1x64xi32, #tpu.memory_space<vmem>>
    %dma_start3A_160 = tpu.memref_squeeze %dma_start3A_159 : memref<1x64xi32, #tpu.memory_space<vmem>> -> memref<64xi32, #tpu.memory_space<vmem>>
    %dma_start3A_161 = arith.constant 0 : i32
    %dma_start3A_162 = arith.constant 0 : i32
    %dma_start3A_163 = tpu.memref_slice %arg4[%dma_start3A_161, %dma_start3A_162] : memref<10240x144xf32, #tpu.memory_space<hbm>> -> memref<10240x144xf32, #tpu.memory_space<hbm>>
    tpu.enqueue_indirect_dma source(%dma_start3A_163 : memref<10240x144xf32, #tpu.memory_space<hbm>>) target(%arg13 : memref<64x144xf32, #tpu.memory_space<vmem>>) offsets(%dma_start3A_160 : memref<64xi32, #tpu.memory_space<vmem>>) semaphore(%arg19 : memref<!tpu.dma_semaphore, #tpu.memory_space<semaphore_mem>>)
    %dma_start3A_164 = arith.constant 0 : i32
    %dma_start3A_165 = arith.constant 0 : i32
    %dma_start3A_166 = tpu.memref_slice %arg10[%dma_start3A_164, %dma_start3A_165] : memref<2x64xi32, #tpu.memory_space<vmem>> -> memref<1x64xi32, #tpu.memory_space<vmem>>
    %dma_start3A_167 = tpu.memref_squeeze %dma_start3A_166 : memref<1x64xi32, #tpu.memory_space<vmem>> -> memref<64xi32, #tpu.memory_space<vmem>>
    %dma_start3A_168 = arith.constant 0 : i32
    %dma_start3A_169 = arith.constant 0 : i32
    %dma_start3A_170 = tpu.memref_slice %arg5[%dma_start3A_168, %dma_start3A_169] : memref<10240x144xf32, #tpu.memory_space<hbm>> -> memref<10240x144xf32, #tpu.memory_space<hbm>>
    tpu.enqueue_indirect_dma source(%dma_start3A_170 : memref<10240x144xf32, #tpu.memory_space<hbm>>) target(%arg15 : memref<64x144xf32, #tpu.memory_space<vmem>>) offsets(%dma_start3A_167 : memref<64xi32, #tpu.memory_space<vmem>>) semaphore(%arg19 : memref<!tpu.dma_semaphore, #tpu.memory_space<semaphore_mem>>)
    %dma_wait3A_171 = arith.constant 1 : i32
    %dma_wait3A_172 = arith.constant 0 : i32
    %dma_wait3A_173 = tpu.memref_slice %arg10[%dma_wait3A_171, %dma_wait3A_172] : memref<2x64xi32, #tpu.memory_space<vmem>> -> memref<1x64xi32, #tpu.memory_space<vmem>>
    %dma_wait3A_174 = tpu.memref_squeeze %dma_wait3A_173 : memref<1x64xi32, #tpu.memory_space<vmem>> -> memref<64xi32, #tpu.memory_space<vmem>>
    %dma_wait3A_175 = arith.constant 0 : i32
    %dma_wait3A_176 = arith.constant 0 : i32
    %dma_wait3A_177 = tpu.memref_slice %arg3[%dma_wait3A_175, %dma_wait3A_176] : memref<10000x128xf32, #tpu.memory_space<hbm>> -> memref<10000x128xf32, #tpu.memory_space<hbm>>
    tpu.wait_indirect_dma semaphore(%arg20 : memref<!tpu.dma_semaphore, #tpu.memory_space<semaphore_mem>>) src(%dma_wait3A_177 : memref<10000x128xf32, #tpu.memory_space<hbm>>) dst(%arg12 : memref<64x128xf32, #tpu.memory_space<vmem>>)
    %dma_wait3A_178 = arith.constant 1 : i32
    %dma_wait3A_179 = arith.constant 0 : i32
    %dma_wait3A_180 = tpu.memref_slice %arg10[%dma_wait3A_178, %dma_wait3A_179] : memref<2x64xi32, #tpu.memory_space<vmem>> -> memref<1x64xi32, #tpu.memory_space<vmem>>
    %dma_wait3A_181 = tpu.memref_squeeze %dma_wait3A_180 : memref<1x64xi32, #tpu.memory_space<vmem>> -> memref<64xi32, #tpu.memory_space<vmem>>
    %dma_wait3A_182 = arith.constant 0 : i32
    %dma_wait3A_183 = arith.constant 0 : i32
    %dma_wait3A_184 = tpu.memref_slice %arg4[%dma_wait3A_182, %dma_wait3A_183] : memref<10240x144xf32, #tpu.memory_space<hbm>> -> memref<10240x144xf32, #tpu.memory_space<hbm>>
    tpu.wait_indirect_dma semaphore(%arg20 : memref<!tpu.dma_semaphore, #tpu.memory_space<semaphore_mem>>) src(%dma_wait3A_184 : memref<10240x144xf32, #tpu.memory_space<hbm>>) dst(%arg14 : memref<64x144xf32, #tpu.memory_space<vmem>>)
    %dma_wait3A_185 = arith.constant 1 : i32
    %dma_wait3A_186 = arith.constant 0 : i32
    %dma_wait3A_187 = tpu.memref_slice %arg10[%dma_wait3A_185, %dma_wait3A_186] : memref<2x64xi32, #tpu.memory_space<vmem>> -> memref<1x64xi32, #tpu.memory_space<vmem>>
    %dma_wait3A_188 = tpu.memref_squeeze %dma_wait3A_187 : memref<1x64xi32, #tpu.memory_space<vmem>> -> memref<64xi32, #tpu.memory_space<vmem>>
    %dma_wait3A_189 = arith.constant 0 : i32
    %dma_wait3A_190 = arith.constant 0 : i32
    %dma_wait3A_191 = tpu.memref_slice %arg5[%dma_wait3A_189, %dma_wait3A_190] : memref<10240x144xf32, #tpu.memory_space<hbm>> -> memref<10240x144xf32, #tpu.memory_space<hbm>>
    tpu.wait_indirect_dma semaphore(%arg20 : memref<!tpu.dma_semaphore, #tpu.memory_space<semaphore_mem>>) src(%dma_wait3A_191 : memref<10240x144xf32, #tpu.memory_space<hbm>>) dst(%arg16 : memref<64x144xf32, #tpu.memory_space<vmem>>)
    %scan3A_192 = arith.constant 0 : i32
    %scan3A_193 = arith.constant 0 : i32
    %scan3A_194 = arith.constant 64 : i32
    %scan3A_195 = arith.addi %scan3A_193, %scan3A_194 : i32
    %scan3A_196 = arith.constant 1 : i32
    %scan3A_197 = scf.for %scan3A_973 = %scan3A_193 to %scan3A_195 step %scan3A_196 iter_args(%scan3A_974 = %scan3A_192) -> (i32)  : i32 {
      %get3A = arith.index_cast %scan3A_973 : i32 to index
      %get3A_975 = arith.constant 128 : index
      %get3A_976 = tpu.vector_load %arg14[%get3A, %get3A_975] {strides = array<i32>} : memref<64x144xf32, #tpu.memory_space<vmem>>, vector<1x16xf32>,
      %get3A_977 = vector.shape_cast %get3A_976 : vector<1x16xf32> to vector<16xf32>
      %get3A_978 = arith.index_cast %scan3A_973 : i32 to index
      %get3A_979 = arith.constant 128 : index
      %get3A_980 = tpu.vector_load %arg16[%get3A_978, %get3A_979] {strides = array<i32>} : memref<64x144xf32, #tpu.memory_space<vmem>>, vector<1x16xf32>,
      %get3A_981 = vector.shape_cast %get3A_980 : vector<1x16xf32> to vector<16xf32>
      %add3A_982 = arith.addf %get3A_977, %get3A_981 : vector<16xf32>
      %max3A = arith.constant 1.000000e+00 : f32
      %max3A_983 = vector.broadcast %max3A : f32 to vector<16xf32>
      %max3A_984 = arith.maximumf %add3A_982, %max3A_983 : vector<16xf32>
      %div3A = arith.constant 1.000000e+00 : f32
      %div3A_985 = vector.broadcast %div3A : f32 to vector<16xf32>
      %div3A_986 = arith.divf %div3A_985, %max3A_984 : vector<16xf32>
      %swap3A = arith.index_cast %scan3A_973 : i32 to index
      %swap3A_987 = arith.constant 0 : index
      %swap3A_988 = tpu.vector_load %arg18[%swap3A, %swap3A_987] {strides = array<i32>} : memref<64x16xf32, #tpu.memory_space<vmem>>, vector<1x16xf32>,
      %swap3A_989 = vector.shape_cast %swap3A_988 : vector<1x16xf32> to vector<16xf32>
      %swap3A_990 = vector.shape_cast %div3A_986 : vector<16xf32> to vector<1x16xf32>
      tpu.vector_store %arg18[%swap3A, %swap3A_987], %swap3A_990 {strides = array<i32>} : memref<64x16xf32, #tpu.memory_space<vmem>>, vector<1x16xf32>,
      %scan3A_991 = arith.constant 0 : i32
      scf.yield %scan3A_991 : i32
    }
    %scan3A_198 = arith.constant 64 : i32
    %mul3A_199 = arith.constant 512 : i32
    %mul3A_200 = arith.muli %add3A, %mul3A_199 : i32
    %add3A_201 = arith.constant 64 : i32
    %add3A_202 = arith.addi %mul3A_200, %add3A_201 : i32
    %dma_start3A_203 = arith.constant 0 : i32
    %dma_start3A_204 = tpu.memref_slice %arg6[%add3A_202, %dma_start3A_203] : memref<16384x128xf32, #tpu.memory_space<hbm>> -> memref<64x128xf32, #tpu.memory_space<hbm>>
    %dma_start3A_205 = arith.constant 0 : i32
    %dma_start3A_206 = tpu.memref_slice %arg6[%add3A_202, %dma_start3A_205] : memref<16384x128xf32, #tpu.memory_space<hbm>> -> memref<64x128xf32, #tpu.memory_space<hbm>>
    tpu.enqueue_dma source(%arg12 : memref<64x128xf32, #tpu.memory_space<vmem>>) target(%dma_start3A_206 : memref<64x128xf32, #tpu.memory_space<hbm>>) target_semaphore(%arg22 : memref<!tpu.dma_semaphore, #tpu.memory_space<semaphore_mem>>)
    %dma_start3A_207 = arith.constant 0 : i32
    %dma_start3A_208 = arith.constant 0 : i32
    %dma_start3A_209 = tpu.memref_slice %arg14[%dma_start3A_207, %dma_start3A_208] : memref<64x144xf32, #tpu.memory_space<vmem>> -> memref<64x128xf32, #tpu.memory_space<vmem>>
    %dma_start3A_210 = arith.constant 0 : i32
    %dma_start3A_211 = tpu.memref_slice %arg7[%add3A_202, %dma_start3A_210] : memref<16384x128xf32, #tpu.memory_space<hbm>> -> memref<64x128xf32, #tpu.memory_space<hbm>>
    %dma_start3A_212 = arith.constant 0 : i32
    %dma_start3A_213 = tpu.memref_slice %arg7[%add3A_202, %dma_start3A_212] : memref<16384x128xf32, #tpu.memory_space<hbm>> -> memref<64x128xf32, #tpu.memory_space<hbm>>
    %dma_start3A_214 = arith.constant 0 : i32
    %dma_start3A_215 = arith.constant 0 : i32
    %dma_start3A_216 = tpu.memref_slice %arg14[%dma_start3A_214, %dma_start3A_215] : memref<64x144xf32, #tpu.memory_space<vmem>> -> memref<64x128xf32, #tpu.memory_space<vmem>>
    tpu.enqueue_dma source(%dma_start3A_216 : memref<64x128xf32, #tpu.memory_space<vmem>>) target(%dma_start3A_213 : memref<64x128xf32, #tpu.memory_space<hbm>>) target_semaphore(%arg22 : memref<!tpu.dma_semaphore, #tpu.memory_space<semaphore_mem>>)
    %dma_start3A_217 = arith.constant 0 : i32
    %dma_start3A_218 = arith.constant 0 : i32
    %dma_start3A_219 = tpu.memref_slice %arg16[%dma_start3A_217, %dma_start3A_218] : memref<64x144xf32, #tpu.memory_space<vmem>> -> memref<64x128xf32, #tpu.memory_space<vmem>>
    %dma_start3A_220 = arith.constant 0 : i32
    %dma_start3A_221 = tpu.memref_slice %arg8[%add3A_202, %dma_start3A_220] : memref<16384x128xf32, #tpu.memory_space<hbm>> -> memref<64x128xf32, #tpu.memory_space<hbm>>
    %dma_start3A_222 = arith.constant 0 : i32
    %dma_start3A_223 = tpu.memref_slice %arg8[%add3A_202, %dma_start3A_222] : memref<16384x128xf32, #tpu.memory_space<hbm>> -> memref<64x128xf32, #tpu.memory_space<hbm>>
    %dma_start3A_224 = arith.constant 0 : i32
    %dma_start3A_225 = arith.constant 0 : i32
    %dma_start3A_226 = tpu.memref_slice %arg16[%dma_start3A_224, %dma_start3A_225] : memref<64x144xf32, #tpu.memory_space<vmem>> -> memref<64x128xf32, #tpu.memory_space<vmem>>
    tpu.enqueue_dma source(%dma_start3A_226 : memref<64x128xf32, #tpu.memory_space<vmem>>) target(%dma_start3A_223 : memref<64x128xf32, #tpu.memory_space<hbm>>) target_semaphore(%arg22 : memref<!tpu.dma_semaphore, #tpu.memory_space<semaphore_mem>>)
    %dma_start3A_227 = arith.constant 0 : i32
    %dma_start3A_228 = tpu.memref_slice %arg9[%add3A_202, %dma_start3A_227] : memref<16384x16xf32, #tpu.memory_space<hbm>> -> memref<64x16xf32, #tpu.memory_space<hbm>>
    %dma_start3A_229 = arith.constant 0 : i32
    %dma_start3A_230 = tpu.memref_slice %arg9[%add3A_202, %dma_start3A_229] : memref<16384x16xf32, #tpu.memory_space<hbm>> -> memref<64x16xf32, #tpu.memory_space<hbm>>
    tpu.enqueue_dma source(%arg18 : memref<64x16xf32, #tpu.memory_space<vmem>>) target(%dma_start3A_230 : memref<64x16xf32, #tpu.memory_space<hbm>>) target_semaphore(%arg22 : memref<!tpu.dma_semaphore, #tpu.memory_space<semaphore_mem>>)
    %dma_wait3A_231 = arith.constant 0 : i32
    %dma_wait3A_232 = arith.constant 0 : i32
    %dma_wait3A_233 = tpu.memref_slice %arg6[%dma_wait3A_231, %dma_wait3A_232] : memref<16384x128xf32, #tpu.memory_space<hbm>> -> memref<64x128xf32, #tpu.memory_space<hbm>>
    %dma_wait3A_234 = arith.constant 0 : i32
    %dma_wait3A_235 = arith.constant 0 : i32
    %dma_wait3A_236 = tpu.memref_slice %arg6[%dma_wait3A_234, %dma_wait3A_235] : memref<16384x128xf32, #tpu.memory_space<hbm>> -> memref<64x128xf32, #tpu.memory_space<hbm>>
    tpu.wait_dma2 semaphore(%arg22 : memref<!tpu.dma_semaphore, #tpu.memory_space<semaphore_mem>>) src(%arg12 : memref<64x128xf32, #tpu.memory_space<vmem>>) dst(%dma_wait3A_236 : memref<64x128xf32, #tpu.memory_space<hbm>>)
    %dma_wait3A_237 = arith.constant 0 : i32
    %dma_wait3A_238 = arith.constant 0 : i32
    %dma_wait3A_239 = tpu.memref_slice %arg14[%dma_wait3A_237, %dma_wait3A_238] : memref<64x144xf32, #tpu.memory_space<vmem>> -> memref<64x128xf32, #tpu.memory_space<vmem>>
    %dma_wait3A_240 = arith.constant 0 : i32
    %dma_wait3A_241 = arith.constant 0 : i32
    %dma_wait3A_242 = tpu.memref_slice %arg7[%dma_wait3A_240, %dma_wait3A_241] : memref<16384x128xf32, #tpu.memory_space<hbm>> -> memref<64x128xf32, #tpu.memory_space<hbm>>
    %dma_wait3A_243 = arith.constant 0 : i32
    %dma_wait3A_244 = arith.constant 0 : i32
    %dma_wait3A_245 = tpu.memref_slice %arg7[%dma_wait3A_243, %dma_wait3A_244] : memref<16384x128xf32, #tpu.memory_space<hbm>> -> memref<64x128xf32, #tpu.memory_space<hbm>>
    %dma_wait3A_246 = arith.constant 0 : i32
    %dma_wait3A_247 = arith.constant 0 : i32
    %dma_wait3A_248 = tpu.memref_slice %arg14[%dma_wait3A_246, %dma_wait3A_247] : memref<64x144xf32, #tpu.memory_space<vmem>> -> memref<64x128xf32, #tpu.memory_space<vmem>>
    tpu.wait_dma2 semaphore(%arg22 : memref<!tpu.dma_semaphore, #tpu.memory_space<semaphore_mem>>) src(%dma_wait3A_248 : memref<64x128xf32, #tpu.memory_space<vmem>>) dst(%dma_wait3A_245 : memref<64x128xf32, #tpu.memory_space<hbm>>)
    %dma_wait3A_249 = arith.constant 0 : i32
    %dma_wait3A_250 = arith.constant 0 : i32
    %dma_wait3A_251 = tpu.memref_slice %arg16[%dma_wait3A_249, %dma_wait3A_250] : memref<64x144xf32, #tpu.memory_space<vmem>> -> memref<64x128xf32, #tpu.memory_space<vmem>>
    %dma_wait3A_252 = arith.constant 0 : i32
    %dma_wait3A_253 = arith.constant 0 : i32
    %dma_wait3A_254 = tpu.memref_slice %arg8[%dma_wait3A_252, %dma_wait3A_253] : memref<16384x128xf32, #tpu.memory_space<hbm>> -> memref<64x128xf32, #tpu.memory_space<hbm>>
    %dma_wait3A_255 = arith.constant 0 : i32
    %dma_wait3A_256 = arith.constant 0 : i32
    %dma_wait3A_257 = tpu.memref_slice %arg8[%dma_wait3A_255, %dma_wait3A_256] : memref<16384x128xf32, #tpu.memory_space<hbm>> -> memref<64x128xf32, #tpu.memory_space<hbm>>
    %dma_wait3A_258 = arith.constant 0 : i32
    %dma_wait3A_259 = arith.constant 0 : i32
    %dma_wait3A_260 = tpu.memref_slice %arg16[%dma_wait3A_258, %dma_wait3A_259] : memref<64x144xf32, #tpu.memory_space<vmem>> -> memref<64x128xf32, #tpu.memory_space<vmem>>
    tpu.wait_dma2 semaphore(%arg22 : memref<!tpu.dma_semaphore, #tpu.memory_space<semaphore_mem>>) src(%dma_wait3A_260 : memref<64x128xf32, #tpu.memory_space<vmem>>) dst(%dma_wait3A_257 : memref<64x128xf32, #tpu.memory_space<hbm>>)
    %dma_wait3A_261 = arith.constant 0 : i32
    %dma_wait3A_262 = arith.constant 0 : i32
    %dma_wait3A_263 = tpu.memref_slice %arg9[%dma_wait3A_261, %dma_wait3A_262] : memref<16384x16xf32, #tpu.memory_space<hbm>> -> memref<64x16xf32, #tpu.memory_space<hbm>>
    %dma_wait3A_264 = arith.constant 0 : i32
    %dma_wait3A_265 = arith.constant 0 : i32
    %dma_wait3A_266 = tpu.memref_slice %arg9[%dma_wait3A_264, %dma_wait3A_265] : memref<16384x16xf32, #tpu.memory_space<hbm>> -> memref<64x16xf32, #tpu.memory_space<hbm>>
    tpu.wait_dma2 semaphore(%arg22 : memref<!tpu.dma_semaphore, #tpu.memory_space<semaphore_mem>>) src(%arg18 : memref<64x16xf32, #tpu.memory_space<vmem>>) dst(%dma_wait3A_266 : memref<64x16xf32, #tpu.memory_space<hbm>>)
    %mul3A_267 = arith.constant 512 : i32
    %mul3A_268 = arith.muli %add3A, %mul3A_267 : i32
    %add3A_269 = arith.constant 192 : i32
    %add3A_270 = arith.addi %mul3A_268, %add3A_269 : i32
    %run_scoped3A_271 = arith.constant 1 : i32
    "tpu.region"() ({
      %run_scoped3A_973 = tpu.sem_alloc : memref<!tpu.dma_semaphore, #tpu.memory_space<semaphore_mem>>
      %dma_start3A_974 = arith.constant 0 : i32
      %dma_start3A_975 = tpu.memref_slice %arg10[%run_scoped3A_271, %dma_start3A_974] : memref<2x64xi32, #tpu.memory_space<vmem>> -> memref<1x64xi32, #tpu.memory_space<vmem>>
      %dma_start3A_976 = tpu.memref_squeeze %dma_start3A_975 : memref<1x64xi32, #tpu.memory_space<vmem>> -> memref<64xi32, #tpu.memory_space<vmem>>
      %dma_start3A_977 = tpu.memref_slice %arg2[%add3A_270] : memref<16384xi32, #tpu.memory_space<hbm>> -> memref<64xi32, #tpu.memory_space<hbm>>
      %dma_start3A_978 = arith.constant 0 : i32
      %dma_start3A_979 = tpu.memref_slice %arg10[%run_scoped3A_271, %dma_start3A_978] : memref<2x64xi32, #tpu.memory_space<vmem>> -> memref<1x64xi32, #tpu.memory_space<vmem>>
      %dma_start3A_980 = tpu.memref_squeeze %dma_start3A_979 : memref<1x64xi32, #tpu.memory_space<vmem>> -> memref<64xi32, #tpu.memory_space<vmem>>
      %dma_start3A_981 = tpu.memref_slice %arg2[%add3A_270] : memref<16384xi32, #tpu.memory_space<hbm>> -> memref<64xi32, #tpu.memory_space<hbm>>
      tpu.enqueue_dma source(%dma_start3A_981 : memref<64xi32, #tpu.memory_space<hbm>>) target(%dma_start3A_980 : memref<64xi32, #tpu.memory_space<vmem>>) target_semaphore(%run_scoped3A_973 : memref<!tpu.dma_semaphore, #tpu.memory_space<semaphore_mem>>)
      %dma_wait3A_982 = arith.constant 0 : i32
      %dma_wait3A_983 = tpu.memref_slice %arg10[%run_scoped3A_271, %dma_wait3A_982] : memref<2x64xi32, #tpu.memory_space<vmem>> -> memref<1x64xi32, #tpu.memory_space<vmem>>
      %dma_wait3A_984 = tpu.memref_squeeze %dma_wait3A_983 : memref<1x64xi32, #tpu.memory_space<vmem>> -> memref<64xi32, #tpu.memory_space<vmem>>
      %dma_wait3A_985 = tpu.memref_slice %arg2[%add3A_270] : memref<16384xi32, #tpu.memory_space<hbm>> -> memref<64xi32, #tpu.memory_space<hbm>>
      %dma_wait3A_986 = arith.constant 0 : i32
      %dma_wait3A_987 = tpu.memref_slice %arg10[%run_scoped3A_271, %dma_wait3A_986] : memref<2x64xi32, #tpu.memory_space<vmem>> -> memref<1x64xi32, #tpu.memory_space<vmem>>
      %dma_wait3A_988 = tpu.memref_squeeze %dma_wait3A_987 : memref<1x64xi32, #tpu.memory_space<vmem>> -> memref<64xi32, #tpu.memory_space<vmem>>
      %dma_wait3A_989 = tpu.memref_slice %arg2[%add3A_270] : memref<16384xi32, #tpu.memory_space<hbm>> -> memref<64xi32, #tpu.memory_space<hbm>>
      tpu.wait_dma2 semaphore(%run_scoped3A_973 : memref<!tpu.dma_semaphore, #tpu.memory_space<semaphore_mem>>) src(%dma_wait3A_989 : memref<64xi32, #tpu.memory_space<hbm>>) dst(%dma_wait3A_988 : memref<64xi32, #tpu.memory_space<vmem>>)
      tpu.yield
    }) : () -> ()
    %dma_start3A_272 = arith.constant 1 : i32
    %dma_start3A_273 = arith.constant 0 : i32
    %dma_start3A_274 = tpu.memref_slice %arg10[%dma_start3A_272, %dma_start3A_273] : memref<2x64xi32, #tpu.memory_space<vmem>> -> memref<1x64xi32, #tpu.memory_space<vmem>>
    %dma_start3A_275 = tpu.memref_squeeze %dma_start3A_274 : memref<1x64xi32, #tpu.memory_space<vmem>> -> memref<64xi32, #tpu.memory_space<vmem>>
    %dma_start3A_276 = arith.constant 0 : i32
    %dma_start3A_277 = arith.constant 0 : i32
    %dma_start3A_278 = tpu.memref_slice %arg3[%dma_start3A_276, %dma_start3A_277] : memref<10000x128xf32, #tpu.memory_space<hbm>> -> memref<10000x128xf32, #tpu.memory_space<hbm>>
    tpu.enqueue_indirect_dma source(%dma_start3A_278 : memref<10000x128xf32, #tpu.memory_space<hbm>>) target(%arg12 : memref<64x128xf32, #tpu.memory_space<vmem>>) offsets(%dma_start3A_275 : memref<64xi32, #tpu.memory_space<vmem>>) semaphore(%arg20 : memref<!tpu.dma_semaphore, #tpu.memory_space<semaphore_mem>>)
    %dma_start3A_279 = arith.constant 1 : i32
    %dma_start3A_280 = arith.constant 0 : i32
    %dma_start3A_281 = tpu.memref_slice %arg10[%dma_start3A_279, %dma_start3A_280] : memref<2x64xi32, #tpu.memory_space<vmem>> -> memref<1x64xi32, #tpu.memory_space<vmem>>
    %dma_start3A_282 = tpu.memref_squeeze %dma_start3A_281 : memref<1x64xi32, #tpu.memory_space<vmem>> -> memref<64xi32, #tpu.memory_space<vmem>>
    %dma_start3A_283 = arith.constant 0 : i32
    %dma_start3A_284 = arith.constant 0 : i32
    %dma_start3A_285 = tpu.memref_slice %arg4[%dma_start3A_283, %dma_start3A_284] : memref<10240x144xf32, #tpu.memory_space<hbm>> -> memref<10240x144xf32, #tpu.memory_space<hbm>>
    tpu.enqueue_indirect_dma source(%dma_start3A_285 : memref<10240x144xf32, #tpu.memory_space<hbm>>) target(%arg14 : memref<64x144xf32, #tpu.memory_space<vmem>>) offsets(%dma_start3A_282 : memref<64xi32, #tpu.memory_space<vmem>>) semaphore(%arg20 : memref<!tpu.dma_semaphore, #tpu.memory_space<semaphore_mem>>)
    %dma_start3A_286 = arith.constant 1 : i32
    %dma_start3A_287 = arith.constant 0 : i32
    %dma_start3A_288 = tpu.memref_slice %arg10[%dma_start3A_286, %dma_start3A_287] : memref<2x64xi32, #tpu.memory_space<vmem>> -> memref<1x64xi32, #tpu.memory_space<vmem>>
    %dma_start3A_289 = tpu.memref_squeeze %dma_start3A_288 : memref<1x64xi32, #tpu.memory_space<vmem>> -> memref<64xi32, #tpu.memory_space<vmem>>
    %dma_start3A_290 = arith.constant 0 : i32
    %dma_start3A_291 = arith.constant 0 : i32
    %dma_start3A_292 = tpu.memref_slice %arg5[%dma_start3A_290, %dma_start3A_291] : memref<10240x144xf32, #tpu.memory_space<hbm>> -> memref<10240x144xf32, #tpu.memory_space<hbm>>
    tpu.enqueue_indirect_dma source(%dma_start3A_292 : memref<10240x144xf32, #tpu.memory_space<hbm>>) target(%arg16 : memref<64x144xf32, #tpu.memory_space<vmem>>) offsets(%dma_start3A_289 : memref<64xi32, #tpu.memory_space<vmem>>) semaphore(%arg20 : memref<!tpu.dma_semaphore, #tpu.memory_space<semaphore_mem>>)
    %dma_wait3A_293 = arith.constant 0 : i32
    %dma_wait3A_294 = arith.constant 0 : i32
    %dma_wait3A_295 = tpu.memref_slice %arg10[%dma_wait3A_293, %dma_wait3A_294] : memref<2x64xi32, #tpu.memory_space<vmem>> -> memref<1x64xi32, #tpu.memory_space<vmem>>
    %dma_wait3A_296 = tpu.memref_squeeze %dma_wait3A_295 : memref<1x64xi32, #tpu.memory_space<vmem>> -> memref<64xi32, #tpu.memory_space<vmem>>
    %dma_wait3A_297 = arith.constant 0 : i32
    %dma_wait3A_298 = arith.constant 0 : i32
    %dma_wait3A_299 = tpu.memref_slice %arg3[%dma_wait3A_297, %dma_wait3A_298] : memref<10000x128xf32, #tpu.memory_space<hbm>> -> memref<10000x128xf32, #tpu.memory_space<hbm>>
    tpu.wait_indirect_dma semaphore(%arg19 : memref<!tpu.dma_semaphore, #tpu.memory_space<semaphore_mem>>) src(%dma_wait3A_299 : memref<10000x128xf32, #tpu.memory_space<hbm>>) dst(%arg11 : memref<64x128xf32, #tpu.memory_space<vmem>>)
    %dma_wait3A_300 = arith.constant 0 : i32
    %dma_wait3A_301 = arith.constant 0 : i32
    %dma_wait3A_302 = tpu.memref_slice %arg10[%dma_wait3A_300, %dma_wait3A_301] : memref<2x64xi32, #tpu.memory_space<vmem>> -> memref<1x64xi32, #tpu.memory_space<vmem>>
    %dma_wait3A_303 = tpu.memref_squeeze %dma_wait3A_302 : memref<1x64xi32, #tpu.memory_space<vmem>> -> memref<64xi32, #tpu.memory_space<vmem>>
    %dma_wait3A_304 = arith.constant 0 : i32
    %dma_wait3A_305 = arith.constant 0 : i32
    %dma_wait3A_306 = tpu.memref_slice %arg4[%dma_wait3A_304, %dma_wait3A_305] : memref<10240x144xf32, #tpu.memory_space<hbm>> -> memref<10240x144xf32, #tpu.memory_space<hbm>>
    tpu.wait_indirect_dma semaphore(%arg19 : memref<!tpu.dma_semaphore, #tpu.memory_space<semaphore_mem>>) src(%dma_wait3A_306 : memref<10240x144xf32, #tpu.memory_space<hbm>>) dst(%arg13 : memref<64x144xf32, #tpu.memory_space<vmem>>)
    %dma_wait3A_307 = arith.constant 0 : i32
    %dma_wait3A_308 = arith.constant 0 : i32
    %dma_wait3A_309 = tpu.memref_slice %arg10[%dma_wait3A_307, %dma_wait3A_308] : memref<2x64xi32, #tpu.memory_space<vmem>> -> memref<1x64xi32, #tpu.memory_space<vmem>>
    %dma_wait3A_310 = tpu.memref_squeeze %dma_wait3A_309 : memref<1x64xi32, #tpu.memory_space<vmem>> -> memref<64xi32, #tpu.memory_space<vmem>>
    %dma_wait3A_311 = arith.constant 0 : i32
    %dma_wait3A_312 = arith.constant 0 : i32
    %dma_wait3A_313 = tpu.memref_slice %arg5[%dma_wait3A_311, %dma_wait3A_312] : memref<10240x144xf32, #tpu.memory_space<hbm>> -> memref<10240x144xf32, #tpu.memory_space<hbm>>
    tpu.wait_indirect_dma semaphore(%arg19 : memref<!tpu.dma_semaphore, #tpu.memory_space<semaphore_mem>>) src(%dma_wait3A_313 : memref<10240x144xf32, #tpu.memory_space<hbm>>) dst(%arg15 : memref<64x144xf32, #tpu.memory_space<vmem>>)
    %scan3A_314 = arith.constant 0 : i32
    %scan3A_315 = arith.constant 0 : i32
    %scan3A_316 = arith.constant 64 : i32
    %scan3A_317 = arith.addi %scan3A_315, %scan3A_316 : i32
    %scan3A_318 = arith.constant 1 : i32
    %scan3A_319 = scf.for %scan3A_973 = %scan3A_315 to %scan3A_317 step %scan3A_318 iter_args(%scan3A_974 = %scan3A_314) -> (i32)  : i32 {
      %get3A = arith.index_cast %scan3A_973 : i32 to index
      %get3A_975 = arith.constant 128 : index
      %get3A_976 = tpu.vector_load %arg13[%get3A, %get3A_975] {strides = array<i32>} : memref<64x144xf32, #tpu.memory_space<vmem>>, vector<1x16xf32>,
      %get3A_977 = vector.shape_cast %get3A_976 : vector<1x16xf32> to vector<16xf32>
      %get3A_978 = arith.index_cast %scan3A_973 : i32 to index
      %get3A_979 = arith.constant 128 : index
      %get3A_980 = tpu.vector_load %arg15[%get3A_978, %get3A_979] {strides = array<i32>} : memref<64x144xf32, #tpu.memory_space<vmem>>, vector<1x16xf32>,
      %get3A_981 = vector.shape_cast %get3A_980 : vector<1x16xf32> to vector<16xf32>
      %add3A_982 = arith.addf %get3A_977, %get3A_981 : vector<16xf32>
      %max3A = arith.constant 1.000000e+00 : f32
      %max3A_983 = vector.broadcast %max3A : f32 to vector<16xf32>
      %max3A_984 = arith.maximumf %add3A_982, %max3A_983 : vector<16xf32>
      %div3A = arith.constant 1.000000e+00 : f32
      %div3A_985 = vector.broadcast %div3A : f32 to vector<16xf32>
      %div3A_986 = arith.divf %div3A_985, %max3A_984 : vector<16xf32>
      %swap3A = arith.index_cast %scan3A_973 : i32 to index
      %swap3A_987 = arith.constant 0 : index
      %swap3A_988 = tpu.vector_load %arg17[%swap3A, %swap3A_987] {strides = array<i32>} : memref<64x16xf32, #tpu.memory_space<vmem>>, vector<1x16xf32>,
      %swap3A_989 = vector.shape_cast %swap3A_988 : vector<1x16xf32> to vector<16xf32>
      %swap3A_990 = vector.shape_cast %div3A_986 : vector<16xf32> to vector<1x16xf32>
      tpu.vector_store %arg17[%swap3A, %swap3A_987], %swap3A_990 {strides = array<i32>} : memref<64x16xf32, #tpu.memory_space<vmem>>, vector<1x16xf32>,
      %scan3A_991 = arith.constant 0 : i32
      scf.yield %scan3A_991 : i32
    }
    %scan3A_320 = arith.constant 64 : i32
    %mul3A_321 = arith.constant 512 : i32
    %mul3A_322 = arith.muli %add3A, %mul3A_321 : i32
    %add3A_323 = arith.constant 128 : i32
    %add3A_324 = arith.addi %mul3A_322, %add3A_323 : i32
    %dma_start3A_325 = arith.constant 0 : i32
    %dma_start3A_326 = tpu.memref_slice %arg6[%add3A_324, %dma_start3A_325] : memref<16384x128xf32, #tpu.memory_space<hbm>> -> memref<64x128xf32, #tpu.memory_space<hbm>>
    %dma_start3A_327 = arith.constant 0 : i32
    %dma_start3A_328 = tpu.memref_slice %arg6[%add3A_324, %dma_start3A_327] : memref<16384x128xf32, #tpu.memory_space<hbm>> -> memref<64x128xf32, #tpu.memory_space<hbm>>
    tpu.enqueue_dma source(%arg11 : memref<64x128xf32, #tpu.memory_space<vmem>>) target(%dma_start3A_328 : memref<64x128xf32, #tpu.memory_space<hbm>>) target_semaphore(%arg21 : memref<!tpu.dma_semaphore, #tpu.memory_space<semaphore_mem>>)
    %dma_start3A_329 = arith.constant 0 : i32
    %dma_start3A_330 = arith.constant 0 : i32
    %dma_start3A_331 = tpu.memref_slice %arg13[%dma_start3A_329, %dma_start3A_330] : memref<64x144xf32, #tpu.memory_space<vmem>> -> memref<64x128xf32, #tpu.memory_space<vmem>>
    %dma_start3A_332 = arith.constant 0 : i32
    %dma_start3A_333 = tpu.memref_slice %arg7[%add3A_324, %dma_start3A_332] : memref<16384x128xf32, #tpu.memory_space<hbm>> -> memref<64x128xf32, #tpu.memory_space<hbm>>
    %dma_start3A_334 = arith.constant 0 : i32
    %dma_start3A_335 = tpu.memref_slice %arg7[%add3A_324, %dma_start3A_334] : memref<16384x128xf32, #tpu.memory_space<hbm>> -> memref<64x128xf32, #tpu.memory_space<hbm>>
    %dma_start3A_336 = arith.constant 0 : i32
    %dma_start3A_337 = arith.constant 0 : i32
    %dma_start3A_338 = tpu.memref_slice %arg13[%dma_start3A_336, %dma_start3A_337] : memref<64x144xf32, #tpu.memory_space<vmem>> -> memref<64x128xf32, #tpu.memory_space<vmem>>
    tpu.enqueue_dma source(%dma_start3A_338 : memref<64x128xf32, #tpu.memory_space<vmem>>) target(%dma_start3A_335 : memref<64x128xf32, #tpu.memory_space<hbm>>) target_semaphore(%arg21 : memref<!tpu.dma_semaphore, #tpu.memory_space<semaphore_mem>>)
    %dma_start3A_339 = arith.constant 0 : i32
    %dma_start3A_340 = arith.constant 0 : i32
    %dma_start3A_341 = tpu.memref_slice %arg15[%dma_start3A_339, %dma_start3A_340] : memref<64x144xf32, #tpu.memory_space<vmem>> -> memref<64x128xf32, #tpu.memory_space<vmem>>
    %dma_start3A_342 = arith.constant 0 : i32
    %dma_start3A_343 = tpu.memref_slice %arg8[%add3A_324, %dma_start3A_342] : memref<16384x128xf32, #tpu.memory_space<hbm>> -> memref<64x128xf32, #tpu.memory_space<hbm>>
    %dma_start3A_344 = arith.constant 0 : i32
    %dma_start3A_345 = tpu.memref_slice %arg8[%add3A_324, %dma_start3A_344] : memref<16384x128xf32, #tpu.memory_space<hbm>> -> memref<64x128xf32, #tpu.memory_space<hbm>>
    %dma_start3A_346 = arith.constant 0 : i32
    %dma_start3A_347 = arith.constant 0 : i32
    %dma_start3A_348 = tpu.memref_slice %arg15[%dma_start3A_346, %dma_start3A_347] : memref<64x144xf32, #tpu.memory_space<vmem>> -> memref<64x128xf32, #tpu.memory_space<vmem>>
    tpu.enqueue_dma source(%dma_start3A_348 : memref<64x128xf32, #tpu.memory_space<vmem>>) target(%dma_start3A_345 : memref<64x128xf32, #tpu.memory_space<hbm>>) target_semaphore(%arg21 : memref<!tpu.dma_semaphore, #tpu.memory_space<semaphore_mem>>)
    %dma_start3A_349 = arith.constant 0 : i32
    %dma_start3A_350 = tpu.memref_slice %arg9[%add3A_324, %dma_start3A_349] : memref<16384x16xf32, #tpu.memory_space<hbm>> -> memref<64x16xf32, #tpu.memory_space<hbm>>
    %dma_start3A_351 = arith.constant 0 : i32
    %dma_start3A_352 = tpu.memref_slice %arg9[%add3A_324, %dma_start3A_351] : memref<16384x16xf32, #tpu.memory_space<hbm>> -> memref<64x16xf32, #tpu.memory_space<hbm>>
    tpu.enqueue_dma source(%arg17 : memref<64x16xf32, #tpu.memory_space<vmem>>) target(%dma_start3A_352 : memref<64x16xf32, #tpu.memory_space<hbm>>) target_semaphore(%arg21 : memref<!tpu.dma_semaphore, #tpu.memory_space<semaphore_mem>>)
    %dma_wait3A_353 = arith.constant 0 : i32
    %dma_wait3A_354 = arith.constant 0 : i32
    %dma_wait3A_355 = tpu.memref_slice %arg6[%dma_wait3A_353, %dma_wait3A_354] : memref<16384x128xf32, #tpu.memory_space<hbm>> -> memref<64x128xf32, #tpu.memory_space<hbm>>
    %dma_wait3A_356 = arith.constant 0 : i32
    %dma_wait3A_357 = arith.constant 0 : i32
    %dma_wait3A_358 = tpu.memref_slice %arg6[%dma_wait3A_356, %dma_wait3A_357] : memref<16384x128xf32, #tpu.memory_space<hbm>> -> memref<64x128xf32, #tpu.memory_space<hbm>>
    tpu.wait_dma2 semaphore(%arg21 : memref<!tpu.dma_semaphore, #tpu.memory_space<semaphore_mem>>) src(%arg11 : memref<64x128xf32, #tpu.memory_space<vmem>>) dst(%dma_wait3A_358 : memref<64x128xf32, #tpu.memory_space<hbm>>)
    %dma_wait3A_359 = arith.constant 0 : i32
    %dma_wait3A_360 = arith.constant 0 : i32
    %dma_wait3A_361 = tpu.memref_slice %arg13[%dma_wait3A_359, %dma_wait3A_360] : memref<64x144xf32, #tpu.memory_space<vmem>> -> memref<64x128xf32, #tpu.memory_space<vmem>>
    %dma_wait3A_362 = arith.constant 0 : i32
    %dma_wait3A_363 = arith.constant 0 : i32
    %dma_wait3A_364 = tpu.memref_slice %arg7[%dma_wait3A_362, %dma_wait3A_363] : memref<16384x128xf32, #tpu.memory_space<hbm>> -> memref<64x128xf32, #tpu.memory_space<hbm>>
    %dma_wait3A_365 = arith.constant 0 : i32
    %dma_wait3A_366 = arith.constant 0 : i32
    %dma_wait3A_367 = tpu.memref_slice %arg7[%dma_wait3A_365, %dma_wait3A_366] : memref<16384x128xf32, #tpu.memory_space<hbm>> -> memref<64x128xf32, #tpu.memory_space<hbm>>
    %dma_wait3A_368 = arith.constant 0 : i32
    %dma_wait3A_369 = arith.constant 0 : i32
    %dma_wait3A_370 = tpu.memref_slice %arg13[%dma_wait3A_368, %dma_wait3A_369] : memref<64x144xf32, #tpu.memory_space<vmem>> -> memref<64x128xf32, #tpu.memory_space<vmem>>
    tpu.wait_dma2 semaphore(%arg21 : memref<!tpu.dma_semaphore, #tpu.memory_space<semaphore_mem>>) src(%dma_wait3A_370 : memref<64x128xf32, #tpu.memory_space<vmem>>) dst(%dma_wait3A_367 : memref<64x128xf32, #tpu.memory_space<hbm>>)
    %dma_wait3A_371 = arith.constant 0 : i32
    %dma_wait3A_372 = arith.constant 0 : i32
    %dma_wait3A_373 = tpu.memref_slice %arg15[%dma_wait3A_371, %dma_wait3A_372] : memref<64x144xf32, #tpu.memory_space<vmem>> -> memref<64x128xf32, #tpu.memory_space<vmem>>
    %dma_wait3A_374 = arith.constant 0 : i32
    %dma_wait3A_375 = arith.constant 0 : i32
    %dma_wait3A_376 = tpu.memref_slice %arg8[%dma_wait3A_374, %dma_wait3A_375] : memref<16384x128xf32, #tpu.memory_space<hbm>> -> memref<64x128xf32, #tpu.memory_space<hbm>>
    %dma_wait3A_377 = arith.constant 0 : i32
    %dma_wait3A_378 = arith.constant 0 : i32
    %dma_wait3A_379 = tpu.memref_slice %arg8[%dma_wait3A_377, %dma_wait3A_378] : memref<16384x128xf32, #tpu.memory_space<hbm>> -> memref<64x128xf32, #tpu.memory_space<hbm>>
    %dma_wait3A_380 = arith.constant 0 : i32
    %dma_wait3A_381 = arith.constant 0 : i32
    %dma_wait3A_382 = tpu.memref_slice %arg15[%dma_wait3A_380, %dma_wait3A_381] : memref<64x144xf32, #tpu.memory_space<vmem>> -> memref<64x128xf32, #tpu.memory_space<vmem>>
    tpu.wait_dma2 semaphore(%arg21 : memref<!tpu.dma_semaphore, #tpu.memory_space<semaphore_mem>>) src(%dma_wait3A_382 : memref<64x128xf32, #tpu.memory_space<vmem>>) dst(%dma_wait3A_379 : memref<64x128xf32, #tpu.memory_space<hbm>>)
    %dma_wait3A_383 = arith.constant 0 : i32
    %dma_wait3A_384 = arith.constant 0 : i32
    %dma_wait3A_385 = tpu.memref_slice %arg9[%dma_wait3A_383, %dma_wait3A_384] : memref<16384x16xf32, #tpu.memory_space<hbm>> -> memref<64x16xf32, #tpu.memory_space<hbm>>
    %dma_wait3A_386 = arith.constant 0 : i32
    %dma_wait3A_387 = arith.constant 0 : i32
    %dma_wait3A_388 = tpu.memref_slice %arg9[%dma_wait3A_386, %dma_wait3A_387] : memref<16384x16xf32, #tpu.memory_space<hbm>> -> memref<64x16xf32, #tpu.memory_space<hbm>>
    tpu.wait_dma2 semaphore(%arg21 : memref<!tpu.dma_semaphore, #tpu.memory_space<semaphore_mem>>) src(%arg17 : memref<64x16xf32, #tpu.memory_space<vmem>>) dst(%dma_wait3A_388 : memref<64x16xf32, #tpu.memory_space<hbm>>)
    %mul3A_389 = arith.constant 512 : i32
    %mul3A_390 = arith.muli %add3A, %mul3A_389 : i32
    %add3A_391 = arith.constant 256 : i32
    %add3A_392 = arith.addi %mul3A_390, %add3A_391 : i32
    %run_scoped3A_393 = arith.constant 0 : i32
    "tpu.region"() ({
      %run_scoped3A_973 = tpu.sem_alloc : memref<!tpu.dma_semaphore, #tpu.memory_space<semaphore_mem>>
      %dma_start3A_974 = arith.constant 0 : i32
      %dma_start3A_975 = tpu.memref_slice %arg10[%run_scoped3A_393, %dma_start3A_974] : memref<2x64xi32, #tpu.memory_space<vmem>> -> memref<1x64xi32, #tpu.memory_space<vmem>>
      %dma_start3A_976 = tpu.memref_squeeze %dma_start3A_975 : memref<1x64xi32, #tpu.memory_space<vmem>> -> memref<64xi32, #tpu.memory_space<vmem>>
      %dma_start3A_977 = tpu.memref_slice %arg2[%add3A_392] : memref<16384xi32, #tpu.memory_space<hbm>> -> memref<64xi32, #tpu.memory_space<hbm>>
      %dma_start3A_978 = arith.constant 0 : i32
      %dma_start3A_979 = tpu.memref_slice %arg10[%run_scoped3A_393, %dma_start3A_978] : memref<2x64xi32, #tpu.memory_space<vmem>> -> memref<1x64xi32, #tpu.memory_space<vmem>>
      %dma_start3A_980 = tpu.memref_squeeze %dma_start3A_979 : memref<1x64xi32, #tpu.memory_space<vmem>> -> memref<64xi32, #tpu.memory_space<vmem>>
      %dma_start3A_981 = tpu.memref_slice %arg2[%add3A_392] : memref<16384xi32, #tpu.memory_space<hbm>> -> memref<64xi32, #tpu.memory_space<hbm>>
      tpu.enqueue_dma source(%dma_start3A_981 : memref<64xi32, #tpu.memory_space<hbm>>) target(%dma_start3A_980 : memref<64xi32, #tpu.memory_space<vmem>>) target_semaphore(%run_scoped3A_973 : memref<!tpu.dma_semaphore, #tpu.memory_space<semaphore_mem>>)
      %dma_wait3A_982 = arith.constant 0 : i32
      %dma_wait3A_983 = tpu.memref_slice %arg10[%run_scoped3A_393, %dma_wait3A_982] : memref<2x64xi32, #tpu.memory_space<vmem>> -> memref<1x64xi32, #tpu.memory_space<vmem>>
      %dma_wait3A_984 = tpu.memref_squeeze %dma_wait3A_983 : memref<1x64xi32, #tpu.memory_space<vmem>> -> memref<64xi32, #tpu.memory_space<vmem>>
      %dma_wait3A_985 = tpu.memref_slice %arg2[%add3A_392] : memref<16384xi32, #tpu.memory_space<hbm>> -> memref<64xi32, #tpu.memory_space<hbm>>
      %dma_wait3A_986 = arith.constant 0 : i32
      %dma_wait3A_987 = tpu.memref_slice %arg10[%run_scoped3A_393, %dma_wait3A_986] : memref<2x64xi32, #tpu.memory_space<vmem>> -> memref<1x64xi32, #tpu.memory_space<vmem>>
      %dma_wait3A_988 = tpu.memref_squeeze %dma_wait3A_987 : memref<1x64xi32, #tpu.memory_space<vmem>> -> memref<64xi32, #tpu.memory_space<vmem>>
      %dma_wait3A_989 = tpu.memref_slice %arg2[%add3A_392] : memref<16384xi32, #tpu.memory_space<hbm>> -> memref<64xi32, #tpu.memory_space<hbm>>
      tpu.wait_dma2 semaphore(%run_scoped3A_973 : memref<!tpu.dma_semaphore, #tpu.memory_space<semaphore_mem>>) src(%dma_wait3A_989 : memref<64xi32, #tpu.memory_space<hbm>>) dst(%dma_wait3A_988 : memref<64xi32, #tpu.memory_space<vmem>>)
      tpu.yield
    }) : () -> ()
    %dma_start3A_394 = arith.constant 0 : i32
    %dma_start3A_395 = arith.constant 0 : i32
    %dma_start3A_396 = tpu.memref_slice %arg10[%dma_start3A_394, %dma_start3A_395] : memref<2x64xi32, #tpu.memory_space<vmem>> -> memref<1x64xi32, #tpu.memory_space<vmem>>
    %dma_start3A_397 = tpu.memref_squeeze %dma_start3A_396 : memref<1x64xi32, #tpu.memory_space<vmem>> -> memref<64xi32, #tpu.memory_space<vmem>>
    %dma_start3A_398 = arith.constant 0 : i32
    %dma_start3A_399 = arith.constant 0 : i32
    %dma_start3A_400 = tpu.memref_slice %arg3[%dma_start3A_398, %dma_start3A_399] : memref<10000x128xf32, #tpu.memory_space<hbm>> -> memref<10000x128xf32, #tpu.memory_space<hbm>>
    tpu.enqueue_indirect_dma source(%dma_start3A_400 : memref<10000x128xf32, #tpu.memory_space<hbm>>) target(%arg11 : memref<64x128xf32, #tpu.memory_space<vmem>>) offsets(%dma_start3A_397 : memref<64xi32, #tpu.memory_space<vmem>>) semaphore(%arg19 : memref<!tpu.dma_semaphore, #tpu.memory_space<semaphore_mem>>)
    %dma_start3A_401 = arith.constant 0 : i32
    %dma_start3A_402 = arith.constant 0 : i32
    %dma_start3A_403 = tpu.memref_slice %arg10[%dma_start3A_401, %dma_start3A_402] : memref<2x64xi32, #tpu.memory_space<vmem>> -> memref<1x64xi32, #tpu.memory_space<vmem>>
    %dma_start3A_404 = tpu.memref_squeeze %dma_start3A_403 : memref<1x64xi32, #tpu.memory_space<vmem>> -> memref<64xi32, #tpu.memory_space<vmem>>
    %dma_start3A_405 = arith.constant 0 : i32
    %dma_start3A_406 = arith.constant 0 : i32
    %dma_start3A_407 = tpu.memref_slice %arg4[%dma_start3A_405, %dma_start3A_406] : memref<10240x144xf32, #tpu.memory_space<hbm>> -> memref<10240x144xf32, #tpu.memory_space<hbm>>
    tpu.enqueue_indirect_dma source(%dma_start3A_407 : memref<10240x144xf32, #tpu.memory_space<hbm>>) target(%arg13 : memref<64x144xf32, #tpu.memory_space<vmem>>) offsets(%dma_start3A_404 : memref<64xi32, #tpu.memory_space<vmem>>) semaphore(%arg19 : memref<!tpu.dma_semaphore, #tpu.memory_space<semaphore_mem>>)
    %dma_start3A_408 = arith.constant 0 : i32
    %dma_start3A_409 = arith.constant 0 : i32
    %dma_start3A_410 = tpu.memref_slice %arg10[%dma_start3A_408, %dma_start3A_409] : memref<2x64xi32, #tpu.memory_space<vmem>> -> memref<1x64xi32, #tpu.memory_space<vmem>>
    %dma_start3A_411 = tpu.memref_squeeze %dma_start3A_410 : memref<1x64xi32, #tpu.memory_space<vmem>> -> memref<64xi32, #tpu.memory_space<vmem>>
    %dma_start3A_412 = arith.constant 0 : i32
    %dma_start3A_413 = arith.constant 0 : i32
    %dma_start3A_414 = tpu.memref_slice %arg5[%dma_start3A_412, %dma_start3A_413] : memref<10240x144xf32, #tpu.memory_space<hbm>> -> memref<10240x144xf32, #tpu.memory_space<hbm>>
    tpu.enqueue_indirect_dma source(%dma_start3A_414 : memref<10240x144xf32, #tpu.memory_space<hbm>>) target(%arg15 : memref<64x144xf32, #tpu.memory_space<vmem>>) offsets(%dma_start3A_411 : memref<64xi32, #tpu.memory_space<vmem>>) semaphore(%arg19 : memref<!tpu.dma_semaphore, #tpu.memory_space<semaphore_mem>>)
    %dma_wait3A_415 = arith.constant 1 : i32
    %dma_wait3A_416 = arith.constant 0 : i32
    %dma_wait3A_417 = tpu.memref_slice %arg10[%dma_wait3A_415, %dma_wait3A_416] : memref<2x64xi32, #tpu.memory_space<vmem>> -> memref<1x64xi32, #tpu.memory_space<vmem>>
    %dma_wait3A_418 = tpu.memref_squeeze %dma_wait3A_417 : memref<1x64xi32, #tpu.memory_space<vmem>> -> memref<64xi32, #tpu.memory_space<vmem>>
    %dma_wait3A_419 = arith.constant 0 : i32
    %dma_wait3A_420 = arith.constant 0 : i32
    %dma_wait3A_421 = tpu.memref_slice %arg3[%dma_wait3A_419, %dma_wait3A_420] : memref<10000x128xf32, #tpu.memory_space<hbm>> -> memref<10000x128xf32, #tpu.memory_space<hbm>>
    tpu.wait_indirect_dma semaphore(%arg20 : memref<!tpu.dma_semaphore, #tpu.memory_space<semaphore_mem>>) src(%dma_wait3A_421 : memref<10000x128xf32, #tpu.memory_space<hbm>>) dst(%arg12 : memref<64x128xf32, #tpu.memory_space<vmem>>)
    %dma_wait3A_422 = arith.constant 1 : i32
    %dma_wait3A_423 = arith.constant 0 : i32
    %dma_wait3A_424 = tpu.memref_slice %arg10[%dma_wait3A_422, %dma_wait3A_423] : memref<2x64xi32, #tpu.memory_space<vmem>> -> memref<1x64xi32, #tpu.memory_space<vmem>>
    %dma_wait3A_425 = tpu.memref_squeeze %dma_wait3A_424 : memref<1x64xi32, #tpu.memory_space<vmem>> -> memref<64xi32, #tpu.memory_space<vmem>>
    %dma_wait3A_426 = arith.constant 0 : i32
    %dma_wait3A_427 = arith.constant 0 : i32
    %dma_wait3A_428 = tpu.memref_slice %arg4[%dma_wait3A_426, %dma_wait3A_427] : memref<10240x144xf32, #tpu.memory_space<hbm>> -> memref<10240x144xf32, #tpu.memory_space<hbm>>
    tpu.wait_indirect_dma semaphore(%arg20 : memref<!tpu.dma_semaphore, #tpu.memory_space<semaphore_mem>>) src(%dma_wait3A_428 : memref<10240x144xf32, #tpu.memory_space<hbm>>) dst(%arg14 : memref<64x144xf32, #tpu.memory_space<vmem>>)
    %dma_wait3A_429 = arith.constant 1 : i32
    %dma_wait3A_430 = arith.constant 0 : i32
    %dma_wait3A_431 = tpu.memref_slice %arg10[%dma_wait3A_429, %dma_wait3A_430] : memref<2x64xi32, #tpu.memory_space<vmem>> -> memref<1x64xi32, #tpu.memory_space<vmem>>
    %dma_wait3A_432 = tpu.memref_squeeze %dma_wait3A_431 : memref<1x64xi32, #tpu.memory_space<vmem>> -> memref<64xi32, #tpu.memory_space<vmem>>
    %dma_wait3A_433 = arith.constant 0 : i32
    %dma_wait3A_434 = arith.constant 0 : i32
    %dma_wait3A_435 = tpu.memref_slice %arg5[%dma_wait3A_433, %dma_wait3A_434] : memref<10240x144xf32, #tpu.memory_space<hbm>> -> memref<10240x144xf32, #tpu.memory_space<hbm>>
    tpu.wait_indirect_dma semaphore(%arg20 : memref<!tpu.dma_semaphore, #tpu.memory_space<semaphore_mem>>) src(%dma_wait3A_435 : memref<10240x144xf32, #tpu.memory_space<hbm>>) dst(%arg16 : memref<64x144xf32, #tpu.memory_space<vmem>>)
    %scan3A_436 = arith.constant 0 : i32
    %scan3A_437 = arith.constant 0 : i32
    %scan3A_438 = arith.constant 64 : i32
    %scan3A_439 = arith.addi %scan3A_437, %scan3A_438 : i32
    %scan3A_440 = arith.constant 1 : i32
    %scan3A_441 = scf.for %scan3A_973 = %scan3A_437 to %scan3A_439 step %scan3A_440 iter_args(%scan3A_974 = %scan3A_436) -> (i32)  : i32 {
      %get3A = arith.index_cast %scan3A_973 : i32 to index
      %get3A_975 = arith.constant 128 : index
      %get3A_976 = tpu.vector_load %arg14[%get3A, %get3A_975] {strides = array<i32>} : memref<64x144xf32, #tpu.memory_space<vmem>>, vector<1x16xf32>,
      %get3A_977 = vector.shape_cast %get3A_976 : vector<1x16xf32> to vector<16xf32>
      %get3A_978 = arith.index_cast %scan3A_973 : i32 to index
      %get3A_979 = arith.constant 128 : index
      %get3A_980 = tpu.vector_load %arg16[%get3A_978, %get3A_979] {strides = array<i32>} : memref<64x144xf32, #tpu.memory_space<vmem>>, vector<1x16xf32>,
      %get3A_981 = vector.shape_cast %get3A_980 : vector<1x16xf32> to vector<16xf32>
      %add3A_982 = arith.addf %get3A_977, %get3A_981 : vector<16xf32>
      %max3A = arith.constant 1.000000e+00 : f32
      %max3A_983 = vector.broadcast %max3A : f32 to vector<16xf32>
      %max3A_984 = arith.maximumf %add3A_982, %max3A_983 : vector<16xf32>
      %div3A = arith.constant 1.000000e+00 : f32
      %div3A_985 = vector.broadcast %div3A : f32 to vector<16xf32>
      %div3A_986 = arith.divf %div3A_985, %max3A_984 : vector<16xf32>
      %swap3A = arith.index_cast %scan3A_973 : i32 to index
      %swap3A_987 = arith.constant 0 : index
      %swap3A_988 = tpu.vector_load %arg18[%swap3A, %swap3A_987] {strides = array<i32>} : memref<64x16xf32, #tpu.memory_space<vmem>>, vector<1x16xf32>,
      %swap3A_989 = vector.shape_cast %swap3A_988 : vector<1x16xf32> to vector<16xf32>
      %swap3A_990 = vector.shape_cast %div3A_986 : vector<16xf32> to vector<1x16xf32>
      tpu.vector_store %arg18[%swap3A, %swap3A_987], %swap3A_990 {strides = array<i32>} : memref<64x16xf32, #tpu.memory_space<vmem>>, vector<1x16xf32>,
      %scan3A_991 = arith.constant 0 : i32
      scf.yield %scan3A_991 : i32
    }
    %scan3A_442 = arith.constant 64 : i32
    %mul3A_443 = arith.constant 512 : i32
    %mul3A_444 = arith.muli %add3A, %mul3A_443 : i32
    %add3A_445 = arith.constant 192 : i32
    %add3A_446 = arith.addi %mul3A_444, %add3A_445 : i32
    %dma_start3A_447 = arith.constant 0 : i32
    %dma_start3A_448 = tpu.memref_slice %arg6[%add3A_446, %dma_start3A_447] : memref<16384x128xf32, #tpu.memory_space<hbm>> -> memref<64x128xf32, #tpu.memory_space<hbm>>
    %dma_start3A_449 = arith.constant 0 : i32
    %dma_start3A_450 = tpu.memref_slice %arg6[%add3A_446, %dma_start3A_449] : memref<16384x128xf32, #tpu.memory_space<hbm>> -> memref<64x128xf32, #tpu.memory_space<hbm>>
    tpu.enqueue_dma source(%arg12 : memref<64x128xf32, #tpu.memory_space<vmem>>) target(%dma_start3A_450 : memref<64x128xf32, #tpu.memory_space<hbm>>) target_semaphore(%arg22 : memref<!tpu.dma_semaphore, #tpu.memory_space<semaphore_mem>>)
    %dma_start3A_451 = arith.constant 0 : i32
    %dma_start3A_452 = arith.constant 0 : i32
    %dma_start3A_453 = tpu.memref_slice %arg14[%dma_start3A_451, %dma_start3A_452] : memref<64x144xf32, #tpu.memory_space<vmem>> -> memref<64x128xf32, #tpu.memory_space<vmem>>
    %dma_start3A_454 = arith.constant 0 : i32
    %dma_start3A_455 = tpu.memref_slice %arg7[%add3A_446, %dma_start3A_454] : memref<16384x128xf32, #tpu.memory_space<hbm>> -> memref<64x128xf32, #tpu.memory_space<hbm>>
    %dma_start3A_456 = arith.constant 0 : i32
    %dma_start3A_457 = tpu.memref_slice %arg7[%add3A_446, %dma_start3A_456] : memref<16384x128xf32, #tpu.memory_space<hbm>> -> memref<64x128xf32, #tpu.memory_space<hbm>>
    %dma_start3A_458 = arith.constant 0 : i32
    %dma_start3A_459 = arith.constant 0 : i32
    %dma_start3A_460 = tpu.memref_slice %arg14[%dma_start3A_458, %dma_start3A_459] : memref<64x144xf32, #tpu.memory_space<vmem>> -> memref<64x128xf32, #tpu.memory_space<vmem>>
    tpu.enqueue_dma source(%dma_start3A_460 : memref<64x128xf32, #tpu.memory_space<vmem>>) target(%dma_start3A_457 : memref<64x128xf32, #tpu.memory_space<hbm>>) target_semaphore(%arg22 : memref<!tpu.dma_semaphore, #tpu.memory_space<semaphore_mem>>)
    %dma_start3A_461 = arith.constant 0 : i32
    %dma_start3A_462 = arith.constant 0 : i32
    %dma_start3A_463 = tpu.memref_slice %arg16[%dma_start3A_461, %dma_start3A_462] : memref<64x144xf32, #tpu.memory_space<vmem>> -> memref<64x128xf32, #tpu.memory_space<vmem>>
    %dma_start3A_464 = arith.constant 0 : i32
    %dma_start3A_465 = tpu.memref_slice %arg8[%add3A_446, %dma_start3A_464] : memref<16384x128xf32, #tpu.memory_space<hbm>> -> memref<64x128xf32, #tpu.memory_space<hbm>>
    %dma_start3A_466 = arith.constant 0 : i32
    %dma_start3A_467 = tpu.memref_slice %arg8[%add3A_446, %dma_start3A_466] : memref<16384x128xf32, #tpu.memory_space<hbm>> -> memref<64x128xf32, #tpu.memory_space<hbm>>
    %dma_start3A_468 = arith.constant 0 : i32
    %dma_start3A_469 = arith.constant 0 : i32
    %dma_start3A_470 = tpu.memref_slice %arg16[%dma_start3A_468, %dma_start3A_469] : memref<64x144xf32, #tpu.memory_space<vmem>> -> memref<64x128xf32, #tpu.memory_space<vmem>>
    tpu.enqueue_dma source(%dma_start3A_470 : memref<64x128xf32, #tpu.memory_space<vmem>>) target(%dma_start3A_467 : memref<64x128xf32, #tpu.memory_space<hbm>>) target_semaphore(%arg22 : memref<!tpu.dma_semaphore, #tpu.memory_space<semaphore_mem>>)
    %dma_start3A_471 = arith.constant 0 : i32
    %dma_start3A_472 = tpu.memref_slice %arg9[%add3A_446, %dma_start3A_471] : memref<16384x16xf32, #tpu.memory_space<hbm>> -> memref<64x16xf32, #tpu.memory_space<hbm>>
    %dma_start3A_473 = arith.constant 0 : i32
    %dma_start3A_474 = tpu.memref_slice %arg9[%add3A_446, %dma_start3A_473] : memref<16384x16xf32, #tpu.memory_space<hbm>> -> memref<64x16xf32, #tpu.memory_space<hbm>>
    tpu.enqueue_dma source(%arg18 : memref<64x16xf32, #tpu.memory_space<vmem>>) target(%dma_start3A_474 : memref<64x16xf32, #tpu.memory_space<hbm>>) target_semaphore(%arg22 : memref<!tpu.dma_semaphore, #tpu.memory_space<semaphore_mem>>)
    %dma_wait3A_475 = arith.constant 0 : i32
    %dma_wait3A_476 = arith.constant 0 : i32
    %dma_wait3A_477 = tpu.memref_slice %arg6[%dma_wait3A_475, %dma_wait3A_476] : memref<16384x128xf32, #tpu.memory_space<hbm>> -> memref<64x128xf32, #tpu.memory_space<hbm>>
    %dma_wait3A_478 = arith.constant 0 : i32
    %dma_wait3A_479 = arith.constant 0 : i32
    %dma_wait3A_480 = tpu.memref_slice %arg6[%dma_wait3A_478, %dma_wait3A_479] : memref<16384x128xf32, #tpu.memory_space<hbm>> -> memref<64x128xf32, #tpu.memory_space<hbm>>
    tpu.wait_dma2 semaphore(%arg22 : memref<!tpu.dma_semaphore, #tpu.memory_space<semaphore_mem>>) src(%arg12 : memref<64x128xf32, #tpu.memory_space<vmem>>) dst(%dma_wait3A_480 : memref<64x128xf32, #tpu.memory_space<hbm>>)
    %dma_wait3A_481 = arith.constant 0 : i32
    %dma_wait3A_482 = arith.constant 0 : i32
    %dma_wait3A_483 = tpu.memref_slice %arg14[%dma_wait3A_481, %dma_wait3A_482] : memref<64x144xf32, #tpu.memory_space<vmem>> -> memref<64x128xf32, #tpu.memory_space<vmem>>
    %dma_wait3A_484 = arith.constant 0 : i32
    %dma_wait3A_485 = arith.constant 0 : i32
    %dma_wait3A_486 = tpu.memref_slice %arg7[%dma_wait3A_484, %dma_wait3A_485] : memref<16384x128xf32, #tpu.memory_space<hbm>> -> memref<64x128xf32, #tpu.memory_space<hbm>>
    %dma_wait3A_487 = arith.constant 0 : i32
    %dma_wait3A_488 = arith.constant 0 : i32
    %dma_wait3A_489 = tpu.memref_slice %arg7[%dma_wait3A_487, %dma_wait3A_488] : memref<16384x128xf32, #tpu.memory_space<hbm>> -> memref<64x128xf32, #tpu.memory_space<hbm>>
    %dma_wait3A_490 = arith.constant 0 : i32
    %dma_wait3A_491 = arith.constant 0 : i32
    %dma_wait3A_492 = tpu.memref_slice %arg14[%dma_wait3A_490, %dma_wait3A_491] : memref<64x144xf32, #tpu.memory_space<vmem>> -> memref<64x128xf32, #tpu.memory_space<vmem>>
    tpu.wait_dma2 semaphore(%arg22 : memref<!tpu.dma_semaphore, #tpu.memory_space<semaphore_mem>>) src(%dma_wait3A_492 : memref<64x128xf32, #tpu.memory_space<vmem>>) dst(%dma_wait3A_489 : memref<64x128xf32, #tpu.memory_space<hbm>>)
    %dma_wait3A_493 = arith.constant 0 : i32
    %dma_wait3A_494 = arith.constant 0 : i32
    %dma_wait3A_495 = tpu.memref_slice %arg16[%dma_wait3A_493, %dma_wait3A_494] : memref<64x144xf32, #tpu.memory_space<vmem>> -> memref<64x128xf32, #tpu.memory_space<vmem>>
    %dma_wait3A_496 = arith.constant 0 : i32
    %dma_wait3A_497 = arith.constant 0 : i32
    %dma_wait3A_498 = tpu.memref_slice %arg8[%dma_wait3A_496, %dma_wait3A_497] : memref<16384x128xf32, #tpu.memory_space<hbm>> -> memref<64x128xf32, #tpu.memory_space<hbm>>
    %dma_wait3A_499 = arith.constant 0 : i32
    %dma_wait3A_500 = arith.constant 0 : i32
    %dma_wait3A_501 = tpu.memref_slice %arg8[%dma_wait3A_499, %dma_wait3A_500] : memref<16384x128xf32, #tpu.memory_space<hbm>> -> memref<64x128xf32, #tpu.memory_space<hbm>>
    %dma_wait3A_502 = arith.constant 0 : i32
    %dma_wait3A_503 = arith.constant 0 : i32
    %dma_wait3A_504 = tpu.memref_slice %arg16[%dma_wait3A_502, %dma_wait3A_503] : memref<64x144xf32, #tpu.memory_space<vmem>> -> memref<64x128xf32, #tpu.memory_space<vmem>>
    tpu.wait_dma2 semaphore(%arg22 : memref<!tpu.dma_semaphore, #tpu.memory_space<semaphore_mem>>) src(%dma_wait3A_504 : memref<64x128xf32, #tpu.memory_space<vmem>>) dst(%dma_wait3A_501 : memref<64x128xf32, #tpu.memory_space<hbm>>)
    %dma_wait3A_505 = arith.constant 0 : i32
    %dma_wait3A_506 = arith.constant 0 : i32
    %dma_wait3A_507 = tpu.memref_slice %arg9[%dma_wait3A_505, %dma_wait3A_506] : memref<16384x16xf32, #tpu.memory_space<hbm>> -> memref<64x16xf32, #tpu.memory_space<hbm>>
    %dma_wait3A_508 = arith.constant 0 : i32
    %dma_wait3A_509 = arith.constant 0 : i32
    %dma_wait3A_510 = tpu.memref_slice %arg9[%dma_wait3A_508, %dma_wait3A_509] : memref<16384x16xf32, #tpu.memory_space<hbm>> -> memref<64x16xf32, #tpu.memory_space<hbm>>
    tpu.wait_dma2 semaphore(%arg22 : memref<!tpu.dma_semaphore, #tpu.memory_space<semaphore_mem>>) src(%arg18 : memref<64x16xf32, #tpu.memory_space<vmem>>) dst(%dma_wait3A_510 : memref<64x16xf32, #tpu.memory_space<hbm>>)
    %mul3A_511 = arith.constant 512 : i32
    %mul3A_512 = arith.muli %add3A, %mul3A_511 : i32
    %add3A_513 = arith.constant 320 : i32
    %add3A_514 = arith.addi %mul3A_512, %add3A_513 : i32
    %run_scoped3A_515 = arith.constant 1 : i32
    "tpu.region"() ({
      %run_scoped3A_973 = tpu.sem_alloc : memref<!tpu.dma_semaphore, #tpu.memory_space<semaphore_mem>>
      %dma_start3A_974 = arith.constant 0 : i32
      %dma_start3A_975 = tpu.memref_slice %arg10[%run_scoped3A_515, %dma_start3A_974] : memref<2x64xi32, #tpu.memory_space<vmem>> -> memref<1x64xi32, #tpu.memory_space<vmem>>
      %dma_start3A_976 = tpu.memref_squeeze %dma_start3A_975 : memref<1x64xi32, #tpu.memory_space<vmem>> -> memref<64xi32, #tpu.memory_space<vmem>>
      %dma_start3A_977 = tpu.memref_slice %arg2[%add3A_514] : memref<16384xi32, #tpu.memory_space<hbm>> -> memref<64xi32, #tpu.memory_space<hbm>>
      %dma_start3A_978 = arith.constant 0 : i32
      %dma_start3A_979 = tpu.memref_slice %arg10[%run_scoped3A_515, %dma_start3A_978] : memref<2x64xi32, #tpu.memory_space<vmem>> -> memref<1x64xi32, #tpu.memory_space<vmem>>
      %dma_start3A_980 = tpu.memref_squeeze %dma_start3A_979 : memref<1x64xi32, #tpu.memory_space<vmem>> -> memref<64xi32, #tpu.memory_space<vmem>>
      %dma_start3A_981 = tpu.memref_slice %arg2[%add3A_514] : memref<16384xi32, #tpu.memory_space<hbm>> -> memref<64xi32, #tpu.memory_space<hbm>>
      tpu.enqueue_dma source(%dma_start3A_981 : memref<64xi32, #tpu.memory_space<hbm>>) target(%dma_start3A_980 : memref<64xi32, #tpu.memory_space<vmem>>) target_semaphore(%run_scoped3A_973 : memref<!tpu.dma_semaphore, #tpu.memory_space<semaphore_mem>>)
      %dma_wait3A_982 = arith.constant 0 : i32
      %dma_wait3A_983 = tpu.memref_slice %arg10[%run_scoped3A_515, %dma_wait3A_982] : memref<2x64xi32, #tpu.memory_space<vmem>> -> memref<1x64xi32, #tpu.memory_space<vmem>>
      %dma_wait3A_984 = tpu.memref_squeeze %dma_wait3A_983 : memref<1x64xi32, #tpu.memory_space<vmem>> -> memref<64xi32, #tpu.memory_space<vmem>>
      %dma_wait3A_985 = tpu.memref_slice %arg2[%add3A_514] : memref<16384xi32, #tpu.memory_space<hbm>> -> memref<64xi32, #tpu.memory_space<hbm>>
      %dma_wait3A_986 = arith.constant 0 : i32
      %dma_wait3A_987 = tpu.memref_slice %arg10[%run_scoped3A_515, %dma_wait3A_986] : memref<2x64xi32, #tpu.memory_space<vmem>> -> memref<1x64xi32, #tpu.memory_space<vmem>>
      %dma_wait3A_988 = tpu.memref_squeeze %dma_wait3A_987 : memref<1x64xi32, #tpu.memory_space<vmem>> -> memref<64xi32, #tpu.memory_space<vmem>>
      %dma_wait3A_989 = tpu.memref_slice %arg2[%add3A_514] : memref<16384xi32, #tpu.memory_space<hbm>> -> memref<64xi32, #tpu.memory_space<hbm>>
      tpu.wait_dma2 semaphore(%run_scoped3A_973 : memref<!tpu.dma_semaphore, #tpu.memory_space<semaphore_mem>>) src(%dma_wait3A_989 : memref<64xi32, #tpu.memory_space<hbm>>) dst(%dma_wait3A_988 : memref<64xi32, #tpu.memory_space<vmem>>)
      tpu.yield
    }) : () -> ()
    %dma_start3A_516 = arith.constant 1 : i32
    %dma_start3A_517 = arith.constant 0 : i32
    %dma_start3A_518 = tpu.memref_slice %arg10[%dma_start3A_516, %dma_start3A_517] : memref<2x64xi32, #tpu.memory_space<vmem>> -> memref<1x64xi32, #tpu.memory_space<vmem>>
    %dma_start3A_519 = tpu.memref_squeeze %dma_start3A_518 : memref<1x64xi32, #tpu.memory_space<vmem>> -> memref<64xi32, #tpu.memory_space<vmem>>
    %dma_start3A_520 = arith.constant 0 : i32
    %dma_start3A_521 = arith.constant 0 : i32
    %dma_start3A_522 = tpu.memref_slice %arg3[%dma_start3A_520, %dma_start3A_521] : memref<10000x128xf32, #tpu.memory_space<hbm>> -> memref<10000x128xf32, #tpu.memory_space<hbm>>
    tpu.enqueue_indirect_dma source(%dma_start3A_522 : memref<10000x128xf32, #tpu.memory_space<hbm>>) target(%arg12 : memref<64x128xf32, #tpu.memory_space<vmem>>) offsets(%dma_start3A_519 : memref<64xi32, #tpu.memory_space<vmem>>) semaphore(%arg20 : memref<!tpu.dma_semaphore, #tpu.memory_space<semaphore_mem>>)
    %dma_start3A_523 = arith.constant 1 : i32
    %dma_start3A_524 = arith.constant 0 : i32
    %dma_start3A_525 = tpu.memref_slice %arg10[%dma_start3A_523, %dma_start3A_524] : memref<2x64xi32, #tpu.memory_space<vmem>> -> memref<1x64xi32, #tpu.memory_space<vmem>>
    %dma_start3A_526 = tpu.memref_squeeze %dma_start3A_525 : memref<1x64xi32, #tpu.memory_space<vmem>> -> memref<64xi32, #tpu.memory_space<vmem>>
    %dma_start3A_527 = arith.constant 0 : i32
    %dma_start3A_528 = arith.constant 0 : i32
    %dma_start3A_529 = tpu.memref_slice %arg4[%dma_start3A_527, %dma_start3A_528] : memref<10240x144xf32, #tpu.memory_space<hbm>> -> memref<10240x144xf32, #tpu.memory_space<hbm>>
    tpu.enqueue_indirect_dma source(%dma_start3A_529 : memref<10240x144xf32, #tpu.memory_space<hbm>>) target(%arg14 : memref<64x144xf32, #tpu.memory_space<vmem>>) offsets(%dma_start3A_526 : memref<64xi32, #tpu.memory_space<vmem>>) semaphore(%arg20 : memref<!tpu.dma_semaphore, #tpu.memory_space<semaphore_mem>>)
    %dma_start3A_530 = arith.constant 1 : i32
    %dma_start3A_531 = arith.constant 0 : i32
    %dma_start3A_532 = tpu.memref_slice %arg10[%dma_start3A_530, %dma_start3A_531] : memref<2x64xi32, #tpu.memory_space<vmem>> -> memref<1x64xi32, #tpu.memory_space<vmem>>
    %dma_start3A_533 = tpu.memref_squeeze %dma_start3A_532 : memref<1x64xi32, #tpu.memory_space<vmem>> -> memref<64xi32, #tpu.memory_space<vmem>>
    %dma_start3A_534 = arith.constant 0 : i32
    %dma_start3A_535 = arith.constant 0 : i32
    %dma_start3A_536 = tpu.memref_slice %arg5[%dma_start3A_534, %dma_start3A_535] : memref<10240x144xf32, #tpu.memory_space<hbm>> -> memref<10240x144xf32, #tpu.memory_space<hbm>>
    tpu.enqueue_indirect_dma source(%dma_start3A_536 : memref<10240x144xf32, #tpu.memory_space<hbm>>) target(%arg16 : memref<64x144xf32, #tpu.memory_space<vmem>>) offsets(%dma_start3A_533 : memref<64xi32, #tpu.memory_space<vmem>>) semaphore(%arg20 : memref<!tpu.dma_semaphore, #tpu.memory_space<semaphore_mem>>)
    %dma_wait3A_537 = arith.constant 0 : i32
    %dma_wait3A_538 = arith.constant 0 : i32
    %dma_wait3A_539 = tpu.memref_slice %arg10[%dma_wait3A_537, %dma_wait3A_538] : memref<2x64xi32, #tpu.memory_space<vmem>> -> memref<1x64xi32, #tpu.memory_space<vmem>>
    %dma_wait3A_540 = tpu.memref_squeeze %dma_wait3A_539 : memref<1x64xi32, #tpu.memory_space<vmem>> -> memref<64xi32, #tpu.memory_space<vmem>>
    %dma_wait3A_541 = arith.constant 0 : i32
    %dma_wait3A_542 = arith.constant 0 : i32
    %dma_wait3A_543 = tpu.memref_slice %arg3[%dma_wait3A_541, %dma_wait3A_542] : memref<10000x128xf32, #tpu.memory_space<hbm>> -> memref<10000x128xf32, #tpu.memory_space<hbm>>
    tpu.wait_indirect_dma semaphore(%arg19 : memref<!tpu.dma_semaphore, #tpu.memory_space<semaphore_mem>>) src(%dma_wait3A_543 : memref<10000x128xf32, #tpu.memory_space<hbm>>) dst(%arg11 : memref<64x128xf32, #tpu.memory_space<vmem>>)
    %dma_wait3A_544 = arith.constant 0 : i32
    %dma_wait3A_545 = arith.constant 0 : i32
    %dma_wait3A_546 = tpu.memref_slice %arg10[%dma_wait3A_544, %dma_wait3A_545] : memref<2x64xi32, #tpu.memory_space<vmem>> -> memref<1x64xi32, #tpu.memory_space<vmem>>
    %dma_wait3A_547 = tpu.memref_squeeze %dma_wait3A_546 : memref<1x64xi32, #tpu.memory_space<vmem>> -> memref<64xi32, #tpu.memory_space<vmem>>
    %dma_wait3A_548 = arith.constant 0 : i32
    %dma_wait3A_549 = arith.constant 0 : i32
    %dma_wait3A_550 = tpu.memref_slice %arg4[%dma_wait3A_548, %dma_wait3A_549] : memref<10240x144xf32, #tpu.memory_space<hbm>> -> memref<10240x144xf32, #tpu.memory_space<hbm>>
    tpu.wait_indirect_dma semaphore(%arg19 : memref<!tpu.dma_semaphore, #tpu.memory_space<semaphore_mem>>) src(%dma_wait3A_550 : memref<10240x144xf32, #tpu.memory_space<hbm>>) dst(%arg13 : memref<64x144xf32, #tpu.memory_space<vmem>>)
    %dma_wait3A_551 = arith.constant 0 : i32
    %dma_wait3A_552 = arith.constant 0 : i32
    %dma_wait3A_553 = tpu.memref_slice %arg10[%dma_wait3A_551, %dma_wait3A_552] : memref<2x64xi32, #tpu.memory_space<vmem>> -> memref<1x64xi32, #tpu.memory_space<vmem>>
    %dma_wait3A_554 = tpu.memref_squeeze %dma_wait3A_553 : memref<1x64xi32, #tpu.memory_space<vmem>> -> memref<64xi32, #tpu.memory_space<vmem>>
    %dma_wait3A_555 = arith.constant 0 : i32
    %dma_wait3A_556 = arith.constant 0 : i32
    %dma_wait3A_557 = tpu.memref_slice %arg5[%dma_wait3A_555, %dma_wait3A_556] : memref<10240x144xf32, #tpu.memory_space<hbm>> -> memref<10240x144xf32, #tpu.memory_space<hbm>>
    tpu.wait_indirect_dma semaphore(%arg19 : memref<!tpu.dma_semaphore, #tpu.memory_space<semaphore_mem>>) src(%dma_wait3A_557 : memref<10240x144xf32, #tpu.memory_space<hbm>>) dst(%arg15 : memref<64x144xf32, #tpu.memory_space<vmem>>)
    %scan3A_558 = arith.constant 0 : i32
    %scan3A_559 = arith.constant 0 : i32
    %scan3A_560 = arith.constant 64 : i32
    %scan3A_561 = arith.addi %scan3A_559, %scan3A_560 : i32
    %scan3A_562 = arith.constant 1 : i32
    %scan3A_563 = scf.for %scan3A_973 = %scan3A_559 to %scan3A_561 step %scan3A_562 iter_args(%scan3A_974 = %scan3A_558) -> (i32)  : i32 {
      %get3A = arith.index_cast %scan3A_973 : i32 to index
      %get3A_975 = arith.constant 128 : index
      %get3A_976 = tpu.vector_load %arg13[%get3A, %get3A_975] {strides = array<i32>} : memref<64x144xf32, #tpu.memory_space<vmem>>, vector<1x16xf32>,
      %get3A_977 = vector.shape_cast %get3A_976 : vector<1x16xf32> to vector<16xf32>
      %get3A_978 = arith.index_cast %scan3A_973 : i32 to index
      %get3A_979 = arith.constant 128 : index
      %get3A_980 = tpu.vector_load %arg15[%get3A_978, %get3A_979] {strides = array<i32>} : memref<64x144xf32, #tpu.memory_space<vmem>>, vector<1x16xf32>,
      %get3A_981 = vector.shape_cast %get3A_980 : vector<1x16xf32> to vector<16xf32>
      %add3A_982 = arith.addf %get3A_977, %get3A_981 : vector<16xf32>
      %max3A = arith.constant 1.000000e+00 : f32
      %max3A_983 = vector.broadcast %max3A : f32 to vector<16xf32>
      %max3A_984 = arith.maximumf %add3A_982, %max3A_983 : vector<16xf32>
      %div3A = arith.constant 1.000000e+00 : f32
      %div3A_985 = vector.broadcast %div3A : f32 to vector<16xf32>
      %div3A_986 = arith.divf %div3A_985, %max3A_984 : vector<16xf32>
      %swap3A = arith.index_cast %scan3A_973 : i32 to index
      %swap3A_987 = arith.constant 0 : index
      %swap3A_988 = tpu.vector_load %arg17[%swap3A, %swap3A_987] {strides = array<i32>} : memref<64x16xf32, #tpu.memory_space<vmem>>, vector<1x16xf32>,
      %swap3A_989 = vector.shape_cast %swap3A_988 : vector<1x16xf32> to vector<16xf32>
      %swap3A_990 = vector.shape_cast %div3A_986 : vector<16xf32> to vector<1x16xf32>
      tpu.vector_store %arg17[%swap3A, %swap3A_987], %swap3A_990 {strides = array<i32>} : memref<64x16xf32, #tpu.memory_space<vmem>>, vector<1x16xf32>,
      %scan3A_991 = arith.constant 0 : i32
      scf.yield %scan3A_991 : i32
    }
    %scan3A_564 = arith.constant 64 : i32
    %mul3A_565 = arith.constant 512 : i32
    %mul3A_566 = arith.muli %add3A, %mul3A_565 : i32
    %add3A_567 = arith.constant 256 : i32
    %add3A_568 = arith.addi %mul3A_566, %add3A_567 : i32
    %dma_start3A_569 = arith.constant 0 : i32
    %dma_start3A_570 = tpu.memref_slice %arg6[%add3A_568, %dma_start3A_569] : memref<16384x128xf32, #tpu.memory_space<hbm>> -> memref<64x128xf32, #tpu.memory_space<hbm>>
    %dma_start3A_571 = arith.constant 0 : i32
    %dma_start3A_572 = tpu.memref_slice %arg6[%add3A_568, %dma_start3A_571] : memref<16384x128xf32, #tpu.memory_space<hbm>> -> memref<64x128xf32, #tpu.memory_space<hbm>>
    tpu.enqueue_dma source(%arg11 : memref<64x128xf32, #tpu.memory_space<vmem>>) target(%dma_start3A_572 : memref<64x128xf32, #tpu.memory_space<hbm>>) target_semaphore(%arg21 : memref<!tpu.dma_semaphore, #tpu.memory_space<semaphore_mem>>)
    %dma_start3A_573 = arith.constant 0 : i32
    %dma_start3A_574 = arith.constant 0 : i32
    %dma_start3A_575 = tpu.memref_slice %arg13[%dma_start3A_573, %dma_start3A_574] : memref<64x144xf32, #tpu.memory_space<vmem>> -> memref<64x128xf32, #tpu.memory_space<vmem>>
    %dma_start3A_576 = arith.constant 0 : i32
    %dma_start3A_577 = tpu.memref_slice %arg7[%add3A_568, %dma_start3A_576] : memref<16384x128xf32, #tpu.memory_space<hbm>> -> memref<64x128xf32, #tpu.memory_space<hbm>>
    %dma_start3A_578 = arith.constant 0 : i32
    %dma_start3A_579 = tpu.memref_slice %arg7[%add3A_568, %dma_start3A_578] : memref<16384x128xf32, #tpu.memory_space<hbm>> -> memref<64x128xf32, #tpu.memory_space<hbm>>
    %dma_start3A_580 = arith.constant 0 : i32
    %dma_start3A_581 = arith.constant 0 : i32
    %dma_start3A_582 = tpu.memref_slice %arg13[%dma_start3A_580, %dma_start3A_581] : memref<64x144xf32, #tpu.memory_space<vmem>> -> memref<64x128xf32, #tpu.memory_space<vmem>>
    tpu.enqueue_dma source(%dma_start3A_582 : memref<64x128xf32, #tpu.memory_space<vmem>>) target(%dma_start3A_579 : memref<64x128xf32, #tpu.memory_space<hbm>>) target_semaphore(%arg21 : memref<!tpu.dma_semaphore, #tpu.memory_space<semaphore_mem>>)
    %dma_start3A_583 = arith.constant 0 : i32
    %dma_start3A_584 = arith.constant 0 : i32
    %dma_start3A_585 = tpu.memref_slice %arg15[%dma_start3A_583, %dma_start3A_584] : memref<64x144xf32, #tpu.memory_space<vmem>> -> memref<64x128xf32, #tpu.memory_space<vmem>>
    %dma_start3A_586 = arith.constant 0 : i32
    %dma_start3A_587 = tpu.memref_slice %arg8[%add3A_568, %dma_start3A_586] : memref<16384x128xf32, #tpu.memory_space<hbm>> -> memref<64x128xf32, #tpu.memory_space<hbm>>
    %dma_start3A_588 = arith.constant 0 : i32
    %dma_start3A_589 = tpu.memref_slice %arg8[%add3A_568, %dma_start3A_588] : memref<16384x128xf32, #tpu.memory_space<hbm>> -> memref<64x128xf32, #tpu.memory_space<hbm>>
    %dma_start3A_590 = arith.constant 0 : i32
    %dma_start3A_591 = arith.constant 0 : i32
    %dma_start3A_592 = tpu.memref_slice %arg15[%dma_start3A_590, %dma_start3A_591] : memref<64x144xf32, #tpu.memory_space<vmem>> -> memref<64x128xf32, #tpu.memory_space<vmem>>
    tpu.enqueue_dma source(%dma_start3A_592 : memref<64x128xf32, #tpu.memory_space<vmem>>) target(%dma_start3A_589 : memref<64x128xf32, #tpu.memory_space<hbm>>) target_semaphore(%arg21 : memref<!tpu.dma_semaphore, #tpu.memory_space<semaphore_mem>>)
    %dma_start3A_593 = arith.constant 0 : i32
    %dma_start3A_594 = tpu.memref_slice %arg9[%add3A_568, %dma_start3A_593] : memref<16384x16xf32, #tpu.memory_space<hbm>> -> memref<64x16xf32, #tpu.memory_space<hbm>>
    %dma_start3A_595 = arith.constant 0 : i32
    %dma_start3A_596 = tpu.memref_slice %arg9[%add3A_568, %dma_start3A_595] : memref<16384x16xf32, #tpu.memory_space<hbm>> -> memref<64x16xf32, #tpu.memory_space<hbm>>
    tpu.enqueue_dma source(%arg17 : memref<64x16xf32, #tpu.memory_space<vmem>>) target(%dma_start3A_596 : memref<64x16xf32, #tpu.memory_space<hbm>>) target_semaphore(%arg21 : memref<!tpu.dma_semaphore, #tpu.memory_space<semaphore_mem>>)
    %dma_wait3A_597 = arith.constant 0 : i32
    %dma_wait3A_598 = arith.constant 0 : i32
    %dma_wait3A_599 = tpu.memref_slice %arg6[%dma_wait3A_597, %dma_wait3A_598] : memref<16384x128xf32, #tpu.memory_space<hbm>> -> memref<64x128xf32, #tpu.memory_space<hbm>>
    %dma_wait3A_600 = arith.constant 0 : i32
    %dma_wait3A_601 = arith.constant 0 : i32
    %dma_wait3A_602 = tpu.memref_slice %arg6[%dma_wait3A_600, %dma_wait3A_601] : memref<16384x128xf32, #tpu.memory_space<hbm>> -> memref<64x128xf32, #tpu.memory_space<hbm>>
    tpu.wait_dma2 semaphore(%arg21 : memref<!tpu.dma_semaphore, #tpu.memory_space<semaphore_mem>>) src(%arg11 : memref<64x128xf32, #tpu.memory_space<vmem>>) dst(%dma_wait3A_602 : memref<64x128xf32, #tpu.memory_space<hbm>>)
    %dma_wait3A_603 = arith.constant 0 : i32
    %dma_wait3A_604 = arith.constant 0 : i32
    %dma_wait3A_605 = tpu.memref_slice %arg13[%dma_wait3A_603, %dma_wait3A_604] : memref<64x144xf32, #tpu.memory_space<vmem>> -> memref<64x128xf32, #tpu.memory_space<vmem>>
    %dma_wait3A_606 = arith.constant 0 : i32
    %dma_wait3A_607 = arith.constant 0 : i32
    %dma_wait3A_608 = tpu.memref_slice %arg7[%dma_wait3A_606, %dma_wait3A_607] : memref<16384x128xf32, #tpu.memory_space<hbm>> -> memref<64x128xf32, #tpu.memory_space<hbm>>
    %dma_wait3A_609 = arith.constant 0 : i32
    %dma_wait3A_610 = arith.constant 0 : i32
    %dma_wait3A_611 = tpu.memref_slice %arg7[%dma_wait3A_609, %dma_wait3A_610] : memref<16384x128xf32, #tpu.memory_space<hbm>> -> memref<64x128xf32, #tpu.memory_space<hbm>>
    %dma_wait3A_612 = arith.constant 0 : i32
    %dma_wait3A_613 = arith.constant 0 : i32
    %dma_wait3A_614 = tpu.memref_slice %arg13[%dma_wait3A_612, %dma_wait3A_613] : memref<64x144xf32, #tpu.memory_space<vmem>> -> memref<64x128xf32, #tpu.memory_space<vmem>>
    tpu.wait_dma2 semaphore(%arg21 : memref<!tpu.dma_semaphore, #tpu.memory_space<semaphore_mem>>) src(%dma_wait3A_614 : memref<64x128xf32, #tpu.memory_space<vmem>>) dst(%dma_wait3A_611 : memref<64x128xf32, #tpu.memory_space<hbm>>)
    %dma_wait3A_615 = arith.constant 0 : i32
    %dma_wait3A_616 = arith.constant 0 : i32
    %dma_wait3A_617 = tpu.memref_slice %arg15[%dma_wait3A_615, %dma_wait3A_616] : memref<64x144xf32, #tpu.memory_space<vmem>> -> memref<64x128xf32, #tpu.memory_space<vmem>>
    %dma_wait3A_618 = arith.constant 0 : i32
    %dma_wait3A_619 = arith.constant 0 : i32
    %dma_wait3A_620 = tpu.memref_slice %arg8[%dma_wait3A_618, %dma_wait3A_619] : memref<16384x128xf32, #tpu.memory_space<hbm>> -> memref<64x128xf32, #tpu.memory_space<hbm>>
    %dma_wait3A_621 = arith.constant 0 : i32
    %dma_wait3A_622 = arith.constant 0 : i32
    %dma_wait3A_623 = tpu.memref_slice %arg8[%dma_wait3A_621, %dma_wait3A_622] : memref<16384x128xf32, #tpu.memory_space<hbm>> -> memref<64x128xf32, #tpu.memory_space<hbm>>
    %dma_wait3A_624 = arith.constant 0 : i32
    %dma_wait3A_625 = arith.constant 0 : i32
    %dma_wait3A_626 = tpu.memref_slice %arg15[%dma_wait3A_624, %dma_wait3A_625] : memref<64x144xf32, #tpu.memory_space<vmem>> -> memref<64x128xf32, #tpu.memory_space<vmem>>
    tpu.wait_dma2 semaphore(%arg21 : memref<!tpu.dma_semaphore, #tpu.memory_space<semaphore_mem>>) src(%dma_wait3A_626 : memref<64x128xf32, #tpu.memory_space<vmem>>) dst(%dma_wait3A_623 : memref<64x128xf32, #tpu.memory_space<hbm>>)
    %dma_wait3A_627 = arith.constant 0 : i32
    %dma_wait3A_628 = arith.constant 0 : i32
    %dma_wait3A_629 = tpu.memref_slice %arg9[%dma_wait3A_627, %dma_wait3A_628] : memref<16384x16xf32, #tpu.memory_space<hbm>> -> memref<64x16xf32, #tpu.memory_space<hbm>>
    %dma_wait3A_630 = arith.constant 0 : i32
    %dma_wait3A_631 = arith.constant 0 : i32
    %dma_wait3A_632 = tpu.memref_slice %arg9[%dma_wait3A_630, %dma_wait3A_631] : memref<16384x16xf32, #tpu.memory_space<hbm>> -> memref<64x16xf32, #tpu.memory_space<hbm>>
    tpu.wait_dma2 semaphore(%arg21 : memref<!tpu.dma_semaphore, #tpu.memory_space<semaphore_mem>>) src(%arg17 : memref<64x16xf32, #tpu.memory_space<vmem>>) dst(%dma_wait3A_632 : memref<64x16xf32, #tpu.memory_space<hbm>>)
    %mul3A_633 = arith.constant 512 : i32
    %mul3A_634 = arith.muli %add3A, %mul3A_633 : i32
    %add3A_635 = arith.constant 384 : i32
    %add3A_636 = arith.addi %mul3A_634, %add3A_635 : i32
    %run_scoped3A_637 = arith.constant 0 : i32
    "tpu.region"() ({
      %run_scoped3A_973 = tpu.sem_alloc : memref<!tpu.dma_semaphore, #tpu.memory_space<semaphore_mem>>
      %dma_start3A_974 = arith.constant 0 : i32
      %dma_start3A_975 = tpu.memref_slice %arg10[%run_scoped3A_637, %dma_start3A_974] : memref<2x64xi32, #tpu.memory_space<vmem>> -> memref<1x64xi32, #tpu.memory_space<vmem>>
      %dma_start3A_976 = tpu.memref_squeeze %dma_start3A_975 : memref<1x64xi32, #tpu.memory_space<vmem>> -> memref<64xi32, #tpu.memory_space<vmem>>
      %dma_start3A_977 = tpu.memref_slice %arg2[%add3A_636] : memref<16384xi32, #tpu.memory_space<hbm>> -> memref<64xi32, #tpu.memory_space<hbm>>
      %dma_start3A_978 = arith.constant 0 : i32
      %dma_start3A_979 = tpu.memref_slice %arg10[%run_scoped3A_637, %dma_start3A_978] : memref<2x64xi32, #tpu.memory_space<vmem>> -> memref<1x64xi32, #tpu.memory_space<vmem>>
      %dma_start3A_980 = tpu.memref_squeeze %dma_start3A_979 : memref<1x64xi32, #tpu.memory_space<vmem>> -> memref<64xi32, #tpu.memory_space<vmem>>
      %dma_start3A_981 = tpu.memref_slice %arg2[%add3A_636] : memref<16384xi32, #tpu.memory_space<hbm>> -> memref<64xi32, #tpu.memory_space<hbm>>
      tpu.enqueue_dma source(%dma_start3A_981 : memref<64xi32, #tpu.memory_space<hbm>>) target(%dma_start3A_980 : memref<64xi32, #tpu.memory_space<vmem>>) target_semaphore(%run_scoped3A_973 : memref<!tpu.dma_semaphore, #tpu.memory_space<semaphore_mem>>)
      %dma_wait3A_982 = arith.constant 0 : i32
      %dma_wait3A_983 = tpu.memref_slice %arg10[%run_scoped3A_637, %dma_wait3A_982] : memref<2x64xi32, #tpu.memory_space<vmem>> -> memref<1x64xi32, #tpu.memory_space<vmem>>
      %dma_wait3A_984 = tpu.memref_squeeze %dma_wait3A_983 : memref<1x64xi32, #tpu.memory_space<vmem>> -> memref<64xi32, #tpu.memory_space<vmem>>
      %dma_wait3A_985 = tpu.memref_slice %arg2[%add3A_636] : memref<16384xi32, #tpu.memory_space<hbm>> -> memref<64xi32, #tpu.memory_space<hbm>>
      %dma_wait3A_986 = arith.constant 0 : i32
      %dma_wait3A_987 = tpu.memref_slice %arg10[%run_scoped3A_637, %dma_wait3A_986] : memref<2x64xi32, #tpu.memory_space<vmem>> -> memref<1x64xi32, #tpu.memory_space<vmem>>
      %dma_wait3A_988 = tpu.memref_squeeze %dma_wait3A_987 : memref<1x64xi32, #tpu.memory_space<vmem>> -> memref<64xi32, #tpu.memory_space<vmem>>
      %dma_wait3A_989 = tpu.memref_slice %arg2[%add3A_636] : memref<16384xi32, #tpu.memory_space<hbm>> -> memref<64xi32, #tpu.memory_space<hbm>>
      tpu.wait_dma2 semaphore(%run_scoped3A_973 : memref<!tpu.dma_semaphore, #tpu.memory_space<semaphore_mem>>) src(%dma_wait3A_989 : memref<64xi32, #tpu.memory_space<hbm>>) dst(%dma_wait3A_988 : memref<64xi32, #tpu.memory_space<vmem>>)
      tpu.yield
    }) : () -> ()
    %dma_start3A_638 = arith.constant 0 : i32
    %dma_start3A_639 = arith.constant 0 : i32
    %dma_start3A_640 = tpu.memref_slice %arg10[%dma_start3A_638, %dma_start3A_639] : memref<2x64xi32, #tpu.memory_space<vmem>> -> memref<1x64xi32, #tpu.memory_space<vmem>>
    %dma_start3A_641 = tpu.memref_squeeze %dma_start3A_640 : memref<1x64xi32, #tpu.memory_space<vmem>> -> memref<64xi32, #tpu.memory_space<vmem>>
    %dma_start3A_642 = arith.constant 0 : i32
    %dma_start3A_643 = arith.constant 0 : i32
    %dma_start3A_644 = tpu.memref_slice %arg3[%dma_start3A_642, %dma_start3A_643] : memref<10000x128xf32, #tpu.memory_space<hbm>> -> memref<10000x128xf32, #tpu.memory_space<hbm>>
    tpu.enqueue_indirect_dma source(%dma_start3A_644 : memref<10000x128xf32, #tpu.memory_space<hbm>>) target(%arg11 : memref<64x128xf32, #tpu.memory_space<vmem>>) offsets(%dma_start3A_641 : memref<64xi32, #tpu.memory_space<vmem>>) semaphore(%arg19 : memref<!tpu.dma_semaphore, #tpu.memory_space<semaphore_mem>>)
    %dma_start3A_645 = arith.constant 0 : i32
    %dma_start3A_646 = arith.constant 0 : i32
    %dma_start3A_647 = tpu.memref_slice %arg10[%dma_start3A_645, %dma_start3A_646] : memref<2x64xi32, #tpu.memory_space<vmem>> -> memref<1x64xi32, #tpu.memory_space<vmem>>
    %dma_start3A_648 = tpu.memref_squeeze %dma_start3A_647 : memref<1x64xi32, #tpu.memory_space<vmem>> -> memref<64xi32, #tpu.memory_space<vmem>>
    %dma_start3A_649 = arith.constant 0 : i32
    %dma_start3A_650 = arith.constant 0 : i32
    %dma_start3A_651 = tpu.memref_slice %arg4[%dma_start3A_649, %dma_start3A_650] : memref<10240x144xf32, #tpu.memory_space<hbm>> -> memref<10240x144xf32, #tpu.memory_space<hbm>>
    tpu.enqueue_indirect_dma source(%dma_start3A_651 : memref<10240x144xf32, #tpu.memory_space<hbm>>) target(%arg13 : memref<64x144xf32, #tpu.memory_space<vmem>>) offsets(%dma_start3A_648 : memref<64xi32, #tpu.memory_space<vmem>>) semaphore(%arg19 : memref<!tpu.dma_semaphore, #tpu.memory_space<semaphore_mem>>)
    %dma_start3A_652 = arith.constant 0 : i32
    %dma_start3A_653 = arith.constant 0 : i32
    %dma_start3A_654 = tpu.memref_slice %arg10[%dma_start3A_652, %dma_start3A_653] : memref<2x64xi32, #tpu.memory_space<vmem>> -> memref<1x64xi32, #tpu.memory_space<vmem>>
    %dma_start3A_655 = tpu.memref_squeeze %dma_start3A_654 : memref<1x64xi32, #tpu.memory_space<vmem>> -> memref<64xi32, #tpu.memory_space<vmem>>
    %dma_start3A_656 = arith.constant 0 : i32
    %dma_start3A_657 = arith.constant 0 : i32
    %dma_start3A_658 = tpu.memref_slice %arg5[%dma_start3A_656, %dma_start3A_657] : memref<10240x144xf32, #tpu.memory_space<hbm>> -> memref<10240x144xf32, #tpu.memory_space<hbm>>
    tpu.enqueue_indirect_dma source(%dma_start3A_658 : memref<10240x144xf32, #tpu.memory_space<hbm>>) target(%arg15 : memref<64x144xf32, #tpu.memory_space<vmem>>) offsets(%dma_start3A_655 : memref<64xi32, #tpu.memory_space<vmem>>) semaphore(%arg19 : memref<!tpu.dma_semaphore, #tpu.memory_space<semaphore_mem>>)
    %dma_wait3A_659 = arith.constant 1 : i32
    %dma_wait3A_660 = arith.constant 0 : i32
    %dma_wait3A_661 = tpu.memref_slice %arg10[%dma_wait3A_659, %dma_wait3A_660] : memref<2x64xi32, #tpu.memory_space<vmem>> -> memref<1x64xi32, #tpu.memory_space<vmem>>
    %dma_wait3A_662 = tpu.memref_squeeze %dma_wait3A_661 : memref<1x64xi32, #tpu.memory_space<vmem>> -> memref<64xi32, #tpu.memory_space<vmem>>
    %dma_wait3A_663 = arith.constant 0 : i32
    %dma_wait3A_664 = arith.constant 0 : i32
    %dma_wait3A_665 = tpu.memref_slice %arg3[%dma_wait3A_663, %dma_wait3A_664] : memref<10000x128xf32, #tpu.memory_space<hbm>> -> memref<10000x128xf32, #tpu.memory_space<hbm>>
    tpu.wait_indirect_dma semaphore(%arg20 : memref<!tpu.dma_semaphore, #tpu.memory_space<semaphore_mem>>) src(%dma_wait3A_665 : memref<10000x128xf32, #tpu.memory_space<hbm>>) dst(%arg12 : memref<64x128xf32, #tpu.memory_space<vmem>>)
    %dma_wait3A_666 = arith.constant 1 : i32
    %dma_wait3A_667 = arith.constant 0 : i32
    %dma_wait3A_668 = tpu.memref_slice %arg10[%dma_wait3A_666, %dma_wait3A_667] : memref<2x64xi32, #tpu.memory_space<vmem>> -> memref<1x64xi32, #tpu.memory_space<vmem>>
    %dma_wait3A_669 = tpu.memref_squeeze %dma_wait3A_668 : memref<1x64xi32, #tpu.memory_space<vmem>> -> memref<64xi32, #tpu.memory_space<vmem>>
    %dma_wait3A_670 = arith.constant 0 : i32
    %dma_wait3A_671 = arith.constant 0 : i32
    %dma_wait3A_672 = tpu.memref_slice %arg4[%dma_wait3A_670, %dma_wait3A_671] : memref<10240x144xf32, #tpu.memory_space<hbm>> -> memref<10240x144xf32, #tpu.memory_space<hbm>>
    tpu.wait_indirect_dma semaphore(%arg20 : memref<!tpu.dma_semaphore, #tpu.memory_space<semaphore_mem>>) src(%dma_wait3A_672 : memref<10240x144xf32, #tpu.memory_space<hbm>>) dst(%arg14 : memref<64x144xf32, #tpu.memory_space<vmem>>)
    %dma_wait3A_673 = arith.constant 1 : i32
    %dma_wait3A_674 = arith.constant 0 : i32
    %dma_wait3A_675 = tpu.memref_slice %arg10[%dma_wait3A_673, %dma_wait3A_674] : memref<2x64xi32, #tpu.memory_space<vmem>> -> memref<1x64xi32, #tpu.memory_space<vmem>>
    %dma_wait3A_676 = tpu.memref_squeeze %dma_wait3A_675 : memref<1x64xi32, #tpu.memory_space<vmem>> -> memref<64xi32, #tpu.memory_space<vmem>>
    %dma_wait3A_677 = arith.constant 0 : i32
    %dma_wait3A_678 = arith.constant 0 : i32
    %dma_wait3A_679 = tpu.memref_slice %arg5[%dma_wait3A_677, %dma_wait3A_678] : memref<10240x144xf32, #tpu.memory_space<hbm>> -> memref<10240x144xf32, #tpu.memory_space<hbm>>
    tpu.wait_indirect_dma semaphore(%arg20 : memref<!tpu.dma_semaphore, #tpu.memory_space<semaphore_mem>>) src(%dma_wait3A_679 : memref<10240x144xf32, #tpu.memory_space<hbm>>) dst(%arg16 : memref<64x144xf32, #tpu.memory_space<vmem>>)
    %scan3A_680 = arith.constant 0 : i32
    %scan3A_681 = arith.constant 0 : i32
    %scan3A_682 = arith.constant 64 : i32
    %scan3A_683 = arith.addi %scan3A_681, %scan3A_682 : i32
    %scan3A_684 = arith.constant 1 : i32
    %scan3A_685 = scf.for %scan3A_973 = %scan3A_681 to %scan3A_683 step %scan3A_684 iter_args(%scan3A_974 = %scan3A_680) -> (i32)  : i32 {
      %get3A = arith.index_cast %scan3A_973 : i32 to index
      %get3A_975 = arith.constant 128 : index
      %get3A_976 = tpu.vector_load %arg14[%get3A, %get3A_975] {strides = array<i32>} : memref<64x144xf32, #tpu.memory_space<vmem>>, vector<1x16xf32>,
      %get3A_977 = vector.shape_cast %get3A_976 : vector<1x16xf32> to vector<16xf32>
      %get3A_978 = arith.index_cast %scan3A_973 : i32 to index
      %get3A_979 = arith.constant 128 : index
      %get3A_980 = tpu.vector_load %arg16[%get3A_978, %get3A_979] {strides = array<i32>} : memref<64x144xf32, #tpu.memory_space<vmem>>, vector<1x16xf32>,
      %get3A_981 = vector.shape_cast %get3A_980 : vector<1x16xf32> to vector<16xf32>
      %add3A_982 = arith.addf %get3A_977, %get3A_981 : vector<16xf32>
      %max3A = arith.constant 1.000000e+00 : f32
      %max3A_983 = vector.broadcast %max3A : f32 to vector<16xf32>
      %max3A_984 = arith.maximumf %add3A_982, %max3A_983 : vector<16xf32>
      %div3A = arith.constant 1.000000e+00 : f32
      %div3A_985 = vector.broadcast %div3A : f32 to vector<16xf32>
      %div3A_986 = arith.divf %div3A_985, %max3A_984 : vector<16xf32>
      %swap3A = arith.index_cast %scan3A_973 : i32 to index
      %swap3A_987 = arith.constant 0 : index
      %swap3A_988 = tpu.vector_load %arg18[%swap3A, %swap3A_987] {strides = array<i32>} : memref<64x16xf32, #tpu.memory_space<vmem>>, vector<1x16xf32>,
      %swap3A_989 = vector.shape_cast %swap3A_988 : vector<1x16xf32> to vector<16xf32>
      %swap3A_990 = vector.shape_cast %div3A_986 : vector<16xf32> to vector<1x16xf32>
      tpu.vector_store %arg18[%swap3A, %swap3A_987], %swap3A_990 {strides = array<i32>} : memref<64x16xf32, #tpu.memory_space<vmem>>, vector<1x16xf32>,
      %scan3A_991 = arith.constant 0 : i32
      scf.yield %scan3A_991 : i32
    }
    %scan3A_686 = arith.constant 64 : i32
    %mul3A_687 = arith.constant 512 : i32
    %mul3A_688 = arith.muli %add3A, %mul3A_687 : i32
    %add3A_689 = arith.constant 320 : i32
    %add3A_690 = arith.addi %mul3A_688, %add3A_689 : i32
    %dma_start3A_691 = arith.constant 0 : i32
    %dma_start3A_692 = tpu.memref_slice %arg6[%add3A_690, %dma_start3A_691] : memref<16384x128xf32, #tpu.memory_space<hbm>> -> memref<64x128xf32, #tpu.memory_space<hbm>>
    %dma_start3A_693 = arith.constant 0 : i32
    %dma_start3A_694 = tpu.memref_slice %arg6[%add3A_690, %dma_start3A_693] : memref<16384x128xf32, #tpu.memory_space<hbm>> -> memref<64x128xf32, #tpu.memory_space<hbm>>
    tpu.enqueue_dma source(%arg12 : memref<64x128xf32, #tpu.memory_space<vmem>>) target(%dma_start3A_694 : memref<64x128xf32, #tpu.memory_space<hbm>>) target_semaphore(%arg22 : memref<!tpu.dma_semaphore, #tpu.memory_space<semaphore_mem>>)
    %dma_start3A_695 = arith.constant 0 : i32
    %dma_start3A_696 = arith.constant 0 : i32
    %dma_start3A_697 = tpu.memref_slice %arg14[%dma_start3A_695, %dma_start3A_696] : memref<64x144xf32, #tpu.memory_space<vmem>> -> memref<64x128xf32, #tpu.memory_space<vmem>>
    %dma_start3A_698 = arith.constant 0 : i32
    %dma_start3A_699 = tpu.memref_slice %arg7[%add3A_690, %dma_start3A_698] : memref<16384x128xf32, #tpu.memory_space<hbm>> -> memref<64x128xf32, #tpu.memory_space<hbm>>
    %dma_start3A_700 = arith.constant 0 : i32
    %dma_start3A_701 = tpu.memref_slice %arg7[%add3A_690, %dma_start3A_700] : memref<16384x128xf32, #tpu.memory_space<hbm>> -> memref<64x128xf32, #tpu.memory_space<hbm>>
    %dma_start3A_702 = arith.constant 0 : i32
    %dma_start3A_703 = arith.constant 0 : i32
    %dma_start3A_704 = tpu.memref_slice %arg14[%dma_start3A_702, %dma_start3A_703] : memref<64x144xf32, #tpu.memory_space<vmem>> -> memref<64x128xf32, #tpu.memory_space<vmem>>
    tpu.enqueue_dma source(%dma_start3A_704 : memref<64x128xf32, #tpu.memory_space<vmem>>) target(%dma_start3A_701 : memref<64x128xf32, #tpu.memory_space<hbm>>) target_semaphore(%arg22 : memref<!tpu.dma_semaphore, #tpu.memory_space<semaphore_mem>>)
    %dma_start3A_705 = arith.constant 0 : i32
    %dma_start3A_706 = arith.constant 0 : i32
    %dma_start3A_707 = tpu.memref_slice %arg16[%dma_start3A_705, %dma_start3A_706] : memref<64x144xf32, #tpu.memory_space<vmem>> -> memref<64x128xf32, #tpu.memory_space<vmem>>
    %dma_start3A_708 = arith.constant 0 : i32
    %dma_start3A_709 = tpu.memref_slice %arg8[%add3A_690, %dma_start3A_708] : memref<16384x128xf32, #tpu.memory_space<hbm>> -> memref<64x128xf32, #tpu.memory_space<hbm>>
    %dma_start3A_710 = arith.constant 0 : i32
    %dma_start3A_711 = tpu.memref_slice %arg8[%add3A_690, %dma_start3A_710] : memref<16384x128xf32, #tpu.memory_space<hbm>> -> memref<64x128xf32, #tpu.memory_space<hbm>>
    %dma_start3A_712 = arith.constant 0 : i32
    %dma_start3A_713 = arith.constant 0 : i32
    %dma_start3A_714 = tpu.memref_slice %arg16[%dma_start3A_712, %dma_start3A_713] : memref<64x144xf32, #tpu.memory_space<vmem>> -> memref<64x128xf32, #tpu.memory_space<vmem>>
    tpu.enqueue_dma source(%dma_start3A_714 : memref<64x128xf32, #tpu.memory_space<vmem>>) target(%dma_start3A_711 : memref<64x128xf32, #tpu.memory_space<hbm>>) target_semaphore(%arg22 : memref<!tpu.dma_semaphore, #tpu.memory_space<semaphore_mem>>)
    %dma_start3A_715 = arith.constant 0 : i32
    %dma_start3A_716 = tpu.memref_slice %arg9[%add3A_690, %dma_start3A_715] : memref<16384x16xf32, #tpu.memory_space<hbm>> -> memref<64x16xf32, #tpu.memory_space<hbm>>
    %dma_start3A_717 = arith.constant 0 : i32
    %dma_start3A_718 = tpu.memref_slice %arg9[%add3A_690, %dma_start3A_717] : memref<16384x16xf32, #tpu.memory_space<hbm>> -> memref<64x16xf32, #tpu.memory_space<hbm>>
    tpu.enqueue_dma source(%arg18 : memref<64x16xf32, #tpu.memory_space<vmem>>) target(%dma_start3A_718 : memref<64x16xf32, #tpu.memory_space<hbm>>) target_semaphore(%arg22 : memref<!tpu.dma_semaphore, #tpu.memory_space<semaphore_mem>>)
    %dma_wait3A_719 = arith.constant 0 : i32
    %dma_wait3A_720 = arith.constant 0 : i32
    %dma_wait3A_721 = tpu.memref_slice %arg6[%dma_wait3A_719, %dma_wait3A_720] : memref<16384x128xf32, #tpu.memory_space<hbm>> -> memref<64x128xf32, #tpu.memory_space<hbm>>
    %dma_wait3A_722 = arith.constant 0 : i32
    %dma_wait3A_723 = arith.constant 0 : i32
    %dma_wait3A_724 = tpu.memref_slice %arg6[%dma_wait3A_722, %dma_wait3A_723] : memref<16384x128xf32, #tpu.memory_space<hbm>> -> memref<64x128xf32, #tpu.memory_space<hbm>>
    tpu.wait_dma2 semaphore(%arg22 : memref<!tpu.dma_semaphore, #tpu.memory_space<semaphore_mem>>) src(%arg12 : memref<64x128xf32, #tpu.memory_space<vmem>>) dst(%dma_wait3A_724 : memref<64x128xf32, #tpu.memory_space<hbm>>)
    %dma_wait3A_725 = arith.constant 0 : i32
    %dma_wait3A_726 = arith.constant 0 : i32
    %dma_wait3A_727 = tpu.memref_slice %arg14[%dma_wait3A_725, %dma_wait3A_726] : memref<64x144xf32, #tpu.memory_space<vmem>> -> memref<64x128xf32, #tpu.memory_space<vmem>>
    %dma_wait3A_728 = arith.constant 0 : i32
    %dma_wait3A_729 = arith.constant 0 : i32
    %dma_wait3A_730 = tpu.memref_slice %arg7[%dma_wait3A_728, %dma_wait3A_729] : memref<16384x128xf32, #tpu.memory_space<hbm>> -> memref<64x128xf32, #tpu.memory_space<hbm>>
    %dma_wait3A_731 = arith.constant 0 : i32
    %dma_wait3A_732 = arith.constant 0 : i32
    %dma_wait3A_733 = tpu.memref_slice %arg7[%dma_wait3A_731, %dma_wait3A_732] : memref<16384x128xf32, #tpu.memory_space<hbm>> -> memref<64x128xf32, #tpu.memory_space<hbm>>
    %dma_wait3A_734 = arith.constant 0 : i32
    %dma_wait3A_735 = arith.constant 0 : i32
    %dma_wait3A_736 = tpu.memref_slice %arg14[%dma_wait3A_734, %dma_wait3A_735] : memref<64x144xf32, #tpu.memory_space<vmem>> -> memref<64x128xf32, #tpu.memory_space<vmem>>
    tpu.wait_dma2 semaphore(%arg22 : memref<!tpu.dma_semaphore, #tpu.memory_space<semaphore_mem>>) src(%dma_wait3A_736 : memref<64x128xf32, #tpu.memory_space<vmem>>) dst(%dma_wait3A_733 : memref<64x128xf32, #tpu.memory_space<hbm>>)
    %dma_wait3A_737 = arith.constant 0 : i32
    %dma_wait3A_738 = arith.constant 0 : i32
    %dma_wait3A_739 = tpu.memref_slice %arg16[%dma_wait3A_737, %dma_wait3A_738] : memref<64x144xf32, #tpu.memory_space<vmem>> -> memref<64x128xf32, #tpu.memory_space<vmem>>
    %dma_wait3A_740 = arith.constant 0 : i32
    %dma_wait3A_741 = arith.constant 0 : i32
    %dma_wait3A_742 = tpu.memref_slice %arg8[%dma_wait3A_740, %dma_wait3A_741] : memref<16384x128xf32, #tpu.memory_space<hbm>> -> memref<64x128xf32, #tpu.memory_space<hbm>>
    %dma_wait3A_743 = arith.constant 0 : i32
    %dma_wait3A_744 = arith.constant 0 : i32
    %dma_wait3A_745 = tpu.memref_slice %arg8[%dma_wait3A_743, %dma_wait3A_744] : memref<16384x128xf32, #tpu.memory_space<hbm>> -> memref<64x128xf32, #tpu.memory_space<hbm>>
    %dma_wait3A_746 = arith.constant 0 : i32
    %dma_wait3A_747 = arith.constant 0 : i32
    %dma_wait3A_748 = tpu.memref_slice %arg16[%dma_wait3A_746, %dma_wait3A_747] : memref<64x144xf32, #tpu.memory_space<vmem>> -> memref<64x128xf32, #tpu.memory_space<vmem>>
    tpu.wait_dma2 semaphore(%arg22 : memref<!tpu.dma_semaphore, #tpu.memory_space<semaphore_mem>>) src(%dma_wait3A_748 : memref<64x128xf32, #tpu.memory_space<vmem>>) dst(%dma_wait3A_745 : memref<64x128xf32, #tpu.memory_space<hbm>>)
    %dma_wait3A_749 = arith.constant 0 : i32
    %dma_wait3A_750 = arith.constant 0 : i32
    %dma_wait3A_751 = tpu.memref_slice %arg9[%dma_wait3A_749, %dma_wait3A_750] : memref<16384x16xf32, #tpu.memory_space<hbm>> -> memref<64x16xf32, #tpu.memory_space<hbm>>
    %dma_wait3A_752 = arith.constant 0 : i32
    %dma_wait3A_753 = arith.constant 0 : i32
    %dma_wait3A_754 = tpu.memref_slice %arg9[%dma_wait3A_752, %dma_wait3A_753] : memref<16384x16xf32, #tpu.memory_space<hbm>> -> memref<64x16xf32, #tpu.memory_space<hbm>>
    tpu.wait_dma2 semaphore(%arg22 : memref<!tpu.dma_semaphore, #tpu.memory_space<semaphore_mem>>) src(%arg18 : memref<64x16xf32, #tpu.memory_space<vmem>>) dst(%dma_wait3A_754 : memref<64x16xf32, #tpu.memory_space<hbm>>)
    %mul3A_755 = arith.constant 512 : i32
    %mul3A_756 = arith.muli %add3A, %mul3A_755 : i32
    %add3A_757 = arith.constant 448 : i32
    %add3A_758 = arith.addi %mul3A_756, %add3A_757 : i32
    %run_scoped3A_759 = arith.constant 1 : i32
    "tpu.region"() ({
      %run_scoped3A_973 = tpu.sem_alloc : memref<!tpu.dma_semaphore, #tpu.memory_space<semaphore_mem>>
      %dma_start3A_974 = arith.constant 0 : i32
      %dma_start3A_975 = tpu.memref_slice %arg10[%run_scoped3A_759, %dma_start3A_974] : memref<2x64xi32, #tpu.memory_space<vmem>> -> memref<1x64xi32, #tpu.memory_space<vmem>>
      %dma_start3A_976 = tpu.memref_squeeze %dma_start3A_975 : memref<1x64xi32, #tpu.memory_space<vmem>> -> memref<64xi32, #tpu.memory_space<vmem>>
      %dma_start3A_977 = tpu.memref_slice %arg2[%add3A_758] : memref<16384xi32, #tpu.memory_space<hbm>> -> memref<64xi32, #tpu.memory_space<hbm>>
      %dma_start3A_978 = arith.constant 0 : i32
      %dma_start3A_979 = tpu.memref_slice %arg10[%run_scoped3A_759, %dma_start3A_978] : memref<2x64xi32, #tpu.memory_space<vmem>> -> memref<1x64xi32, #tpu.memory_space<vmem>>
      %dma_start3A_980 = tpu.memref_squeeze %dma_start3A_979 : memref<1x64xi32, #tpu.memory_space<vmem>> -> memref<64xi32, #tpu.memory_space<vmem>>
      %dma_start3A_981 = tpu.memref_slice %arg2[%add3A_758] : memref<16384xi32, #tpu.memory_space<hbm>> -> memref<64xi32, #tpu.memory_space<hbm>>
      tpu.enqueue_dma source(%dma_start3A_981 : memref<64xi32, #tpu.memory_space<hbm>>) target(%dma_start3A_980 : memref<64xi32, #tpu.memory_space<vmem>>) target_semaphore(%run_scoped3A_973 : memref<!tpu.dma_semaphore, #tpu.memory_space<semaphore_mem>>)
      %dma_wait3A_982 = arith.constant 0 : i32
      %dma_wait3A_983 = tpu.memref_slice %arg10[%run_scoped3A_759, %dma_wait3A_982] : memref<2x64xi32, #tpu.memory_space<vmem>> -> memref<1x64xi32, #tpu.memory_space<vmem>>
      %dma_wait3A_984 = tpu.memref_squeeze %dma_wait3A_983 : memref<1x64xi32, #tpu.memory_space<vmem>> -> memref<64xi32, #tpu.memory_space<vmem>>
      %dma_wait3A_985 = tpu.memref_slice %arg2[%add3A_758] : memref<16384xi32, #tpu.memory_space<hbm>> -> memref<64xi32, #tpu.memory_space<hbm>>
      %dma_wait3A_986 = arith.constant 0 : i32
      %dma_wait3A_987 = tpu.memref_slice %arg10[%run_scoped3A_759, %dma_wait3A_986] : memref<2x64xi32, #tpu.memory_space<vmem>> -> memref<1x64xi32, #tpu.memory_space<vmem>>
      %dma_wait3A_988 = tpu.memref_squeeze %dma_wait3A_987 : memref<1x64xi32, #tpu.memory_space<vmem>> -> memref<64xi32, #tpu.memory_space<vmem>>
      %dma_wait3A_989 = tpu.memref_slice %arg2[%add3A_758] : memref<16384xi32, #tpu.memory_space<hbm>> -> memref<64xi32, #tpu.memory_space<hbm>>
      tpu.wait_dma2 semaphore(%run_scoped3A_973 : memref<!tpu.dma_semaphore, #tpu.memory_space<semaphore_mem>>) src(%dma_wait3A_989 : memref<64xi32, #tpu.memory_space<hbm>>) dst(%dma_wait3A_988 : memref<64xi32, #tpu.memory_space<vmem>>)
      tpu.yield
    }) : () -> ()
    %dma_start3A_760 = arith.constant 1 : i32
    %dma_start3A_761 = arith.constant 0 : i32
    %dma_start3A_762 = tpu.memref_slice %arg10[%dma_start3A_760, %dma_start3A_761] : memref<2x64xi32, #tpu.memory_space<vmem>> -> memref<1x64xi32, #tpu.memory_space<vmem>>
    %dma_start3A_763 = tpu.memref_squeeze %dma_start3A_762 : memref<1x64xi32, #tpu.memory_space<vmem>> -> memref<64xi32, #tpu.memory_space<vmem>>
    %dma_start3A_764 = arith.constant 0 : i32
    %dma_start3A_765 = arith.constant 0 : i32
    %dma_start3A_766 = tpu.memref_slice %arg3[%dma_start3A_764, %dma_start3A_765] : memref<10000x128xf32, #tpu.memory_space<hbm>> -> memref<10000x128xf32, #tpu.memory_space<hbm>>
    tpu.enqueue_indirect_dma source(%dma_start3A_766 : memref<10000x128xf32, #tpu.memory_space<hbm>>) target(%arg12 : memref<64x128xf32, #tpu.memory_space<vmem>>) offsets(%dma_start3A_763 : memref<64xi32, #tpu.memory_space<vmem>>) semaphore(%arg20 : memref<!tpu.dma_semaphore, #tpu.memory_space<semaphore_mem>>)
    %dma_start3A_767 = arith.constant 1 : i32
    %dma_start3A_768 = arith.constant 0 : i32
    %dma_start3A_769 = tpu.memref_slice %arg10[%dma_start3A_767, %dma_start3A_768] : memref<2x64xi32, #tpu.memory_space<vmem>> -> memref<1x64xi32, #tpu.memory_space<vmem>>
    %dma_start3A_770 = tpu.memref_squeeze %dma_start3A_769 : memref<1x64xi32, #tpu.memory_space<vmem>> -> memref<64xi32, #tpu.memory_space<vmem>>
    %dma_start3A_771 = arith.constant 0 : i32
    %dma_start3A_772 = arith.constant 0 : i32
    %dma_start3A_773 = tpu.memref_slice %arg4[%dma_start3A_771, %dma_start3A_772] : memref<10240x144xf32, #tpu.memory_space<hbm>> -> memref<10240x144xf32, #tpu.memory_space<hbm>>
    tpu.enqueue_indirect_dma source(%dma_start3A_773 : memref<10240x144xf32, #tpu.memory_space<hbm>>) target(%arg14 : memref<64x144xf32, #tpu.memory_space<vmem>>) offsets(%dma_start3A_770 : memref<64xi32, #tpu.memory_space<vmem>>) semaphore(%arg20 : memref<!tpu.dma_semaphore, #tpu.memory_space<semaphore_mem>>)
    %dma_start3A_774 = arith.constant 1 : i32
    %dma_start3A_775 = arith.constant 0 : i32
    %dma_start3A_776 = tpu.memref_slice %arg10[%dma_start3A_774, %dma_start3A_775] : memref<2x64xi32, #tpu.memory_space<vmem>> -> memref<1x64xi32, #tpu.memory_space<vmem>>
    %dma_start3A_777 = tpu.memref_squeeze %dma_start3A_776 : memref<1x64xi32, #tpu.memory_space<vmem>> -> memref<64xi32, #tpu.memory_space<vmem>>
    %dma_start3A_778 = arith.constant 0 : i32
    %dma_start3A_779 = arith.constant 0 : i32
    %dma_start3A_780 = tpu.memref_slice %arg5[%dma_start3A_778, %dma_start3A_779] : memref<10240x144xf32, #tpu.memory_space<hbm>> -> memref<10240x144xf32, #tpu.memory_space<hbm>>
    tpu.enqueue_indirect_dma source(%dma_start3A_780 : memref<10240x144xf32, #tpu.memory_space<hbm>>) target(%arg16 : memref<64x144xf32, #tpu.memory_space<vmem>>) offsets(%dma_start3A_777 : memref<64xi32, #tpu.memory_space<vmem>>) semaphore(%arg20 : memref<!tpu.dma_semaphore, #tpu.memory_space<semaphore_mem>>)
    %dma_wait3A_781 = arith.constant 0 : i32
    %dma_wait3A_782 = arith.constant 0 : i32
    %dma_wait3A_783 = tpu.memref_slice %arg10[%dma_wait3A_781, %dma_wait3A_782] : memref<2x64xi32, #tpu.memory_space<vmem>> -> memref<1x64xi32, #tpu.memory_space<vmem>>
    %dma_wait3A_784 = tpu.memref_squeeze %dma_wait3A_783 : memref<1x64xi32, #tpu.memory_space<vmem>> -> memref<64xi32, #tpu.memory_space<vmem>>
    %dma_wait3A_785 = arith.constant 0 : i32
    %dma_wait3A_786 = arith.constant 0 : i32
    %dma_wait3A_787 = tpu.memref_slice %arg3[%dma_wait3A_785, %dma_wait3A_786] : memref<10000x128xf32, #tpu.memory_space<hbm>> -> memref<10000x128xf32, #tpu.memory_space<hbm>>
    tpu.wait_indirect_dma semaphore(%arg19 : memref<!tpu.dma_semaphore, #tpu.memory_space<semaphore_mem>>) src(%dma_wait3A_787 : memref<10000x128xf32, #tpu.memory_space<hbm>>) dst(%arg11 : memref<64x128xf32, #tpu.memory_space<vmem>>)
    %dma_wait3A_788 = arith.constant 0 : i32
    %dma_wait3A_789 = arith.constant 0 : i32
    %dma_wait3A_790 = tpu.memref_slice %arg10[%dma_wait3A_788, %dma_wait3A_789] : memref<2x64xi32, #tpu.memory_space<vmem>> -> memref<1x64xi32, #tpu.memory_space<vmem>>
    %dma_wait3A_791 = tpu.memref_squeeze %dma_wait3A_790 : memref<1x64xi32, #tpu.memory_space<vmem>> -> memref<64xi32, #tpu.memory_space<vmem>>
    %dma_wait3A_792 = arith.constant 0 : i32
    %dma_wait3A_793 = arith.constant 0 : i32
    %dma_wait3A_794 = tpu.memref_slice %arg4[%dma_wait3A_792, %dma_wait3A_793] : memref<10240x144xf32, #tpu.memory_space<hbm>> -> memref<10240x144xf32, #tpu.memory_space<hbm>>
    tpu.wait_indirect_dma semaphore(%arg19 : memref<!tpu.dma_semaphore, #tpu.memory_space<semaphore_mem>>) src(%dma_wait3A_794 : memref<10240x144xf32, #tpu.memory_space<hbm>>) dst(%arg13 : memref<64x144xf32, #tpu.memory_space<vmem>>)
    %dma_wait3A_795 = arith.constant 0 : i32
    %dma_wait3A_796 = arith.constant 0 : i32
    %dma_wait3A_797 = tpu.memref_slice %arg10[%dma_wait3A_795, %dma_wait3A_796] : memref<2x64xi32, #tpu.memory_space<vmem>> -> memref<1x64xi32, #tpu.memory_space<vmem>>
    %dma_wait3A_798 = tpu.memref_squeeze %dma_wait3A_797 : memref<1x64xi32, #tpu.memory_space<vmem>> -> memref<64xi32, #tpu.memory_space<vmem>>
    %dma_wait3A_799 = arith.constant 0 : i32
    %dma_wait3A_800 = arith.constant 0 : i32
    %dma_wait3A_801 = tpu.memref_slice %arg5[%dma_wait3A_799, %dma_wait3A_800] : memref<10240x144xf32, #tpu.memory_space<hbm>> -> memref<10240x144xf32, #tpu.memory_space<hbm>>
    tpu.wait_indirect_dma semaphore(%arg19 : memref<!tpu.dma_semaphore, #tpu.memory_space<semaphore_mem>>) src(%dma_wait3A_801 : memref<10240x144xf32, #tpu.memory_space<hbm>>) dst(%arg15 : memref<64x144xf32, #tpu.memory_space<vmem>>)
    %scan3A_802 = arith.constant 0 : i32
    %scan3A_803 = arith.constant 0 : i32
    %scan3A_804 = arith.constant 64 : i32
    %scan3A_805 = arith.addi %scan3A_803, %scan3A_804 : i32
    %scan3A_806 = arith.constant 1 : i32
    %scan3A_807 = scf.for %scan3A_973 = %scan3A_803 to %scan3A_805 step %scan3A_806 iter_args(%scan3A_974 = %scan3A_802) -> (i32)  : i32 {
      %get3A = arith.index_cast %scan3A_973 : i32 to index
      %get3A_975 = arith.constant 128 : index
      %get3A_976 = tpu.vector_load %arg13[%get3A, %get3A_975] {strides = array<i32>} : memref<64x144xf32, #tpu.memory_space<vmem>>, vector<1x16xf32>,
      %get3A_977 = vector.shape_cast %get3A_976 : vector<1x16xf32> to vector<16xf32>
      %get3A_978 = arith.index_cast %scan3A_973 : i32 to index
      %get3A_979 = arith.constant 128 : index
      %get3A_980 = tpu.vector_load %arg15[%get3A_978, %get3A_979] {strides = array<i32>} : memref<64x144xf32, #tpu.memory_space<vmem>>, vector<1x16xf32>,
      %get3A_981 = vector.shape_cast %get3A_980 : vector<1x16xf32> to vector<16xf32>
      %add3A_982 = arith.addf %get3A_977, %get3A_981 : vector<16xf32>
      %max3A = arith.constant 1.000000e+00 : f32
      %max3A_983 = vector.broadcast %max3A : f32 to vector<16xf32>
      %max3A_984 = arith.maximumf %add3A_982, %max3A_983 : vector<16xf32>
      %div3A = arith.constant 1.000000e+00 : f32
      %div3A_985 = vector.broadcast %div3A : f32 to vector<16xf32>
      %div3A_986 = arith.divf %div3A_985, %max3A_984 : vector<16xf32>
      %swap3A = arith.index_cast %scan3A_973 : i32 to index
      %swap3A_987 = arith.constant 0 : index
      %swap3A_988 = tpu.vector_load %arg17[%swap3A, %swap3A_987] {strides = array<i32>} : memref<64x16xf32, #tpu.memory_space<vmem>>, vector<1x16xf32>,
      %swap3A_989 = vector.shape_cast %swap3A_988 : vector<1x16xf32> to vector<16xf32>
      %swap3A_990 = vector.shape_cast %div3A_986 : vector<16xf32> to vector<1x16xf32>
      tpu.vector_store %arg17[%swap3A, %swap3A_987], %swap3A_990 {strides = array<i32>} : memref<64x16xf32, #tpu.memory_space<vmem>>, vector<1x16xf32>,
      %scan3A_991 = arith.constant 0 : i32
      scf.yield %scan3A_991 : i32
    }
    %scan3A_808 = arith.constant 64 : i32
    %mul3A_809 = arith.constant 512 : i32
    %mul3A_810 = arith.muli %add3A, %mul3A_809 : i32
    %add3A_811 = arith.constant 384 : i32
    %add3A_812 = arith.addi %mul3A_810, %add3A_811 : i32
    %dma_start3A_813 = arith.constant 0 : i32
    %dma_start3A_814 = tpu.memref_slice %arg6[%add3A_812, %dma_start3A_813] : memref<16384x128xf32, #tpu.memory_space<hbm>> -> memref<64x128xf32, #tpu.memory_space<hbm>>
    %dma_start3A_815 = arith.constant 0 : i32
    %dma_start3A_816 = tpu.memref_slice %arg6[%add3A_812, %dma_start3A_815] : memref<16384x128xf32, #tpu.memory_space<hbm>> -> memref<64x128xf32, #tpu.memory_space<hbm>>
    tpu.enqueue_dma source(%arg11 : memref<64x128xf32, #tpu.memory_space<vmem>>) target(%dma_start3A_816 : memref<64x128xf32, #tpu.memory_space<hbm>>) target_semaphore(%arg21 : memref<!tpu.dma_semaphore, #tpu.memory_space<semaphore_mem>>)
    %dma_start3A_817 = arith.constant 0 : i32
    %dma_start3A_818 = arith.constant 0 : i32
    %dma_start3A_819 = tpu.memref_slice %arg13[%dma_start3A_817, %dma_start3A_818] : memref<64x144xf32, #tpu.memory_space<vmem>> -> memref<64x128xf32, #tpu.memory_space<vmem>>
    %dma_start3A_820 = arith.constant 0 : i32
    %dma_start3A_821 = tpu.memref_slice %arg7[%add3A_812, %dma_start3A_820] : memref<16384x128xf32, #tpu.memory_space<hbm>> -> memref<64x128xf32, #tpu.memory_space<hbm>>
    %dma_start3A_822 = arith.constant 0 : i32
    %dma_start3A_823 = tpu.memref_slice %arg7[%add3A_812, %dma_start3A_822] : memref<16384x128xf32, #tpu.memory_space<hbm>> -> memref<64x128xf32, #tpu.memory_space<hbm>>
    %dma_start3A_824 = arith.constant 0 : i32
    %dma_start3A_825 = arith.constant 0 : i32
    %dma_start3A_826 = tpu.memref_slice %arg13[%dma_start3A_824, %dma_start3A_825] : memref<64x144xf32, #tpu.memory_space<vmem>> -> memref<64x128xf32, #tpu.memory_space<vmem>>
    tpu.enqueue_dma source(%dma_start3A_826 : memref<64x128xf32, #tpu.memory_space<vmem>>) target(%dma_start3A_823 : memref<64x128xf32, #tpu.memory_space<hbm>>) target_semaphore(%arg21 : memref<!tpu.dma_semaphore, #tpu.memory_space<semaphore_mem>>)
    %dma_start3A_827 = arith.constant 0 : i32
    %dma_start3A_828 = arith.constant 0 : i32
    %dma_start3A_829 = tpu.memref_slice %arg15[%dma_start3A_827, %dma_start3A_828] : memref<64x144xf32, #tpu.memory_space<vmem>> -> memref<64x128xf32, #tpu.memory_space<vmem>>
    %dma_start3A_830 = arith.constant 0 : i32
    %dma_start3A_831 = tpu.memref_slice %arg8[%add3A_812, %dma_start3A_830] : memref<16384x128xf32, #tpu.memory_space<hbm>> -> memref<64x128xf32, #tpu.memory_space<hbm>>
    %dma_start3A_832 = arith.constant 0 : i32
    %dma_start3A_833 = tpu.memref_slice %arg8[%add3A_812, %dma_start3A_832] : memref<16384x128xf32, #tpu.memory_space<hbm>> -> memref<64x128xf32, #tpu.memory_space<hbm>>
    %dma_start3A_834 = arith.constant 0 : i32
    %dma_start3A_835 = arith.constant 0 : i32
    %dma_start3A_836 = tpu.memref_slice %arg15[%dma_start3A_834, %dma_start3A_835] : memref<64x144xf32, #tpu.memory_space<vmem>> -> memref<64x128xf32, #tpu.memory_space<vmem>>
    tpu.enqueue_dma source(%dma_start3A_836 : memref<64x128xf32, #tpu.memory_space<vmem>>) target(%dma_start3A_833 : memref<64x128xf32, #tpu.memory_space<hbm>>) target_semaphore(%arg21 : memref<!tpu.dma_semaphore, #tpu.memory_space<semaphore_mem>>)
    %dma_start3A_837 = arith.constant 0 : i32
    %dma_start3A_838 = tpu.memref_slice %arg9[%add3A_812, %dma_start3A_837] : memref<16384x16xf32, #tpu.memory_space<hbm>> -> memref<64x16xf32, #tpu.memory_space<hbm>>
    %dma_start3A_839 = arith.constant 0 : i32
    %dma_start3A_840 = tpu.memref_slice %arg9[%add3A_812, %dma_start3A_839] : memref<16384x16xf32, #tpu.memory_space<hbm>> -> memref<64x16xf32, #tpu.memory_space<hbm>>
    tpu.enqueue_dma source(%arg17 : memref<64x16xf32, #tpu.memory_space<vmem>>) target(%dma_start3A_840 : memref<64x16xf32, #tpu.memory_space<hbm>>) target_semaphore(%arg21 : memref<!tpu.dma_semaphore, #tpu.memory_space<semaphore_mem>>)
    %dma_wait3A_841 = arith.constant 1 : i32
    %dma_wait3A_842 = arith.constant 0 : i32
    %dma_wait3A_843 = tpu.memref_slice %arg10[%dma_wait3A_841, %dma_wait3A_842] : memref<2x64xi32, #tpu.memory_space<vmem>> -> memref<1x64xi32, #tpu.memory_space<vmem>>
    %dma_wait3A_844 = tpu.memref_squeeze %dma_wait3A_843 : memref<1x64xi32, #tpu.memory_space<vmem>> -> memref<64xi32, #tpu.memory_space<vmem>>
    %dma_wait3A_845 = arith.constant 0 : i32
    %dma_wait3A_846 = arith.constant 0 : i32
    %dma_wait3A_847 = tpu.memref_slice %arg3[%dma_wait3A_845, %dma_wait3A_846] : memref<10000x128xf32, #tpu.memory_space<hbm>> -> memref<10000x128xf32, #tpu.memory_space<hbm>>
    tpu.wait_indirect_dma semaphore(%arg20 : memref<!tpu.dma_semaphore, #tpu.memory_space<semaphore_mem>>) src(%dma_wait3A_847 : memref<10000x128xf32, #tpu.memory_space<hbm>>) dst(%arg12 : memref<64x128xf32, #tpu.memory_space<vmem>>)
    %dma_wait3A_848 = arith.constant 1 : i32
    %dma_wait3A_849 = arith.constant 0 : i32
    %dma_wait3A_850 = tpu.memref_slice %arg10[%dma_wait3A_848, %dma_wait3A_849] : memref<2x64xi32, #tpu.memory_space<vmem>> -> memref<1x64xi32, #tpu.memory_space<vmem>>
    %dma_wait3A_851 = tpu.memref_squeeze %dma_wait3A_850 : memref<1x64xi32, #tpu.memory_space<vmem>> -> memref<64xi32, #tpu.memory_space<vmem>>
    %dma_wait3A_852 = arith.constant 0 : i32
    %dma_wait3A_853 = arith.constant 0 : i32
    %dma_wait3A_854 = tpu.memref_slice %arg4[%dma_wait3A_852, %dma_wait3A_853] : memref<10240x144xf32, #tpu.memory_space<hbm>> -> memref<10240x144xf32, #tpu.memory_space<hbm>>
    tpu.wait_indirect_dma semaphore(%arg20 : memref<!tpu.dma_semaphore, #tpu.memory_space<semaphore_mem>>) src(%dma_wait3A_854 : memref<10240x144xf32, #tpu.memory_space<hbm>>) dst(%arg14 : memref<64x144xf32, #tpu.memory_space<vmem>>)
    %dma_wait3A_855 = arith.constant 1 : i32
    %dma_wait3A_856 = arith.constant 0 : i32
    %dma_wait3A_857 = tpu.memref_slice %arg10[%dma_wait3A_855, %dma_wait3A_856] : memref<2x64xi32, #tpu.memory_space<vmem>> -> memref<1x64xi32, #tpu.memory_space<vmem>>
    %dma_wait3A_858 = tpu.memref_squeeze %dma_wait3A_857 : memref<1x64xi32, #tpu.memory_space<vmem>> -> memref<64xi32, #tpu.memory_space<vmem>>
    %dma_wait3A_859 = arith.constant 0 : i32
    %dma_wait3A_860 = arith.constant 0 : i32
    %dma_wait3A_861 = tpu.memref_slice %arg5[%dma_wait3A_859, %dma_wait3A_860] : memref<10240x144xf32, #tpu.memory_space<hbm>> -> memref<10240x144xf32, #tpu.memory_space<hbm>>
    tpu.wait_indirect_dma semaphore(%arg20 : memref<!tpu.dma_semaphore, #tpu.memory_space<semaphore_mem>>) src(%dma_wait3A_861 : memref<10240x144xf32, #tpu.memory_space<hbm>>) dst(%arg16 : memref<64x144xf32, #tpu.memory_space<vmem>>)
    %scan3A_862 = arith.constant 0 : i32
    %scan3A_863 = arith.constant 0 : i32
    %scan3A_864 = arith.constant 64 : i32
    %scan3A_865 = arith.addi %scan3A_863, %scan3A_864 : i32
    %scan3A_866 = arith.constant 1 : i32
    %scan3A_867 = scf.for %scan3A_973 = %scan3A_863 to %scan3A_865 step %scan3A_866 iter_args(%scan3A_974 = %scan3A_862) -> (i32)  : i32 {
      %get3A = arith.index_cast %scan3A_973 : i32 to index
      %get3A_975 = arith.constant 128 : index
      %get3A_976 = tpu.vector_load %arg14[%get3A, %get3A_975] {strides = array<i32>} : memref<64x144xf32, #tpu.memory_space<vmem>>, vector<1x16xf32>,
      %get3A_977 = vector.shape_cast %get3A_976 : vector<1x16xf32> to vector<16xf32>
      %get3A_978 = arith.index_cast %scan3A_973 : i32 to index
      %get3A_979 = arith.constant 128 : index
      %get3A_980 = tpu.vector_load %arg16[%get3A_978, %get3A_979] {strides = array<i32>} : memref<64x144xf32, #tpu.memory_space<vmem>>, vector<1x16xf32>,
      %get3A_981 = vector.shape_cast %get3A_980 : vector<1x16xf32> to vector<16xf32>
      %add3A_982 = arith.addf %get3A_977, %get3A_981 : vector<16xf32>
      %max3A = arith.constant 1.000000e+00 : f32
      %max3A_983 = vector.broadcast %max3A : f32 to vector<16xf32>
      %max3A_984 = arith.maximumf %add3A_982, %max3A_983 : vector<16xf32>
      %div3A = arith.constant 1.000000e+00 : f32
      %div3A_985 = vector.broadcast %div3A : f32 to vector<16xf32>
      %div3A_986 = arith.divf %div3A_985, %max3A_984 : vector<16xf32>
      %swap3A = arith.index_cast %scan3A_973 : i32 to index
      %swap3A_987 = arith.constant 0 : index
      %swap3A_988 = tpu.vector_load %arg18[%swap3A, %swap3A_987] {strides = array<i32>} : memref<64x16xf32, #tpu.memory_space<vmem>>, vector<1x16xf32>,
      %swap3A_989 = vector.shape_cast %swap3A_988 : vector<1x16xf32> to vector<16xf32>
      %swap3A_990 = vector.shape_cast %div3A_986 : vector<16xf32> to vector<1x16xf32>
      tpu.vector_store %arg18[%swap3A, %swap3A_987], %swap3A_990 {strides = array<i32>} : memref<64x16xf32, #tpu.memory_space<vmem>>, vector<1x16xf32>,
      %scan3A_991 = arith.constant 0 : i32
      scf.yield %scan3A_991 : i32
    }
    %scan3A_868 = arith.constant 64 : i32
    %mul3A_869 = arith.constant 512 : i32
    %mul3A_870 = arith.muli %add3A, %mul3A_869 : i32
    %add3A_871 = arith.constant 448 : i32
    %add3A_872 = arith.addi %mul3A_870, %add3A_871 : i32
    %dma_start3A_873 = arith.constant 0 : i32
    %dma_start3A_874 = tpu.memref_slice %arg6[%add3A_872, %dma_start3A_873] : memref<16384x128xf32, #tpu.memory_space<hbm>> -> memref<64x128xf32, #tpu.memory_space<hbm>>
    %dma_start3A_875 = arith.constant 0 : i32
    %dma_start3A_876 = tpu.memref_slice %arg6[%add3A_872, %dma_start3A_875] : memref<16384x128xf32, #tpu.memory_space<hbm>> -> memref<64x128xf32, #tpu.memory_space<hbm>>
    tpu.enqueue_dma source(%arg12 : memref<64x128xf32, #tpu.memory_space<vmem>>) target(%dma_start3A_876 : memref<64x128xf32, #tpu.memory_space<hbm>>) target_semaphore(%arg22 : memref<!tpu.dma_semaphore, #tpu.memory_space<semaphore_mem>>)
    %dma_start3A_877 = arith.constant 0 : i32
    %dma_start3A_878 = arith.constant 0 : i32
    %dma_start3A_879 = tpu.memref_slice %arg14[%dma_start3A_877, %dma_start3A_878] : memref<64x144xf32, #tpu.memory_space<vmem>> -> memref<64x128xf32, #tpu.memory_space<vmem>>
    %dma_start3A_880 = arith.constant 0 : i32
    %dma_start3A_881 = tpu.memref_slice %arg7[%add3A_872, %dma_start3A_880] : memref<16384x128xf32, #tpu.memory_space<hbm>> -> memref<64x128xf32, #tpu.memory_space<hbm>>
    %dma_start3A_882 = arith.constant 0 : i32
    %dma_start3A_883 = tpu.memref_slice %arg7[%add3A_872, %dma_start3A_882] : memref<16384x128xf32, #tpu.memory_space<hbm>> -> memref<64x128xf32, #tpu.memory_space<hbm>>
    %dma_start3A_884 = arith.constant 0 : i32
    %dma_start3A_885 = arith.constant 0 : i32
    %dma_start3A_886 = tpu.memref_slice %arg14[%dma_start3A_884, %dma_start3A_885] : memref<64x144xf32, #tpu.memory_space<vmem>> -> memref<64x128xf32, #tpu.memory_space<vmem>>
    tpu.enqueue_dma source(%dma_start3A_886 : memref<64x128xf32, #tpu.memory_space<vmem>>) target(%dma_start3A_883 : memref<64x128xf32, #tpu.memory_space<hbm>>) target_semaphore(%arg22 : memref<!tpu.dma_semaphore, #tpu.memory_space<semaphore_mem>>)
    %dma_start3A_887 = arith.constant 0 : i32
    %dma_start3A_888 = arith.constant 0 : i32
    %dma_start3A_889 = tpu.memref_slice %arg16[%dma_start3A_887, %dma_start3A_888] : memref<64x144xf32, #tpu.memory_space<vmem>> -> memref<64x128xf32, #tpu.memory_space<vmem>>
    %dma_start3A_890 = arith.constant 0 : i32
    %dma_start3A_891 = tpu.memref_slice %arg8[%add3A_872, %dma_start3A_890] : memref<16384x128xf32, #tpu.memory_space<hbm>> -> memref<64x128xf32, #tpu.memory_space<hbm>>
    %dma_start3A_892 = arith.constant 0 : i32
    %dma_start3A_893 = tpu.memref_slice %arg8[%add3A_872, %dma_start3A_892] : memref<16384x128xf32, #tpu.memory_space<hbm>> -> memref<64x128xf32, #tpu.memory_space<hbm>>
    %dma_start3A_894 = arith.constant 0 : i32
    %dma_start3A_895 = arith.constant 0 : i32
    %dma_start3A_896 = tpu.memref_slice %arg16[%dma_start3A_894, %dma_start3A_895] : memref<64x144xf32, #tpu.memory_space<vmem>> -> memref<64x128xf32, #tpu.memory_space<vmem>>
    tpu.enqueue_dma source(%dma_start3A_896 : memref<64x128xf32, #tpu.memory_space<vmem>>) target(%dma_start3A_893 : memref<64x128xf32, #tpu.memory_space<hbm>>) target_semaphore(%arg22 : memref<!tpu.dma_semaphore, #tpu.memory_space<semaphore_mem>>)
    %dma_start3A_897 = arith.constant 0 : i32
    %dma_start3A_898 = tpu.memref_slice %arg9[%add3A_872, %dma_start3A_897] : memref<16384x16xf32, #tpu.memory_space<hbm>> -> memref<64x16xf32, #tpu.memory_space<hbm>>
    %dma_start3A_899 = arith.constant 0 : i32
    %dma_start3A_900 = tpu.memref_slice %arg9[%add3A_872, %dma_start3A_899] : memref<16384x16xf32, #tpu.memory_space<hbm>> -> memref<64x16xf32, #tpu.memory_space<hbm>>
    tpu.enqueue_dma source(%arg18 : memref<64x16xf32, #tpu.memory_space<vmem>>) target(%dma_start3A_900 : memref<64x16xf32, #tpu.memory_space<hbm>>) target_semaphore(%arg22 : memref<!tpu.dma_semaphore, #tpu.memory_space<semaphore_mem>>)
    %dma_wait3A_901 = arith.constant 0 : i32
    %dma_wait3A_902 = arith.constant 0 : i32
    %dma_wait3A_903 = tpu.memref_slice %arg6[%dma_wait3A_901, %dma_wait3A_902] : memref<16384x128xf32, #tpu.memory_space<hbm>> -> memref<64x128xf32, #tpu.memory_space<hbm>>
    %dma_wait3A_904 = arith.constant 0 : i32
    %dma_wait3A_905 = arith.constant 0 : i32
    %dma_wait3A_906 = tpu.memref_slice %arg6[%dma_wait3A_904, %dma_wait3A_905] : memref<16384x128xf32, #tpu.memory_space<hbm>> -> memref<64x128xf32, #tpu.memory_space<hbm>>
    tpu.wait_dma2 semaphore(%arg21 : memref<!tpu.dma_semaphore, #tpu.memory_space<semaphore_mem>>) src(%arg11 : memref<64x128xf32, #tpu.memory_space<vmem>>) dst(%dma_wait3A_906 : memref<64x128xf32, #tpu.memory_space<hbm>>)
    %dma_wait3A_907 = arith.constant 0 : i32
    %dma_wait3A_908 = arith.constant 0 : i32
    %dma_wait3A_909 = tpu.memref_slice %arg13[%dma_wait3A_907, %dma_wait3A_908] : memref<64x144xf32, #tpu.memory_space<vmem>> -> memref<64x128xf32, #tpu.memory_space<vmem>>
    %dma_wait3A_910 = arith.constant 0 : i32
    %dma_wait3A_911 = arith.constant 0 : i32
    %dma_wait3A_912 = tpu.memref_slice %arg7[%dma_wait3A_910, %dma_wait3A_911] : memref<16384x128xf32, #tpu.memory_space<hbm>> -> memref<64x128xf32, #tpu.memory_space<hbm>>
    %dma_wait3A_913 = arith.constant 0 : i32
    %dma_wait3A_914 = arith.constant 0 : i32
    %dma_wait3A_915 = tpu.memref_slice %arg7[%dma_wait3A_913, %dma_wait3A_914] : memref<16384x128xf32, #tpu.memory_space<hbm>> -> memref<64x128xf32, #tpu.memory_space<hbm>>
    %dma_wait3A_916 = arith.constant 0 : i32
    %dma_wait3A_917 = arith.constant 0 : i32
    %dma_wait3A_918 = tpu.memref_slice %arg13[%dma_wait3A_916, %dma_wait3A_917] : memref<64x144xf32, #tpu.memory_space<vmem>> -> memref<64x128xf32, #tpu.memory_space<vmem>>
    tpu.wait_dma2 semaphore(%arg21 : memref<!tpu.dma_semaphore, #tpu.memory_space<semaphore_mem>>) src(%dma_wait3A_918 : memref<64x128xf32, #tpu.memory_space<vmem>>) dst(%dma_wait3A_915 : memref<64x128xf32, #tpu.memory_space<hbm>>)
    %dma_wait3A_919 = arith.constant 0 : i32
    %dma_wait3A_920 = arith.constant 0 : i32
    %dma_wait3A_921 = tpu.memref_slice %arg15[%dma_wait3A_919, %dma_wait3A_920] : memref<64x144xf32, #tpu.memory_space<vmem>> -> memref<64x128xf32, #tpu.memory_space<vmem>>
    %dma_wait3A_922 = arith.constant 0 : i32
    %dma_wait3A_923 = arith.constant 0 : i32
    %dma_wait3A_924 = tpu.memref_slice %arg8[%dma_wait3A_922, %dma_wait3A_923] : memref<16384x128xf32, #tpu.memory_space<hbm>> -> memref<64x128xf32, #tpu.memory_space<hbm>>
    %dma_wait3A_925 = arith.constant 0 : i32
    %dma_wait3A_926 = arith.constant 0 : i32
    %dma_wait3A_927 = tpu.memref_slice %arg8[%dma_wait3A_925, %dma_wait3A_926] : memref<16384x128xf32, #tpu.memory_space<hbm>> -> memref<64x128xf32, #tpu.memory_space<hbm>>
    %dma_wait3A_928 = arith.constant 0 : i32
    %dma_wait3A_929 = arith.constant 0 : i32
    %dma_wait3A_930 = tpu.memref_slice %arg15[%dma_wait3A_928, %dma_wait3A_929] : memref<64x144xf32, #tpu.memory_space<vmem>> -> memref<64x128xf32, #tpu.memory_space<vmem>>
    tpu.wait_dma2 semaphore(%arg21 : memref<!tpu.dma_semaphore, #tpu.memory_space<semaphore_mem>>) src(%dma_wait3A_930 : memref<64x128xf32, #tpu.memory_space<vmem>>) dst(%dma_wait3A_927 : memref<64x128xf32, #tpu.memory_space<hbm>>)
    %dma_wait3A_931 = arith.constant 0 : i32
    %dma_wait3A_932 = arith.constant 0 : i32
    %dma_wait3A_933 = tpu.memref_slice %arg9[%dma_wait3A_931, %dma_wait3A_932] : memref<16384x16xf32, #tpu.memory_space<hbm>> -> memref<64x16xf32, #tpu.memory_space<hbm>>
    %dma_wait3A_934 = arith.constant 0 : i32
    %dma_wait3A_935 = arith.constant 0 : i32
    %dma_wait3A_936 = tpu.memref_slice %arg9[%dma_wait3A_934, %dma_wait3A_935] : memref<16384x16xf32, #tpu.memory_space<hbm>> -> memref<64x16xf32, #tpu.memory_space<hbm>>
    tpu.wait_dma2 semaphore(%arg21 : memref<!tpu.dma_semaphore, #tpu.memory_space<semaphore_mem>>) src(%arg17 : memref<64x16xf32, #tpu.memory_space<vmem>>) dst(%dma_wait3A_936 : memref<64x16xf32, #tpu.memory_space<hbm>>)
    %dma_wait3A_937 = arith.constant 0 : i32
    %dma_wait3A_938 = arith.constant 0 : i32
    %dma_wait3A_939 = tpu.memref_slice %arg6[%dma_wait3A_937, %dma_wait3A_938] : memref<16384x128xf32, #tpu.memory_space<hbm>> -> memref<64x128xf32, #tpu.memory_space<hbm>>
    %dma_wait3A_940 = arith.constant 0 : i32
    %dma_wait3A_941 = arith.constant 0 : i32
    %dma_wait3A_942 = tpu.memref_slice %arg6[%dma_wait3A_940, %dma_wait3A_941] : memref<16384x128xf32, #tpu.memory_space<hbm>> -> memref<64x128xf32, #tpu.memory_space<hbm>>
    tpu.wait_dma2 semaphore(%arg22 : memref<!tpu.dma_semaphore, #tpu.memory_space<semaphore_mem>>) src(%arg12 : memref<64x128xf32, #tpu.memory_space<vmem>>) dst(%dma_wait3A_942 : memref<64x128xf32, #tpu.memory_space<hbm>>)
    %dma_wait3A_943 = arith.constant 0 : i32
    %dma_wait3A_944 = arith.constant 0 : i32
    %dma_wait3A_945 = tpu.memref_slice %arg14[%dma_wait3A_943, %dma_wait3A_944] : memref<64x144xf32, #tpu.memory_space<vmem>> -> memref<64x128xf32, #tpu.memory_space<vmem>>
    %dma_wait3A_946 = arith.constant 0 : i32
    %dma_wait3A_947 = arith.constant 0 : i32
    %dma_wait3A_948 = tpu.memref_slice %arg7[%dma_wait3A_946, %dma_wait3A_947] : memref<16384x128xf32, #tpu.memory_space<hbm>> -> memref<64x128xf32, #tpu.memory_space<hbm>>
    %dma_wait3A_949 = arith.constant 0 : i32
    %dma_wait3A_950 = arith.constant 0 : i32
    %dma_wait3A_951 = tpu.memref_slice %arg7[%dma_wait3A_949, %dma_wait3A_950] : memref<16384x128xf32, #tpu.memory_space<hbm>> -> memref<64x128xf32, #tpu.memory_space<hbm>>
    %dma_wait3A_952 = arith.constant 0 : i32
    %dma_wait3A_953 = arith.constant 0 : i32
    %dma_wait3A_954 = tpu.memref_slice %arg14[%dma_wait3A_952, %dma_wait3A_953] : memref<64x144xf32, #tpu.memory_space<vmem>> -> memref<64x128xf32, #tpu.memory_space<vmem>>
    tpu.wait_dma2 semaphore(%arg22 : memref<!tpu.dma_semaphore, #tpu.memory_space<semaphore_mem>>) src(%dma_wait3A_954 : memref<64x128xf32, #tpu.memory_space<vmem>>) dst(%dma_wait3A_951 : memref<64x128xf32, #tpu.memory_space<hbm>>)
    %dma_wait3A_955 = arith.constant 0 : i32
    %dma_wait3A_956 = arith.constant 0 : i32
    %dma_wait3A_957 = tpu.memref_slice %arg16[%dma_wait3A_955, %dma_wait3A_956] : memref<64x144xf32, #tpu.memory_space<vmem>> -> memref<64x128xf32, #tpu.memory_space<vmem>>
    %dma_wait3A_958 = arith.constant 0 : i32
    %dma_wait3A_959 = arith.constant 0 : i32
    %dma_wait3A_960 = tpu.memref_slice %arg8[%dma_wait3A_958, %dma_wait3A_959] : memref<16384x128xf32, #tpu.memory_space<hbm>> -> memref<64x128xf32, #tpu.memory_space<hbm>>
    %dma_wait3A_961 = arith.constant 0 : i32
    %dma_wait3A_962 = arith.constant 0 : i32
    %dma_wait3A_963 = tpu.memref_slice %arg8[%dma_wait3A_961, %dma_wait3A_962] : memref<16384x128xf32, #tpu.memory_space<hbm>> -> memref<64x128xf32, #tpu.memory_space<hbm>>
    %dma_wait3A_964 = arith.constant 0 : i32
    %dma_wait3A_965 = arith.constant 0 : i32
    %dma_wait3A_966 = tpu.memref_slice %arg16[%dma_wait3A_964, %dma_wait3A_965] : memref<64x144xf32, #tpu.memory_space<vmem>> -> memref<64x128xf32, #tpu.memory_space<vmem>>
    tpu.wait_dma2 semaphore(%arg22 : memref<!tpu.dma_semaphore, #tpu.memory_space<semaphore_mem>>) src(%dma_wait3A_966 : memref<64x128xf32, #tpu.memory_space<vmem>>) dst(%dma_wait3A_963 : memref<64x128xf32, #tpu.memory_space<hbm>>)
    %dma_wait3A_967 = arith.constant 0 : i32
    %dma_wait3A_968 = arith.constant 0 : i32
    %dma_wait3A_969 = tpu.memref_slice %arg9[%dma_wait3A_967, %dma_wait3A_968] : memref<16384x16xf32, #tpu.memory_space<hbm>> -> memref<64x16xf32, #tpu.memory_space<hbm>>
    %dma_wait3A_970 = arith.constant 0 : i32
    %dma_wait3A_971 = arith.constant 0 : i32
    %dma_wait3A_972 = tpu.memref_slice %arg9[%dma_wait3A_970, %dma_wait3A_971] : memref<16384x16xf32, #tpu.memory_space<hbm>> -> memref<64x16xf32, #tpu.memory_space<hbm>>
    tpu.wait_dma2 semaphore(%arg22 : memref<!tpu.dma_semaphore, #tpu.memory_space<semaphore_mem>>) src(%arg18 : memref<64x16xf32, #tpu.memory_space<vmem>>) dst(%dma_wait3A_972 : memref<64x16xf32, #tpu.memory_space<hbm>>)
    return
  }
}

#map = affine_map<(d0, d1) -> (0, 0)>
module attributes {stable_mosaic.version = 14 : i64} {
  func.func @k(%arg0: i32, %arg1: i32, %arg2: memref<2560x128xi32, #tpu.memory_space<hbm>>, %arg3: memref<2560x128xi32, #tpu.memory_space<hbm>>, %arg4: memref<10000x128xf32, #tpu.memory_space<hbm>>, %arg5: memref<10240x144xf32, #tpu.memory_space<hbm>>, %arg6: memref<10240x144xf32, #tpu.memory_space<hbm>>, %arg7: memref<2x10000x144xf32, #tpu.memory_space<hbm>>, %arg8: memref<10240x144xf32, #tpu.memory_space<vmem_shared>>, %arg9: memref<4x128xi32, #tpu.memory_space<vmem>>, %arg10: memref<4x128xi32, #tpu.memory_space<vmem>>, %arg11: memref<128x144xf32, #tpu.memory_space<vmem>>, %arg12: memref<128x144xf32, #tpu.memory_space<vmem>>, %arg13: memref<!tpu.dma_semaphore, #tpu.memory_space<semaphore_mem>>, %arg14: memref<!tpu.dma_semaphore, #tpu.memory_space<semaphore_mem>>, %arg15: memref<!tpu.dma_semaphore, #tpu.memory_space<semaphore_mem>>, %arg16: memref<!tpu.dma_semaphore, #tpu.memory_space<semaphore_mem>>, %arg17: memref<!tpu.dma_semaphore, #tpu.memory_space<semaphore_mem>>, %arg18: memref<!tpu.dma_semaphore, #tpu.memory_space<semaphore_mem>>) attributes {dimension_semantics = [#tpu.dimension_semantics<core_parallel>, #tpu.dimension_semantics<subcore_parallel>], iteration_bounds = array<i64: 2, 16>, scalar_prefetch = 0 : i64, scratch_operands = 12 : i64, tpu.core_type = #tpu.core_type<sc_vector_subcore>, window_params = [{transform_indices = #map}, {transform_indices = #map}, {transform_indices = #map}, {transform_indices = #map}, {transform_indices = #map}]} {
    %mul3A = arith.constant 2 : i32
    %mul3A_0 = arith.muli %arg1, %mul3A : i32
    %add3A = arith.addi %mul3A_0, %arg0 : i32
    %mul3A_1 = arith.constant 80 : i32
    %mul3A_2 = arith.muli %add3A, %mul3A_1 : i32
    %broadcast_in_dim3A = arith.constant 1.000000e+00 : f32
    %broadcast_in_dim3A_3 = vector.broadcast %broadcast_in_dim3A : f32 to vector<16xf32>
    %scan3A = arith.constant 0 : i32
    %scan3A_4 = arith.constant 0 : i32
    %scan3A_5 = arith.constant 125 : i32
    %scan3A_6 = arith.addi %scan3A_4, %scan3A_5 : i32
    %scan3A_7 = arith.constant 1 : i32
    %scan3A_8 = scf.for %scan3A_279 = %scan3A_4 to %scan3A_6 step %scan3A_7 iter_args(%scan3A_280 = %scan3A) -> (i32)  : i32 {
      %swap3A = arith.index_cast %scan3A_279 : i32 to index
      %swap3A_281 = arith.constant 128 : index
      %swap3A_282 = tpu.vector_load %arg12[%swap3A, %swap3A_281] {strides = array<i32>} : memref<128x144xf32, #tpu.memory_space<vmem>>, vector<1x16xf32>,
      %swap3A_283 = vector.shape_cast %swap3A_282 : vector<1x16xf32> to vector<16xf32>
      %swap3A_284 = vector.shape_cast %broadcast_in_dim3A_3 : vector<16xf32> to vector<1x16xf32>
      tpu.vector_store %arg12[%swap3A, %swap3A_281], %swap3A_284 {strides = array<i32>} : memref<128x144xf32, #tpu.memory_space<vmem>>, vector<1x16xf32>,
      %scan3A_285 = arith.constant 0 : i32
      scf.yield %scan3A_285 : i32
    }
    %scan3A_9 = arith.constant 125 : i32
    %mul3A_10 = arith.constant 625 : i32
    %mul3A_11 = arith.muli %arg1, %mul3A_10 : i32
    %add3A_12 = arith.constant 0 : i32
    %add3A_13 = arith.addi %mul3A_11, %add3A_12 : i32
    "tpu.region"() ({
      %run_scoped3A_279 = tpu.sem_alloc : memref<!tpu.dma_semaphore, #tpu.memory_space<semaphore_mem>>
      %dma_start3A_280 = arith.constant 0 : i32
      %dma_start3A_281 = arith.constant 0 : i32
      %dma_start3A_282 = tpu.memref_slice %arg12[%dma_start3A_280, %dma_start3A_281] : memref<128x144xf32, #tpu.memory_space<vmem>> -> memref<125x128xf32, #tpu.memory_space<vmem>>
      %dma_start3A_283 = arith.constant 0 : i32
      %dma_start3A_284 = tpu.memref_slice %arg4[%add3A_13, %dma_start3A_283] : memref<10000x128xf32, #tpu.memory_space<hbm>> -> memref<125x128xf32, #tpu.memory_space<hbm>>
      %dma_start3A_285 = arith.constant 0 : i32
      %dma_start3A_286 = arith.constant 0 : i32
      %dma_start3A_287 = tpu.memref_slice %arg12[%dma_start3A_285, %dma_start3A_286] : memref<128x144xf32, #tpu.memory_space<vmem>> -> memref<125x128xf32, #tpu.memory_space<vmem>>
      %dma_start3A_288 = arith.constant 0 : i32
      %dma_start3A_289 = tpu.memref_slice %arg4[%add3A_13, %dma_start3A_288] : memref<10000x128xf32, #tpu.memory_space<hbm>> -> memref<125x128xf32, #tpu.memory_space<hbm>>
      tpu.enqueue_dma source(%dma_start3A_289 : memref<125x128xf32, #tpu.memory_space<hbm>>) target(%dma_start3A_287 : memref<125x128xf32, #tpu.memory_space<vmem>>) target_semaphore(%run_scoped3A_279 : memref<!tpu.dma_semaphore, #tpu.memory_space<semaphore_mem>>)
      %dma_wait3A_290 = arith.constant 0 : i32
      %dma_wait3A_291 = arith.constant 0 : i32
      %dma_wait3A_292 = tpu.memref_slice %arg12[%dma_wait3A_290, %dma_wait3A_291] : memref<128x144xf32, #tpu.memory_space<vmem>> -> memref<125x128xf32, #tpu.memory_space<vmem>>
      %dma_wait3A_293 = arith.constant 0 : i32
      %dma_wait3A_294 = tpu.memref_slice %arg4[%add3A_13, %dma_wait3A_293] : memref<10000x128xf32, #tpu.memory_space<hbm>> -> memref<125x128xf32, #tpu.memory_space<hbm>>
      %dma_wait3A_295 = arith.constant 0 : i32
      %dma_wait3A_296 = arith.constant 0 : i32
      %dma_wait3A_297 = tpu.memref_slice %arg12[%dma_wait3A_295, %dma_wait3A_296] : memref<128x144xf32, #tpu.memory_space<vmem>> -> memref<125x128xf32, #tpu.memory_space<vmem>>
      %dma_wait3A_298 = arith.constant 0 : i32
      %dma_wait3A_299 = tpu.memref_slice %arg4[%add3A_13, %dma_wait3A_298] : memref<10000x128xf32, #tpu.memory_space<hbm>> -> memref<125x128xf32, #tpu.memory_space<hbm>>
      tpu.wait_dma2 semaphore(%run_scoped3A_279 : memref<!tpu.dma_semaphore, #tpu.memory_space<semaphore_mem>>) src(%dma_wait3A_299 : memref<125x128xf32, #tpu.memory_space<hbm>>) dst(%dma_wait3A_297 : memref<125x128xf32, #tpu.memory_space<vmem>>)
      tpu.yield
    }) : () -> ()
    "tpu.region"() ({
      %run_scoped3A_279 = tpu.sem_alloc : memref<!tpu.dma_semaphore, #tpu.memory_space<semaphore_mem>>
      %dma_start3A_280 = arith.constant 0 : i32
      %dma_start3A_281 = arith.constant 0 : i32
      %dma_start3A_282 = tpu.memref_slice %arg12[%dma_start3A_280, %dma_start3A_281] : memref<128x144xf32, #tpu.memory_space<vmem>> -> memref<125x144xf32, #tpu.memory_space<vmem>>
      %dma_start3A_283 = arith.constant 0 : i32
      %dma_start3A_284 = tpu.memref_slice %arg7[%arg0, %add3A_13, %dma_start3A_283] : memref<2x10000x144xf32, #tpu.memory_space<hbm>> -> memref<1x125x144xf32, #tpu.memory_space<hbm>>
      %dma_start3A_285 = tpu.memref_squeeze %dma_start3A_284 : memref<1x125x144xf32, #tpu.memory_space<hbm>> -> memref<125x144xf32, #tpu.memory_space<hbm>>
      %dma_start3A_286 = arith.constant 0 : i32
      %dma_start3A_287 = tpu.memref_slice %arg7[%arg0, %add3A_13, %dma_start3A_286] : memref<2x10000x144xf32, #tpu.memory_space<hbm>> -> memref<1x125x144xf32, #tpu.memory_space<hbm>>
      %dma_start3A_288 = tpu.memref_squeeze %dma_start3A_287 : memref<1x125x144xf32, #tpu.memory_space<hbm>> -> memref<125x144xf32, #tpu.memory_space<hbm>>
      %dma_start3A_289 = arith.constant 0 : i32
      %dma_start3A_290 = arith.constant 0 : i32
      %dma_start3A_291 = tpu.memref_slice %arg12[%dma_start3A_289, %dma_start3A_290] : memref<128x144xf32, #tpu.memory_space<vmem>> -> memref<125x144xf32, #tpu.memory_space<vmem>>
      tpu.enqueue_dma source(%dma_start3A_291 : memref<125x144xf32, #tpu.memory_space<vmem>>) target(%dma_start3A_288 : memref<125x144xf32, #tpu.memory_space<hbm>>) target_semaphore(%run_scoped3A_279 : memref<!tpu.dma_semaphore, #tpu.memory_space<semaphore_mem>>)
      %dma_wait3A_292 = arith.constant 0 : i32
      %dma_wait3A_293 = arith.constant 0 : i32
      %dma_wait3A_294 = tpu.memref_slice %arg12[%dma_wait3A_292, %dma_wait3A_293] : memref<128x144xf32, #tpu.memory_space<vmem>> -> memref<125x144xf32, #tpu.memory_space<vmem>>
      %dma_wait3A_295 = arith.constant 0 : i32
      %dma_wait3A_296 = tpu.memref_slice %arg7[%arg0, %add3A_13, %dma_wait3A_295] : memref<2x10000x144xf32, #tpu.memory_space<hbm>> -> memref<1x125x144xf32, #tpu.memory_space<hbm>>
      %dma_wait3A_297 = tpu.memref_squeeze %dma_wait3A_296 : memref<1x125x144xf32, #tpu.memory_space<hbm>> -> memref<125x144xf32, #tpu.memory_space<hbm>>
      %dma_wait3A_298 = arith.constant 0 : i32
      %dma_wait3A_299 = tpu.memref_slice %arg7[%arg0, %add3A_13, %dma_wait3A_298] : memref<2x10000x144xf32, #tpu.memory_space<hbm>> -> memref<1x125x144xf32, #tpu.memory_space<hbm>>
      %dma_wait3A_300 = tpu.memref_squeeze %dma_wait3A_299 : memref<1x125x144xf32, #tpu.memory_space<hbm>> -> memref<125x144xf32, #tpu.memory_space<hbm>>
      %dma_wait3A_301 = arith.constant 0 : i32
      %dma_wait3A_302 = arith.constant 0 : i32
      %dma_wait3A_303 = tpu.memref_slice %arg12[%dma_wait3A_301, %dma_wait3A_302] : memref<128x144xf32, #tpu.memory_space<vmem>> -> memref<125x144xf32, #tpu.memory_space<vmem>>
      tpu.wait_dma2 semaphore(%run_scoped3A_279 : memref<!tpu.dma_semaphore, #tpu.memory_space<semaphore_mem>>) src(%dma_wait3A_303 : memref<125x144xf32, #tpu.memory_space<vmem>>) dst(%dma_wait3A_300 : memref<125x144xf32, #tpu.memory_space<hbm>>)
      tpu.yield
    }) : () -> ()
    %mul3A_14 = arith.constant 625 : i32
    %mul3A_15 = arith.muli %arg1, %mul3A_14 : i32
    %add3A_16 = arith.constant 125 : i32
    %add3A_17 = arith.addi %mul3A_15, %add3A_16 : i32
    "tpu.region"() ({
      %run_scoped3A_279 = tpu.sem_alloc : memref<!tpu.dma_semaphore, #tpu.memory_space<semaphore_mem>>
      %dma_start3A_280 = arith.constant 0 : i32
      %dma_start3A_281 = arith.constant 0 : i32
      %dma_start3A_282 = tpu.memref_slice %arg12[%dma_start3A_280, %dma_start3A_281] : memref<128x144xf32, #tpu.memory_space<vmem>> -> memref<125x128xf32, #tpu.memory_space<vmem>>
      %dma_start3A_283 = arith.constant 0 : i32
      %dma_start3A_284 = tpu.memref_slice %arg4[%add3A_17, %dma_start3A_283] : memref<10000x128xf32, #tpu.memory_space<hbm>> -> memref<125x128xf32, #tpu.memory_space<hbm>>
      %dma_start3A_285 = arith.constant 0 : i32
      %dma_start3A_286 = arith.constant 0 : i32
      %dma_start3A_287 = tpu.memref_slice %arg12[%dma_start3A_285, %dma_start3A_286] : memref<128x144xf32, #tpu.memory_space<vmem>> -> memref<125x128xf32, #tpu.memory_space<vmem>>
      %dma_start3A_288 = arith.constant 0 : i32
      %dma_start3A_289 = tpu.memref_slice %arg4[%add3A_17, %dma_start3A_288] : memref<10000x128xf32, #tpu.memory_space<hbm>> -> memref<125x128xf32, #tpu.memory_space<hbm>>
      tpu.enqueue_dma source(%dma_start3A_289 : memref<125x128xf32, #tpu.memory_space<hbm>>) target(%dma_start3A_287 : memref<125x128xf32, #tpu.memory_space<vmem>>) target_semaphore(%run_scoped3A_279 : memref<!tpu.dma_semaphore, #tpu.memory_space<semaphore_mem>>)
      %dma_wait3A_290 = arith.constant 0 : i32
      %dma_wait3A_291 = arith.constant 0 : i32
      %dma_wait3A_292 = tpu.memref_slice %arg12[%dma_wait3A_290, %dma_wait3A_291] : memref<128x144xf32, #tpu.memory_space<vmem>> -> memref<125x128xf32, #tpu.memory_space<vmem>>
      %dma_wait3A_293 = arith.constant 0 : i32
      %dma_wait3A_294 = tpu.memref_slice %arg4[%add3A_17, %dma_wait3A_293] : memref<10000x128xf32, #tpu.memory_space<hbm>> -> memref<125x128xf32, #tpu.memory_space<hbm>>
      %dma_wait3A_295 = arith.constant 0 : i32
      %dma_wait3A_296 = arith.constant 0 : i32
      %dma_wait3A_297 = tpu.memref_slice %arg12[%dma_wait3A_295, %dma_wait3A_296] : memref<128x144xf32, #tpu.memory_space<vmem>> -> memref<125x128xf32, #tpu.memory_space<vmem>>
      %dma_wait3A_298 = arith.constant 0 : i32
      %dma_wait3A_299 = tpu.memref_slice %arg4[%add3A_17, %dma_wait3A_298] : memref<10000x128xf32, #tpu.memory_space<hbm>> -> memref<125x128xf32, #tpu.memory_space<hbm>>
      tpu.wait_dma2 semaphore(%run_scoped3A_279 : memref<!tpu.dma_semaphore, #tpu.memory_space<semaphore_mem>>) src(%dma_wait3A_299 : memref<125x128xf32, #tpu.memory_space<hbm>>) dst(%dma_wait3A_297 : memref<125x128xf32, #tpu.memory_space<vmem>>)
      tpu.yield
    }) : () -> ()
    "tpu.region"() ({
      %run_scoped3A_279 = tpu.sem_alloc : memref<!tpu.dma_semaphore, #tpu.memory_space<semaphore_mem>>
      %dma_start3A_280 = arith.constant 0 : i32
      %dma_start3A_281 = arith.constant 0 : i32
      %dma_start3A_282 = tpu.memref_slice %arg12[%dma_start3A_280, %dma_start3A_281] : memref<128x144xf32, #tpu.memory_space<vmem>> -> memref<125x144xf32, #tpu.memory_space<vmem>>
      %dma_start3A_283 = arith.constant 0 : i32
      %dma_start3A_284 = tpu.memref_slice %arg7[%arg0, %add3A_17, %dma_start3A_283] : memref<2x10000x144xf32, #tpu.memory_space<hbm>> -> memref<1x125x144xf32, #tpu.memory_space<hbm>>
      %dma_start3A_285 = tpu.memref_squeeze %dma_start3A_284 : memref<1x125x144xf32, #tpu.memory_space<hbm>> -> memref<125x144xf32, #tpu.memory_space<hbm>>
      %dma_start3A_286 = arith.constant 0 : i32
      %dma_start3A_287 = tpu.memref_slice %arg7[%arg0, %add3A_17, %dma_start3A_286] : memref<2x10000x144xf32, #tpu.memory_space<hbm>> -> memref<1x125x144xf32, #tpu.memory_space<hbm>>
      %dma_start3A_288 = tpu.memref_squeeze %dma_start3A_287 : memref<1x125x144xf32, #tpu.memory_space<hbm>> -> memref<125x144xf32, #tpu.memory_space<hbm>>
      %dma_start3A_289 = arith.constant 0 : i32
      %dma_start3A_290 = arith.constant 0 : i32
      %dma_start3A_291 = tpu.memref_slice %arg12[%dma_start3A_289, %dma_start3A_290] : memref<128x144xf32, #tpu.memory_space<vmem>> -> memref<125x144xf32, #tpu.memory_space<vmem>>
      tpu.enqueue_dma source(%dma_start3A_291 : memref<125x144xf32, #tpu.memory_space<vmem>>) target(%dma_start3A_288 : memref<125x144xf32, #tpu.memory_space<hbm>>) target_semaphore(%run_scoped3A_279 : memref<!tpu.dma_semaphore, #tpu.memory_space<semaphore_mem>>)
      %dma_wait3A_292 = arith.constant 0 : i32
      %dma_wait3A_293 = arith.constant 0 : i32
      %dma_wait3A_294 = tpu.memref_slice %arg12[%dma_wait3A_292, %dma_wait3A_293] : memref<128x144xf32, #tpu.memory_space<vmem>> -> memref<125x144xf32, #tpu.memory_space<vmem>>
      %dma_wait3A_295 = arith.constant 0 : i32
      %dma_wait3A_296 = tpu.memref_slice %arg7[%arg0, %add3A_17, %dma_wait3A_295] : memref<2x10000x144xf32, #tpu.memory_space<hbm>> -> memref<1x125x144xf32, #tpu.memory_space<hbm>>
      %dma_wait3A_297 = tpu.memref_squeeze %dma_wait3A_296 : memref<1x125x144xf32, #tpu.memory_space<hbm>> -> memref<125x144xf32, #tpu.memory_space<hbm>>
      %dma_wait3A_298 = arith.constant 0 : i32
      %dma_wait3A_299 = tpu.memref_slice %arg7[%arg0, %add3A_17, %dma_wait3A_298] : memref<2x10000x144xf32, #tpu.memory_space<hbm>> -> memref<1x125x144xf32, #tpu.memory_space<hbm>>
      %dma_wait3A_300 = tpu.memref_squeeze %dma_wait3A_299 : memref<1x125x144xf32, #tpu.memory_space<hbm>> -> memref<125x144xf32, #tpu.memory_space<hbm>>
      %dma_wait3A_301 = arith.constant 0 : i32
      %dma_wait3A_302 = arith.constant 0 : i32
      %dma_wait3A_303 = tpu.memref_slice %arg12[%dma_wait3A_301, %dma_wait3A_302] : memref<128x144xf32, #tpu.memory_space<vmem>> -> memref<125x144xf32, #tpu.memory_space<vmem>>
      tpu.wait_dma2 semaphore(%run_scoped3A_279 : memref<!tpu.dma_semaphore, #tpu.memory_space<semaphore_mem>>) src(%dma_wait3A_303 : memref<125x144xf32, #tpu.memory_space<vmem>>) dst(%dma_wait3A_300 : memref<125x144xf32, #tpu.memory_space<hbm>>)
      tpu.yield
    }) : () -> ()
    %mul3A_18 = arith.constant 625 : i32
    %mul3A_19 = arith.muli %arg1, %mul3A_18 : i32
    %add3A_20 = arith.constant 250 : i32
    %add3A_21 = arith.addi %mul3A_19, %add3A_20 : i32
    "tpu.region"() ({
      %run_scoped3A_279 = tpu.sem_alloc : memref<!tpu.dma_semaphore, #tpu.memory_space<semaphore_mem>>
      %dma_start3A_280 = arith.constant 0 : i32
      %dma_start3A_281 = arith.constant 0 : i32
      %dma_start3A_282 = tpu.memref_slice %arg12[%dma_start3A_280, %dma_start3A_281] : memref<128x144xf32, #tpu.memory_space<vmem>> -> memref<125x128xf32, #tpu.memory_space<vmem>>
      %dma_start3A_283 = arith.constant 0 : i32
      %dma_start3A_284 = tpu.memref_slice %arg4[%add3A_21, %dma_start3A_283] : memref<10000x128xf32, #tpu.memory_space<hbm>> -> memref<125x128xf32, #tpu.memory_space<hbm>>
      %dma_start3A_285 = arith.constant 0 : i32
      %dma_start3A_286 = arith.constant 0 : i32
      %dma_start3A_287 = tpu.memref_slice %arg12[%dma_start3A_285, %dma_start3A_286] : memref<128x144xf32, #tpu.memory_space<vmem>> -> memref<125x128xf32, #tpu.memory_space<vmem>>
      %dma_start3A_288 = arith.constant 0 : i32
      %dma_start3A_289 = tpu.memref_slice %arg4[%add3A_21, %dma_start3A_288] : memref<10000x128xf32, #tpu.memory_space<hbm>> -> memref<125x128xf32, #tpu.memory_space<hbm>>
      tpu.enqueue_dma source(%dma_start3A_289 : memref<125x128xf32, #tpu.memory_space<hbm>>) target(%dma_start3A_287 : memref<125x128xf32, #tpu.memory_space<vmem>>) target_semaphore(%run_scoped3A_279 : memref<!tpu.dma_semaphore, #tpu.memory_space<semaphore_mem>>)
      %dma_wait3A_290 = arith.constant 0 : i32
      %dma_wait3A_291 = arith.constant 0 : i32
      %dma_wait3A_292 = tpu.memref_slice %arg12[%dma_wait3A_290, %dma_wait3A_291] : memref<128x144xf32, #tpu.memory_space<vmem>> -> memref<125x128xf32, #tpu.memory_space<vmem>>
      %dma_wait3A_293 = arith.constant 0 : i32
      %dma_wait3A_294 = tpu.memref_slice %arg4[%add3A_21, %dma_wait3A_293] : memref<10000x128xf32, #tpu.memory_space<hbm>> -> memref<125x128xf32, #tpu.memory_space<hbm>>
      %dma_wait3A_295 = arith.constant 0 : i32
      %dma_wait3A_296 = arith.constant 0 : i32
      %dma_wait3A_297 = tpu.memref_slice %arg12[%dma_wait3A_295, %dma_wait3A_296] : memref<128x144xf32, #tpu.memory_space<vmem>> -> memref<125x128xf32, #tpu.memory_space<vmem>>
      %dma_wait3A_298 = arith.constant 0 : i32
      %dma_wait3A_299 = tpu.memref_slice %arg4[%add3A_21, %dma_wait3A_298] : memref<10000x128xf32, #tpu.memory_space<hbm>> -> memref<125x128xf32, #tpu.memory_space<hbm>>
      tpu.wait_dma2 semaphore(%run_scoped3A_279 : memref<!tpu.dma_semaphore, #tpu.memory_space<semaphore_mem>>) src(%dma_wait3A_299 : memref<125x128xf32, #tpu.memory_space<hbm>>) dst(%dma_wait3A_297 : memref<125x128xf32, #tpu.memory_space<vmem>>)
      tpu.yield
    }) : () -> ()
    "tpu.region"() ({
      %run_scoped3A_279 = tpu.sem_alloc : memref<!tpu.dma_semaphore, #tpu.memory_space<semaphore_mem>>
      %dma_start3A_280 = arith.constant 0 : i32
      %dma_start3A_281 = arith.constant 0 : i32
      %dma_start3A_282 = tpu.memref_slice %arg12[%dma_start3A_280, %dma_start3A_281] : memref<128x144xf32, #tpu.memory_space<vmem>> -> memref<125x144xf32, #tpu.memory_space<vmem>>
      %dma_start3A_283 = arith.constant 0 : i32
      %dma_start3A_284 = tpu.memref_slice %arg7[%arg0, %add3A_21, %dma_start3A_283] : memref<2x10000x144xf32, #tpu.memory_space<hbm>> -> memref<1x125x144xf32, #tpu.memory_space<hbm>>
      %dma_start3A_285 = tpu.memref_squeeze %dma_start3A_284 : memref<1x125x144xf32, #tpu.memory_space<hbm>> -> memref<125x144xf32, #tpu.memory_space<hbm>>
      %dma_start3A_286 = arith.constant 0 : i32
      %dma_start3A_287 = tpu.memref_slice %arg7[%arg0, %add3A_21, %dma_start3A_286] : memref<2x10000x144xf32, #tpu.memory_space<hbm>> -> memref<1x125x144xf32, #tpu.memory_space<hbm>>
      %dma_start3A_288 = tpu.memref_squeeze %dma_start3A_287 : memref<1x125x144xf32, #tpu.memory_space<hbm>> -> memref<125x144xf32, #tpu.memory_space<hbm>>
      %dma_start3A_289 = arith.constant 0 : i32
      %dma_start3A_290 = arith.constant 0 : i32
      %dma_start3A_291 = tpu.memref_slice %arg12[%dma_start3A_289, %dma_start3A_290] : memref<128x144xf32, #tpu.memory_space<vmem>> -> memref<125x144xf32, #tpu.memory_space<vmem>>
      tpu.enqueue_dma source(%dma_start3A_291 : memref<125x144xf32, #tpu.memory_space<vmem>>) target(%dma_start3A_288 : memref<125x144xf32, #tpu.memory_space<hbm>>) target_semaphore(%run_scoped3A_279 : memref<!tpu.dma_semaphore, #tpu.memory_space<semaphore_mem>>)
      %dma_wait3A_292 = arith.constant 0 : i32
      %dma_wait3A_293 = arith.constant 0 : i32
      %dma_wait3A_294 = tpu.memref_slice %arg12[%dma_wait3A_292, %dma_wait3A_293] : memref<128x144xf32, #tpu.memory_space<vmem>> -> memref<125x144xf32, #tpu.memory_space<vmem>>
      %dma_wait3A_295 = arith.constant 0 : i32
      %dma_wait3A_296 = tpu.memref_slice %arg7[%arg0, %add3A_21, %dma_wait3A_295] : memref<2x10000x144xf32, #tpu.memory_space<hbm>> -> memref<1x125x144xf32, #tpu.memory_space<hbm>>
      %dma_wait3A_297 = tpu.memref_squeeze %dma_wait3A_296 : memref<1x125x144xf32, #tpu.memory_space<hbm>> -> memref<125x144xf32, #tpu.memory_space<hbm>>
      %dma_wait3A_298 = arith.constant 0 : i32
      %dma_wait3A_299 = tpu.memref_slice %arg7[%arg0, %add3A_21, %dma_wait3A_298] : memref<2x10000x144xf32, #tpu.memory_space<hbm>> -> memref<1x125x144xf32, #tpu.memory_space<hbm>>
      %dma_wait3A_300 = tpu.memref_squeeze %dma_wait3A_299 : memref<1x125x144xf32, #tpu.memory_space<hbm>> -> memref<125x144xf32, #tpu.memory_space<hbm>>
      %dma_wait3A_301 = arith.constant 0 : i32
      %dma_wait3A_302 = arith.constant 0 : i32
      %dma_wait3A_303 = tpu.memref_slice %arg12[%dma_wait3A_301, %dma_wait3A_302] : memref<128x144xf32, #tpu.memory_space<vmem>> -> memref<125x144xf32, #tpu.memory_space<vmem>>
      tpu.wait_dma2 semaphore(%run_scoped3A_279 : memref<!tpu.dma_semaphore, #tpu.memory_space<semaphore_mem>>) src(%dma_wait3A_303 : memref<125x144xf32, #tpu.memory_space<vmem>>) dst(%dma_wait3A_300 : memref<125x144xf32, #tpu.memory_space<hbm>>)
      tpu.yield
    }) : () -> ()
    %mul3A_22 = arith.constant 625 : i32
    %mul3A_23 = arith.muli %arg1, %mul3A_22 : i32
    %add3A_24 = arith.constant 375 : i32
    %add3A_25 = arith.addi %mul3A_23, %add3A_24 : i32
    "tpu.region"() ({
      %run_scoped3A_279 = tpu.sem_alloc : memref<!tpu.dma_semaphore, #tpu.memory_space<semaphore_mem>>
      %dma_start3A_280 = arith.constant 0 : i32
      %dma_start3A_281 = arith.constant 0 : i32
      %dma_start3A_282 = tpu.memref_slice %arg12[%dma_start3A_280, %dma_start3A_281] : memref<128x144xf32, #tpu.memory_space<vmem>> -> memref<125x128xf32, #tpu.memory_space<vmem>>
      %dma_start3A_283 = arith.constant 0 : i32
      %dma_start3A_284 = tpu.memref_slice %arg4[%add3A_25, %dma_start3A_283] : memref<10000x128xf32, #tpu.memory_space<hbm>> -> memref<125x128xf32, #tpu.memory_space<hbm>>
      %dma_start3A_285 = arith.constant 0 : i32
      %dma_start3A_286 = arith.constant 0 : i32
      %dma_start3A_287 = tpu.memref_slice %arg12[%dma_start3A_285, %dma_start3A_286] : memref<128x144xf32, #tpu.memory_space<vmem>> -> memref<125x128xf32, #tpu.memory_space<vmem>>
      %dma_start3A_288 = arith.constant 0 : i32
      %dma_start3A_289 = tpu.memref_slice %arg4[%add3A_25, %dma_start3A_288] : memref<10000x128xf32, #tpu.memory_space<hbm>> -> memref<125x128xf32, #tpu.memory_space<hbm>>
      tpu.enqueue_dma source(%dma_start3A_289 : memref<125x128xf32, #tpu.memory_space<hbm>>) target(%dma_start3A_287 : memref<125x128xf32, #tpu.memory_space<vmem>>) target_semaphore(%run_scoped3A_279 : memref<!tpu.dma_semaphore, #tpu.memory_space<semaphore_mem>>)
      %dma_wait3A_290 = arith.constant 0 : i32
      %dma_wait3A_291 = arith.constant 0 : i32
      %dma_wait3A_292 = tpu.memref_slice %arg12[%dma_wait3A_290, %dma_wait3A_291] : memref<128x144xf32, #tpu.memory_space<vmem>> -> memref<125x128xf32, #tpu.memory_space<vmem>>
      %dma_wait3A_293 = arith.constant 0 : i32
      %dma_wait3A_294 = tpu.memref_slice %arg4[%add3A_25, %dma_wait3A_293] : memref<10000x128xf32, #tpu.memory_space<hbm>> -> memref<125x128xf32, #tpu.memory_space<hbm>>
      %dma_wait3A_295 = arith.constant 0 : i32
      %dma_wait3A_296 = arith.constant 0 : i32
      %dma_wait3A_297 = tpu.memref_slice %arg12[%dma_wait3A_295, %dma_wait3A_296] : memref<128x144xf32, #tpu.memory_space<vmem>> -> memref<125x128xf32, #tpu.memory_space<vmem>>
      %dma_wait3A_298 = arith.constant 0 : i32
      %dma_wait3A_299 = tpu.memref_slice %arg4[%add3A_25, %dma_wait3A_298] : memref<10000x128xf32, #tpu.memory_space<hbm>> -> memref<125x128xf32, #tpu.memory_space<hbm>>
      tpu.wait_dma2 semaphore(%run_scoped3A_279 : memref<!tpu.dma_semaphore, #tpu.memory_space<semaphore_mem>>) src(%dma_wait3A_299 : memref<125x128xf32, #tpu.memory_space<hbm>>) dst(%dma_wait3A_297 : memref<125x128xf32, #tpu.memory_space<vmem>>)
      tpu.yield
    }) : () -> ()
    "tpu.region"() ({
      %run_scoped3A_279 = tpu.sem_alloc : memref<!tpu.dma_semaphore, #tpu.memory_space<semaphore_mem>>
      %dma_start3A_280 = arith.constant 0 : i32
      %dma_start3A_281 = arith.constant 0 : i32
      %dma_start3A_282 = tpu.memref_slice %arg12[%dma_start3A_280, %dma_start3A_281] : memref<128x144xf32, #tpu.memory_space<vmem>> -> memref<125x144xf32, #tpu.memory_space<vmem>>
      %dma_start3A_283 = arith.constant 0 : i32
      %dma_start3A_284 = tpu.memref_slice %arg7[%arg0, %add3A_25, %dma_start3A_283] : memref<2x10000x144xf32, #tpu.memory_space<hbm>> -> memref<1x125x144xf32, #tpu.memory_space<hbm>>
      %dma_start3A_285 = tpu.memref_squeeze %dma_start3A_284 : memref<1x125x144xf32, #tpu.memory_space<hbm>> -> memref<125x144xf32, #tpu.memory_space<hbm>>
      %dma_start3A_286 = arith.constant 0 : i32
      %dma_start3A_287 = tpu.memref_slice %arg7[%arg0, %add3A_25, %dma_start3A_286] : memref<2x10000x144xf32, #tpu.memory_space<hbm>> -> memref<1x125x144xf32, #tpu.memory_space<hbm>>
      %dma_start3A_288 = tpu.memref_squeeze %dma_start3A_287 : memref<1x125x144xf32, #tpu.memory_space<hbm>> -> memref<125x144xf32, #tpu.memory_space<hbm>>
      %dma_start3A_289 = arith.constant 0 : i32
      %dma_start3A_290 = arith.constant 0 : i32
      %dma_start3A_291 = tpu.memref_slice %arg12[%dma_start3A_289, %dma_start3A_290] : memref<128x144xf32, #tpu.memory_space<vmem>> -> memref<125x144xf32, #tpu.memory_space<vmem>>
      tpu.enqueue_dma source(%dma_start3A_291 : memref<125x144xf32, #tpu.memory_space<vmem>>) target(%dma_start3A_288 : memref<125x144xf32, #tpu.memory_space<hbm>>) target_semaphore(%run_scoped3A_279 : memref<!tpu.dma_semaphore, #tpu.memory_space<semaphore_mem>>)
      %dma_wait3A_292 = arith.constant 0 : i32
      %dma_wait3A_293 = arith.constant 0 : i32
      %dma_wait3A_294 = tpu.memref_slice %arg12[%dma_wait3A_292, %dma_wait3A_293] : memref<128x144xf32, #tpu.memory_space<vmem>> -> memref<125x144xf32, #tpu.memory_space<vmem>>
      %dma_wait3A_295 = arith.constant 0 : i32
      %dma_wait3A_296 = tpu.memref_slice %arg7[%arg0, %add3A_25, %dma_wait3A_295] : memref<2x10000x144xf32, #tpu.memory_space<hbm>> -> memref<1x125x144xf32, #tpu.memory_space<hbm>>
      %dma_wait3A_297 = tpu.memref_squeeze %dma_wait3A_296 : memref<1x125x144xf32, #tpu.memory_space<hbm>> -> memref<125x144xf32, #tpu.memory_space<hbm>>
      %dma_wait3A_298 = arith.constant 0 : i32
      %dma_wait3A_299 = tpu.memref_slice %arg7[%arg0, %add3A_25, %dma_wait3A_298] : memref<2x10000x144xf32, #tpu.memory_space<hbm>> -> memref<1x125x144xf32, #tpu.memory_space<hbm>>
      %dma_wait3A_300 = tpu.memref_squeeze %dma_wait3A_299 : memref<1x125x144xf32, #tpu.memory_space<hbm>> -> memref<125x144xf32, #tpu.memory_space<hbm>>
      %dma_wait3A_301 = arith.constant 0 : i32
      %dma_wait3A_302 = arith.constant 0 : i32
      %dma_wait3A_303 = tpu.memref_slice %arg12[%dma_wait3A_301, %dma_wait3A_302] : memref<128x144xf32, #tpu.memory_space<vmem>> -> memref<125x144xf32, #tpu.memory_space<vmem>>
      tpu.wait_dma2 semaphore(%run_scoped3A_279 : memref<!tpu.dma_semaphore, #tpu.memory_space<semaphore_mem>>) src(%dma_wait3A_303 : memref<125x144xf32, #tpu.memory_space<vmem>>) dst(%dma_wait3A_300 : memref<125x144xf32, #tpu.memory_space<hbm>>)
      tpu.yield
    }) : () -> ()
    %mul3A_26 = arith.constant 625 : i32
    %mul3A_27 = arith.muli %arg1, %mul3A_26 : i32
    %add3A_28 = arith.constant 500 : i32
    %add3A_29 = arith.addi %mul3A_27, %add3A_28 : i32
    "tpu.region"() ({
      %run_scoped3A_279 = tpu.sem_alloc : memref<!tpu.dma_semaphore, #tpu.memory_space<semaphore_mem>>
      %dma_start3A_280 = arith.constant 0 : i32
      %dma_start3A_281 = arith.constant 0 : i32
      %dma_start3A_282 = tpu.memref_slice %arg12[%dma_start3A_280, %dma_start3A_281] : memref<128x144xf32, #tpu.memory_space<vmem>> -> memref<125x128xf32, #tpu.memory_space<vmem>>
      %dma_start3A_283 = arith.constant 0 : i32
      %dma_start3A_284 = tpu.memref_slice %arg4[%add3A_29, %dma_start3A_283] : memref<10000x128xf32, #tpu.memory_space<hbm>> -> memref<125x128xf32, #tpu.memory_space<hbm>>
      %dma_start3A_285 = arith.constant 0 : i32
      %dma_start3A_286 = arith.constant 0 : i32
      %dma_start3A_287 = tpu.memref_slice %arg12[%dma_start3A_285, %dma_start3A_286] : memref<128x144xf32, #tpu.memory_space<vmem>> -> memref<125x128xf32, #tpu.memory_space<vmem>>
      %dma_start3A_288 = arith.constant 0 : i32
      %dma_start3A_289 = tpu.memref_slice %arg4[%add3A_29, %dma_start3A_288] : memref<10000x128xf32, #tpu.memory_space<hbm>> -> memref<125x128xf32, #tpu.memory_space<hbm>>
      tpu.enqueue_dma source(%dma_start3A_289 : memref<125x128xf32, #tpu.memory_space<hbm>>) target(%dma_start3A_287 : memref<125x128xf32, #tpu.memory_space<vmem>>) target_semaphore(%run_scoped3A_279 : memref<!tpu.dma_semaphore, #tpu.memory_space<semaphore_mem>>)
      %dma_wait3A_290 = arith.constant 0 : i32
      %dma_wait3A_291 = arith.constant 0 : i32
      %dma_wait3A_292 = tpu.memref_slice %arg12[%dma_wait3A_290, %dma_wait3A_291] : memref<128x144xf32, #tpu.memory_space<vmem>> -> memref<125x128xf32, #tpu.memory_space<vmem>>
      %dma_wait3A_293 = arith.constant 0 : i32
      %dma_wait3A_294 = tpu.memref_slice %arg4[%add3A_29, %dma_wait3A_293] : memref<10000x128xf32, #tpu.memory_space<hbm>> -> memref<125x128xf32, #tpu.memory_space<hbm>>
      %dma_wait3A_295 = arith.constant 0 : i32
      %dma_wait3A_296 = arith.constant 0 : i32
      %dma_wait3A_297 = tpu.memref_slice %arg12[%dma_wait3A_295, %dma_wait3A_296] : memref<128x144xf32, #tpu.memory_space<vmem>> -> memref<125x128xf32, #tpu.memory_space<vmem>>
      %dma_wait3A_298 = arith.constant 0 : i32
      %dma_wait3A_299 = tpu.memref_slice %arg4[%add3A_29, %dma_wait3A_298] : memref<10000x128xf32, #tpu.memory_space<hbm>> -> memref<125x128xf32, #tpu.memory_space<hbm>>
      tpu.wait_dma2 semaphore(%run_scoped3A_279 : memref<!tpu.dma_semaphore, #tpu.memory_space<semaphore_mem>>) src(%dma_wait3A_299 : memref<125x128xf32, #tpu.memory_space<hbm>>) dst(%dma_wait3A_297 : memref<125x128xf32, #tpu.memory_space<vmem>>)
      tpu.yield
    }) : () -> ()
    "tpu.region"() ({
      %run_scoped3A_279 = tpu.sem_alloc : memref<!tpu.dma_semaphore, #tpu.memory_space<semaphore_mem>>
      %dma_start3A_280 = arith.constant 0 : i32
      %dma_start3A_281 = arith.constant 0 : i32
      %dma_start3A_282 = tpu.memref_slice %arg12[%dma_start3A_280, %dma_start3A_281] : memref<128x144xf32, #tpu.memory_space<vmem>> -> memref<125x144xf32, #tpu.memory_space<vmem>>
      %dma_start3A_283 = arith.constant 0 : i32
      %dma_start3A_284 = tpu.memref_slice %arg7[%arg0, %add3A_29, %dma_start3A_283] : memref<2x10000x144xf32, #tpu.memory_space<hbm>> -> memref<1x125x144xf32, #tpu.memory_space<hbm>>
      %dma_start3A_285 = tpu.memref_squeeze %dma_start3A_284 : memref<1x125x144xf32, #tpu.memory_space<hbm>> -> memref<125x144xf32, #tpu.memory_space<hbm>>
      %dma_start3A_286 = arith.constant 0 : i32
      %dma_start3A_287 = tpu.memref_slice %arg7[%arg0, %add3A_29, %dma_start3A_286] : memref<2x10000x144xf32, #tpu.memory_space<hbm>> -> memref<1x125x144xf32, #tpu.memory_space<hbm>>
      %dma_start3A_288 = tpu.memref_squeeze %dma_start3A_287 : memref<1x125x144xf32, #tpu.memory_space<hbm>> -> memref<125x144xf32, #tpu.memory_space<hbm>>
      %dma_start3A_289 = arith.constant 0 : i32
      %dma_start3A_290 = arith.constant 0 : i32
      %dma_start3A_291 = tpu.memref_slice %arg12[%dma_start3A_289, %dma_start3A_290] : memref<128x144xf32, #tpu.memory_space<vmem>> -> memref<125x144xf32, #tpu.memory_space<vmem>>
      tpu.enqueue_dma source(%dma_start3A_291 : memref<125x144xf32, #tpu.memory_space<vmem>>) target(%dma_start3A_288 : memref<125x144xf32, #tpu.memory_space<hbm>>) target_semaphore(%run_scoped3A_279 : memref<!tpu.dma_semaphore, #tpu.memory_space<semaphore_mem>>)
      %dma_wait3A_292 = arith.constant 0 : i32
      %dma_wait3A_293 = arith.constant 0 : i32
      %dma_wait3A_294 = tpu.memref_slice %arg12[%dma_wait3A_292, %dma_wait3A_293] : memref<128x144xf32, #tpu.memory_space<vmem>> -> memref<125x144xf32, #tpu.memory_space<vmem>>
      %dma_wait3A_295 = arith.constant 0 : i32
      %dma_wait3A_296 = tpu.memref_slice %arg7[%arg0, %add3A_29, %dma_wait3A_295] : memref<2x10000x144xf32, #tpu.memory_space<hbm>> -> memref<1x125x144xf32, #tpu.memory_space<hbm>>
      %dma_wait3A_297 = tpu.memref_squeeze %dma_wait3A_296 : memref<1x125x144xf32, #tpu.memory_space<hbm>> -> memref<125x144xf32, #tpu.memory_space<hbm>>
      %dma_wait3A_298 = arith.constant 0 : i32
      %dma_wait3A_299 = tpu.memref_slice %arg7[%arg0, %add3A_29, %dma_wait3A_298] : memref<2x10000x144xf32, #tpu.memory_space<hbm>> -> memref<1x125x144xf32, #tpu.memory_space<hbm>>
      %dma_wait3A_300 = tpu.memref_squeeze %dma_wait3A_299 : memref<1x125x144xf32, #tpu.memory_space<hbm>> -> memref<125x144xf32, #tpu.memory_space<hbm>>
      %dma_wait3A_301 = arith.constant 0 : i32
      %dma_wait3A_302 = arith.constant 0 : i32
      %dma_wait3A_303 = tpu.memref_slice %arg12[%dma_wait3A_301, %dma_wait3A_302] : memref<128x144xf32, #tpu.memory_space<vmem>> -> memref<125x144xf32, #tpu.memory_space<vmem>>
      tpu.wait_dma2 semaphore(%run_scoped3A_279 : memref<!tpu.dma_semaphore, #tpu.memory_space<semaphore_mem>>) src(%dma_wait3A_303 : memref<125x144xf32, #tpu.memory_space<vmem>>) dst(%dma_wait3A_300 : memref<125x144xf32, #tpu.memory_space<hbm>>)
      tpu.yield
    }) : () -> ()
    %broadcast_in_dim3A_30 = arith.constant 0.000000e+00 : f32
    %broadcast_in_dim3A_31 = vector.broadcast %broadcast_in_dim3A_30 : f32 to vector<16xf32>
    %scan3A_32 = arith.constant 0 : i32
    %scan3A_33 = arith.constant 0 : i32
    %scan3A_34 = arith.constant 1152 : i32
    %scan3A_35 = arith.addi %scan3A_33, %scan3A_34 : i32
    %scan3A_36 = arith.constant 1 : i32
    %scan3A_37 = scf.for %scan3A_279 = %scan3A_33 to %scan3A_35 step %scan3A_36 iter_args(%scan3A_280 = %scan3A_32) -> (i32)  : i32 {
      %jit3A = arith.constant 9 : i32
      %div3A = arith.divsi %scan3A_279, %jit3A : i32
      %sign3A = arith.constant 0 : i32
      %sign3A_281 = arith.cmpi sgt, %scan3A_279, %sign3A : i32
      %sign3A_282 = arith.extui %sign3A_281 : i1 to i32
      %sign3A_283 = arith.constant 0 : i32
      %sign3A_284 = arith.cmpi slt, %scan3A_279, %sign3A_283 : i32
      %sign3A_285 = arith.extui %sign3A_284 : i1 to i32
      %sign3A_286 = arith.subi %sign3A_282, %sign3A_285 : i32
      %sign3A_287 = arith.constant 0 : i32
      %sign3A_288 = arith.cmpi sgt, %jit3A, %sign3A_287 : i32
      %sign3A_289 = arith.extui %sign3A_288 : i1 to i32
      %sign3A_290 = arith.constant 0 : i32
      %sign3A_291 = arith.cmpi slt, %jit3A, %sign3A_290 : i32
      %sign3A_292 = arith.extui %sign3A_291 : i1 to i32
      %sign3A_293 = arith.subi %sign3A_289, %sign3A_292 : i32
      %ne3A = arith.cmpi ne, %sign3A_286, %sign3A_293 : i32
      %rem3A = arith.remsi %scan3A_279, %jit3A : i32
      %ne3A_294 = arith.constant 0 : i32
      %ne3A_295 = arith.cmpi ne, %rem3A, %ne3A_294 : i32
      %and3A = arith.andi %ne3A, %ne3A_295 : i1
      %sub3A = arith.constant 1 : i32
      %sub3A_296 = arith.subi %div3A, %sub3A : i32
      %select_n3A = arith.select %and3A, %sub3A_296, %div3A : i32
      %jit3A_297 = arith.constant 9 : i32
      %eq3A_298 = arith.constant 0 : i32
      %eq3A_299 = arith.cmpi eq, %jit3A_297, %eq3A_298 : i32
      %jit3A_300 = arith.constant 1 : i32
      %select_n3A_301 = arith.select %eq3A_299, %jit3A_300, %jit3A_297 : i32
      %rem3A_302 = arith.remsi %scan3A_279, %select_n3A_301 : i32
      %ne3A_303 = arith.constant 0 : i32
      %ne3A_304 = arith.cmpi ne, %rem3A_302, %ne3A_303 : i32
      %lt3A = arith.constant 0 : i32
      %lt3A_305 = arith.cmpi slt, %rem3A_302, %lt3A : i32
      %lt3A_306 = arith.constant 0 : i32
      %lt3A_307 = arith.cmpi slt, %select_n3A_301, %lt3A_306 : i32
      %ne3A_308 = arith.xori %lt3A_305, %lt3A_307 : i1
      %and3A_309 = arith.andi %ne3A_308, %ne3A_304 : i1
      %add3A_310 = arith.addi %rem3A_302, %select_n3A_301 : i32
      %select_n3A_311 = arith.select %and3A_309, %add3A_310, %rem3A_302 : i32
      %mul3A_312 = arith.constant 16 : i32
      %mul3A_313 = arith.muli %select_n3A_311, %mul3A_312 : i32
      %swap3A = arith.index_cast %select_n3A : i32 to index
      %swap3A_314 = arith.index_cast %mul3A_313 : i32 to index
      %swap3A_315 = tpu.vector_load %arg11[%swap3A, %swap3A_314] {strides = array<i32>} : memref<128x144xf32, #tpu.memory_space<vmem>>, vector<1x16xf32>,
      %swap3A_316 = vector.shape_cast %swap3A_315 : vector<1x16xf32> to vector<16xf32>
      %swap3A_317 = vector.shape_cast %broadcast_in_dim3A_31 : vector<16xf32> to vector<1x16xf32>
      tpu.vector_store %arg11[%swap3A, %swap3A_314], %swap3A_317 {strides = array<i32>} : memref<128x144xf32, #tpu.memory_space<vmem>>, vector<1x16xf32>,
      %scan3A_318 = arith.constant 0 : i32
      scf.yield %scan3A_318 : i32
    }
    %scan3A_38 = arith.constant 1152 : i32
    %mul3A_39 = arith.constant 640 : i32
    %mul3A_40 = arith.muli %arg1, %mul3A_39 : i32
    %add3A_41 = arith.constant 0 : i32
    %add3A_42 = arith.addi %mul3A_40, %add3A_41 : i32
    "tpu.region"() ({
      %run_scoped3A_279 = tpu.sem_alloc : memref<!tpu.dma_semaphore, #tpu.memory_space<semaphore_mem>>
      %dma_start3A_280 = arith.constant 0 : i32
      %dma_start3A_281 = tpu.memref_slice %arg8[%add3A_42, %dma_start3A_280] : memref<10240x144xf32, #tpu.memory_space<vmem_shared>> -> memref<128x144xf32, #tpu.memory_space<vmem_shared>>
      %dma_start3A_282 = arith.constant 0 : i32
      %dma_start3A_283 = tpu.memref_slice %arg8[%add3A_42, %dma_start3A_282] : memref<10240x144xf32, #tpu.memory_space<vmem_shared>> -> memref<128x144xf32, #tpu.memory_space<vmem_shared>>
      tpu.enqueue_dma source(%arg11 : memref<128x144xf32, #tpu.memory_space<vmem>>) target(%dma_start3A_283 : memref<128x144xf32, #tpu.memory_space<vmem_shared>>) target_semaphore(%run_scoped3A_279 : memref<!tpu.dma_semaphore, #tpu.memory_space<semaphore_mem>>)
      %dma_wait3A_284 = arith.constant 0 : i32
      %dma_wait3A_285 = tpu.memref_slice %arg8[%add3A_42, %dma_wait3A_284] : memref<10240x144xf32, #tpu.memory_space<vmem_shared>> -> memref<128x144xf32, #tpu.memory_space<vmem_shared>>
      %dma_wait3A_286 = arith.constant 0 : i32
      %dma_wait3A_287 = tpu.memref_slice %arg8[%add3A_42, %dma_wait3A_286] : memref<10240x144xf32, #tpu.memory_space<vmem_shared>> -> memref<128x144xf32, #tpu.memory_space<vmem_shared>>
      tpu.wait_dma2 semaphore(%run_scoped3A_279 : memref<!tpu.dma_semaphore, #tpu.memory_space<semaphore_mem>>) src(%arg11 : memref<128x144xf32, #tpu.memory_space<vmem>>) dst(%dma_wait3A_287 : memref<128x144xf32, #tpu.memory_space<vmem_shared>>)
      tpu.yield
    }) : () -> ()
    %add3A_43 = arith.constant 128 : i32
    %add3A_44 = arith.addi %mul3A_40, %add3A_43 : i32
    "tpu.region"() ({
      %run_scoped3A_279 = tpu.sem_alloc : memref<!tpu.dma_semaphore, #tpu.memory_space<semaphore_mem>>
      %dma_start3A_280 = arith.constant 0 : i32
      %dma_start3A_281 = tpu.memref_slice %arg8[%add3A_44, %dma_start3A_280] : memref<10240x144xf32, #tpu.memory_space<vmem_shared>> -> memref<128x144xf32, #tpu.memory_space<vmem_shared>>
      %dma_start3A_282 = arith.constant 0 : i32
      %dma_start3A_283 = tpu.memref_slice %arg8[%add3A_44, %dma_start3A_282] : memref<10240x144xf32, #tpu.memory_space<vmem_shared>> -> memref<128x144xf32, #tpu.memory_space<vmem_shared>>
      tpu.enqueue_dma source(%arg11 : memref<128x144xf32, #tpu.memory_space<vmem>>) target(%dma_start3A_283 : memref<128x144xf32, #tpu.memory_space<vmem_shared>>) target_semaphore(%run_scoped3A_279 : memref<!tpu.dma_semaphore, #tpu.memory_space<semaphore_mem>>)
      %dma_wait3A_284 = arith.constant 0 : i32
      %dma_wait3A_285 = tpu.memref_slice %arg8[%add3A_44, %dma_wait3A_284] : memref<10240x144xf32, #tpu.memory_space<vmem_shared>> -> memref<128x144xf32, #tpu.memory_space<vmem_shared>>
      %dma_wait3A_286 = arith.constant 0 : i32
      %dma_wait3A_287 = tpu.memref_slice %arg8[%add3A_44, %dma_wait3A_286] : memref<10240x144xf32, #tpu.memory_space<vmem_shared>> -> memref<128x144xf32, #tpu.memory_space<vmem_shared>>
      tpu.wait_dma2 semaphore(%run_scoped3A_279 : memref<!tpu.dma_semaphore, #tpu.memory_space<semaphore_mem>>) src(%arg11 : memref<128x144xf32, #tpu.memory_space<vmem>>) dst(%dma_wait3A_287 : memref<128x144xf32, #tpu.memory_space<vmem_shared>>)
      tpu.yield
    }) : () -> ()
    %add3A_45 = arith.constant 256 : i32
    %add3A_46 = arith.addi %mul3A_40, %add3A_45 : i32
    "tpu.region"() ({
      %run_scoped3A_279 = tpu.sem_alloc : memref<!tpu.dma_semaphore, #tpu.memory_space<semaphore_mem>>
      %dma_start3A_280 = arith.constant 0 : i32
      %dma_start3A_281 = tpu.memref_slice %arg8[%add3A_46, %dma_start3A_280] : memref<10240x144xf32, #tpu.memory_space<vmem_shared>> -> memref<128x144xf32, #tpu.memory_space<vmem_shared>>
      %dma_start3A_282 = arith.constant 0 : i32
      %dma_start3A_283 = tpu.memref_slice %arg8[%add3A_46, %dma_start3A_282] : memref<10240x144xf32, #tpu.memory_space<vmem_shared>> -> memref<128x144xf32, #tpu.memory_space<vmem_shared>>
      tpu.enqueue_dma source(%arg11 : memref<128x144xf32, #tpu.memory_space<vmem>>) target(%dma_start3A_283 : memref<128x144xf32, #tpu.memory_space<vmem_shared>>) target_semaphore(%run_scoped3A_279 : memref<!tpu.dma_semaphore, #tpu.memory_space<semaphore_mem>>)
      %dma_wait3A_284 = arith.constant 0 : i32
      %dma_wait3A_285 = tpu.memref_slice %arg8[%add3A_46, %dma_wait3A_284] : memref<10240x144xf32, #tpu.memory_space<vmem_shared>> -> memref<128x144xf32, #tpu.memory_space<vmem_shared>>
      %dma_wait3A_286 = arith.constant 0 : i32
      %dma_wait3A_287 = tpu.memref_slice %arg8[%add3A_46, %dma_wait3A_286] : memref<10240x144xf32, #tpu.memory_space<vmem_shared>> -> memref<128x144xf32, #tpu.memory_space<vmem_shared>>
      tpu.wait_dma2 semaphore(%run_scoped3A_279 : memref<!tpu.dma_semaphore, #tpu.memory_space<semaphore_mem>>) src(%arg11 : memref<128x144xf32, #tpu.memory_space<vmem>>) dst(%dma_wait3A_287 : memref<128x144xf32, #tpu.memory_space<vmem_shared>>)
      tpu.yield
    }) : () -> ()
    %add3A_47 = arith.constant 384 : i32
    %add3A_48 = arith.addi %mul3A_40, %add3A_47 : i32
    "tpu.region"() ({
      %run_scoped3A_279 = tpu.sem_alloc : memref<!tpu.dma_semaphore, #tpu.memory_space<semaphore_mem>>
      %dma_start3A_280 = arith.constant 0 : i32
      %dma_start3A_281 = tpu.memref_slice %arg8[%add3A_48, %dma_start3A_280] : memref<10240x144xf32, #tpu.memory_space<vmem_shared>> -> memref<128x144xf32, #tpu.memory_space<vmem_shared>>
      %dma_start3A_282 = arith.constant 0 : i32
      %dma_start3A_283 = tpu.memref_slice %arg8[%add3A_48, %dma_start3A_282] : memref<10240x144xf32, #tpu.memory_space<vmem_shared>> -> memref<128x144xf32, #tpu.memory_space<vmem_shared>>
      tpu.enqueue_dma source(%arg11 : memref<128x144xf32, #tpu.memory_space<vmem>>) target(%dma_start3A_283 : memref<128x144xf32, #tpu.memory_space<vmem_shared>>) target_semaphore(%run_scoped3A_279 : memref<!tpu.dma_semaphore, #tpu.memory_space<semaphore_mem>>)
      %dma_wait3A_284 = arith.constant 0 : i32
      %dma_wait3A_285 = tpu.memref_slice %arg8[%add3A_48, %dma_wait3A_284] : memref<10240x144xf32, #tpu.memory_space<vmem_shared>> -> memref<128x144xf32, #tpu.memory_space<vmem_shared>>
      %dma_wait3A_286 = arith.constant 0 : i32
      %dma_wait3A_287 = tpu.memref_slice %arg8[%add3A_48, %dma_wait3A_286] : memref<10240x144xf32, #tpu.memory_space<vmem_shared>> -> memref<128x144xf32, #tpu.memory_space<vmem_shared>>
      tpu.wait_dma2 semaphore(%run_scoped3A_279 : memref<!tpu.dma_semaphore, #tpu.memory_space<semaphore_mem>>) src(%arg11 : memref<128x144xf32, #tpu.memory_space<vmem>>) dst(%dma_wait3A_287 : memref<128x144xf32, #tpu.memory_space<vmem_shared>>)
      tpu.yield
    }) : () -> ()
    %add3A_49 = arith.constant 512 : i32
    %add3A_50 = arith.addi %mul3A_40, %add3A_49 : i32
    "tpu.region"() ({
      %run_scoped3A_279 = tpu.sem_alloc : memref<!tpu.dma_semaphore, #tpu.memory_space<semaphore_mem>>
      %dma_start3A_280 = arith.constant 0 : i32
      %dma_start3A_281 = tpu.memref_slice %arg8[%add3A_50, %dma_start3A_280] : memref<10240x144xf32, #tpu.memory_space<vmem_shared>> -> memref<128x144xf32, #tpu.memory_space<vmem_shared>>
      %dma_start3A_282 = arith.constant 0 : i32
      %dma_start3A_283 = tpu.memref_slice %arg8[%add3A_50, %dma_start3A_282] : memref<10240x144xf32, #tpu.memory_space<vmem_shared>> -> memref<128x144xf32, #tpu.memory_space<vmem_shared>>
      tpu.enqueue_dma source(%arg11 : memref<128x144xf32, #tpu.memory_space<vmem>>) target(%dma_start3A_283 : memref<128x144xf32, #tpu.memory_space<vmem_shared>>) target_semaphore(%run_scoped3A_279 : memref<!tpu.dma_semaphore, #tpu.memory_space<semaphore_mem>>)
      %dma_wait3A_284 = arith.constant 0 : i32
      %dma_wait3A_285 = tpu.memref_slice %arg8[%add3A_50, %dma_wait3A_284] : memref<10240x144xf32, #tpu.memory_space<vmem_shared>> -> memref<128x144xf32, #tpu.memory_space<vmem_shared>>
      %dma_wait3A_286 = arith.constant 0 : i32
      %dma_wait3A_287 = tpu.memref_slice %arg8[%add3A_50, %dma_wait3A_286] : memref<10240x144xf32, #tpu.memory_space<vmem_shared>> -> memref<128x144xf32, #tpu.memory_space<vmem_shared>>
      tpu.wait_dma2 semaphore(%run_scoped3A_279 : memref<!tpu.dma_semaphore, #tpu.memory_space<semaphore_mem>>) src(%arg11 : memref<128x144xf32, #tpu.memory_space<vmem>>) dst(%dma_wait3A_287 : memref<128x144xf32, #tpu.memory_space<vmem_shared>>)
      tpu.yield
    }) : () -> ()
    %barrier3A = arith.constant 0 : index
    tpu.barrier barrier_id(%barrier3A)
    %add3A_51 = arith.constant 0 : i32
    %add3A_52 = arith.addi %mul3A_2, %add3A_51 : i32
    %run_scoped3A = arith.constant 0 : i32
    "tpu.region"() ({
      %run_scoped3A_279 = tpu.sem_alloc : memref<!tpu.dma_semaphore, #tpu.memory_space<semaphore_mem>>
      %dma_start3A_280 = arith.constant 0 : i32
      %dma_start3A_281 = tpu.memref_slice %arg9[%run_scoped3A, %dma_start3A_280] : memref<4x128xi32, #tpu.memory_space<vmem>> -> memref<1x128xi32, #tpu.memory_space<vmem>>
      %dma_start3A_282 = tpu.memref_squeeze %dma_start3A_281 : memref<1x128xi32, #tpu.memory_space<vmem>> -> memref<128xi32, #tpu.memory_space<vmem>>
      %dma_start3A_283 = arith.constant 0 : i32
      %dma_start3A_284 = tpu.memref_slice %arg2[%add3A_52, %dma_start3A_283] : memref<2560x128xi32, #tpu.memory_space<hbm>> -> memref<1x128xi32, #tpu.memory_space<hbm>>
      %dma_start3A_285 = tpu.memref_squeeze %dma_start3A_284 : memref<1x128xi32, #tpu.memory_space<hbm>> -> memref<128xi32, #tpu.memory_space<hbm>>
      %dma_start3A_286 = arith.constant 0 : i32
      %dma_start3A_287 = tpu.memref_slice %arg9[%run_scoped3A, %dma_start3A_286] : memref<4x128xi32, #tpu.memory_space<vmem>> -> memref<1x128xi32, #tpu.memory_space<vmem>>
      %dma_start3A_288 = tpu.memref_squeeze %dma_start3A_287 : memref<1x128xi32, #tpu.memory_space<vmem>> -> memref<128xi32, #tpu.memory_space<vmem>>
      %dma_start3A_289 = arith.constant 0 : i32
      %dma_start3A_290 = tpu.memref_slice %arg2[%add3A_52, %dma_start3A_289] : memref<2560x128xi32, #tpu.memory_space<hbm>> -> memref<1x128xi32, #tpu.memory_space<hbm>>
      %dma_start3A_291 = tpu.memref_squeeze %dma_start3A_290 : memref<1x128xi32, #tpu.memory_space<hbm>> -> memref<128xi32, #tpu.memory_space<hbm>>
      tpu.enqueue_dma source(%dma_start3A_291 : memref<128xi32, #tpu.memory_space<hbm>>) target(%dma_start3A_288 : memref<128xi32, #tpu.memory_space<vmem>>) target_semaphore(%run_scoped3A_279 : memref<!tpu.dma_semaphore, #tpu.memory_space<semaphore_mem>>)
      %dma_wait3A_292 = arith.constant 0 : i32
      %dma_wait3A_293 = tpu.memref_slice %arg9[%run_scoped3A, %dma_wait3A_292] : memref<4x128xi32, #tpu.memory_space<vmem>> -> memref<1x128xi32, #tpu.memory_space<vmem>>
      %dma_wait3A_294 = tpu.memref_squeeze %dma_wait3A_293 : memref<1x128xi32, #tpu.memory_space<vmem>> -> memref<128xi32, #tpu.memory_space<vmem>>
      %dma_wait3A_295 = arith.constant 0 : i32
      %dma_wait3A_296 = tpu.memref_slice %arg2[%add3A_52, %dma_wait3A_295] : memref<2560x128xi32, #tpu.memory_space<hbm>> -> memref<1x128xi32, #tpu.memory_space<hbm>>
      %dma_wait3A_297 = tpu.memref_squeeze %dma_wait3A_296 : memref<1x128xi32, #tpu.memory_space<hbm>> -> memref<128xi32, #tpu.memory_space<hbm>>
      %dma_wait3A_298 = arith.constant 0 : i32
      %dma_wait3A_299 = tpu.memref_slice %arg9[%run_scoped3A, %dma_wait3A_298] : memref<4x128xi32, #tpu.memory_space<vmem>> -> memref<1x128xi32, #tpu.memory_space<vmem>>
      %dma_wait3A_300 = tpu.memref_squeeze %dma_wait3A_299 : memref<1x128xi32, #tpu.memory_space<vmem>> -> memref<128xi32, #tpu.memory_space<vmem>>
      %dma_wait3A_301 = arith.constant 0 : i32
      %dma_wait3A_302 = tpu.memref_slice %arg2[%add3A_52, %dma_wait3A_301] : memref<2560x128xi32, #tpu.memory_space<hbm>> -> memref<1x128xi32, #tpu.memory_space<hbm>>
      %dma_wait3A_303 = tpu.memref_squeeze %dma_wait3A_302 : memref<1x128xi32, #tpu.memory_space<hbm>> -> memref<128xi32, #tpu.memory_space<hbm>>
      tpu.wait_dma2 semaphore(%run_scoped3A_279 : memref<!tpu.dma_semaphore, #tpu.memory_space<semaphore_mem>>) src(%dma_wait3A_303 : memref<128xi32, #tpu.memory_space<hbm>>) dst(%dma_wait3A_300 : memref<128xi32, #tpu.memory_space<vmem>>)
      tpu.yield
    }) : () -> ()
    %add3A_53 = arith.constant 0 : i32
    %add3A_54 = arith.addi %mul3A_2, %add3A_53 : i32
    %run_scoped3A_55 = arith.constant 0 : i32
    "tpu.region"() ({
      %run_scoped3A_279 = tpu.sem_alloc : memref<!tpu.dma_semaphore, #tpu.memory_space<semaphore_mem>>
      %dma_start3A_280 = arith.constant 0 : i32
      %dma_start3A_281 = tpu.memref_slice %arg10[%run_scoped3A_55, %dma_start3A_280] : memref<4x128xi32, #tpu.memory_space<vmem>> -> memref<1x128xi32, #tpu.memory_space<vmem>>
      %dma_start3A_282 = tpu.memref_squeeze %dma_start3A_281 : memref<1x128xi32, #tpu.memory_space<vmem>> -> memref<128xi32, #tpu.memory_space<vmem>>
      %dma_start3A_283 = arith.constant 0 : i32
      %dma_start3A_284 = tpu.memref_slice %arg3[%add3A_54, %dma_start3A_283] : memref<2560x128xi32, #tpu.memory_space<hbm>> -> memref<1x128xi32, #tpu.memory_space<hbm>>
      %dma_start3A_285 = tpu.memref_squeeze %dma_start3A_284 : memref<1x128xi32, #tpu.memory_space<hbm>> -> memref<128xi32, #tpu.memory_space<hbm>>
      %dma_start3A_286 = arith.constant 0 : i32
      %dma_start3A_287 = tpu.memref_slice %arg10[%run_scoped3A_55, %dma_start3A_286] : memref<4x128xi32, #tpu.memory_space<vmem>> -> memref<1x128xi32, #tpu.memory_space<vmem>>
      %dma_start3A_288 = tpu.memref_squeeze %dma_start3A_287 : memref<1x128xi32, #tpu.memory_space<vmem>> -> memref<128xi32, #tpu.memory_space<vmem>>
      %dma_start3A_289 = arith.constant 0 : i32
      %dma_start3A_290 = tpu.memref_slice %arg3[%add3A_54, %dma_start3A_289] : memref<2560x128xi32, #tpu.memory_space<hbm>> -> memref<1x128xi32, #tpu.memory_space<hbm>>
      %dma_start3A_291 = tpu.memref_squeeze %dma_start3A_290 : memref<1x128xi32, #tpu.memory_space<hbm>> -> memref<128xi32, #tpu.memory_space<hbm>>
      tpu.enqueue_dma source(%dma_start3A_291 : memref<128xi32, #tpu.memory_space<hbm>>) target(%dma_start3A_288 : memref<128xi32, #tpu.memory_space<vmem>>) target_semaphore(%run_scoped3A_279 : memref<!tpu.dma_semaphore, #tpu.memory_space<semaphore_mem>>)
      %dma_wait3A_292 = arith.constant 0 : i32
      %dma_wait3A_293 = tpu.memref_slice %arg10[%run_scoped3A_55, %dma_wait3A_292] : memref<4x128xi32, #tpu.memory_space<vmem>> -> memref<1x128xi32, #tpu.memory_space<vmem>>
      %dma_wait3A_294 = tpu.memref_squeeze %dma_wait3A_293 : memref<1x128xi32, #tpu.memory_space<vmem>> -> memref<128xi32, #tpu.memory_space<vmem>>
      %dma_wait3A_295 = arith.constant 0 : i32
      %dma_wait3A_296 = tpu.memref_slice %arg3[%add3A_54, %dma_wait3A_295] : memref<2560x128xi32, #tpu.memory_space<hbm>> -> memref<1x128xi32, #tpu.memory_space<hbm>>
      %dma_wait3A_297 = tpu.memref_squeeze %dma_wait3A_296 : memref<1x128xi32, #tpu.memory_space<hbm>> -> memref<128xi32, #tpu.memory_space<hbm>>
      %dma_wait3A_298 = arith.constant 0 : i32
      %dma_wait3A_299 = tpu.memref_slice %arg10[%run_scoped3A_55, %dma_wait3A_298] : memref<4x128xi32, #tpu.memory_space<vmem>> -> memref<1x128xi32, #tpu.memory_space<vmem>>
      %dma_wait3A_300 = tpu.memref_squeeze %dma_wait3A_299 : memref<1x128xi32, #tpu.memory_space<vmem>> -> memref<128xi32, #tpu.memory_space<vmem>>
      %dma_wait3A_301 = arith.constant 0 : i32
      %dma_wait3A_302 = tpu.memref_slice %arg3[%add3A_54, %dma_wait3A_301] : memref<2560x128xi32, #tpu.memory_space<hbm>> -> memref<1x128xi32, #tpu.memory_space<hbm>>
      %dma_wait3A_303 = tpu.memref_squeeze %dma_wait3A_302 : memref<1x128xi32, #tpu.memory_space<hbm>> -> memref<128xi32, #tpu.memory_space<hbm>>
      tpu.wait_dma2 semaphore(%run_scoped3A_279 : memref<!tpu.dma_semaphore, #tpu.memory_space<semaphore_mem>>) src(%dma_wait3A_303 : memref<128xi32, #tpu.memory_space<hbm>>) dst(%dma_wait3A_300 : memref<128xi32, #tpu.memory_space<vmem>>)
      tpu.yield
    }) : () -> ()
    %add3A_56 = arith.constant 1 : i32
    %add3A_57 = arith.addi %mul3A_2, %add3A_56 : i32
    %run_scoped3A_58 = arith.constant 1 : i32
    "tpu.region"() ({
      %run_scoped3A_279 = tpu.sem_alloc : memref<!tpu.dma_semaphore, #tpu.memory_space<semaphore_mem>>
      %dma_start3A_280 = arith.constant 0 : i32
      %dma_start3A_281 = tpu.memref_slice %arg9[%run_scoped3A_58, %dma_start3A_280] : memref<4x128xi32, #tpu.memory_space<vmem>> -> memref<1x128xi32, #tpu.memory_space<vmem>>
      %dma_start3A_282 = tpu.memref_squeeze %dma_start3A_281 : memref<1x128xi32, #tpu.memory_space<vmem>> -> memref<128xi32, #tpu.memory_space<vmem>>
      %dma_start3A_283 = arith.constant 0 : i32
      %dma_start3A_284 = tpu.memref_slice %arg2[%add3A_57, %dma_start3A_283] : memref<2560x128xi32, #tpu.memory_space<hbm>> -> memref<1x128xi32, #tpu.memory_space<hbm>>
      %dma_start3A_285 = tpu.memref_squeeze %dma_start3A_284 : memref<1x128xi32, #tpu.memory_space<hbm>> -> memref<128xi32, #tpu.memory_space<hbm>>
      %dma_start3A_286 = arith.constant 0 : i32
      %dma_start3A_287 = tpu.memref_slice %arg9[%run_scoped3A_58, %dma_start3A_286] : memref<4x128xi32, #tpu.memory_space<vmem>> -> memref<1x128xi32, #tpu.memory_space<vmem>>
      %dma_start3A_288 = tpu.memref_squeeze %dma_start3A_287 : memref<1x128xi32, #tpu.memory_space<vmem>> -> memref<128xi32, #tpu.memory_space<vmem>>
      %dma_start3A_289 = arith.constant 0 : i32
      %dma_start3A_290 = tpu.memref_slice %arg2[%add3A_57, %dma_start3A_289] : memref<2560x128xi32, #tpu.memory_space<hbm>> -> memref<1x128xi32, #tpu.memory_space<hbm>>
      %dma_start3A_291 = tpu.memref_squeeze %dma_start3A_290 : memref<1x128xi32, #tpu.memory_space<hbm>> -> memref<128xi32, #tpu.memory_space<hbm>>
      tpu.enqueue_dma source(%dma_start3A_291 : memref<128xi32, #tpu.memory_space<hbm>>) target(%dma_start3A_288 : memref<128xi32, #tpu.memory_space<vmem>>) target_semaphore(%run_scoped3A_279 : memref<!tpu.dma_semaphore, #tpu.memory_space<semaphore_mem>>)
      %dma_wait3A_292 = arith.constant 0 : i32
      %dma_wait3A_293 = tpu.memref_slice %arg9[%run_scoped3A_58, %dma_wait3A_292] : memref<4x128xi32, #tpu.memory_space<vmem>> -> memref<1x128xi32, #tpu.memory_space<vmem>>
      %dma_wait3A_294 = tpu.memref_squeeze %dma_wait3A_293 : memref<1x128xi32, #tpu.memory_space<vmem>> -> memref<128xi32, #tpu.memory_space<vmem>>
      %dma_wait3A_295 = arith.constant 0 : i32
      %dma_wait3A_296 = tpu.memref_slice %arg2[%add3A_57, %dma_wait3A_295] : memref<2560x128xi32, #tpu.memory_space<hbm>> -> memref<1x128xi32, #tpu.memory_space<hbm>>
      %dma_wait3A_297 = tpu.memref_squeeze %dma_wait3A_296 : memref<1x128xi32, #tpu.memory_space<hbm>> -> memref<128xi32, #tpu.memory_space<hbm>>
      %dma_wait3A_298 = arith.constant 0 : i32
      %dma_wait3A_299 = tpu.memref_slice %arg9[%run_scoped3A_58, %dma_wait3A_298] : memref<4x128xi32, #tpu.memory_space<vmem>> -> memref<1x128xi32, #tpu.memory_space<vmem>>
      %dma_wait3A_300 = tpu.memref_squeeze %dma_wait3A_299 : memref<1x128xi32, #tpu.memory_space<vmem>> -> memref<128xi32, #tpu.memory_space<vmem>>
      %dma_wait3A_301 = arith.constant 0 : i32
      %dma_wait3A_302 = tpu.memref_slice %arg2[%add3A_57, %dma_wait3A_301] : memref<2560x128xi32, #tpu.memory_space<hbm>> -> memref<1x128xi32, #tpu.memory_space<hbm>>
      %dma_wait3A_303 = tpu.memref_squeeze %dma_wait3A_302 : memref<1x128xi32, #tpu.memory_space<hbm>> -> memref<128xi32, #tpu.memory_space<hbm>>
      tpu.wait_dma2 semaphore(%run_scoped3A_279 : memref<!tpu.dma_semaphore, #tpu.memory_space<semaphore_mem>>) src(%dma_wait3A_303 : memref<128xi32, #tpu.memory_space<hbm>>) dst(%dma_wait3A_300 : memref<128xi32, #tpu.memory_space<vmem>>)
      tpu.yield
    }) : () -> ()
    %add3A_59 = arith.constant 1 : i32
    %add3A_60 = arith.addi %mul3A_2, %add3A_59 : i32
    %run_scoped3A_61 = arith.constant 1 : i32
    "tpu.region"() ({
      %run_scoped3A_279 = tpu.sem_alloc : memref<!tpu.dma_semaphore, #tpu.memory_space<semaphore_mem>>
      %dma_start3A_280 = arith.constant 0 : i32
      %dma_start3A_281 = tpu.memref_slice %arg10[%run_scoped3A_61, %dma_start3A_280] : memref<4x128xi32, #tpu.memory_space<vmem>> -> memref<1x128xi32, #tpu.memory_space<vmem>>
      %dma_start3A_282 = tpu.memref_squeeze %dma_start3A_281 : memref<1x128xi32, #tpu.memory_space<vmem>> -> memref<128xi32, #tpu.memory_space<vmem>>
      %dma_start3A_283 = arith.constant 0 : i32
      %dma_start3A_284 = tpu.memref_slice %arg3[%add3A_60, %dma_start3A_283] : memref<2560x128xi32, #tpu.memory_space<hbm>> -> memref<1x128xi32, #tpu.memory_space<hbm>>
      %dma_start3A_285 = tpu.memref_squeeze %dma_start3A_284 : memref<1x128xi32, #tpu.memory_space<hbm>> -> memref<128xi32, #tpu.memory_space<hbm>>
      %dma_start3A_286 = arith.constant 0 : i32
      %dma_start3A_287 = tpu.memref_slice %arg10[%run_scoped3A_61, %dma_start3A_286] : memref<4x128xi32, #tpu.memory_space<vmem>> -> memref<1x128xi32, #tpu.memory_space<vmem>>
      %dma_start3A_288 = tpu.memref_squeeze %dma_start3A_287 : memref<1x128xi32, #tpu.memory_space<vmem>> -> memref<128xi32, #tpu.memory_space<vmem>>
      %dma_start3A_289 = arith.constant 0 : i32
      %dma_start3A_290 = tpu.memref_slice %arg3[%add3A_60, %dma_start3A_289] : memref<2560x128xi32, #tpu.memory_space<hbm>> -> memref<1x128xi32, #tpu.memory_space<hbm>>
      %dma_start3A_291 = tpu.memref_squeeze %dma_start3A_290 : memref<1x128xi32, #tpu.memory_space<hbm>> -> memref<128xi32, #tpu.memory_space<hbm>>
      tpu.enqueue_dma source(%dma_start3A_291 : memref<128xi32, #tpu.memory_space<hbm>>) target(%dma_start3A_288 : memref<128xi32, #tpu.memory_space<vmem>>) target_semaphore(%run_scoped3A_279 : memref<!tpu.dma_semaphore, #tpu.memory_space<semaphore_mem>>)
      %dma_wait3A_292 = arith.constant 0 : i32
      %dma_wait3A_293 = tpu.memref_slice %arg10[%run_scoped3A_61, %dma_wait3A_292] : memref<4x128xi32, #tpu.memory_space<vmem>> -> memref<1x128xi32, #tpu.memory_space<vmem>>
      %dma_wait3A_294 = tpu.memref_squeeze %dma_wait3A_293 : memref<1x128xi32, #tpu.memory_space<vmem>> -> memref<128xi32, #tpu.memory_space<vmem>>
      %dma_wait3A_295 = arith.constant 0 : i32
      %dma_wait3A_296 = tpu.memref_slice %arg3[%add3A_60, %dma_wait3A_295] : memref<2560x128xi32, #tpu.memory_space<hbm>> -> memref<1x128xi32, #tpu.memory_space<hbm>>
      %dma_wait3A_297 = tpu.memref_squeeze %dma_wait3A_296 : memref<1x128xi32, #tpu.memory_space<hbm>> -> memref<128xi32, #tpu.memory_space<hbm>>
      %dma_wait3A_298 = arith.constant 0 : i32
      %dma_wait3A_299 = tpu.memref_slice %arg10[%run_scoped3A_61, %dma_wait3A_298] : memref<4x128xi32, #tpu.memory_space<vmem>> -> memref<1x128xi32, #tpu.memory_space<vmem>>
      %dma_wait3A_300 = tpu.memref_squeeze %dma_wait3A_299 : memref<1x128xi32, #tpu.memory_space<vmem>> -> memref<128xi32, #tpu.memory_space<vmem>>
      %dma_wait3A_301 = arith.constant 0 : i32
      %dma_wait3A_302 = tpu.memref_slice %arg3[%add3A_60, %dma_wait3A_301] : memref<2560x128xi32, #tpu.memory_space<hbm>> -> memref<1x128xi32, #tpu.memory_space<hbm>>
      %dma_wait3A_303 = tpu.memref_squeeze %dma_wait3A_302 : memref<1x128xi32, #tpu.memory_space<hbm>> -> memref<128xi32, #tpu.memory_space<hbm>>
      tpu.wait_dma2 semaphore(%run_scoped3A_279 : memref<!tpu.dma_semaphore, #tpu.memory_space<semaphore_mem>>) src(%dma_wait3A_303 : memref<128xi32, #tpu.memory_space<hbm>>) dst(%dma_wait3A_300 : memref<128xi32, #tpu.memory_space<vmem>>)
      tpu.yield
    }) : () -> ()
    %dma_start3A = arith.constant 0 : i32
    %dma_start3A_62 = arith.constant 0 : i32
    %dma_start3A_63 = tpu.memref_slice %arg9[%dma_start3A, %dma_start3A_62] : memref<4x128xi32, #tpu.memory_space<vmem>> -> memref<1x128xi32, #tpu.memory_space<vmem>>
    %dma_start3A_64 = tpu.memref_squeeze %dma_start3A_63 : memref<1x128xi32, #tpu.memory_space<vmem>> -> memref<128xi32, #tpu.memory_space<vmem>>
    %dma_start3A_65 = arith.constant 0 : i32
    %dma_start3A_66 = arith.constant 0 : i32
    %dma_start3A_67 = tpu.memref_slice %arg7[%arg0, %dma_start3A_65, %dma_start3A_66] : memref<2x10000x144xf32, #tpu.memory_space<hbm>> -> memref<1x10000x144xf32, #tpu.memory_space<hbm>>
    %dma_start3A_68 = tpu.memref_squeeze %dma_start3A_67 : memref<1x10000x144xf32, #tpu.memory_space<hbm>> -> memref<10000x144xf32, #tpu.memory_space<hbm>>
    %dma_start3A_69 = arith.constant 0 : i32
    %dma_start3A_70 = arith.constant 0 : i32
    %dma_start3A_71 = tpu.memref_slice %dma_start3A_68[%dma_start3A_69, %dma_start3A_70] : memref<10000x144xf32, #tpu.memory_space<hbm>> -> memref<10000x144xf32, #tpu.memory_space<hbm>>
    tpu.enqueue_indirect_dma source(%dma_start3A_71 : memref<10000x144xf32, #tpu.memory_space<hbm>>) target(%arg11 : memref<128x144xf32, #tpu.memory_space<vmem>>) offsets(%dma_start3A_64 : memref<128xi32, #tpu.memory_space<vmem>>) semaphore(%arg13 : memref<!tpu.dma_semaphore, #tpu.memory_space<semaphore_mem>>)
    %dma_start3A_72 = arith.constant 1 : i32
    %dma_start3A_73 = arith.constant 0 : i32
    %dma_start3A_74 = tpu.memref_slice %arg9[%dma_start3A_72, %dma_start3A_73] : memref<4x128xi32, #tpu.memory_space<vmem>> -> memref<1x128xi32, #tpu.memory_space<vmem>>
    %dma_start3A_75 = tpu.memref_squeeze %dma_start3A_74 : memref<1x128xi32, #tpu.memory_space<vmem>> -> memref<128xi32, #tpu.memory_space<vmem>>
    %dma_start3A_76 = arith.constant 0 : i32
    %dma_start3A_77 = arith.constant 0 : i32
    %dma_start3A_78 = tpu.memref_slice %arg7[%arg0, %dma_start3A_76, %dma_start3A_77] : memref<2x10000x144xf32, #tpu.memory_space<hbm>> -> memref<1x10000x144xf32, #tpu.memory_space<hbm>>
    %dma_start3A_79 = tpu.memref_squeeze %dma_start3A_78 : memref<1x10000x144xf32, #tpu.memory_space<hbm>> -> memref<10000x144xf32, #tpu.memory_space<hbm>>
    %dma_start3A_80 = arith.constant 0 : i32
    %dma_start3A_81 = arith.constant 0 : i32
    %dma_start3A_82 = tpu.memref_slice %dma_start3A_79[%dma_start3A_80, %dma_start3A_81] : memref<10000x144xf32, #tpu.memory_space<hbm>> -> memref<10000x144xf32, #tpu.memory_space<hbm>>
    tpu.enqueue_indirect_dma source(%dma_start3A_82 : memref<10000x144xf32, #tpu.memory_space<hbm>>) target(%arg12 : memref<128x144xf32, #tpu.memory_space<vmem>>) offsets(%dma_start3A_75 : memref<128xi32, #tpu.memory_space<vmem>>) semaphore(%arg14 : memref<!tpu.dma_semaphore, #tpu.memory_space<semaphore_mem>>)
    %add3A_83 = arith.constant 2 : i32
    %add3A_84 = arith.addi %mul3A_2, %add3A_83 : i32
    %dma_start3A_85 = arith.constant 2 : i32
    %dma_start3A_86 = arith.constant 0 : i32
    %dma_start3A_87 = tpu.memref_slice %arg9[%dma_start3A_85, %dma_start3A_86] : memref<4x128xi32, #tpu.memory_space<vmem>> -> memref<1x128xi32, #tpu.memory_space<vmem>>
    %dma_start3A_88 = tpu.memref_squeeze %dma_start3A_87 : memref<1x128xi32, #tpu.memory_space<vmem>> -> memref<128xi32, #tpu.memory_space<vmem>>
    %dma_start3A_89 = arith.constant 0 : i32
    %dma_start3A_90 = tpu.memref_slice %arg2[%add3A_84, %dma_start3A_89] : memref<2560x128xi32, #tpu.memory_space<hbm>> -> memref<1x128xi32, #tpu.memory_space<hbm>>
    %dma_start3A_91 = tpu.memref_squeeze %dma_start3A_90 : memref<1x128xi32, #tpu.memory_space<hbm>> -> memref<128xi32, #tpu.memory_space<hbm>>
    %dma_start3A_92 = arith.constant 0 : i32
    %dma_start3A_93 = tpu.memref_slice %arg9[%dma_start3A_85, %dma_start3A_92] : memref<4x128xi32, #tpu.memory_space<vmem>> -> memref<1x128xi32, #tpu.memory_space<vmem>>
    %dma_start3A_94 = tpu.memref_squeeze %dma_start3A_93 : memref<1x128xi32, #tpu.memory_space<vmem>> -> memref<128xi32, #tpu.memory_space<vmem>>
    %dma_start3A_95 = arith.constant 0 : i32
    %dma_start3A_96 = tpu.memref_slice %arg2[%add3A_84, %dma_start3A_95] : memref<2560x128xi32, #tpu.memory_space<hbm>> -> memref<1x128xi32, #tpu.memory_space<hbm>>
    %dma_start3A_97 = tpu.memref_squeeze %dma_start3A_96 : memref<1x128xi32, #tpu.memory_space<hbm>> -> memref<128xi32, #tpu.memory_space<hbm>>
    tpu.enqueue_dma source(%dma_start3A_97 : memref<128xi32, #tpu.memory_space<hbm>>) target(%dma_start3A_94 : memref<128xi32, #tpu.memory_space<vmem>>) target_semaphore(%arg17 : memref<!tpu.dma_semaphore, #tpu.memory_space<semaphore_mem>>)
    %add3A_98 = arith.constant 2 : i32
    %add3A_99 = arith.addi %mul3A_2, %add3A_98 : i32
    %dma_start3A_100 = arith.constant 2 : i32
    %dma_start3A_101 = arith.constant 0 : i32
    %dma_start3A_102 = tpu.memref_slice %arg10[%dma_start3A_100, %dma_start3A_101] : memref<4x128xi32, #tpu.memory_space<vmem>> -> memref<1x128xi32, #tpu.memory_space<vmem>>
    %dma_start3A_103 = tpu.memref_squeeze %dma_start3A_102 : memref<1x128xi32, #tpu.memory_space<vmem>> -> memref<128xi32, #tpu.memory_space<vmem>>
    %dma_start3A_104 = arith.constant 0 : i32
    %dma_start3A_105 = tpu.memref_slice %arg3[%add3A_99, %dma_start3A_104] : memref<2560x128xi32, #tpu.memory_space<hbm>> -> memref<1x128xi32, #tpu.memory_space<hbm>>
    %dma_start3A_106 = tpu.memref_squeeze %dma_start3A_105 : memref<1x128xi32, #tpu.memory_space<hbm>> -> memref<128xi32, #tpu.memory_space<hbm>>
    %dma_start3A_107 = arith.constant 0 : i32
    %dma_start3A_108 = tpu.memref_slice %arg10[%dma_start3A_100, %dma_start3A_107] : memref<4x128xi32, #tpu.memory_space<vmem>> -> memref<1x128xi32, #tpu.memory_space<vmem>>
    %dma_start3A_109 = tpu.memref_squeeze %dma_start3A_108 : memref<1x128xi32, #tpu.memory_space<vmem>> -> memref<128xi32, #tpu.memory_space<vmem>>
    %dma_start3A_110 = arith.constant 0 : i32
    %dma_start3A_111 = tpu.memref_slice %arg3[%add3A_99, %dma_start3A_110] : memref<2560x128xi32, #tpu.memory_space<hbm>> -> memref<1x128xi32, #tpu.memory_space<hbm>>
    %dma_start3A_112 = tpu.memref_squeeze %dma_start3A_111 : memref<1x128xi32, #tpu.memory_space<hbm>> -> memref<128xi32, #tpu.memory_space<hbm>>
    tpu.enqueue_dma source(%dma_start3A_112 : memref<128xi32, #tpu.memory_space<hbm>>) target(%dma_start3A_109 : memref<128xi32, #tpu.memory_space<vmem>>) target_semaphore(%arg17 : memref<!tpu.dma_semaphore, #tpu.memory_space<semaphore_mem>>)
    %add3A_113 = arith.constant 3 : i32
    %add3A_114 = arith.addi %mul3A_2, %add3A_113 : i32
    %dma_start3A_115 = arith.constant 3 : i32
    %dma_start3A_116 = arith.constant 0 : i32
    %dma_start3A_117 = tpu.memref_slice %arg9[%dma_start3A_115, %dma_start3A_116] : memref<4x128xi32, #tpu.memory_space<vmem>> -> memref<1x128xi32, #tpu.memory_space<vmem>>
    %dma_start3A_118 = tpu.memref_squeeze %dma_start3A_117 : memref<1x128xi32, #tpu.memory_space<vmem>> -> memref<128xi32, #tpu.memory_space<vmem>>
    %dma_start3A_119 = arith.constant 0 : i32
    %dma_start3A_120 = tpu.memref_slice %arg2[%add3A_114, %dma_start3A_119] : memref<2560x128xi32, #tpu.memory_space<hbm>> -> memref<1x128xi32, #tpu.memory_space<hbm>>
    %dma_start3A_121 = tpu.memref_squeeze %dma_start3A_120 : memref<1x128xi32, #tpu.memory_space<hbm>> -> memref<128xi32, #tpu.memory_space<hbm>>
    %dma_start3A_122 = arith.constant 0 : i32
    %dma_start3A_123 = tpu.memref_slice %arg9[%dma_start3A_115, %dma_start3A_122] : memref<4x128xi32, #tpu.memory_space<vmem>> -> memref<1x128xi32, #tpu.memory_space<vmem>>
    %dma_start3A_124 = tpu.memref_squeeze %dma_start3A_123 : memref<1x128xi32, #tpu.memory_space<vmem>> -> memref<128xi32, #tpu.memory_space<vmem>>
    %dma_start3A_125 = arith.constant 0 : i32
    %dma_start3A_126 = tpu.memref_slice %arg2[%add3A_114, %dma_start3A_125] : memref<2560x128xi32, #tpu.memory_space<hbm>> -> memref<1x128xi32, #tpu.memory_space<hbm>>
    %dma_start3A_127 = tpu.memref_squeeze %dma_start3A_126 : memref<1x128xi32, #tpu.memory_space<hbm>> -> memref<128xi32, #tpu.memory_space<hbm>>
    tpu.enqueue_dma source(%dma_start3A_127 : memref<128xi32, #tpu.memory_space<hbm>>) target(%dma_start3A_124 : memref<128xi32, #tpu.memory_space<vmem>>) target_semaphore(%arg18 : memref<!tpu.dma_semaphore, #tpu.memory_space<semaphore_mem>>)
    %add3A_128 = arith.constant 3 : i32
    %add3A_129 = arith.addi %mul3A_2, %add3A_128 : i32
    %dma_start3A_130 = arith.constant 3 : i32
    %dma_start3A_131 = arith.constant 0 : i32
    %dma_start3A_132 = tpu.memref_slice %arg10[%dma_start3A_130, %dma_start3A_131] : memref<4x128xi32, #tpu.memory_space<vmem>> -> memref<1x128xi32, #tpu.memory_space<vmem>>
    %dma_start3A_133 = tpu.memref_squeeze %dma_start3A_132 : memref<1x128xi32, #tpu.memory_space<vmem>> -> memref<128xi32, #tpu.memory_space<vmem>>
    %dma_start3A_134 = arith.constant 0 : i32
    %dma_start3A_135 = tpu.memref_slice %arg3[%add3A_129, %dma_start3A_134] : memref<2560x128xi32, #tpu.memory_space<hbm>> -> memref<1x128xi32, #tpu.memory_space<hbm>>
    %dma_start3A_136 = tpu.memref_squeeze %dma_start3A_135 : memref<1x128xi32, #tpu.memory_space<hbm>> -> memref<128xi32, #tpu.memory_space<hbm>>
    %dma_start3A_137 = arith.constant 0 : i32
    %dma_start3A_138 = tpu.memref_slice %arg10[%dma_start3A_130, %dma_start3A_137] : memref<4x128xi32, #tpu.memory_space<vmem>> -> memref<1x128xi32, #tpu.memory_space<vmem>>
    %dma_start3A_139 = tpu.memref_squeeze %dma_start3A_138 : memref<1x128xi32, #tpu.memory_space<vmem>> -> memref<128xi32, #tpu.memory_space<vmem>>
    %dma_start3A_140 = arith.constant 0 : i32
    %dma_start3A_141 = tpu.memref_slice %arg3[%add3A_129, %dma_start3A_140] : memref<2560x128xi32, #tpu.memory_space<hbm>> -> memref<1x128xi32, #tpu.memory_space<hbm>>
    %dma_start3A_142 = tpu.memref_squeeze %dma_start3A_141 : memref<1x128xi32, #tpu.memory_space<hbm>> -> memref<128xi32, #tpu.memory_space<hbm>>
    tpu.enqueue_dma source(%dma_start3A_142 : memref<128xi32, #tpu.memory_space<hbm>>) target(%dma_start3A_139 : memref<128xi32, #tpu.memory_space<vmem>>) target_semaphore(%arg18 : memref<!tpu.dma_semaphore, #tpu.memory_space<semaphore_mem>>)
    %scan3A_143 = arith.constant 0 : i32
    %scan3A_144 = arith.constant 0 : i32
    %scan3A_145 = arith.constant 19 : i32
    %scan3A_146 = arith.addi %scan3A_144, %scan3A_145 : i32
    %scan3A_147 = arith.constant 1 : i32
    %scan3A_148 = scf.for %scan3A_279 = %scan3A_144 to %scan3A_146 step %scan3A_147 iter_args(%scan3A_280 = %scan3A_143) -> (i32)  : i32 {
      %mul3A_281 = arith.constant 4 : i32
      %mul3A_282 = arith.muli %mul3A_281, %scan3A_279 : i32
      %dma_wait3A_283 = arith.constant 0 : i32
      %dma_wait3A_284 = arith.constant 0 : i32
      %dma_wait3A_285 = tpu.memref_slice %arg9[%dma_wait3A_283, %dma_wait3A_284] : memref<4x128xi32, #tpu.memory_space<vmem>> -> memref<1x128xi32, #tpu.memory_space<vmem>>
      %dma_wait3A_286 = tpu.memref_squeeze %dma_wait3A_285 : memref<1x128xi32, #tpu.memory_space<vmem>> -> memref<128xi32, #tpu.memory_space<vmem>>
      %dma_wait3A_287 = arith.constant 0 : i32
      %dma_wait3A_288 = arith.constant 0 : i32
      %dma_wait3A_289 = tpu.memref_slice %arg7[%arg0, %dma_wait3A_287, %dma_wait3A_288] : memref<2x10000x144xf32, #tpu.memory_space<hbm>> -> memref<1x10000x144xf32, #tpu.memory_space<hbm>>
      %dma_wait3A_290 = tpu.memref_squeeze %dma_wait3A_289 : memref<1x10000x144xf32, #tpu.memory_space<hbm>> -> memref<10000x144xf32, #tpu.memory_space<hbm>>
      %dma_wait3A_291 = arith.constant 0 : i32
      %dma_wait3A_292 = arith.constant 0 : i32
      %dma_wait3A_293 = tpu.memref_slice %dma_wait3A_290[%dma_wait3A_291, %dma_wait3A_292] : memref<10000x144xf32, #tpu.memory_space<hbm>> -> memref<10000x144xf32, #tpu.memory_space<hbm>>
      tpu.wait_indirect_dma semaphore(%arg13 : memref<!tpu.dma_semaphore, #tpu.memory_space<semaphore_mem>>) src(%dma_wait3A_293 : memref<10000x144xf32, #tpu.memory_space<hbm>>) dst(%arg11 : memref<128x144xf32, #tpu.memory_space<vmem>>)
      %run_scoped3A_294 = arith.constant 0 : i32
      "tpu.region"() ({
        %run_scoped3A_606 = tpu.sem_alloc : memref<!tpu.dma_semaphore, #tpu.memory_space<semaphore_mem>>
        %dma_start3A_607 = arith.constant 0 : i32
        %dma_start3A_608 = tpu.memref_slice %arg10[%run_scoped3A_294, %dma_start3A_607] : memref<4x128xi32, #tpu.memory_space<vmem>> -> memref<1x128xi32, #tpu.memory_space<vmem>>
        %dma_start3A_609 = tpu.memref_squeeze %dma_start3A_608 : memref<1x128xi32, #tpu.memory_space<vmem>> -> memref<128xi32, #tpu.memory_space<vmem>>
        %dma_start3A_610 = arith.constant 0 : i32
        %dma_start3A_611 = arith.constant 0 : i32
        %dma_start3A_612 = tpu.memref_slice %arg8[%dma_start3A_610, %dma_start3A_611] : memref<10240x144xf32, #tpu.memory_space<vmem_shared>> -> memref<10240x144xf32, #tpu.memory_space<vmem_shared>>
        tpu.enqueue_indirect_dma source(%arg11 : memref<128x144xf32, #tpu.memory_space<vmem>>) target(%dma_start3A_612 : memref<10240x144xf32, #tpu.memory_space<vmem_shared>>) offsets(%dma_start3A_609 : memref<128xi32, #tpu.memory_space<vmem>>) semaphore(%run_scoped3A_606 : memref<!tpu.dma_semaphore, #tpu.memory_space<semaphore_mem>>) {add = true}
        %dma_wait3A_613 = arith.constant 0 : i32
        %dma_wait3A_614 = tpu.memref_slice %arg10[%run_scoped3A_294, %dma_wait3A_613] : memref<4x128xi32, #tpu.memory_space<vmem>> -> memref<1x128xi32, #tpu.memory_space<vmem>>
        %dma_wait3A_615 = tpu.memref_squeeze %dma_wait3A_614 : memref<1x128xi32, #tpu.memory_space<vmem>> -> memref<128xi32, #tpu.memory_space<vmem>>
        %dma_wait3A_616 = arith.constant 0 : i32
        %dma_wait3A_617 = arith.constant 0 : i32
        %dma_wait3A_618 = tpu.memref_slice %arg8[%dma_wait3A_616, %dma_wait3A_617] : memref<10240x144xf32, #tpu.memory_space<vmem_shared>> -> memref<10240x144xf32, #tpu.memory_space<vmem_shared>>
        tpu.wait_indirect_dma semaphore(%run_scoped3A_606 : memref<!tpu.dma_semaphore, #tpu.memory_space<semaphore_mem>>) src(%arg11 : memref<128x144xf32, #tpu.memory_space<vmem>>) dst(%dma_wait3A_618 : memref<10240x144xf32, #tpu.memory_space<vmem_shared>>)
        tpu.yield
      }) : () -> ()
      %dma_wait3A_295 = arith.constant 2 : i32
      %dma_wait3A_296 = arith.constant 0 : i32
      %dma_wait3A_297 = tpu.memref_slice %arg9[%dma_wait3A_295, %dma_wait3A_296] : memref<4x128xi32, #tpu.memory_space<vmem>> -> memref<1x128xi32, #tpu.memory_space<vmem>>
      %dma_wait3A_298 = tpu.memref_squeeze %dma_wait3A_297 : memref<1x128xi32, #tpu.memory_space<vmem>> -> memref<128xi32, #tpu.memory_space<vmem>>
      %dma_wait3A_299 = arith.constant 0 : i32
      %dma_wait3A_300 = tpu.memref_slice %arg2[%mul3A_2, %dma_wait3A_299] : memref<2560x128xi32, #tpu.memory_space<hbm>> -> memref<1x128xi32, #tpu.memory_space<hbm>>
      %dma_wait3A_301 = tpu.memref_squeeze %dma_wait3A_300 : memref<1x128xi32, #tpu.memory_space<hbm>> -> memref<128xi32, #tpu.memory_space<hbm>>
      %dma_wait3A_302 = arith.constant 0 : i32
      %dma_wait3A_303 = tpu.memref_slice %arg9[%dma_wait3A_295, %dma_wait3A_302] : memref<4x128xi32, #tpu.memory_space<vmem>> -> memref<1x128xi32, #tpu.memory_space<vmem>>
      %dma_wait3A_304 = tpu.memref_squeeze %dma_wait3A_303 : memref<1x128xi32, #tpu.memory_space<vmem>> -> memref<128xi32, #tpu.memory_space<vmem>>
      %dma_wait3A_305 = arith.constant 0 : i32
      %dma_wait3A_306 = tpu.memref_slice %arg2[%mul3A_2, %dma_wait3A_305] : memref<2560x128xi32, #tpu.memory_space<hbm>> -> memref<1x128xi32, #tpu.memory_space<hbm>>
      %dma_wait3A_307 = tpu.memref_squeeze %dma_wait3A_306 : memref<1x128xi32, #tpu.memory_space<hbm>> -> memref<128xi32, #tpu.memory_space<hbm>>
      tpu.wait_dma2 semaphore(%arg17 : memref<!tpu.dma_semaphore, #tpu.memory_space<semaphore_mem>>) src(%dma_wait3A_307 : memref<128xi32, #tpu.memory_space<hbm>>) dst(%dma_wait3A_304 : memref<128xi32, #tpu.memory_space<vmem>>)
      %dma_wait3A_308 = arith.constant 2 : i32
      %dma_wait3A_309 = arith.constant 0 : i32
      %dma_wait3A_310 = tpu.memref_slice %arg10[%dma_wait3A_308, %dma_wait3A_309] : memref<4x128xi32, #tpu.memory_space<vmem>> -> memref<1x128xi32, #tpu.memory_space<vmem>>
      %dma_wait3A_311 = tpu.memref_squeeze %dma_wait3A_310 : memref<1x128xi32, #tpu.memory_space<vmem>> -> memref<128xi32, #tpu.memory_space<vmem>>
      %dma_wait3A_312 = arith.constant 0 : i32
      %dma_wait3A_313 = tpu.memref_slice %arg3[%mul3A_2, %dma_wait3A_312] : memref<2560x128xi32, #tpu.memory_space<hbm>> -> memref<1x128xi32, #tpu.memory_space<hbm>>
      %dma_wait3A_314 = tpu.memref_squeeze %dma_wait3A_313 : memref<1x128xi32, #tpu.memory_space<hbm>> -> memref<128xi32, #tpu.memory_space<hbm>>
      %dma_wait3A_315 = arith.constant 0 : i32
      %dma_wait3A_316 = tpu.memref_slice %arg10[%dma_wait3A_308, %dma_wait3A_315] : memref<4x128xi32, #tpu.memory_space<vmem>> -> memref<1x128xi32, #tpu.memory_space<vmem>>
      %dma_wait3A_317 = tpu.memref_squeeze %dma_wait3A_316 : memref<1x128xi32, #tpu.memory_space<vmem>> -> memref<128xi32, #tpu.memory_space<vmem>>
      %dma_wait3A_318 = arith.constant 0 : i32
      %dma_wait3A_319 = tpu.memref_slice %arg3[%mul3A_2, %dma_wait3A_318] : memref<2560x128xi32, #tpu.memory_space<hbm>> -> memref<1x128xi32, #tpu.memory_space<hbm>>
      %dma_wait3A_320 = tpu.memref_squeeze %dma_wait3A_319 : memref<1x128xi32, #tpu.memory_space<hbm>> -> memref<128xi32, #tpu.memory_space<hbm>>
      tpu.wait_dma2 semaphore(%arg17 : memref<!tpu.dma_semaphore, #tpu.memory_space<semaphore_mem>>) src(%dma_wait3A_320 : memref<128xi32, #tpu.memory_space<hbm>>) dst(%dma_wait3A_317 : memref<128xi32, #tpu.memory_space<vmem>>)
      %dma_start3A_321 = arith.constant 2 : i32
      %dma_start3A_322 = arith.constant 0 : i32
      %dma_start3A_323 = tpu.memref_slice %arg9[%dma_start3A_321, %dma_start3A_322] : memref<4x128xi32, #tpu.memory_space<vmem>> -> memref<1x128xi32, #tpu.memory_space<vmem>>
      %dma_start3A_324 = tpu.memref_squeeze %dma_start3A_323 : memref<1x128xi32, #tpu.memory_space<vmem>> -> memref<128xi32, #tpu.memory_space<vmem>>
      %dma_start3A_325 = arith.constant 0 : i32
      %dma_start3A_326 = arith.constant 0 : i32
      %dma_start3A_327 = tpu.memref_slice %arg7[%arg0, %dma_start3A_325, %dma_start3A_326] : memref<2x10000x144xf32, #tpu.memory_space<hbm>> -> memref<1x10000x144xf32, #tpu.memory_space<hbm>>
      %dma_start3A_328 = tpu.memref_squeeze %dma_start3A_327 : memref<1x10000x144xf32, #tpu.memory_space<hbm>> -> memref<10000x144xf32, #tpu.memory_space<hbm>>
      %dma_start3A_329 = arith.constant 0 : i32
      %dma_start3A_330 = arith.constant 0 : i32
      %dma_start3A_331 = tpu.memref_slice %dma_start3A_328[%dma_start3A_329, %dma_start3A_330] : memref<10000x144xf32, #tpu.memory_space<hbm>> -> memref<10000x144xf32, #tpu.memory_space<hbm>>
      tpu.enqueue_indirect_dma source(%dma_start3A_331 : memref<10000x144xf32, #tpu.memory_space<hbm>>) target(%arg11 : memref<128x144xf32, #tpu.memory_space<vmem>>) offsets(%dma_start3A_324 : memref<128xi32, #tpu.memory_space<vmem>>) semaphore(%arg13 : memref<!tpu.dma_semaphore, #tpu.memory_space<semaphore_mem>>)
      %add3A_332 = arith.constant 4 : i32
      %add3A_333 = arith.addi %mul3A_282, %add3A_332 : i32
      %add3A_334 = arith.addi %mul3A_2, %add3A_333 : i32
      %dma_start3A_335 = arith.constant 0 : i32
      %dma_start3A_336 = arith.constant 0 : i32
      %dma_start3A_337 = tpu.memref_slice %arg9[%dma_start3A_335, %dma_start3A_336] : memref<4x128xi32, #tpu.memory_space<vmem>> -> memref<1x128xi32, #tpu.memory_space<vmem>>
      %dma_start3A_338 = tpu.memref_squeeze %dma_start3A_337 : memref<1x128xi32, #tpu.memory_space<vmem>> -> memref<128xi32, #tpu.memory_space<vmem>>
      %dma_start3A_339 = arith.constant 0 : i32
      %dma_start3A_340 = tpu.memref_slice %arg2[%add3A_334, %dma_start3A_339] : memref<2560x128xi32, #tpu.memory_space<hbm>> -> memref<1x128xi32, #tpu.memory_space<hbm>>
      %dma_start3A_341 = tpu.memref_squeeze %dma_start3A_340 : memref<1x128xi32, #tpu.memory_space<hbm>> -> memref<128xi32, #tpu.memory_space<hbm>>
      %dma_start3A_342 = arith.constant 0 : i32
      %dma_start3A_343 = tpu.memref_slice %arg9[%dma_start3A_335, %dma_start3A_342] : memref<4x128xi32, #tpu.memory_space<vmem>> -> memref<1x128xi32, #tpu.memory_space<vmem>>
      %dma_start3A_344 = tpu.memref_squeeze %dma_start3A_343 : memref<1x128xi32, #tpu.memory_space<vmem>> -> memref<128xi32, #tpu.memory_space<vmem>>
      %dma_start3A_345 = arith.constant 0 : i32
      %dma_start3A_346 = tpu.memref_slice %arg2[%add3A_334, %dma_start3A_345] : memref<2560x128xi32, #tpu.memory_space<hbm>> -> memref<1x128xi32, #tpu.memory_space<hbm>>
      %dma_start3A_347 = tpu.memref_squeeze %dma_start3A_346 : memref<1x128xi32, #tpu.memory_space<hbm>> -> memref<128xi32, #tpu.memory_space<hbm>>
      tpu.enqueue_dma source(%dma_start3A_347 : memref<128xi32, #tpu.memory_space<hbm>>) target(%dma_start3A_344 : memref<128xi32, #tpu.memory_space<vmem>>) target_semaphore(%arg15 : memref<!tpu.dma_semaphore, #tpu.memory_space<semaphore_mem>>)
      %add3A_348 = arith.addi %mul3A_2, %add3A_333 : i32
      %dma_start3A_349 = arith.constant 0 : i32
      %dma_start3A_350 = arith.constant 0 : i32
      %dma_start3A_351 = tpu.memref_slice %arg10[%dma_start3A_349, %dma_start3A_350] : memref<4x128xi32, #tpu.memory_space<vmem>> -> memref<1x128xi32, #tpu.memory_space<vmem>>
      %dma_start3A_352 = tpu.memref_squeeze %dma_start3A_351 : memref<1x128xi32, #tpu.memory_space<vmem>> -> memref<128xi32, #tpu.memory_space<vmem>>
      %dma_start3A_353 = arith.constant 0 : i32
      %dma_start3A_354 = tpu.memref_slice %arg3[%add3A_348, %dma_start3A_353] : memref<2560x128xi32, #tpu.memory_space<hbm>> -> memref<1x128xi32, #tpu.memory_space<hbm>>
      %dma_start3A_355 = tpu.memref_squeeze %dma_start3A_354 : memref<1x128xi32, #tpu.memory_space<hbm>> -> memref<128xi32, #tpu.memory_space<hbm>>
      %dma_start3A_356 = arith.constant 0 : i32
      %dma_start3A_357 = tpu.memref_slice %arg10[%dma_start3A_349, %dma_start3A_356] : memref<4x128xi32, #tpu.memory_space<vmem>> -> memref<1x128xi32, #tpu.memory_space<vmem>>
      %dma_start3A_358 = tpu.memref_squeeze %dma_start3A_357 : memref<1x128xi32, #tpu.memory_space<vmem>> -> memref<128xi32, #tpu.memory_space<vmem>>
      %dma_start3A_359 = arith.constant 0 : i32
      %dma_start3A_360 = tpu.memref_slice %arg3[%add3A_348, %dma_start3A_359] : memref<2560x128xi32, #tpu.memory_space<hbm>> -> memref<1x128xi32, #tpu.memory_space<hbm>>
      %dma_start3A_361 = tpu.memref_squeeze %dma_start3A_360 : memref<1x128xi32, #tpu.memory_space<hbm>> -> memref<128xi32, #tpu.memory_space<hbm>>
      tpu.enqueue_dma source(%dma_start3A_361 : memref<128xi32, #tpu.memory_space<hbm>>) target(%dma_start3A_358 : memref<128xi32, #tpu.memory_space<vmem>>) target_semaphore(%arg15 : memref<!tpu.dma_semaphore, #tpu.memory_space<semaphore_mem>>)
      %add3A_362 = arith.constant 1 : i32
      %add3A_363 = arith.addi %mul3A_282, %add3A_362 : i32
      %dma_wait3A_364 = arith.constant 0 : i32
      %dma_wait3A_365 = arith.constant 0 : i32
      %dma_wait3A_366 = tpu.memref_slice %arg9[%dma_wait3A_364, %dma_wait3A_365] : memref<4x128xi32, #tpu.memory_space<vmem>> -> memref<1x128xi32, #tpu.memory_space<vmem>>
      %dma_wait3A_367 = tpu.memref_squeeze %dma_wait3A_366 : memref<1x128xi32, #tpu.memory_space<vmem>> -> memref<128xi32, #tpu.memory_space<vmem>>
      %dma_wait3A_368 = arith.constant 0 : i32
      %dma_wait3A_369 = arith.constant 0 : i32
      %dma_wait3A_370 = tpu.memref_slice %arg7[%arg0, %dma_wait3A_368, %dma_wait3A_369] : memref<2x10000x144xf32, #tpu.memory_space<hbm>> -> memref<1x10000x144xf32, #tpu.memory_space<hbm>>
      %dma_wait3A_371 = tpu.memref_squeeze %dma_wait3A_370 : memref<1x10000x144xf32, #tpu.memory_space<hbm>> -> memref<10000x144xf32, #tpu.memory_space<hbm>>
      %dma_wait3A_372 = arith.constant 0 : i32
      %dma_wait3A_373 = arith.constant 0 : i32
      %dma_wait3A_374 = tpu.memref_slice %dma_wait3A_371[%dma_wait3A_372, %dma_wait3A_373] : memref<10000x144xf32, #tpu.memory_space<hbm>> -> memref<10000x144xf32, #tpu.memory_space<hbm>>
      tpu.wait_indirect_dma semaphore(%arg14 : memref<!tpu.dma_semaphore, #tpu.memory_space<semaphore_mem>>) src(%dma_wait3A_374 : memref<10000x144xf32, #tpu.memory_space<hbm>>) dst(%arg12 : memref<128x144xf32, #tpu.memory_space<vmem>>)
      %run_scoped3A_375 = arith.constant 1 : i32
      "tpu.region"() ({
        %run_scoped3A_606 = tpu.sem_alloc : memref<!tpu.dma_semaphore, #tpu.memory_space<semaphore_mem>>
        %dma_start3A_607 = arith.constant 0 : i32
        %dma_start3A_608 = tpu.memref_slice %arg10[%run_scoped3A_375, %dma_start3A_607] : memref<4x128xi32, #tpu.memory_space<vmem>> -> memref<1x128xi32, #tpu.memory_space<vmem>>
        %dma_start3A_609 = tpu.memref_squeeze %dma_start3A_608 : memref<1x128xi32, #tpu.memory_space<vmem>> -> memref<128xi32, #tpu.memory_space<vmem>>
        %dma_start3A_610 = arith.constant 0 : i32
        %dma_start3A_611 = arith.constant 0 : i32
        %dma_start3A_612 = tpu.memref_slice %arg8[%dma_start3A_610, %dma_start3A_611] : memref<10240x144xf32, #tpu.memory_space<vmem_shared>> -> memref<10240x144xf32, #tpu.memory_space<vmem_shared>>
        tpu.enqueue_indirect_dma source(%arg12 : memref<128x144xf32, #tpu.memory_space<vmem>>) target(%dma_start3A_612 : memref<10240x144xf32, #tpu.memory_space<vmem_shared>>) offsets(%dma_start3A_609 : memref<128xi32, #tpu.memory_space<vmem>>) semaphore(%run_scoped3A_606 : memref<!tpu.dma_semaphore, #tpu.memory_space<semaphore_mem>>) {add = true}
        %dma_wait3A_613 = arith.constant 0 : i32
        %dma_wait3A_614 = tpu.memref_slice %arg10[%run_scoped3A_375, %dma_wait3A_613] : memref<4x128xi32, #tpu.memory_space<vmem>> -> memref<1x128xi32, #tpu.memory_space<vmem>>
        %dma_wait3A_615 = tpu.memref_squeeze %dma_wait3A_614 : memref<1x128xi32, #tpu.memory_space<vmem>> -> memref<128xi32, #tpu.memory_space<vmem>>
        %dma_wait3A_616 = arith.constant 0 : i32
        %dma_wait3A_617 = arith.constant 0 : i32
        %dma_wait3A_618 = tpu.memref_slice %arg8[%dma_wait3A_616, %dma_wait3A_617] : memref<10240x144xf32, #tpu.memory_space<vmem_shared>> -> memref<10240x144xf32, #tpu.memory_space<vmem_shared>>
        tpu.wait_indirect_dma semaphore(%run_scoped3A_606 : memref<!tpu.dma_semaphore, #tpu.memory_space<semaphore_mem>>) src(%arg12 : memref<128x144xf32, #tpu.memory_space<vmem>>) dst(%dma_wait3A_618 : memref<10240x144xf32, #tpu.memory_space<vmem_shared>>)
        tpu.yield
      }) : () -> ()
      %dma_wait3A_376 = arith.constant 3 : i32
      %dma_wait3A_377 = arith.constant 0 : i32
      %dma_wait3A_378 = tpu.memref_slice %arg9[%dma_wait3A_376, %dma_wait3A_377] : memref<4x128xi32, #tpu.memory_space<vmem>> -> memref<1x128xi32, #tpu.memory_space<vmem>>
      %dma_wait3A_379 = tpu.memref_squeeze %dma_wait3A_378 : memref<1x128xi32, #tpu.memory_space<vmem>> -> memref<128xi32, #tpu.memory_space<vmem>>
      %dma_wait3A_380 = arith.constant 0 : i32
      %dma_wait3A_381 = tpu.memref_slice %arg2[%mul3A_2, %dma_wait3A_380] : memref<2560x128xi32, #tpu.memory_space<hbm>> -> memref<1x128xi32, #tpu.memory_space<hbm>>
      %dma_wait3A_382 = tpu.memref_squeeze %dma_wait3A_381 : memref<1x128xi32, #tpu.memory_space<hbm>> -> memref<128xi32, #tpu.memory_space<hbm>>
      %dma_wait3A_383 = arith.constant 0 : i32
      %dma_wait3A_384 = tpu.memref_slice %arg9[%dma_wait3A_376, %dma_wait3A_383] : memref<4x128xi32, #tpu.memory_space<vmem>> -> memref<1x128xi32, #tpu.memory_space<vmem>>
      %dma_wait3A_385 = tpu.memref_squeeze %dma_wait3A_384 : memref<1x128xi32, #tpu.memory_space<vmem>> -> memref<128xi32, #tpu.memory_space<vmem>>
      %dma_wait3A_386 = arith.constant 0 : i32
      %dma_wait3A_387 = tpu.memref_slice %arg2[%mul3A_2, %dma_wait3A_386] : memref<2560x128xi32, #tpu.memory_space<hbm>> -> memref<1x128xi32, #tpu.memory_space<hbm>>
      %dma_wait3A_388 = tpu.memref_squeeze %dma_wait3A_387 : memref<1x128xi32, #tpu.memory_space<hbm>> -> memref<128xi32, #tpu.memory_space<hbm>>
      tpu.wait_dma2 semaphore(%arg18 : memref<!tpu.dma_semaphore, #tpu.memory_space<semaphore_mem>>) src(%dma_wait3A_388 : memref<128xi32, #tpu.memory_space<hbm>>) dst(%dma_wait3A_385 : memref<128xi32, #tpu.memory_space<vmem>>)
      %dma_wait3A_389 = arith.constant 3 : i32
      %dma_wait3A_390 = arith.constant 0 : i32
      %dma_wait3A_391 = tpu.memref_slice %arg10[%dma_wait3A_389, %dma_wait3A_390] : memref<4x128xi32, #tpu.memory_space<vmem>> -> memref<1x128xi32, #tpu.memory_space<vmem>>
      %dma_wait3A_392 = tpu.memref_squeeze %dma_wait3A_391 : memref<1x128xi32, #tpu.memory_space<vmem>> -> memref<128xi32, #tpu.memory_space<vmem>>
      %dma_wait3A_393 = arith.constant 0 : i32
      %dma_wait3A_394 = tpu.memref_slice %arg3[%mul3A_2, %dma_wait3A_393] : memref<2560x128xi32, #tpu.memory_space<hbm>> -> memref<1x128xi32, #tpu.memory_space<hbm>>
      %dma_wait3A_395 = tpu.memref_squeeze %dma_wait3A_394 : memref<1x128xi32, #tpu.memory_space<hbm>> -> memref<128xi32, #tpu.memory_space<hbm>>
      %dma_wait3A_396 = arith.constant 0 : i32
      %dma_wait3A_397 = tpu.memref_slice %arg10[%dma_wait3A_389, %dma_wait3A_396] : memref<4x128xi32, #tpu.memory_space<vmem>> -> memref<1x128xi32, #tpu.memory_space<vmem>>
      %dma_wait3A_398 = tpu.memref_squeeze %dma_wait3A_397 : memref<1x128xi32, #tpu.memory_space<vmem>> -> memref<128xi32, #tpu.memory_space<vmem>>
      %dma_wait3A_399 = arith.constant 0 : i32
      %dma_wait3A_400 = tpu.memref_slice %arg3[%mul3A_2, %dma_wait3A_399] : memref<2560x128xi32, #tpu.memory_space<hbm>> -> memref<1x128xi32, #tpu.memory_space<hbm>>
      %dma_wait3A_401 = tpu.memref_squeeze %dma_wait3A_400 : memref<1x128xi32, #tpu.memory_space<hbm>> -> memref<128xi32, #tpu.memory_space<hbm>>
      tpu.wait_dma2 semaphore(%arg18 : memref<!tpu.dma_semaphore, #tpu.memory_space<semaphore_mem>>) src(%dma_wait3A_401 : memref<128xi32, #tpu.memory_space<hbm>>) dst(%dma_wait3A_398 : memref<128xi32, #tpu.memory_space<vmem>>)
      %dma_start3A_402 = arith.constant 3 : i32
      %dma_start3A_403 = arith.constant 0 : i32
      %dma_start3A_404 = tpu.memref_slice %arg9[%dma_start3A_402, %dma_start3A_403] : memref<4x128xi32, #tpu.memory_space<vmem>> -> memref<1x128xi32, #tpu.memory_space<vmem>>
      %dma_start3A_405 = tpu.memref_squeeze %dma_start3A_404 : memref<1x128xi32, #tpu.memory_space<vmem>> -> memref<128xi32, #tpu.memory_space<vmem>>
      %dma_start3A_406 = arith.constant 0 : i32
      %dma_start3A_407 = arith.constant 0 : i32
      %dma_start3A_408 = tpu.memref_slice %arg7[%arg0, %dma_start3A_406, %dma_start3A_407] : memref<2x10000x144xf32, #tpu.memory_space<hbm>> -> memref<1x10000x144xf32, #tpu.memory_space<hbm>>
      %dma_start3A_409 = tpu.memref_squeeze %dma_start3A_408 : memref<1x10000x144xf32, #tpu.memory_space<hbm>> -> memref<10000x144xf32, #tpu.memory_space<hbm>>
      %dma_start3A_410 = arith.constant 0 : i32
      %dma_start3A_411 = arith.constant 0 : i32
      %dma_start3A_412 = tpu.memref_slice %dma_start3A_409[%dma_start3A_410, %dma_start3A_411] : memref<10000x144xf32, #tpu.memory_space<hbm>> -> memref<10000x144xf32, #tpu.memory_space<hbm>>
      tpu.enqueue_indirect_dma source(%dma_start3A_412 : memref<10000x144xf32, #tpu.memory_space<hbm>>) target(%arg12 : memref<128x144xf32, #tpu.memory_space<vmem>>) offsets(%dma_start3A_405 : memref<128xi32, #tpu.memory_space<vmem>>) semaphore(%arg14 : memref<!tpu.dma_semaphore, #tpu.memory_space<semaphore_mem>>)
      %add3A_413 = arith.constant 4 : i32
      %add3A_414 = arith.addi %add3A_363, %add3A_413 : i32
      %add3A_415 = arith.addi %mul3A_2, %add3A_414 : i32
      %dma_start3A_416 = arith.constant 1 : i32
      %dma_start3A_417 = arith.constant 0 : i32
      %dma_start3A_418 = tpu.memref_slice %arg9[%dma_start3A_416, %dma_start3A_417] : memref<4x128xi32, #tpu.memory_space<vmem>> -> memref<1x128xi32, #tpu.memory_space<vmem>>
      %dma_start3A_419 = tpu.memref_squeeze %dma_start3A_418 : memref<1x128xi32, #tpu.memory_space<vmem>> -> memref<128xi32, #tpu.memory_space<vmem>>
      %dma_start3A_420 = arith.constant 0 : i32
      %dma_start3A_421 = tpu.memref_slice %arg2[%add3A_415, %dma_start3A_420] : memref<2560x128xi32, #tpu.memory_space<hbm>> -> memref<1x128xi32, #tpu.memory_space<hbm>>
      %dma_start3A_422 = tpu.memref_squeeze %dma_start3A_421 : memref<1x128xi32, #tpu.memory_space<hbm>> -> memref<128xi32, #tpu.memory_space<hbm>>
      %dma_start3A_423 = arith.constant 0 : i32
      %dma_start3A_424 = tpu.memref_slice %arg9[%dma_start3A_416, %dma_start3A_423] : memref<4x128xi32, #tpu.memory_space<vmem>> -> memref<1x128xi32, #tpu.memory_space<vmem>>
      %dma_start3A_425 = tpu.memref_squeeze %dma_start3A_424 : memref<1x128xi32, #tpu.memory_space<vmem>> -> memref<128xi32, #tpu.memory_space<vmem>>
      %dma_start3A_426 = arith.constant 0 : i32
      %dma_start3A_427 = tpu.memref_slice %arg2[%add3A_415, %dma_start3A_426] : memref<2560x128xi32, #tpu.memory_space<hbm>> -> memref<1x128xi32, #tpu.memory_space<hbm>>
      %dma_start3A_428 = tpu.memref_squeeze %dma_start3A_427 : memref<1x128xi32, #tpu.memory_space<hbm>> -> memref<128xi32, #tpu.memory_space<hbm>>
      tpu.enqueue_dma source(%dma_start3A_428 : memref<128xi32, #tpu.memory_space<hbm>>) target(%dma_start3A_425 : memref<128xi32, #tpu.memory_space<vmem>>) target_semaphore(%arg16 : memref<!tpu.dma_semaphore, #tpu.memory_space<semaphore_mem>>)
      %add3A_429 = arith.addi %mul3A_2, %add3A_414 : i32
      %dma_start3A_430 = arith.constant 1 : i32
      %dma_start3A_431 = arith.constant 0 : i32
      %dma_start3A_432 = tpu.memref_slice %arg10[%dma_start3A_430, %dma_start3A_431] : memref<4x128xi32, #tpu.memory_space<vmem>> -> memref<1x128xi32, #tpu.memory_space<vmem>>
      %dma_start3A_433 = tpu.memref_squeeze %dma_start3A_432 : memref<1x128xi32, #tpu.memory_space<vmem>> -> memref<128xi32, #tpu.memory_space<vmem>>
      %dma_start3A_434 = arith.constant 0 : i32
      %dma_start3A_435 = tpu.memref_slice %arg3[%add3A_429, %dma_start3A_434] : memref<2560x128xi32, #tpu.memory_space<hbm>> -> memref<1x128xi32, #tpu.memory_space<hbm>>
      %dma_start3A_436 = tpu.memref_squeeze %dma_start3A_435 : memref<1x128xi32, #tpu.memory_space<hbm>> -> memref<128xi32, #tpu.memory_space<hbm>>
      %dma_start3A_437 = arith.constant 0 : i32
      %dma_start3A_438 = tpu.memref_slice %arg10[%dma_start3A_430, %dma_start3A_437] : memref<4x128xi32, #tpu.memory_space<vmem>> -> memref<1x128xi32, #tpu.memory_space<vmem>>
      %dma_start3A_439 = tpu.memref_squeeze %dma_start3A_438 : memref<1x128xi32, #tpu.memory_space<vmem>> -> memref<128xi32, #tpu.memory_space<vmem>>
      %dma_start3A_440 = arith.constant 0 : i32
      %dma_start3A_441 = tpu.memref_slice %arg3[%add3A_429, %dma_start3A_440] : memref<2560x128xi32, #tpu.memory_space<hbm>> -> memref<1x128xi32, #tpu.memory_space<hbm>>
      %dma_start3A_442 = tpu.memref_squeeze %dma_start3A_441 : memref<1x128xi32, #tpu.memory_space<hbm>> -> memref<128xi32, #tpu.memory_space<hbm>>
      tpu.enqueue_dma source(%dma_start3A_442 : memref<128xi32, #tpu.memory_space<hbm>>) target(%dma_start3A_439 : memref<128xi32, #tpu.memory_space<vmem>>) target_semaphore(%arg16 : memref<!tpu.dma_semaphore, #tpu.memory_space<semaphore_mem>>)
      %add3A_443 = arith.constant 2 : i32
      %add3A_444 = arith.addi %mul3A_282, %add3A_443 : i32
      %dma_wait3A_445 = arith.constant 0 : i32
      %dma_wait3A_446 = arith.constant 0 : i32
      %dma_wait3A_447 = tpu.memref_slice %arg9[%dma_wait3A_445, %dma_wait3A_446] : memref<4x128xi32, #tpu.memory_space<vmem>> -> memref<1x128xi32, #tpu.memory_space<vmem>>
      %dma_wait3A_448 = tpu.memref_squeeze %dma_wait3A_447 : memref<1x128xi32, #tpu.memory_space<vmem>> -> memref<128xi32, #tpu.memory_space<vmem>>
      %dma_wait3A_449 = arith.constant 0 : i32
      %dma_wait3A_450 = arith.constant 0 : i32
      %dma_wait3A_451 = tpu.memref_slice %arg7[%arg0, %dma_wait3A_449, %dma_wait3A_450] : memref<2x10000x144xf32, #tpu.memory_space<hbm>> -> memref<1x10000x144xf32, #tpu.memory_space<hbm>>
      %dma_wait3A_452 = tpu.memref_squeeze %dma_wait3A_451 : memref<1x10000x144xf32, #tpu.memory_space<hbm>> -> memref<10000x144xf32, #tpu.memory_space<hbm>>
      %dma_wait3A_453 = arith.constant 0 : i32
      %dma_wait3A_454 = arith.constant 0 : i32
      %dma_wait3A_455 = tpu.memref_slice %dma_wait3A_452[%dma_wait3A_453, %dma_wait3A_454] : memref<10000x144xf32, #tpu.memory_space<hbm>> -> memref<10000x144xf32, #tpu.memory_space<hbm>>
      tpu.wait_indirect_dma semaphore(%arg13 : memref<!tpu.dma_semaphore, #tpu.memory_space<semaphore_mem>>) src(%dma_wait3A_455 : memref<10000x144xf32, #tpu.memory_space<hbm>>) dst(%arg11 : memref<128x144xf32, #tpu.memory_space<vmem>>)
      %run_scoped3A_456 = arith.constant 2 : i32
      "tpu.region"() ({
        %run_scoped3A_606 = tpu.sem_alloc : memref<!tpu.dma_semaphore, #tpu.memory_space<semaphore_mem>>
        %dma_start3A_607 = arith.constant 0 : i32
        %dma_start3A_608 = tpu.memref_slice %arg10[%run_scoped3A_456, %dma_start3A_607] : memref<4x128xi32, #tpu.memory_space<vmem>> -> memref<1x128xi32, #tpu.memory_space<vmem>>
        %dma_start3A_609 = tpu.memref_squeeze %dma_start3A_608 : memref<1x128xi32, #tpu.memory_space<vmem>> -> memref<128xi32, #tpu.memory_space<vmem>>
        %dma_start3A_610 = arith.constant 0 : i32
        %dma_start3A_611 = arith.constant 0 : i32
        %dma_start3A_612 = tpu.memref_slice %arg8[%dma_start3A_610, %dma_start3A_611] : memref<10240x144xf32, #tpu.memory_space<vmem_shared>> -> memref<10240x144xf32, #tpu.memory_space<vmem_shared>>
        tpu.enqueue_indirect_dma source(%arg11 : memref<128x144xf32, #tpu.memory_space<vmem>>) target(%dma_start3A_612 : memref<10240x144xf32, #tpu.memory_space<vmem_shared>>) offsets(%dma_start3A_609 : memref<128xi32, #tpu.memory_space<vmem>>) semaphore(%run_scoped3A_606 : memref<!tpu.dma_semaphore, #tpu.memory_space<semaphore_mem>>) {add = true}
        %dma_wait3A_613 = arith.constant 0 : i32
        %dma_wait3A_614 = tpu.memref_slice %arg10[%run_scoped3A_456, %dma_wait3A_613] : memref<4x128xi32, #tpu.memory_space<vmem>> -> memref<1x128xi32, #tpu.memory_space<vmem>>
        %dma_wait3A_615 = tpu.memref_squeeze %dma_wait3A_614 : memref<1x128xi32, #tpu.memory_space<vmem>> -> memref<128xi32, #tpu.memory_space<vmem>>
        %dma_wait3A_616 = arith.constant 0 : i32
        %dma_wait3A_617 = arith.constant 0 : i32
        %dma_wait3A_618 = tpu.memref_slice %arg8[%dma_wait3A_616, %dma_wait3A_617] : memref<10240x144xf32, #tpu.memory_space<vmem_shared>> -> memref<10240x144xf32, #tpu.memory_space<vmem_shared>>
        tpu.wait_indirect_dma semaphore(%run_scoped3A_606 : memref<!tpu.dma_semaphore, #tpu.memory_space<semaphore_mem>>) src(%arg11 : memref<128x144xf32, #tpu.memory_space<vmem>>) dst(%dma_wait3A_618 : memref<10240x144xf32, #tpu.memory_space<vmem_shared>>)
        tpu.yield
      }) : () -> ()
      %dma_wait3A_457 = arith.constant 0 : i32
      %dma_wait3A_458 = arith.constant 0 : i32
      %dma_wait3A_459 = tpu.memref_slice %arg9[%dma_wait3A_457, %dma_wait3A_458] : memref<4x128xi32, #tpu.memory_space<vmem>> -> memref<1x128xi32, #tpu.memory_space<vmem>>
      %dma_wait3A_460 = tpu.memref_squeeze %dma_wait3A_459 : memref<1x128xi32, #tpu.memory_space<vmem>> -> memref<128xi32, #tpu.memory_space<vmem>>
      %dma_wait3A_461 = arith.constant 0 : i32
      %dma_wait3A_462 = tpu.memref_slice %arg2[%mul3A_2, %dma_wait3A_461] : memref<2560x128xi32, #tpu.memory_space<hbm>> -> memref<1x128xi32, #tpu.memory_space<hbm>>
      %dma_wait3A_463 = tpu.memref_squeeze %dma_wait3A_462 : memref<1x128xi32, #tpu.memory_space<hbm>> -> memref<128xi32, #tpu.memory_space<hbm>>
      %dma_wait3A_464 = arith.constant 0 : i32
      %dma_wait3A_465 = tpu.memref_slice %arg9[%dma_wait3A_457, %dma_wait3A_464] : memref<4x128xi32, #tpu.memory_space<vmem>> -> memref<1x128xi32, #tpu.memory_space<vmem>>
      %dma_wait3A_466 = tpu.memref_squeeze %dma_wait3A_465 : memref<1x128xi32, #tpu.memory_space<vmem>> -> memref<128xi32, #tpu.memory_space<vmem>>
      %dma_wait3A_467 = arith.constant 0 : i32
      %dma_wait3A_468 = tpu.memref_slice %arg2[%mul3A_2, %dma_wait3A_467] : memref<2560x128xi32, #tpu.memory_space<hbm>> -> memref<1x128xi32, #tpu.memory_space<hbm>>
      %dma_wait3A_469 = tpu.memref_squeeze %dma_wait3A_468 : memref<1x128xi32, #tpu.memory_space<hbm>> -> memref<128xi32, #tpu.memory_space<hbm>>
      tpu.wait_dma2 semaphore(%arg15 : memref<!tpu.dma_semaphore, #tpu.memory_space<semaphore_mem>>) src(%dma_wait3A_469 : memref<128xi32, #tpu.memory_space<hbm>>) dst(%dma_wait3A_466 : memref<128xi32, #tpu.memory_space<vmem>>)
      %dma_wait3A_470 = arith.constant 0 : i32
      %dma_wait3A_471 = arith.constant 0 : i32
      %dma_wait3A_472 = tpu.memref_slice %arg10[%dma_wait3A_470, %dma_wait3A_471] : memref<4x128xi32, #tpu.memory_space<vmem>> -> memref<1x128xi32, #tpu.memory_space<vmem>>
      %dma_wait3A_473 = tpu.memref_squeeze %dma_wait3A_472 : memref<1x128xi32, #tpu.memory_space<vmem>> -> memref<128xi32, #tpu.memory_space<vmem>>
      %dma_wait3A_474 = arith.constant 0 : i32
      %dma_wait3A_475 = tpu.memref_slice %arg3[%mul3A_2, %dma_wait3A_474] : memref<2560x128xi32, #tpu.memory_space<hbm>> -> memref<1x128xi32, #tpu.memory_space<hbm>>
      %dma_wait3A_476 = tpu.memref_squeeze %dma_wait3A_475 : memref<1x128xi32, #tpu.memory_space<hbm>> -> memref<128xi32, #tpu.memory_space<hbm>>
      %dma_wait3A_477 = arith.constant 0 : i32
      %dma_wait3A_478 = tpu.memref_slice %arg10[%dma_wait3A_470, %dma_wait3A_477] : memref<4x128xi32, #tpu.memory_space<vmem>> -> memref<1x128xi32, #tpu.memory_space<vmem>>
      %dma_wait3A_479 = tpu.memref_squeeze %dma_wait3A_478 : memref<1x128xi32, #tpu.memory_space<vmem>> -> memref<128xi32, #tpu.memory_space<vmem>>
      %dma_wait3A_480 = arith.constant 0 : i32
      %dma_wait3A_481 = tpu.memref_slice %arg3[%mul3A_2, %dma_wait3A_480] : memref<2560x128xi32, #tpu.memory_space<hbm>> -> memref<1x128xi32, #tpu.memory_space<hbm>>
      %dma_wait3A_482 = tpu.memref_squeeze %dma_wait3A_481 : memref<1x128xi32, #tpu.memory_space<hbm>> -> memref<128xi32, #tpu.memory_space<hbm>>
      tpu.wait_dma2 semaphore(%arg15 : memref<!tpu.dma_semaphore, #tpu.memory_space<semaphore_mem>>) src(%dma_wait3A_482 : memref<128xi32, #tpu.memory_space<hbm>>) dst(%dma_wait3A_479 : memref<128xi32, #tpu.memory_space<vmem>>)
      %dma_start3A_483 = arith.constant 0 : i32
      %dma_start3A_484 = arith.constant 0 : i32
      %dma_start3A_485 = tpu.memref_slice %arg9[%dma_start3A_483, %dma_start3A_484] : memref<4x128xi32, #tpu.memory_space<vmem>> -> memref<1x128xi32, #tpu.memory_space<vmem>>
      %dma_start3A_486 = tpu.memref_squeeze %dma_start3A_485 : memref<1x128xi32, #tpu.memory_space<vmem>> -> memref<128xi32, #tpu.memory_space<vmem>>
      %dma_start3A_487 = arith.constant 0 : i32
      %dma_start3A_488 = arith.constant 0 : i32
      %dma_start3A_489 = tpu.memref_slice %arg7[%arg0, %dma_start3A_487, %dma_start3A_488] : memref<2x10000x144xf32, #tpu.memory_space<hbm>> -> memref<1x10000x144xf32, #tpu.memory_space<hbm>>
      %dma_start3A_490 = tpu.memref_squeeze %dma_start3A_489 : memref<1x10000x144xf32, #tpu.memory_space<hbm>> -> memref<10000x144xf32, #tpu.memory_space<hbm>>
      %dma_start3A_491 = arith.constant 0 : i32
      %dma_start3A_492 = arith.constant 0 : i32
      %dma_start3A_493 = tpu.memref_slice %dma_start3A_490[%dma_start3A_491, %dma_start3A_492] : memref<10000x144xf32, #tpu.memory_space<hbm>> -> memref<10000x144xf32, #tpu.memory_space<hbm>>
      tpu.enqueue_indirect_dma source(%dma_start3A_493 : memref<10000x144xf32, #tpu.memory_space<hbm>>) target(%arg11 : memref<128x144xf32, #tpu.memory_space<vmem>>) offsets(%dma_start3A_486 : memref<128xi32, #tpu.memory_space<vmem>>) semaphore(%arg13 : memref<!tpu.dma_semaphore, #tpu.memory_space<semaphore_mem>>)
      %add3A_494 = arith.constant 4 : i32
      %add3A_495 = arith.addi %add3A_444, %add3A_494 : i32
      %add3A_496 = arith.addi %mul3A_2, %add3A_495 : i32
      %dma_start3A_497 = arith.constant 2 : i32
      %dma_start3A_498 = arith.constant 0 : i32
      %dma_start3A_499 = tpu.memref_slice %arg9[%dma_start3A_497, %dma_start3A_498] : memref<4x128xi32, #tpu.memory_space<vmem>> -> memref<1x128xi32, #tpu.memory_space<vmem>>
      %dma_start3A_500 = tpu.memref_squeeze %dma_start3A_499 : memref<1x128xi32, #tpu.memory_space<vmem>> -> memref<128xi32, #tpu.memory_space<vmem>>
      %dma_start3A_501 = arith.constant 0 : i32
      %dma_start3A_502 = tpu.memref_slice %arg2[%add3A_496, %dma_start3A_501] : memref<2560x128xi32, #tpu.memory_space<hbm>> -> memref<1x128xi32, #tpu.memory_space<hbm>>
      %dma_start3A_503 = tpu.memref_squeeze %dma_start3A_502 : memref<1x128xi32, #tpu.memory_space<hbm>> -> memref<128xi32, #tpu.memory_space<hbm>>
      %dma_start3A_504 = arith.constant 0 : i32
      %dma_start3A_505 = tpu.memref_slice %arg9[%dma_start3A_497, %dma_start3A_504] : memref<4x128xi32, #tpu.memory_space<vmem>> -> memref<1x128xi32, #tpu.memory_space<vmem>>
      %dma_start3A_506 = tpu.memref_squeeze %dma_start3A_505 : memref<1x128xi32, #tpu.memory_space<vmem>> -> memref<128xi32, #tpu.memory_space<vmem>>
      %dma_start3A_507 = arith.constant 0 : i32
      %dma_start3A_508 = tpu.memref_slice %arg2[%add3A_496, %dma_start3A_507] : memref<2560x128xi32, #tpu.memory_space<hbm>> -> memref<1x128xi32, #tpu.memory_space<hbm>>
      %dma_start3A_509 = tpu.memref_squeeze %dma_start3A_508 : memref<1x128xi32, #tpu.memory_space<hbm>> -> memref<128xi32, #tpu.memory_space<hbm>>
      tpu.enqueue_dma source(%dma_start3A_509 : memref<128xi32, #tpu.memory_space<hbm>>) target(%dma_start3A_506 : memref<128xi32, #tpu.memory_space<vmem>>) target_semaphore(%arg17 : memref<!tpu.dma_semaphore, #tpu.memory_space<semaphore_mem>>)
      %add3A_510 = arith.addi %mul3A_2, %add3A_495 : i32
      %dma_start3A_511 = arith.constant 2 : i32
      %dma_start3A_512 = arith.constant 0 : i32
      %dma_start3A_513 = tpu.memref_slice %arg10[%dma_start3A_511, %dma_start3A_512] : memref<4x128xi32, #tpu.memory_space<vmem>> -> memref<1x128xi32, #tpu.memory_space<vmem>>
      %dma_start3A_514 = tpu.memref_squeeze %dma_start3A_513 : memref<1x128xi32, #tpu.memory_space<vmem>> -> memref<128xi32, #tpu.memory_space<vmem>>
      %dma_start3A_515 = arith.constant 0 : i32
      %dma_start3A_516 = tpu.memref_slice %arg3[%add3A_510, %dma_start3A_515] : memref<2560x128xi32, #tpu.memory_space<hbm>> -> memref<1x128xi32, #tpu.memory_space<hbm>>
      %dma_start3A_517 = tpu.memref_squeeze %dma_start3A_516 : memref<1x128xi32, #tpu.memory_space<hbm>> -> memref<128xi32, #tpu.memory_space<hbm>>
      %dma_start3A_518 = arith.constant 0 : i32
      %dma_start3A_519 = tpu.memref_slice %arg10[%dma_start3A_511, %dma_start3A_518] : memref<4x128xi32, #tpu.memory_space<vmem>> -> memref<1x128xi32, #tpu.memory_space<vmem>>
      %dma_start3A_520 = tpu.memref_squeeze %dma_start3A_519 : memref<1x128xi32, #tpu.memory_space<vmem>> -> memref<128xi32, #tpu.memory_space<vmem>>
      %dma_start3A_521 = arith.constant 0 : i32
      %dma_start3A_522 = tpu.memref_slice %arg3[%add3A_510, %dma_start3A_521] : memref<2560x128xi32, #tpu.memory_space<hbm>> -> memref<1x128xi32, #tpu.memory_space<hbm>>
      %dma_start3A_523 = tpu.memref_squeeze %dma_start3A_522 : memref<1x128xi32, #tpu.memory_space<hbm>> -> memref<128xi32, #tpu.memory_space<hbm>>
      tpu.enqueue_dma source(%dma_start3A_523 : memref<128xi32, #tpu.memory_space<hbm>>) target(%dma_start3A_520 : memref<128xi32, #tpu.memory_space<vmem>>) target_semaphore(%arg17 : memref<!tpu.dma_semaphore, #tpu.memory_space<semaphore_mem>>)
      %add3A_524 = arith.constant 3 : i32
      %add3A_525 = arith.addi %mul3A_282, %add3A_524 : i32
      %dma_wait3A_526 = arith.constant 0 : i32
      %dma_wait3A_527 = arith.constant 0 : i32
      %dma_wait3A_528 = tpu.memref_slice %arg9[%dma_wait3A_526, %dma_wait3A_527] : memref<4x128xi32, #tpu.memory_space<vmem>> -> memref<1x128xi32, #tpu.memory_space<vmem>>
      %dma_wait3A_529 = tpu.memref_squeeze %dma_wait3A_528 : memref<1x128xi32, #tpu.memory_space<vmem>> -> memref<128xi32, #tpu.memory_space<vmem>>
      %dma_wait3A_530 = arith.constant 0 : i32
      %dma_wait3A_531 = arith.constant 0 : i32
      %dma_wait3A_532 = tpu.memref_slice %arg7[%arg0, %dma_wait3A_530, %dma_wait3A_531] : memref<2x10000x144xf32, #tpu.memory_space<hbm>> -> memref<1x10000x144xf32, #tpu.memory_space<hbm>>
      %dma_wait3A_533 = tpu.memref_squeeze %dma_wait3A_532 : memref<1x10000x144xf32, #tpu.memory_space<hbm>> -> memref<10000x144xf32, #tpu.memory_space<hbm>>
      %dma_wait3A_534 = arith.constant 0 : i32
      %dma_wait3A_535 = arith.constant 0 : i32
      %dma_wait3A_536 = tpu.memref_slice %dma_wait3A_533[%dma_wait3A_534, %dma_wait3A_535] : memref<10000x144xf32, #tpu.memory_space<hbm>> -> memref<10000x144xf32, #tpu.memory_space<hbm>>
      tpu.wait_indirect_dma semaphore(%arg14 : memref<!tpu.dma_semaphore, #tpu.memory_space<semaphore_mem>>) src(%dma_wait3A_536 : memref<10000x144xf32, #tpu.memory_space<hbm>>) dst(%arg12 : memref<128x144xf32, #tpu.memory_space<vmem>>)
      %run_scoped3A_537 = arith.constant 3 : i32
      "tpu.region"() ({
        %run_scoped3A_606 = tpu.sem_alloc : memref<!tpu.dma_semaphore, #tpu.memory_space<semaphore_mem>>
        %dma_start3A_607 = arith.constant 0 : i32
        %dma_start3A_608 = tpu.memref_slice %arg10[%run_scoped3A_537, %dma_start3A_607] : memref<4x128xi32, #tpu.memory_space<vmem>> -> memref<1x128xi32, #tpu.memory_space<vmem>>
        %dma_start3A_609 = tpu.memref_squeeze %dma_start3A_608 : memref<1x128xi32, #tpu.memory_space<vmem>> -> memref<128xi32, #tpu.memory_space<vmem>>
        %dma_start3A_610 = arith.constant 0 : i32
        %dma_start3A_611 = arith.constant 0 : i32
        %dma_start3A_612 = tpu.memref_slice %arg8[%dma_start3A_610, %dma_start3A_611] : memref<10240x144xf32, #tpu.memory_space<vmem_shared>> -> memref<10240x144xf32, #tpu.memory_space<vmem_shared>>
        tpu.enqueue_indirect_dma source(%arg12 : memref<128x144xf32, #tpu.memory_space<vmem>>) target(%dma_start3A_612 : memref<10240x144xf32, #tpu.memory_space<vmem_shared>>) offsets(%dma_start3A_609 : memref<128xi32, #tpu.memory_space<vmem>>) semaphore(%run_scoped3A_606 : memref<!tpu.dma_semaphore, #tpu.memory_space<semaphore_mem>>) {add = true}
        %dma_wait3A_613 = arith.constant 0 : i32
        %dma_wait3A_614 = tpu.memref_slice %arg10[%run_scoped3A_537, %dma_wait3A_613] : memref<4x128xi32, #tpu.memory_space<vmem>> -> memref<1x128xi32, #tpu.memory_space<vmem>>
        %dma_wait3A_615 = tpu.memref_squeeze %dma_wait3A_614 : memref<1x128xi32, #tpu.memory_space<vmem>> -> memref<128xi32, #tpu.memory_space<vmem>>
        %dma_wait3A_616 = arith.constant 0 : i32
        %dma_wait3A_617 = arith.constant 0 : i32
        %dma_wait3A_618 = tpu.memref_slice %arg8[%dma_wait3A_616, %dma_wait3A_617] : memref<10240x144xf32, #tpu.memory_space<vmem_shared>> -> memref<10240x144xf32, #tpu.memory_space<vmem_shared>>
        tpu.wait_indirect_dma semaphore(%run_scoped3A_606 : memref<!tpu.dma_semaphore, #tpu.memory_space<semaphore_mem>>) src(%arg12 : memref<128x144xf32, #tpu.memory_space<vmem>>) dst(%dma_wait3A_618 : memref<10240x144xf32, #tpu.memory_space<vmem_shared>>)
        tpu.yield
      }) : () -> ()
      %dma_wait3A_538 = arith.constant 1 : i32
      %dma_wait3A_539 = arith.constant 0 : i32
      %dma_wait3A_540 = tpu.memref_slice %arg9[%dma_wait3A_538, %dma_wait3A_539] : memref<4x128xi32, #tpu.memory_space<vmem>> -> memref<1x128xi32, #tpu.memory_space<vmem>>
      %dma_wait3A_541 = tpu.memref_squeeze %dma_wait3A_540 : memref<1x128xi32, #tpu.memory_space<vmem>> -> memref<128xi32, #tpu.memory_space<vmem>>
      %dma_wait3A_542 = arith.constant 0 : i32
      %dma_wait3A_543 = tpu.memref_slice %arg2[%mul3A_2, %dma_wait3A_542] : memref<2560x128xi32, #tpu.memory_space<hbm>> -> memref<1x128xi32, #tpu.memory_space<hbm>>
      %dma_wait3A_544 = tpu.memref_squeeze %dma_wait3A_543 : memref<1x128xi32, #tpu.memory_space<hbm>> -> memref<128xi32, #tpu.memory_space<hbm>>
      %dma_wait3A_545 = arith.constant 0 : i32
      %dma_wait3A_546 = tpu.memref_slice %arg9[%dma_wait3A_538, %dma_wait3A_545] : memref<4x128xi32, #tpu.memory_space<vmem>> -> memref<1x128xi32, #tpu.memory_space<vmem>>
      %dma_wait3A_547 = tpu.memref_squeeze %dma_wait3A_546 : memref<1x128xi32, #tpu.memory_space<vmem>> -> memref<128xi32, #tpu.memory_space<vmem>>
      %dma_wait3A_548 = arith.constant 0 : i32
      %dma_wait3A_549 = tpu.memref_slice %arg2[%mul3A_2, %dma_wait3A_548] : memref<2560x128xi32, #tpu.memory_space<hbm>> -> memref<1x128xi32, #tpu.memory_space<hbm>>
      %dma_wait3A_550 = tpu.memref_squeeze %dma_wait3A_549 : memref<1x128xi32, #tpu.memory_space<hbm>> -> memref<128xi32, #tpu.memory_space<hbm>>
      tpu.wait_dma2 semaphore(%arg16 : memref<!tpu.dma_semaphore, #tpu.memory_space<semaphore_mem>>) src(%dma_wait3A_550 : memref<128xi32, #tpu.memory_space<hbm>>) dst(%dma_wait3A_547 : memref<128xi32, #tpu.memory_space<vmem>>)
      %dma_wait3A_551 = arith.constant 1 : i32
      %dma_wait3A_552 = arith.constant 0 : i32
      %dma_wait3A_553 = tpu.memref_slice %arg10[%dma_wait3A_551, %dma_wait3A_552] : memref<4x128xi32, #tpu.memory_space<vmem>> -> memref<1x128xi32, #tpu.memory_space<vmem>>
      %dma_wait3A_554 = tpu.memref_squeeze %dma_wait3A_553 : memref<1x128xi32, #tpu.memory_space<vmem>> -> memref<128xi32, #tpu.memory_space<vmem>>
      %dma_wait3A_555 = arith.constant 0 : i32
      %dma_wait3A_556 = tpu.memref_slice %arg3[%mul3A_2, %dma_wait3A_555] : memref<2560x128xi32, #tpu.memory_space<hbm>> -> memref<1x128xi32, #tpu.memory_space<hbm>>
      %dma_wait3A_557 = tpu.memref_squeeze %dma_wait3A_556 : memref<1x128xi32, #tpu.memory_space<hbm>> -> memref<128xi32, #tpu.memory_space<hbm>>
      %dma_wait3A_558 = arith.constant 0 : i32
      %dma_wait3A_559 = tpu.memref_slice %arg10[%dma_wait3A_551, %dma_wait3A_558] : memref<4x128xi32, #tpu.memory_space<vmem>> -> memref<1x128xi32, #tpu.memory_space<vmem>>
      %dma_wait3A_560 = tpu.memref_squeeze %dma_wait3A_559 : memref<1x128xi32, #tpu.memory_space<vmem>> -> memref<128xi32, #tpu.memory_space<vmem>>
      %dma_wait3A_561 = arith.constant 0 : i32
      %dma_wait3A_562 = tpu.memref_slice %arg3[%mul3A_2, %dma_wait3A_561] : memref<2560x128xi32, #tpu.memory_space<hbm>> -> memref<1x128xi32, #tpu.memory_space<hbm>>
      %dma_wait3A_563 = tpu.memref_squeeze %dma_wait3A_562 : memref<1x128xi32, #tpu.memory_space<hbm>> -> memref<128xi32, #tpu.memory_space<hbm>>
      tpu.wait_dma2 semaphore(%arg16 : memref<!tpu.dma_semaphore, #tpu.memory_space<semaphore_mem>>) src(%dma_wait3A_563 : memref<128xi32, #tpu.memory_space<hbm>>) dst(%dma_wait3A_560 : memref<128xi32, #tpu.memory_space<vmem>>)
      %dma_start3A_564 = arith.constant 1 : i32
      %dma_start3A_565 = arith.constant 0 : i32
      %dma_start3A_566 = tpu.memref_slice %arg9[%dma_start3A_564, %dma_start3A_565] : memref<4x128xi32, #tpu.memory_space<vmem>> -> memref<1x128xi32, #tpu.memory_space<vmem>>
      %dma_start3A_567 = tpu.memref_squeeze %dma_start3A_566 : memref<1x128xi32, #tpu.memory_space<vmem>> -> memref<128xi32, #tpu.memory_space<vmem>>
      %dma_start3A_568 = arith.constant 0 : i32
      %dma_start3A_569 = arith.constant 0 : i32
      %dma_start3A_570 = tpu.memref_slice %arg7[%arg0, %dma_start3A_568, %dma_start3A_569] : memref<2x10000x144xf32, #tpu.memory_space<hbm>> -> memref<1x10000x144xf32, #tpu.memory_space<hbm>>
      %dma_start3A_571 = tpu.memref_squeeze %dma_start3A_570 : memref<1x10000x144xf32, #tpu.memory_space<hbm>> -> memref<10000x144xf32, #tpu.memory_space<hbm>>
      %dma_start3A_572 = arith.constant 0 : i32
      %dma_start3A_573 = arith.constant 0 : i32
      %dma_start3A_574 = tpu.memref_slice %dma_start3A_571[%dma_start3A_572, %dma_start3A_573] : memref<10000x144xf32, #tpu.memory_space<hbm>> -> memref<10000x144xf32, #tpu.memory_space<hbm>>
      tpu.enqueue_indirect_dma source(%dma_start3A_574 : memref<10000x144xf32, #tpu.memory_space<hbm>>) target(%arg12 : memref<128x144xf32, #tpu.memory_space<vmem>>) offsets(%dma_start3A_567 : memref<128xi32, #tpu.memory_space<vmem>>) semaphore(%arg14 : memref<!tpu.dma_semaphore, #tpu.memory_space<semaphore_mem>>)
      %add3A_575 = arith.constant 4 : i32
      %add3A_576 = arith.addi %add3A_525, %add3A_575 : i32
      %add3A_577 = arith.addi %mul3A_2, %add3A_576 : i32
      %dma_start3A_578 = arith.constant 3 : i32
      %dma_start3A_579 = arith.constant 0 : i32
      %dma_start3A_580 = tpu.memref_slice %arg9[%dma_start3A_578, %dma_start3A_579] : memref<4x128xi32, #tpu.memory_space<vmem>> -> memref<1x128xi32, #tpu.memory_space<vmem>>
      %dma_start3A_581 = tpu.memref_squeeze %dma_start3A_580 : memref<1x128xi32, #tpu.memory_space<vmem>> -> memref<128xi32, #tpu.memory_space<vmem>>
      %dma_start3A_582 = arith.constant 0 : i32
      %dma_start3A_583 = tpu.memref_slice %arg2[%add3A_577, %dma_start3A_582] : memref<2560x128xi32, #tpu.memory_space<hbm>> -> memref<1x128xi32, #tpu.memory_space<hbm>>
      %dma_start3A_584 = tpu.memref_squeeze %dma_start3A_583 : memref<1x128xi32, #tpu.memory_space<hbm>> -> memref<128xi32, #tpu.memory_space<hbm>>
      %dma_start3A_585 = arith.constant 0 : i32
      %dma_start3A_586 = tpu.memref_slice %arg9[%dma_start3A_578, %dma_start3A_585] : memref<4x128xi32, #tpu.memory_space<vmem>> -> memref<1x128xi32, #tpu.memory_space<vmem>>
      %dma_start3A_587 = tpu.memref_squeeze %dma_start3A_586 : memref<1x128xi32, #tpu.memory_space<vmem>> -> memref<128xi32, #tpu.memory_space<vmem>>
      %dma_start3A_588 = arith.constant 0 : i32
      %dma_start3A_589 = tpu.memref_slice %arg2[%add3A_577, %dma_start3A_588] : memref<2560x128xi32, #tpu.memory_space<hbm>> -> memref<1x128xi32, #tpu.memory_space<hbm>>
      %dma_start3A_590 = tpu.memref_squeeze %dma_start3A_589 : memref<1x128xi32, #tpu.memory_space<hbm>> -> memref<128xi32, #tpu.memory_space<hbm>>
      tpu.enqueue_dma source(%dma_start3A_590 : memref<128xi32, #tpu.memory_space<hbm>>) target(%dma_start3A_587 : memref<128xi32, #tpu.memory_space<vmem>>) target_semaphore(%arg18 : memref<!tpu.dma_semaphore, #tpu.memory_space<semaphore_mem>>)
      %add3A_591 = arith.addi %mul3A_2, %add3A_576 : i32
      %dma_start3A_592 = arith.constant 3 : i32
      %dma_start3A_593 = arith.constant 0 : i32
      %dma_start3A_594 = tpu.memref_slice %arg10[%dma_start3A_592, %dma_start3A_593] : memref<4x128xi32, #tpu.memory_space<vmem>> -> memref<1x128xi32, #tpu.memory_space<vmem>>
      %dma_start3A_595 = tpu.memref_squeeze %dma_start3A_594 : memref<1x128xi32, #tpu.memory_space<vmem>> -> memref<128xi32, #tpu.memory_space<vmem>>
      %dma_start3A_596 = arith.constant 0 : i32
      %dma_start3A_597 = tpu.memref_slice %arg3[%add3A_591, %dma_start3A_596] : memref<2560x128xi32, #tpu.memory_space<hbm>> -> memref<1x128xi32, #tpu.memory_space<hbm>>
      %dma_start3A_598 = tpu.memref_squeeze %dma_start3A_597 : memref<1x128xi32, #tpu.memory_space<hbm>> -> memref<128xi32, #tpu.memory_space<hbm>>
      %dma_start3A_599 = arith.constant 0 : i32
      %dma_start3A_600 = tpu.memref_slice %arg10[%dma_start3A_592, %dma_start3A_599] : memref<4x128xi32, #tpu.memory_space<vmem>> -> memref<1x128xi32, #tpu.memory_space<vmem>>
      %dma_start3A_601 = tpu.memref_squeeze %dma_start3A_600 : memref<1x128xi32, #tpu.memory_space<vmem>> -> memref<128xi32, #tpu.memory_space<vmem>>
      %dma_start3A_602 = arith.constant 0 : i32
      %dma_start3A_603 = tpu.memref_slice %arg3[%add3A_591, %dma_start3A_602] : memref<2560x128xi32, #tpu.memory_space<hbm>> -> memref<1x128xi32, #tpu.memory_space<hbm>>
      %dma_start3A_604 = tpu.memref_squeeze %dma_start3A_603 : memref<1x128xi32, #tpu.memory_space<hbm>> -> memref<128xi32, #tpu.memory_space<hbm>>
      tpu.enqueue_dma source(%dma_start3A_604 : memref<128xi32, #tpu.memory_space<hbm>>) target(%dma_start3A_601 : memref<128xi32, #tpu.memory_space<vmem>>) target_semaphore(%arg18 : memref<!tpu.dma_semaphore, #tpu.memory_space<semaphore_mem>>)
      %scan3A_605 = arith.constant 0 : i32
      scf.yield %scan3A_605 : i32
    }
    %scan3A_149 = arith.constant 19 : i32
    %dma_wait3A = arith.constant 0 : i32
    %dma_wait3A_150 = arith.constant 0 : i32
    %dma_wait3A_151 = tpu.memref_slice %arg9[%dma_wait3A, %dma_wait3A_150] : memref<4x128xi32, #tpu.memory_space<vmem>> -> memref<1x128xi32, #tpu.memory_space<vmem>>
    %dma_wait3A_152 = tpu.memref_squeeze %dma_wait3A_151 : memref<1x128xi32, #tpu.memory_space<vmem>> -> memref<128xi32, #tpu.memory_space<vmem>>
    %dma_wait3A_153 = arith.constant 0 : i32
    %dma_wait3A_154 = arith.constant 0 : i32
    %dma_wait3A_155 = tpu.memref_slice %arg7[%arg0, %dma_wait3A_153, %dma_wait3A_154] : memref<2x10000x144xf32, #tpu.memory_space<hbm>> -> memref<1x10000x144xf32, #tpu.memory_space<hbm>>
    %dma_wait3A_156 = tpu.memref_squeeze %dma_wait3A_155 : memref<1x10000x144xf32, #tpu.memory_space<hbm>> -> memref<10000x144xf32, #tpu.memory_space<hbm>>
    %dma_wait3A_157 = arith.constant 0 : i32
    %dma_wait3A_158 = arith.constant 0 : i32
    %dma_wait3A_159 = tpu.memref_slice %dma_wait3A_156[%dma_wait3A_157, %dma_wait3A_158] : memref<10000x144xf32, #tpu.memory_space<hbm>> -> memref<10000x144xf32, #tpu.memory_space<hbm>>
    tpu.wait_indirect_dma semaphore(%arg13 : memref<!tpu.dma_semaphore, #tpu.memory_space<semaphore_mem>>) src(%dma_wait3A_159 : memref<10000x144xf32, #tpu.memory_space<hbm>>) dst(%arg11 : memref<128x144xf32, #tpu.memory_space<vmem>>)
    %run_scoped3A_160 = arith.constant 0 : i32
    "tpu.region"() ({
      %run_scoped3A_279 = tpu.sem_alloc : memref<!tpu.dma_semaphore, #tpu.memory_space<semaphore_mem>>
      %dma_start3A_280 = arith.constant 0 : i32
      %dma_start3A_281 = tpu.memref_slice %arg10[%run_scoped3A_160, %dma_start3A_280] : memref<4x128xi32, #tpu.memory_space<vmem>> -> memref<1x128xi32, #tpu.memory_space<vmem>>
      %dma_start3A_282 = tpu.memref_squeeze %dma_start3A_281 : memref<1x128xi32, #tpu.memory_space<vmem>> -> memref<128xi32, #tpu.memory_space<vmem>>
      %dma_start3A_283 = arith.constant 0 : i32
      %dma_start3A_284 = arith.constant 0 : i32
      %dma_start3A_285 = tpu.memref_slice %arg8[%dma_start3A_283, %dma_start3A_284] : memref<10240x144xf32, #tpu.memory_space<vmem_shared>> -> memref<10240x144xf32, #tpu.memory_space<vmem_shared>>
      tpu.enqueue_indirect_dma source(%arg11 : memref<128x144xf32, #tpu.memory_space<vmem>>) target(%dma_start3A_285 : memref<10240x144xf32, #tpu.memory_space<vmem_shared>>) offsets(%dma_start3A_282 : memref<128xi32, #tpu.memory_space<vmem>>) semaphore(%run_scoped3A_279 : memref<!tpu.dma_semaphore, #tpu.memory_space<semaphore_mem>>) {add = true}
      %dma_wait3A_286 = arith.constant 0 : i32
      %dma_wait3A_287 = tpu.memref_slice %arg10[%run_scoped3A_160, %dma_wait3A_286] : memref<4x128xi32, #tpu.memory_space<vmem>> -> memref<1x128xi32, #tpu.memory_space<vmem>>
      %dma_wait3A_288 = tpu.memref_squeeze %dma_wait3A_287 : memref<1x128xi32, #tpu.memory_space<vmem>> -> memref<128xi32, #tpu.memory_space<vmem>>
      %dma_wait3A_289 = arith.constant 0 : i32
      %dma_wait3A_290 = arith.constant 0 : i32
      %dma_wait3A_291 = tpu.memref_slice %arg8[%dma_wait3A_289, %dma_wait3A_290] : memref<10240x144xf32, #tpu.memory_space<vmem_shared>> -> memref<10240x144xf32, #tpu.memory_space<vmem_shared>>
      tpu.wait_indirect_dma semaphore(%run_scoped3A_279 : memref<!tpu.dma_semaphore, #tpu.memory_space<semaphore_mem>>) src(%arg11 : memref<128x144xf32, #tpu.memory_space<vmem>>) dst(%dma_wait3A_291 : memref<10240x144xf32, #tpu.memory_space<vmem_shared>>)
      tpu.yield
    }) : () -> ()
    %dma_wait3A_161 = arith.constant 2 : i32
    %dma_wait3A_162 = arith.constant 0 : i32
    %dma_wait3A_163 = tpu.memref_slice %arg9[%dma_wait3A_161, %dma_wait3A_162] : memref<4x128xi32, #tpu.memory_space<vmem>> -> memref<1x128xi32, #tpu.memory_space<vmem>>
    %dma_wait3A_164 = tpu.memref_squeeze %dma_wait3A_163 : memref<1x128xi32, #tpu.memory_space<vmem>> -> memref<128xi32, #tpu.memory_space<vmem>>
    %dma_wait3A_165 = arith.constant 0 : i32
    %dma_wait3A_166 = tpu.memref_slice %arg2[%mul3A_2, %dma_wait3A_165] : memref<2560x128xi32, #tpu.memory_space<hbm>> -> memref<1x128xi32, #tpu.memory_space<hbm>>
    %dma_wait3A_167 = tpu.memref_squeeze %dma_wait3A_166 : memref<1x128xi32, #tpu.memory_space<hbm>> -> memref<128xi32, #tpu.memory_space<hbm>>
    %dma_wait3A_168 = arith.constant 0 : i32
    %dma_wait3A_169 = tpu.memref_slice %arg9[%dma_wait3A_161, %dma_wait3A_168] : memref<4x128xi32, #tpu.memory_space<vmem>> -> memref<1x128xi32, #tpu.memory_space<vmem>>
    %dma_wait3A_170 = tpu.memref_squeeze %dma_wait3A_169 : memref<1x128xi32, #tpu.memory_space<vmem>> -> memref<128xi32, #tpu.memory_space<vmem>>
    %dma_wait3A_171 = arith.constant 0 : i32
    %dma_wait3A_172 = tpu.memref_slice %arg2[%mul3A_2, %dma_wait3A_171] : memref<2560x128xi32, #tpu.memory_space<hbm>> -> memref<1x128xi32, #tpu.memory_space<hbm>>
    %dma_wait3A_173 = tpu.memref_squeeze %dma_wait3A_172 : memref<1x128xi32, #tpu.memory_space<hbm>> -> memref<128xi32, #tpu.memory_space<hbm>>
    tpu.wait_dma2 semaphore(%arg17 : memref<!tpu.dma_semaphore, #tpu.memory_space<semaphore_mem>>) src(%dma_wait3A_173 : memref<128xi32, #tpu.memory_space<hbm>>) dst(%dma_wait3A_170 : memref<128xi32, #tpu.memory_space<vmem>>)
    %dma_wait3A_174 = arith.constant 2 : i32
    %dma_wait3A_175 = arith.constant 0 : i32
    %dma_wait3A_176 = tpu.memref_slice %arg10[%dma_wait3A_174, %dma_wait3A_175] : memref<4x128xi32, #tpu.memory_space<vmem>> -> memref<1x128xi32, #tpu.memory_space<vmem>>
    %dma_wait3A_177 = tpu.memref_squeeze %dma_wait3A_176 : memref<1x128xi32, #tpu.memory_space<vmem>> -> memref<128xi32, #tpu.memory_space<vmem>>
    %dma_wait3A_178 = arith.constant 0 : i32
    %dma_wait3A_179 = tpu.memref_slice %arg3[%mul3A_2, %dma_wait3A_178] : memref<2560x128xi32, #tpu.memory_space<hbm>> -> memref<1x128xi32, #tpu.memory_space<hbm>>
    %dma_wait3A_180 = tpu.memref_squeeze %dma_wait3A_179 : memref<1x128xi32, #tpu.memory_space<hbm>> -> memref<128xi32, #tpu.memory_space<hbm>>
    %dma_wait3A_181 = arith.constant 0 : i32
    %dma_wait3A_182 = tpu.memref_slice %arg10[%dma_wait3A_174, %dma_wait3A_181] : memref<4x128xi32, #tpu.memory_space<vmem>> -> memref<1x128xi32, #tpu.memory_space<vmem>>
    %dma_wait3A_183 = tpu.memref_squeeze %dma_wait3A_182 : memref<1x128xi32, #tpu.memory_space<vmem>> -> memref<128xi32, #tpu.memory_space<vmem>>
    %dma_wait3A_184 = arith.constant 0 : i32
    %dma_wait3A_185 = tpu.memref_slice %arg3[%mul3A_2, %dma_wait3A_184] : memref<2560x128xi32, #tpu.memory_space<hbm>> -> memref<1x128xi32, #tpu.memory_space<hbm>>
    %dma_wait3A_186 = tpu.memref_squeeze %dma_wait3A_185 : memref<1x128xi32, #tpu.memory_space<hbm>> -> memref<128xi32, #tpu.memory_space<hbm>>
    tpu.wait_dma2 semaphore(%arg17 : memref<!tpu.dma_semaphore, #tpu.memory_space<semaphore_mem>>) src(%dma_wait3A_186 : memref<128xi32, #tpu.memory_space<hbm>>) dst(%dma_wait3A_183 : memref<128xi32, #tpu.memory_space<vmem>>)
    %dma_start3A_187 = arith.constant 2 : i32
    %dma_start3A_188 = arith.constant 0 : i32
    %dma_start3A_189 = tpu.memref_slice %arg9[%dma_start3A_187, %dma_start3A_188] : memref<4x128xi32, #tpu.memory_space<vmem>> -> memref<1x128xi32, #tpu.memory_space<vmem>>
    %dma_start3A_190 = tpu.memref_squeeze %dma_start3A_189 : memref<1x128xi32, #tpu.memory_space<vmem>> -> memref<128xi32, #tpu.memory_space<vmem>>
    %dma_start3A_191 = arith.constant 0 : i32
    %dma_start3A_192 = arith.constant 0 : i32
    %dma_start3A_193 = tpu.memref_slice %arg7[%arg0, %dma_start3A_191, %dma_start3A_192] : memref<2x10000x144xf32, #tpu.memory_space<hbm>> -> memref<1x10000x144xf32, #tpu.memory_space<hbm>>
    %dma_start3A_194 = tpu.memref_squeeze %dma_start3A_193 : memref<1x10000x144xf32, #tpu.memory_space<hbm>> -> memref<10000x144xf32, #tpu.memory_space<hbm>>
    %dma_start3A_195 = arith.constant 0 : i32
    %dma_start3A_196 = arith.constant 0 : i32
    %dma_start3A_197 = tpu.memref_slice %dma_start3A_194[%dma_start3A_195, %dma_start3A_196] : memref<10000x144xf32, #tpu.memory_space<hbm>> -> memref<10000x144xf32, #tpu.memory_space<hbm>>
    tpu.enqueue_indirect_dma source(%dma_start3A_197 : memref<10000x144xf32, #tpu.memory_space<hbm>>) target(%arg11 : memref<128x144xf32, #tpu.memory_space<vmem>>) offsets(%dma_start3A_190 : memref<128xi32, #tpu.memory_space<vmem>>) semaphore(%arg13 : memref<!tpu.dma_semaphore, #tpu.memory_space<semaphore_mem>>)
    %dma_wait3A_198 = arith.constant 0 : i32
    %dma_wait3A_199 = arith.constant 0 : i32
    %dma_wait3A_200 = tpu.memref_slice %arg9[%dma_wait3A_198, %dma_wait3A_199] : memref<4x128xi32, #tpu.memory_space<vmem>> -> memref<1x128xi32, #tpu.memory_space<vmem>>
    %dma_wait3A_201 = tpu.memref_squeeze %dma_wait3A_200 : memref<1x128xi32, #tpu.memory_space<vmem>> -> memref<128xi32, #tpu.memory_space<vmem>>
    %dma_wait3A_202 = arith.constant 0 : i32
    %dma_wait3A_203 = arith.constant 0 : i32
    %dma_wait3A_204 = tpu.memref_slice %arg7[%arg0, %dma_wait3A_202, %dma_wait3A_203] : memref<2x10000x144xf32, #tpu.memory_space<hbm>> -> memref<1x10000x144xf32, #tpu.memory_space<hbm>>
    %dma_wait3A_205 = tpu.memref_squeeze %dma_wait3A_204 : memref<1x10000x144xf32, #tpu.memory_space<hbm>> -> memref<10000x144xf32, #tpu.memory_space<hbm>>
    %dma_wait3A_206 = arith.constant 0 : i32
    %dma_wait3A_207 = arith.constant 0 : i32
    %dma_wait3A_208 = tpu.memref_slice %dma_wait3A_205[%dma_wait3A_206, %dma_wait3A_207] : memref<10000x144xf32, #tpu.memory_space<hbm>> -> memref<10000x144xf32, #tpu.memory_space<hbm>>
    tpu.wait_indirect_dma semaphore(%arg14 : memref<!tpu.dma_semaphore, #tpu.memory_space<semaphore_mem>>) src(%dma_wait3A_208 : memref<10000x144xf32, #tpu.memory_space<hbm>>) dst(%arg12 : memref<128x144xf32, #tpu.memory_space<vmem>>)
    %run_scoped3A_209 = arith.constant 1 : i32
    "tpu.region"() ({
      %run_scoped3A_279 = tpu.sem_alloc : memref<!tpu.dma_semaphore, #tpu.memory_space<semaphore_mem>>
      %dma_start3A_280 = arith.constant 0 : i32
      %dma_start3A_281 = tpu.memref_slice %arg10[%run_scoped3A_209, %dma_start3A_280] : memref<4x128xi32, #tpu.memory_space<vmem>> -> memref<1x128xi32, #tpu.memory_space<vmem>>
      %dma_start3A_282 = tpu.memref_squeeze %dma_start3A_281 : memref<1x128xi32, #tpu.memory_space<vmem>> -> memref<128xi32, #tpu.memory_space<vmem>>
      %dma_start3A_283 = arith.constant 0 : i32
      %dma_start3A_284 = arith.constant 0 : i32
      %dma_start3A_285 = tpu.memref_slice %arg8[%dma_start3A_283, %dma_start3A_284] : memref<10240x144xf32, #tpu.memory_space<vmem_shared>> -> memref<10240x144xf32, #tpu.memory_space<vmem_shared>>
      tpu.enqueue_indirect_dma source(%arg12 : memref<128x144xf32, #tpu.memory_space<vmem>>) target(%dma_start3A_285 : memref<10240x144xf32, #tpu.memory_space<vmem_shared>>) offsets(%dma_start3A_282 : memref<128xi32, #tpu.memory_space<vmem>>) semaphore(%run_scoped3A_279 : memref<!tpu.dma_semaphore, #tpu.memory_space<semaphore_mem>>) {add = true}
      %dma_wait3A_286 = arith.constant 0 : i32
      %dma_wait3A_287 = tpu.memref_slice %arg10[%run_scoped3A_209, %dma_wait3A_286] : memref<4x128xi32, #tpu.memory_space<vmem>> -> memref<1x128xi32, #tpu.memory_space<vmem>>
      %dma_wait3A_288 = tpu.memref_squeeze %dma_wait3A_287 : memref<1x128xi32, #tpu.memory_space<vmem>> -> memref<128xi32, #tpu.memory_space<vmem>>
      %dma_wait3A_289 = arith.constant 0 : i32
      %dma_wait3A_290 = arith.constant 0 : i32
      %dma_wait3A_291 = tpu.memref_slice %arg8[%dma_wait3A_289, %dma_wait3A_290] : memref<10240x144xf32, #tpu.memory_space<vmem_shared>> -> memref<10240x144xf32, #tpu.memory_space<vmem_shared>>
      tpu.wait_indirect_dma semaphore(%run_scoped3A_279 : memref<!tpu.dma_semaphore, #tpu.memory_space<semaphore_mem>>) src(%arg12 : memref<128x144xf32, #tpu.memory_space<vmem>>) dst(%dma_wait3A_291 : memref<10240x144xf32, #tpu.memory_space<vmem_shared>>)
      tpu.yield
    }) : () -> ()
    %dma_wait3A_210 = arith.constant 3 : i32
    %dma_wait3A_211 = arith.constant 0 : i32
    %dma_wait3A_212 = tpu.memref_slice %arg9[%dma_wait3A_210, %dma_wait3A_211] : memref<4x128xi32, #tpu.memory_space<vmem>> -> memref<1x128xi32, #tpu.memory_space<vmem>>
    %dma_wait3A_213 = tpu.memref_squeeze %dma_wait3A_212 : memref<1x128xi32, #tpu.memory_space<vmem>> -> memref<128xi32, #tpu.memory_space<vmem>>
    %dma_wait3A_214 = arith.constant 0 : i32
    %dma_wait3A_215 = tpu.memref_slice %arg2[%mul3A_2, %dma_wait3A_214] : memref<2560x128xi32, #tpu.memory_space<hbm>> -> memref<1x128xi32, #tpu.memory_space<hbm>>
    %dma_wait3A_216 = tpu.memref_squeeze %dma_wait3A_215 : memref<1x128xi32, #tpu.memory_space<hbm>> -> memref<128xi32, #tpu.memory_space<hbm>>
    %dma_wait3A_217 = arith.constant 0 : i32
    %dma_wait3A_218 = tpu.memref_slice %arg9[%dma_wait3A_210, %dma_wait3A_217] : memref<4x128xi32, #tpu.memory_space<vmem>> -> memref<1x128xi32, #tpu.memory_space<vmem>>
    %dma_wait3A_219 = tpu.memref_squeeze %dma_wait3A_218 : memref<1x128xi32, #tpu.memory_space<vmem>> -> memref<128xi32, #tpu.memory_space<vmem>>
    %dma_wait3A_220 = arith.constant 0 : i32
    %dma_wait3A_221 = tpu.memref_slice %arg2[%mul3A_2, %dma_wait3A_220] : memref<2560x128xi32, #tpu.memory_space<hbm>> -> memref<1x128xi32, #tpu.memory_space<hbm>>
    %dma_wait3A_222 = tpu.memref_squeeze %dma_wait3A_221 : memref<1x128xi32, #tpu.memory_space<hbm>> -> memref<128xi32, #tpu.memory_space<hbm>>
    tpu.wait_dma2 semaphore(%arg18 : memref<!tpu.dma_semaphore, #tpu.memory_space<semaphore_mem>>) src(%dma_wait3A_222 : memref<128xi32, #tpu.memory_space<hbm>>) dst(%dma_wait3A_219 : memref<128xi32, #tpu.memory_space<vmem>>)
    %dma_wait3A_223 = arith.constant 3 : i32
    %dma_wait3A_224 = arith.constant 0 : i32
    %dma_wait3A_225 = tpu.memref_slice %arg10[%dma_wait3A_223, %dma_wait3A_224] : memref<4x128xi32, #tpu.memory_space<vmem>> -> memref<1x128xi32, #tpu.memory_space<vmem>>
    %dma_wait3A_226 = tpu.memref_squeeze %dma_wait3A_225 : memref<1x128xi32, #tpu.memory_space<vmem>> -> memref<128xi32, #tpu.memory_space<vmem>>
    %dma_wait3A_227 = arith.constant 0 : i32
    %dma_wait3A_228 = tpu.memref_slice %arg3[%mul3A_2, %dma_wait3A_227] : memref<2560x128xi32, #tpu.memory_space<hbm>> -> memref<1x128xi32, #tpu.memory_space<hbm>>
    %dma_wait3A_229 = tpu.memref_squeeze %dma_wait3A_228 : memref<1x128xi32, #tpu.memory_space<hbm>> -> memref<128xi32, #tpu.memory_space<hbm>>
    %dma_wait3A_230 = arith.constant 0 : i32
    %dma_wait3A_231 = tpu.memref_slice %arg10[%dma_wait3A_223, %dma_wait3A_230] : memref<4x128xi32, #tpu.memory_space<vmem>> -> memref<1x128xi32, #tpu.memory_space<vmem>>
    %dma_wait3A_232 = tpu.memref_squeeze %dma_wait3A_231 : memref<1x128xi32, #tpu.memory_space<vmem>> -> memref<128xi32, #tpu.memory_space<vmem>>
    %dma_wait3A_233 = arith.constant 0 : i32
    %dma_wait3A_234 = tpu.memref_slice %arg3[%mul3A_2, %dma_wait3A_233] : memref<2560x128xi32, #tpu.memory_space<hbm>> -> memref<1x128xi32, #tpu.memory_space<hbm>>
    %dma_wait3A_235 = tpu.memref_squeeze %dma_wait3A_234 : memref<1x128xi32, #tpu.memory_space<hbm>> -> memref<128xi32, #tpu.memory_space<hbm>>
    tpu.wait_dma2 semaphore(%arg18 : memref<!tpu.dma_semaphore, #tpu.memory_space<semaphore_mem>>) src(%dma_wait3A_235 : memref<128xi32, #tpu.memory_space<hbm>>) dst(%dma_wait3A_232 : memref<128xi32, #tpu.memory_space<vmem>>)
    %dma_start3A_236 = arith.constant 3 : i32
    %dma_start3A_237 = arith.constant 0 : i32
    %dma_start3A_238 = tpu.memref_slice %arg9[%dma_start3A_236, %dma_start3A_237] : memref<4x128xi32, #tpu.memory_space<vmem>> -> memref<1x128xi32, #tpu.memory_space<vmem>>
    %dma_start3A_239 = tpu.memref_squeeze %dma_start3A_238 : memref<1x128xi32, #tpu.memory_space<vmem>> -> memref<128xi32, #tpu.memory_space<vmem>>
    %dma_start3A_240 = arith.constant 0 : i32
    %dma_start3A_241 = arith.constant 0 : i32
    %dma_start3A_242 = tpu.memref_slice %arg7[%arg0, %dma_start3A_240, %dma_start3A_241] : memref<2x10000x144xf32, #tpu.memory_space<hbm>> -> memref<1x10000x144xf32, #tpu.memory_space<hbm>>
    %dma_start3A_243 = tpu.memref_squeeze %dma_start3A_242 : memref<1x10000x144xf32, #tpu.memory_space<hbm>> -> memref<10000x144xf32, #tpu.memory_space<hbm>>
    %dma_start3A_244 = arith.constant 0 : i32
    %dma_start3A_245 = arith.constant 0 : i32
    %dma_start3A_246 = tpu.memref_slice %dma_start3A_243[%dma_start3A_244, %dma_start3A_245] : memref<10000x144xf32, #tpu.memory_space<hbm>> -> memref<10000x144xf32, #tpu.memory_space<hbm>>
    tpu.enqueue_indirect_dma source(%dma_start3A_246 : memref<10000x144xf32, #tpu.memory_space<hbm>>) target(%arg12 : memref<128x144xf32, #tpu.memory_space<vmem>>) offsets(%dma_start3A_239 : memref<128xi32, #tpu.memory_space<vmem>>) semaphore(%arg14 : memref<!tpu.dma_semaphore, #tpu.memory_space<semaphore_mem>>)
    %dma_wait3A_247 = arith.constant 0 : i32
    %dma_wait3A_248 = arith.constant 0 : i32
    %dma_wait3A_249 = tpu.memref_slice %arg9[%dma_wait3A_247, %dma_wait3A_248] : memref<4x128xi32, #tpu.memory_space<vmem>> -> memref<1x128xi32, #tpu.memory_space<vmem>>
    %dma_wait3A_250 = tpu.memref_squeeze %dma_wait3A_249 : memref<1x128xi32, #tpu.memory_space<vmem>> -> memref<128xi32, #tpu.memory_space<vmem>>
    %dma_wait3A_251 = arith.constant 0 : i32
    %dma_wait3A_252 = arith.constant 0 : i32
    %dma_wait3A_253 = tpu.memref_slice %arg7[%arg0, %dma_wait3A_251, %dma_wait3A_252] : memref<2x10000x144xf32, #tpu.memory_space<hbm>> -> memref<1x10000x144xf32, #tpu.memory_space<hbm>>
    %dma_wait3A_254 = tpu.memref_squeeze %dma_wait3A_253 : memref<1x10000x144xf32, #tpu.memory_space<hbm>> -> memref<10000x144xf32, #tpu.memory_space<hbm>>
    %dma_wait3A_255 = arith.constant 0 : i32
    %dma_wait3A_256 = arith.constant 0 : i32
    %dma_wait3A_257 = tpu.memref_slice %dma_wait3A_254[%dma_wait3A_255, %dma_wait3A_256] : memref<10000x144xf32, #tpu.memory_space<hbm>> -> memref<10000x144xf32, #tpu.memory_space<hbm>>
    tpu.wait_indirect_dma semaphore(%arg13 : memref<!tpu.dma_semaphore, #tpu.memory_space<semaphore_mem>>) src(%dma_wait3A_257 : memref<10000x144xf32, #tpu.memory_space<hbm>>) dst(%arg11 : memref<128x144xf32, #tpu.memory_space<vmem>>)
    %run_scoped3A_258 = arith.constant 2 : i32
    "tpu.region"() ({
      %run_scoped3A_279 = tpu.sem_alloc : memref<!tpu.dma_semaphore, #tpu.memory_space<semaphore_mem>>
      %dma_start3A_280 = arith.constant 0 : i32
      %dma_start3A_281 = tpu.memref_slice %arg10[%run_scoped3A_258, %dma_start3A_280] : memref<4x128xi32, #tpu.memory_space<vmem>> -> memref<1x128xi32, #tpu.memory_space<vmem>>
      %dma_start3A_282 = tpu.memref_squeeze %dma_start3A_281 : memref<1x128xi32, #tpu.memory_space<vmem>> -> memref<128xi32, #tpu.memory_space<vmem>>
      %dma_start3A_283 = arith.constant 0 : i32
      %dma_start3A_284 = arith.constant 0 : i32
      %dma_start3A_285 = tpu.memref_slice %arg8[%dma_start3A_283, %dma_start3A_284] : memref<10240x144xf32, #tpu.memory_space<vmem_shared>> -> memref<10240x144xf32, #tpu.memory_space<vmem_shared>>
      tpu.enqueue_indirect_dma source(%arg11 : memref<128x144xf32, #tpu.memory_space<vmem>>) target(%dma_start3A_285 : memref<10240x144xf32, #tpu.memory_space<vmem_shared>>) offsets(%dma_start3A_282 : memref<128xi32, #tpu.memory_space<vmem>>) semaphore(%run_scoped3A_279 : memref<!tpu.dma_semaphore, #tpu.memory_space<semaphore_mem>>) {add = true}
      %dma_wait3A_286 = arith.constant 0 : i32
      %dma_wait3A_287 = tpu.memref_slice %arg10[%run_scoped3A_258, %dma_wait3A_286] : memref<4x128xi32, #tpu.memory_space<vmem>> -> memref<1x128xi32, #tpu.memory_space<vmem>>
      %dma_wait3A_288 = tpu.memref_squeeze %dma_wait3A_287 : memref<1x128xi32, #tpu.memory_space<vmem>> -> memref<128xi32, #tpu.memory_space<vmem>>
      %dma_wait3A_289 = arith.constant 0 : i32
      %dma_wait3A_290 = arith.constant 0 : i32
      %dma_wait3A_291 = tpu.memref_slice %arg8[%dma_wait3A_289, %dma_wait3A_290] : memref<10240x144xf32, #tpu.memory_space<vmem_shared>> -> memref<10240x144xf32, #tpu.memory_space<vmem_shared>>
      tpu.wait_indirect_dma semaphore(%run_scoped3A_279 : memref<!tpu.dma_semaphore, #tpu.memory_space<semaphore_mem>>) src(%arg11 : memref<128x144xf32, #tpu.memory_space<vmem>>) dst(%dma_wait3A_291 : memref<10240x144xf32, #tpu.memory_space<vmem_shared>>)
      tpu.yield
    }) : () -> ()
    %dma_wait3A_259 = arith.constant 0 : i32
    %dma_wait3A_260 = arith.constant 0 : i32
    %dma_wait3A_261 = tpu.memref_slice %arg9[%dma_wait3A_259, %dma_wait3A_260] : memref<4x128xi32, #tpu.memory_space<vmem>> -> memref<1x128xi32, #tpu.memory_space<vmem>>
    %dma_wait3A_262 = tpu.memref_squeeze %dma_wait3A_261 : memref<1x128xi32, #tpu.memory_space<vmem>> -> memref<128xi32, #tpu.memory_space<vmem>>
    %dma_wait3A_263 = arith.constant 0 : i32
    %dma_wait3A_264 = arith.constant 0 : i32
    %dma_wait3A_265 = tpu.memref_slice %arg7[%arg0, %dma_wait3A_263, %dma_wait3A_264] : memref<2x10000x144xf32, #tpu.memory_space<hbm>> -> memref<1x10000x144xf32, #tpu.memory_space<hbm>>
    %dma_wait3A_266 = tpu.memref_squeeze %dma_wait3A_265 : memref<1x10000x144xf32, #tpu.memory_space<hbm>> -> memref<10000x144xf32, #tpu.memory_space<hbm>>
    %dma_wait3A_267 = arith.constant 0 : i32
    %dma_wait3A_268 = arith.constant 0 : i32
    %dma_wait3A_269 = tpu.memref_slice %dma_wait3A_266[%dma_wait3A_267, %dma_wait3A_268] : memref<10000x144xf32, #tpu.memory_space<hbm>> -> memref<10000x144xf32, #tpu.memory_space<hbm>>
    tpu.wait_indirect_dma semaphore(%arg14 : memref<!tpu.dma_semaphore, #tpu.memory_space<semaphore_mem>>) src(%dma_wait3A_269 : memref<10000x144xf32, #tpu.memory_space<hbm>>) dst(%arg12 : memref<128x144xf32, #tpu.memory_space<vmem>>)
    %run_scoped3A_270 = arith.constant 3 : i32
    "tpu.region"() ({
      %run_scoped3A_279 = tpu.sem_alloc : memref<!tpu.dma_semaphore, #tpu.memory_space<semaphore_mem>>
      %dma_start3A_280 = arith.constant 0 : i32
      %dma_start3A_281 = tpu.memref_slice %arg10[%run_scoped3A_270, %dma_start3A_280] : memref<4x128xi32, #tpu.memory_space<vmem>> -> memref<1x128xi32, #tpu.memory_space<vmem>>
      %dma_start3A_282 = tpu.memref_squeeze %dma_start3A_281 : memref<1x128xi32, #tpu.memory_space<vmem>> -> memref<128xi32, #tpu.memory_space<vmem>>
      %dma_start3A_283 = arith.constant 0 : i32
      %dma_start3A_284 = arith.constant 0 : i32
      %dma_start3A_285 = tpu.memref_slice %arg8[%dma_start3A_283, %dma_start3A_284] : memref<10240x144xf32, #tpu.memory_space<vmem_shared>> -> memref<10240x144xf32, #tpu.memory_space<vmem_shared>>
      tpu.enqueue_indirect_dma source(%arg12 : memref<128x144xf32, #tpu.memory_space<vmem>>) target(%dma_start3A_285 : memref<10240x144xf32, #tpu.memory_space<vmem_shared>>) offsets(%dma_start3A_282 : memref<128xi32, #tpu.memory_space<vmem>>) semaphore(%run_scoped3A_279 : memref<!tpu.dma_semaphore, #tpu.memory_space<semaphore_mem>>) {add = true}
      %dma_wait3A_286 = arith.constant 0 : i32
      %dma_wait3A_287 = tpu.memref_slice %arg10[%run_scoped3A_270, %dma_wait3A_286] : memref<4x128xi32, #tpu.memory_space<vmem>> -> memref<1x128xi32, #tpu.memory_space<vmem>>
      %dma_wait3A_288 = tpu.memref_squeeze %dma_wait3A_287 : memref<1x128xi32, #tpu.memory_space<vmem>> -> memref<128xi32, #tpu.memory_space<vmem>>
      %dma_wait3A_289 = arith.constant 0 : i32
      %dma_wait3A_290 = arith.constant 0 : i32
      %dma_wait3A_291 = tpu.memref_slice %arg8[%dma_wait3A_289, %dma_wait3A_290] : memref<10240x144xf32, #tpu.memory_space<vmem_shared>> -> memref<10240x144xf32, #tpu.memory_space<vmem_shared>>
      tpu.wait_indirect_dma semaphore(%run_scoped3A_279 : memref<!tpu.dma_semaphore, #tpu.memory_space<semaphore_mem>>) src(%arg12 : memref<128x144xf32, #tpu.memory_space<vmem>>) dst(%dma_wait3A_291 : memref<10240x144xf32, #tpu.memory_space<vmem_shared>>)
      tpu.yield
    }) : () -> ()
    %barrier3A_271 = arith.constant 0 : index
    tpu.barrier barrier_id(%barrier3A_271)
    %eq3A = arith.constant 0 : i32
    %eq3A_272 = arith.cmpi eq, %arg0, %eq3A : i32
    %convert_element_type3A = arith.extui %eq3A_272 : i1 to i32
    %cond3A = arith.constant 0 : i32
    %cond3A_273 = arith.cmpi ne, %convert_element_type3A, %cond3A : i32
    scf.if %cond3A_273 {
      "tpu.region"() ({
        %run_scoped3A_279 = tpu.sem_alloc : memref<!tpu.dma_semaphore, #tpu.memory_space<semaphore_mem>>
        %dma_start3A_280 = arith.constant 0 : i32
        %dma_start3A_281 = tpu.memref_slice %arg5[%mul3A_40, %dma_start3A_280] : memref<10240x144xf32, #tpu.memory_space<hbm>> -> memref<640x144xf32, #tpu.memory_space<hbm>>
        %dma_start3A_282 = arith.constant 0 : i32
        %dma_start3A_283 = tpu.memref_slice %arg8[%mul3A_40, %dma_start3A_282] : memref<10240x144xf32, #tpu.memory_space<vmem_shared>> -> memref<640x144xf32, #tpu.memory_space<vmem_shared>>
        tpu.enqueue_dma source(%dma_start3A_283 : memref<640x144xf32, #tpu.memory_space<vmem_shared>>) target(%dma_start3A_281 : memref<640x144xf32, #tpu.memory_space<hbm>>) target_semaphore(%run_scoped3A_279 : memref<!tpu.dma_semaphore, #tpu.memory_space<semaphore_mem>>)
        %dma_wait3A_284 = arith.constant 0 : i32
        %dma_wait3A_285 = tpu.memref_slice %arg5[%mul3A_40, %dma_wait3A_284] : memref<10240x144xf32, #tpu.memory_space<hbm>> -> memref<640x144xf32, #tpu.memory_space<hbm>>
        %dma_wait3A_286 = arith.constant 0 : i32
        %dma_wait3A_287 = tpu.memref_slice %arg8[%mul3A_40, %dma_wait3A_286] : memref<10240x144xf32, #tpu.memory_space<vmem_shared>> -> memref<640x144xf32, #tpu.memory_space<vmem_shared>>
        tpu.wait_dma2 semaphore(%run_scoped3A_279 : memref<!tpu.dma_semaphore, #tpu.memory_space<semaphore_mem>>) src(%dma_wait3A_287 : memref<640x144xf32, #tpu.memory_space<vmem_shared>>) dst(%dma_wait3A_285 : memref<640x144xf32, #tpu.memory_space<hbm>>)
        tpu.yield
      }) : () -> ()
    } else {
    }
    %eq3A_274 = arith.constant 1 : i32
    %eq3A_275 = arith.cmpi eq, %arg0, %eq3A_274 : i32
    %convert_element_type3A_276 = arith.extui %eq3A_275 : i1 to i32
    %cond3A_277 = arith.constant 0 : i32
    %cond3A_278 = arith.cmpi ne, %convert_element_type3A_276, %cond3A_277 : i32
    scf.if %cond3A_278 {
      "tpu.region"() ({
        %run_scoped3A_279 = tpu.sem_alloc : memref<!tpu.dma_semaphore, #tpu.memory_space<semaphore_mem>>
        %dma_start3A_280 = arith.constant 0 : i32
        %dma_start3A_281 = tpu.memref_slice %arg6[%mul3A_40, %dma_start3A_280] : memref<10240x144xf32, #tpu.memory_space<hbm>> -> memref<640x144xf32, #tpu.memory_space<hbm>>
        %dma_start3A_282 = arith.constant 0 : i32
        %dma_start3A_283 = tpu.memref_slice %arg8[%mul3A_40, %dma_start3A_282] : memref<10240x144xf32, #tpu.memory_space<vmem_shared>> -> memref<640x144xf32, #tpu.memory_space<vmem_shared>>
        tpu.enqueue_dma source(%dma_start3A_283 : memref<640x144xf32, #tpu.memory_space<vmem_shared>>) target(%dma_start3A_281 : memref<640x144xf32, #tpu.memory_space<hbm>>) target_semaphore(%run_scoped3A_279 : memref<!tpu.dma_semaphore, #tpu.memory_space<semaphore_mem>>)
        %dma_wait3A_284 = arith.constant 0 : i32
        %dma_wait3A_285 = tpu.memref_slice %arg6[%mul3A_40, %dma_wait3A_284] : memref<10240x144xf32, #tpu.memory_space<hbm>> -> memref<640x144xf32, #tpu.memory_space<hbm>>
        %dma_wait3A_286 = arith.constant 0 : i32
        %dma_wait3A_287 = tpu.memref_slice %arg8[%mul3A_40, %dma_wait3A_286] : memref<10240x144xf32, #tpu.memory_space<vmem_shared>> -> memref<640x144xf32, #tpu.memory_space<vmem_shared>>
        tpu.wait_dma2 semaphore(%run_scoped3A_279 : memref<!tpu.dma_semaphore, #tpu.memory_space<semaphore_mem>>) src(%dma_wait3A_287 : memref<640x144xf32, #tpu.memory_space<vmem_shared>>) dst(%dma_wait3A_285 : memref<640x144xf32, #tpu.memory_space<hbm>>)
        tpu.yield
      }) : () -> ()
    } else {
    }
    return
  }
}

module attributes {stable_mosaic.version = 14 : i64} {
  func.func @_edge_fmt_body(%arg0: i32, %arg1: memref<2x10240xi32, #tpu.memory_space<vmem>>, %arg2: memref<80x128xi32, #tpu.memory_space<vmem>>, %arg3: memref<80x128xi32, #tpu.memory_space<vmem>>) attributes {dimension_semantics = [#tpu.dimension_semantics<arbitrary>], iteration_bounds = array<i64: 32>, scalar_prefetch = 0 : i64, scratch_operands = 0 : i64, tpu.core_type = #tpu.core_type<tc>, window_params = [{transform_indices = @transform_0, window_bounds = array<i64: 2, 10240>}, {transform_indices = @transform_1, window_bounds = array<i64: 80, 128>}, {transform_indices = @transform_2, window_bounds = array<i64: 80, 128>}]} {
    %get3A = arith.constant 0 : index
    %get3A_0 = arith.constant 0 : index
    %get3A_1 = vector.load %arg1[%get3A, %get3A_0] : memref<2x10240xi32, #tpu.memory_space<vmem>>, vector<1x10240xi32>
    %reshape3A = vector.shape_cast %get3A_1 : vector<1x10240xi32> to vector<80x128xi32>
    %get3A_2 = arith.constant 1 : index
    %get3A_3 = arith.constant 0 : index
    %get3A_4 = vector.load %arg1[%get3A_2, %get3A_3] : memref<2x10240xi32, #tpu.memory_space<vmem>>, vector<1x10240xi32>
    %reshape3A_5 = vector.shape_cast %get3A_4 : vector<1x10240xi32> to vector<80x128xi32>
    %mul3A = arith.constant 10240 : i32
    %mul3A_6 = arith.muli %arg0, %mul3A : i32
    %iota3A = tpu.iota {dimensions = array<i32: 0>} : vector<80x128xi32>
    %mul3A_7 = arith.constant 128 : i32
    %mul3A_8 = vector.broadcast %mul3A_7 : i32 to vector<80x128xi32>
    %mul3A_9 = arith.muli %iota3A, %mul3A_8 : vector<80x128xi32>
    %add3A = vector.broadcast %mul3A_6 : i32 to vector<80x128xi32>
    %add3A_10 = arith.addi %add3A, %mul3A_9 : vector<80x128xi32>
    %iota3A_11 = tpu.iota {dimensions = array<i32: 1>} : vector<80x128xi32>
    %add3A_12 = arith.addi %add3A_10, %iota3A_11 : vector<80x128xi32>
    %lt3A = arith.constant 320000 : i32
    %lt3A_13 = vector.broadcast %lt3A : i32 to vector<80x128xi32>
    %lt3A_14 = arith.cmpi slt, %add3A_12, %lt3A_13 : vector<80x128xi32>
    %mul3A_15 = arith.constant 37 : i32
    %mul3A_16 = vector.broadcast %mul3A_15 : i32 to vector<80x128xi32>
    %mul3A_17 = arith.muli %add3A_12, %mul3A_16 : vector<80x128xi32>
    %jit3A = arith.constant 10000 : i32
    %eq3A = arith.constant 0 : i32
    %eq3A_18 = arith.cmpi eq, %jit3A, %eq3A : i32
    %jit3A_19 = arith.constant 1 : i32
    %select_n3A = arith.select %eq3A_18, %jit3A_19, %jit3A : i32
    %rem3A = vector.broadcast %select_n3A : i32 to vector<80x128xi32>
    %rem3A_20 = arith.remsi %mul3A_17, %rem3A : vector<80x128xi32>
    %ne3A = arith.constant 0 : i32
    %ne3A_21 = vector.broadcast %ne3A : i32 to vector<80x128xi32>
    %ne3A_22 = arith.cmpi ne, %rem3A_20, %ne3A_21 : vector<80x128xi32>
    %lt3A_23 = arith.constant 0 : i32
    %lt3A_24 = vector.broadcast %lt3A_23 : i32 to vector<80x128xi32>
    %lt3A_25 = arith.cmpi slt, %rem3A_20, %lt3A_24 : vector<80x128xi32>
    %lt3A_26 = arith.constant 0 : i32
    %lt3A_27 = arith.cmpi slt, %select_n3A, %lt3A_26 : i32
    %ne3A_28 = vector.broadcast %lt3A_27 : i1 to vector<80x128xi1>
    %ne3A_29 = vector.broadcast %ne3A_28 : vector<80x128xi1> to vector<80x128xi1>
    %ne3A_30 = arith.xori %lt3A_25, %ne3A_29 : vector<80x128xi1>
    %and3A = arith.andi %ne3A_30, %ne3A_22 : vector<80x128xi1>
    %add3A_31 = vector.broadcast %select_n3A : i32 to vector<80x128xi32>
    %add3A_32 = arith.addi %rem3A_20, %add3A_31 : vector<80x128xi32>
    %select_n3A_33 = arith.select %and3A, %add3A_32, %rem3A_20 : vector<80x128xi1>, vector<80x128xi32>
    %select_n3A_34 = arith.select %lt3A_14, %reshape3A, %select_n3A_33 : vector<80x128xi1>, vector<80x128xi32>
    %swap3A = arith.constant 0 : index
    %swap3A_35 = arith.constant 0 : index
    %swap3A_36 = vector.load %arg2[%swap3A, %swap3A_35] : memref<80x128xi32, #tpu.memory_space<vmem>>, vector<80x128xi32>
    tpu.vector_store %arg2[%swap3A, %swap3A_35], %select_n3A_34 {strides = array<i32>} : memref<80x128xi32, #tpu.memory_space<vmem>>, vector<80x128xi32>,
    %jit3A_37 = arith.constant 240 : i32
    %eq3A_38 = arith.constant 0 : i32
    %eq3A_39 = arith.cmpi eq, %jit3A_37, %eq3A_38 : i32
    %jit3A_40 = arith.constant 1 : i32
    %select_n3A_41 = arith.select %eq3A_39, %jit3A_40, %jit3A_37 : i32
    %rem3A_42 = vector.broadcast %select_n3A_41 : i32 to vector<80x128xi32>
    %rem3A_43 = arith.remsi %add3A_12, %rem3A_42 : vector<80x128xi32>
    %ne3A_44 = arith.constant 0 : i32
    %ne3A_45 = vector.broadcast %ne3A_44 : i32 to vector<80x128xi32>
    %ne3A_46 = arith.cmpi ne, %rem3A_43, %ne3A_45 : vector<80x128xi32>
    %lt3A_47 = arith.constant 0 : i32
    %lt3A_48 = vector.broadcast %lt3A_47 : i32 to vector<80x128xi32>
    %lt3A_49 = arith.cmpi slt, %rem3A_43, %lt3A_48 : vector<80x128xi32>
    %lt3A_50 = arith.constant 0 : i32
    %lt3A_51 = arith.cmpi slt, %select_n3A_41, %lt3A_50 : i32
    %ne3A_52 = vector.broadcast %lt3A_51 : i1 to vector<80x128xi1>
    %ne3A_53 = vector.broadcast %ne3A_52 : vector<80x128xi1> to vector<80x128xi1>
    %ne3A_54 = arith.xori %lt3A_49, %ne3A_53 : vector<80x128xi1>
    %and3A_55 = arith.andi %ne3A_54, %ne3A_46 : vector<80x128xi1>
    %add3A_56 = vector.broadcast %select_n3A_41 : i32 to vector<80x128xi32>
    %add3A_57 = arith.addi %rem3A_43, %add3A_56 : vector<80x128xi32>
    %select_n3A_58 = arith.select %and3A_55, %add3A_57, %rem3A_43 : vector<80x128xi1>, vector<80x128xi32>
    %add3A_59 = arith.constant 10000 : i32
    %add3A_60 = vector.broadcast %add3A_59 : i32 to vector<80x128xi32>
    %add3A_61 = arith.addi %add3A_60, %select_n3A_58 : vector<80x128xi32>
    %select_n3A_62 = arith.select %lt3A_14, %reshape3A_5, %add3A_61 : vector<80x128xi1>, vector<80x128xi32>
    %swap3A_63 = arith.constant 0 : index
    %swap3A_64 = arith.constant 0 : index
    %swap3A_65 = vector.load %arg3[%swap3A_63, %swap3A_64] : memref<80x128xi32, #tpu.memory_space<vmem>>, vector<80x128xi32>
    tpu.vector_store %arg3[%swap3A_63, %swap3A_64], %select_n3A_62 {strides = array<i32>} : memref<80x128xi32, #tpu.memory_space<vmem>>, vector<80x128xi32>,
    return
  }
  func.func @transform_0(%arg0: i32) -> (i32, i32) {
    %c0_i32 = arith.constant 0 : i32
    %c0_i32_0 = arith.constant 0 : i32
    return %c0_i32, %arg0 : i32, i32
  }
  func.func @transform_1(%arg0: i32) -> (i32, i32) {
    %c0_i32 = arith.constant 0 : i32
    %c0_i32_0 = arith.constant 0 : i32
    return %arg0, %c0_i32 : i32, i32
  }
  func.func @transform_2(%arg0: i32) -> (i32, i32) {
    %c0_i32 = arith.constant 0 : i32
    %c0_i32_0 = arith.constant 0 : i32
    return %arg0, %c0_i32 : i32, i32
  }
}

module attributes {stable_mosaic.version = 14 : i64} {
  func.func @_stage_c_body(%arg0: memref<16384x128xf32, #tpu.memory_space<vmem>>, %arg1: memref<16384x128xf32, #tpu.memory_space<vmem>>, %arg2: memref<16384x128xf32, #tpu.memory_space<vmem>>, %arg3: memref<16384x16xf32, #tpu.memory_space<vmem>>, %arg4: memref<256x128xf32, #tpu.memory_space<vmem>>, %arg5: memref<1x128xf32, #tpu.memory_space<vmem>>, %arg6: memref<128x128xf32, #tpu.memory_space<vmem>>, %arg7: memref<1x128xf32, #tpu.memory_space<vmem>>, %arg8: memref<128x1xf32, #tpu.memory_space<vmem>>, %arg9: memref<128x128xf32, #tpu.memory_space<vmem>>, %arg10: memref<1x128xf32, #tpu.memory_space<vmem>>, %arg11: memref<128x128xf32, #tpu.memory_space<vmem>>, %arg12: memref<1x128xf32, #tpu.memory_space<vmem>>, %arg13: memref<1x128xf32, #tpu.memory_space<vmem>>, %arg14: memref<1x128xf32, #tpu.memory_space<vmem>>, %arg15: memref<16384x128xf32, #tpu.memory_space<vmem>>) attributes {dimension_semantics = [], scalar_prefetch = 0 : i64, scratch_operands = 0 : i64, tpu.core_type = #tpu.core_type<tc>} {
    %get3A = arith.constant 0 : index
    %get3A_0 = arith.constant 0 : index
    %get3A_1 = vector.load %arg1[%get3A, %get3A_0] : memref<16384x128xf32, #tpu.memory_space<vmem>>, vector<16384x128xf32>
    %get3A_2 = arith.constant 0 : index
    %get3A_3 = arith.constant 0 : index
    %get3A_4 = vector.load %arg2[%get3A_2, %get3A_3] : memref<16384x128xf32, #tpu.memory_space<vmem>>, vector<16384x128xf32>
    %add3A = arith.addf %get3A_1, %get3A_4 : vector<16384x128xf32>
    %get3A_5 = arith.constant 0 : index
    %get3A_6 = arith.constant 0 : index
    %get3A_7 = vector.load %arg3[%get3A_5, %get3A_6] : memref<16384x16xf32, #tpu.memory_space<vmem>>, vector<16384x1xf32>
    %mul3A = vector.broadcast %get3A_7 : vector<16384x1xf32> to vector<16384x128xf32>
    %mul3A_8 = arith.mulf %add3A, %mul3A : vector<16384x128xf32>
    %get3A_9 = arith.constant 0 : index
    %get3A_10 = arith.constant 0 : index
    %get3A_11 = vector.load %arg4[%get3A_9, %get3A_10] : memref<256x128xf32, #tpu.memory_space<vmem>>, vector<256x128xf32>
    %get3A_12 = arith.constant 0 : index
    %get3A_13 = arith.constant 0 : index
    %get3A_14 = vector.load %arg0[%get3A_12, %get3A_13] : memref<16384x128xf32, #tpu.memory_space<vmem>>, vector<16384x128xf32>
    %slice3A = vector.extract_strided_slice %get3A_11 {offsets = [0, 0], sizes = [128, 128], strides = [1, 1]} : vector<256x128xf32> to vector<128x128xf32>
    %dot_general3A = arith.constant dense<0.000000e+00> : vector<16384x128xf32>
    %dot_general3A_15 = tpu.matmul %get3A_14, %slice3A, %dot_general3A {dimension_numbers = #tpu.dot_dimension_numbers<[1], [0], [0], [1], [0, 0, 1, 1], [], []>, transpose_lhs_hint = false} : vector<16384x128xf32>, vector<128x128xf32>, vector<16384x128xf32> -> vector<16384x128xf32>
    %slice3A_16 = vector.extract_strided_slice %get3A_11 {offsets = [128, 0], sizes = [128, 128], strides = [1, 1]} : vector<256x128xf32> to vector<128x128xf32>
    %dot_general3A_17 = arith.constant dense<0.000000e+00> : vector<16384x128xf32>
    %dot_general3A_18 = tpu.matmul %mul3A_8, %slice3A_16, %dot_general3A_17 {dimension_numbers = #tpu.dot_dimension_numbers<[1], [0], [0], [1], [0, 0, 1, 1], [], []>, transpose_lhs_hint = false} : vector<16384x128xf32>, vector<128x128xf32>, vector<16384x128xf32> -> vector<16384x128xf32>
    %add3A_19 = arith.addf %dot_general3A_15, %dot_general3A_18 : vector<16384x128xf32>
    %get3A_20 = arith.constant 0 : index
    %get3A_21 = arith.constant 0 : index
    %get3A_22 = vector.load %arg5[%get3A_20, %get3A_21] : memref<1x128xf32, #tpu.memory_space<vmem>>, vector<1x128xf32>
    %add3A_23 = vector.broadcast %get3A_22 : vector<1x128xf32> to vector<16384x128xf32>
    %add3A_24 = arith.addf %add3A_19, %add3A_23 : vector<16384x128xf32>
    %max3A = arith.constant 0.000000e+00 : f32
    %max3A_25 = vector.broadcast %max3A : f32 to vector<16384x128xf32>
    %max3A_26 = arith.maximumf %add3A_24, %max3A_25 : vector<16384x128xf32>
    %get3A_27 = arith.constant 0 : index
    %get3A_28 = arith.constant 0 : index
    %get3A_29 = vector.load %arg6[%get3A_27, %get3A_28] : memref<128x128xf32, #tpu.memory_space<vmem>>, vector<128x128xf32>
    %dot_general3A_30 = arith.constant dense<0.000000e+00> : vector<16384x128xf32>
    %dot_general3A_31 = tpu.matmul %max3A_26, %get3A_29, %dot_general3A_30 {dimension_numbers = #tpu.dot_dimension_numbers<[1], [0], [0], [1], [0, 0, 1, 1], [], []>, transpose_lhs_hint = false} : vector<16384x128xf32>, vector<128x128xf32>, vector<16384x128xf32> -> vector<16384x128xf32>
    %get3A_32 = arith.constant 0 : index
    %get3A_33 = arith.constant 0 : index
    %get3A_34 = vector.load %arg7[%get3A_32, %get3A_33] : memref<1x128xf32, #tpu.memory_space<vmem>>, vector<1x128xf32>
    %add3A_35 = vector.broadcast %get3A_34 : vector<1x128xf32> to vector<16384x128xf32>
    %add3A_36 = arith.addf %dot_general3A_31, %add3A_35 : vector<16384x128xf32>
    %tanh3A = math.tanh %add3A_36 : vector<16384x128xf32>
    %get3A_37 = arith.constant 0 : index
    %get3A_38 = arith.constant 0 : index
    %get3A_39 = vector.load %arg8[%get3A_37, %get3A_38] : memref<128x1xf32, #tpu.memory_space<vmem>>, vector<128x1xf32>
    %dot_general3A_40 = arith.constant dense<0.000000e+00> : vector<16384x1xf32>
    %dot_general3A_41 = tpu.matmul %tanh3A, %get3A_39, %dot_general3A_40 {dimension_numbers = #tpu.dot_dimension_numbers<[1], [0], [0], [1], [0, 0, 1, 1], [], []>, transpose_lhs_hint = false} : vector<16384x128xf32>, vector<128x1xf32>, vector<16384x1xf32> -> vector<16384x1xf32>
    %reduce_max3A = vector.shape_cast %dot_general3A_41 : vector<16384x1xf32> to vector<1x16384x1xf32>
    %reduce_max3A_42 = arith.constant dense<0xFF800000> : vector<1xf32>
    %reduce_max3A_43 = vector.multi_reduction <maximumf>, %reduce_max3A, %reduce_max3A_42 [1, 2] : vector<1x16384x1xf32> to vector<1xf32>
    %reduce_max3A_44 = vector.shape_cast %reduce_max3A_43 : vector<1xf32> to vector<1x1x1xf32>
    %reduce_max3A_45 = vector.extract %reduce_max3A_44[0, 0, 0] : f32 from vector<1x1x1xf32>
    %sub3A = vector.broadcast %reduce_max3A_45 : f32 to vector<16384x1xf32>
    %sub3A_46 = arith.subf %dot_general3A_41, %sub3A : vector<16384x1xf32>
    %exp3A = math.exp %sub3A_46 : vector<16384x1xf32>
    %reduce_sum3A = vector.shape_cast %exp3A : vector<16384x1xf32> to vector<1x16384x1xf32>
    %reduce_sum3A_47 = arith.constant dense<0.000000e+00> : vector<1xf32>
    %reduce_sum3A_48 = vector.multi_reduction <add>, %reduce_sum3A, %reduce_sum3A_47 [1, 2] : vector<1x16384x1xf32> to vector<1xf32>
    %reduce_sum3A_49 = vector.shape_cast %reduce_sum3A_48 : vector<1xf32> to vector<1x1x1xf32>
    %reduce_sum3A_50 = vector.extract %reduce_sum3A_49[0, 0, 0] : f32 from vector<1x1x1xf32>
    %div3A = vector.broadcast %reduce_sum3A_50 : f32 to vector<16384x1xf32>
    %div3A_51 = arith.divf %exp3A, %div3A : vector<16384x1xf32>
    %mul3A_52 = vector.broadcast %div3A_51 : vector<16384x1xf32> to vector<16384x128xf32>
    %mul3A_53 = arith.mulf %max3A_26, %mul3A_52 : vector<16384x128xf32>
    %get3A_54 = arith.constant 0 : index
    %get3A_55 = arith.constant 0 : index
    %get3A_56 = vector.load %arg9[%get3A_54, %get3A_55] : memref<128x128xf32, #tpu.memory_space<vmem>>, vector<128x128xf32>
    %dot_general3A_57 = arith.constant dense<0.000000e+00> : vector<16384x128xf32>
    %dot_general3A_58 = tpu.matmul %mul3A_53, %get3A_56, %dot_general3A_57 {dimension_numbers = #tpu.dot_dimension_numbers<[1], [0], [0], [1], [0, 0, 1, 1], [], []>, transpose_lhs_hint = false} : vector<16384x128xf32>, vector<128x128xf32>, vector<16384x128xf32> -> vector<16384x128xf32>
    %get3A_59 = arith.constant 0 : index
    %get3A_60 = arith.constant 0 : index
    %get3A_61 = vector.load %arg10[%get3A_59, %get3A_60] : memref<1x128xf32, #tpu.memory_space<vmem>>, vector<1x128xf32>
    %add3A_62 = vector.broadcast %get3A_61 : vector<1x128xf32> to vector<16384x128xf32>
    %add3A_63 = arith.addf %dot_general3A_58, %add3A_62 : vector<16384x128xf32>
    %reduce_sum3A_64 = arith.constant dense<0.000000e+00> : vector<128xf32>
    %reduce_sum3A_65 = vector.multi_reduction <add>, %add3A_63, %reduce_sum3A_64 [0] : vector<16384x128xf32> to vector<128xf32>
    %broadcast_in_dim3A = vector.shape_cast %reduce_sum3A_65 : vector<128xf32> to vector<1x128xf32>
    %div3A_66 = arith.constant 1.638400e+04 : f32
    %div3A_67 = vector.broadcast %div3A_66 : f32 to vector<1x128xf32>
    %div3A_68 = arith.divf %broadcast_in_dim3A, %div3A_67 : vector<1x128xf32>
    %sub3A_69 = vector.broadcast %div3A_68 : vector<1x128xf32> to vector<16384x128xf32>
    %sub3A_70 = arith.subf %add3A_63, %sub3A_69 : vector<16384x128xf32>
    %mul3A_71 = arith.mulf %sub3A_70, %sub3A_70 : vector<16384x128xf32>
    %reduce_sum3A_72 = arith.constant dense<0.000000e+00> : vector<128xf32>
    %reduce_sum3A_73 = vector.multi_reduction <add>, %mul3A_71, %reduce_sum3A_72 [0] : vector<16384x128xf32> to vector<128xf32>
    %broadcast_in_dim3A_74 = vector.shape_cast %reduce_sum3A_73 : vector<128xf32> to vector<1x128xf32>
    %div3A_75 = arith.constant 1.638400e+04 : f32
    %div3A_76 = vector.broadcast %div3A_75 : f32 to vector<1x128xf32>
    %div3A_77 = arith.divf %broadcast_in_dim3A_74, %div3A_76 : vector<1x128xf32>
    %add3A_78 = arith.constant 9.99999974E-6 : f32
    %add3A_79 = vector.broadcast %add3A_78 : f32 to vector<1x128xf32>
    %add3A_80 = arith.addf %div3A_77, %add3A_79 : vector<1x128xf32>
    %rsqrt3A = math.rsqrt %add3A_80 : vector<1x128xf32>
    %mul3A_81 = vector.broadcast %rsqrt3A : vector<1x128xf32> to vector<16384x128xf32>
    %mul3A_82 = arith.mulf %sub3A_70, %mul3A_81 : vector<16384x128xf32>
    %get3A_83 = arith.constant 0 : index
    %get3A_84 = arith.constant 0 : index
    %get3A_85 = vector.load %arg13[%get3A_83, %get3A_84] : memref<1x128xf32, #tpu.memory_space<vmem>>, vector<1x128xf32>
    %mul3A_86 = vector.broadcast %get3A_85 : vector<1x128xf32> to vector<16384x128xf32>
    %mul3A_87 = arith.mulf %mul3A_82, %mul3A_86 : vector<16384x128xf32>
    %get3A_88 = arith.constant 0 : index
    %get3A_89 = arith.constant 0 : index
    %get3A_90 = vector.load %arg14[%get3A_88, %get3A_89] : memref<1x128xf32, #tpu.memory_space<vmem>>, vector<1x128xf32>
    %add3A_91 = vector.broadcast %get3A_90 : vector<1x128xf32> to vector<16384x128xf32>
    %add3A_92 = arith.addf %mul3A_87, %add3A_91 : vector<16384x128xf32>
    %max3A_93 = arith.constant 0.000000e+00 : f32
    %max3A_94 = vector.broadcast %max3A_93 : f32 to vector<16384x128xf32>
    %max3A_95 = arith.maximumf %add3A_92, %max3A_94 : vector<16384x128xf32>
    %get3A_96 = arith.constant 0 : index
    %get3A_97 = arith.constant 0 : index
    %get3A_98 = vector.load %arg11[%get3A_96, %get3A_97] : memref<128x128xf32, #tpu.memory_space<vmem>>, vector<128x128xf32>
    %dot_general3A_99 = arith.constant dense<0.000000e+00> : vector<16384x128xf32>
    %dot_general3A_100 = tpu.matmul %max3A_95, %get3A_98, %dot_general3A_99 {dimension_numbers = #tpu.dot_dimension_numbers<[1], [0], [0], [1], [0, 0, 1, 1], [], []>, transpose_lhs_hint = false} : vector<16384x128xf32>, vector<128x128xf32>, vector<16384x128xf32> -> vector<16384x128xf32>
    %get3A_101 = arith.constant 0 : index
    %get3A_102 = arith.constant 0 : index
    %get3A_103 = vector.load %arg12[%get3A_101, %get3A_102] : memref<1x128xf32, #tpu.memory_space<vmem>>, vector<1x128xf32>
    %add3A_104 = vector.broadcast %get3A_103 : vector<1x128xf32> to vector<16384x128xf32>
    %add3A_105 = arith.addf %dot_general3A_100, %add3A_104 : vector<16384x128xf32>
    %swap3A = arith.constant 0 : index
    %swap3A_106 = arith.constant 0 : index
    %swap3A_107 = vector.load %arg15[%swap3A, %swap3A_106] : memref<16384x128xf32, #tpu.memory_space<vmem>>, vector<16384x128xf32>
    tpu.vector_store %arg15[%swap3A, %swap3A_106], %add3A_105 {strides = array<i32>} : memref<16384x128xf32, #tpu.memory_space<vmem>>, vector<16384x128xf32>,
    return
  }
}

</mosaic_0001>

<sc_bundles>
// kernel: kernel.6.cloned.1.call-start
scs
__scs_entry_jumppad:
0x0: {  	(pc) =	sbr.rel $0x88, $3  }
0x1: {  	(tag) =	ssettag $0x0;
	lr =	simm.s32 $0x1  }
0x2: {  	[smem:$0x3F93] =	sst lr;
	_ =	strace $0xD0000000  }
0x3: {  	_ = 	snop  }
0x4: {  	_ = 	snop  }
0x5: {  	_ = 	snop  }
0x6: {  	_ = 	snop  }
0x7: {  	_ = 	snop  }
__scs_overlays_trampoline_lowered:
0x8: {  	[smem:$0x3FA2] =	sst s0  }
0x9: {  	[smem:$0x3FA3] =	sst s1  }
0xa: {  	[smem:$0x3FA4] =	sst s2  }
0xb: {  	[smem:$0x3FA5] =	sst s3  }
0xc: {  	[smem:$0x3FA6] =	sst s4  }
0xd: {  	[smem:$0x3FA7] =	sst s5  }
0xe: {  	[smem:$0x3FA8] =	sst s6  }
0xf: {  	[smem:$0x3FA9] =	sst s7  }
0x10: {  	[smem:$0x3FAA] =	sst s8  }
0x11: {  	[smem:$0x3FAB] =	sst s9;
	s0 =	simm.s32 @!p0 $0x0  }
0x12: {  	s1 =	sld [smem:$0x3F91];
	s0 =	simm.s32 @p0 $0x1  }
0x13: {  	[smem:$0x3FAC] =	sst s0;
	s0 =	simm.s32 @!p1 $0x0  }
0x14: {  	s2 =	sld [smem:$0x3F90];
	s0 =	simm.s32 @p1 $0x1  }
0x15: {  	[smem:$0x3FAD] =	sst s0;
	s0 =	simm.s32 @!p2 $0x0  }
0x16: {  	s3 =	sld [smem:$0x3FDB];
	s0 =	simm.s32 @p2 $0x1  }
0x17: {  	s4 =	simm.s32 $0x1BF5;
	[smem:$0x3FAF] =	sst s0  }
0x18: {  	s0 =	sld [smem:$0x3F92];
	_ =	swait.ge [sflag:s4], $0x0  }
0x19: {  	s7 =	sld [smem:$0x3F93]  }
0x1a: {  	s8 =	sadd.s32 $0xFFFFE003, lr  }
0x1b: {  	s9 =	sadd.s32 $0xFFFFFEF7, lr;
	s5 =	simm.s32 $0xFFFFFFFF;
	p2 =	slt.u32 s8, $0xFFFFF086  }
0x1c: {  	p1 =	slt.u32 s9, $0xF7A;
	s5 =	simm.s32 @!p2 $0x0  }
0x1d: {  	s5 =	simm.s32 @p1 $0x1;
	p0 =	seq.s32 s7, s2  }
0x1e: {  	s7 =	smul.u32 @!p0 $0xF7A, s2;
	p2 =	seq.s32 @!p0 s5, $0x0  }
0x1f: {  	s9 =	smul.u32 $0xF7A, s1;
	s8 =	simm.s32 @!p0 $0x1BF5;
	p2 =	por !p2, p0  }
0x20: {  	[sflag:s8] =	ssyncset.s32 @!p0 $0xFFFFF086;
	s6 =	sadd.s32 @!p0 s3, s7;
	s7 =	simm.s32 @!p0 $0x108  }
0x21: {  	s3 =	sadd.s32 s3, s9;
	s6 =	sadd.s32 @!p0 $0x88, s6;
	s7 =	simm.s32 @p2 $0x1082  }
0x22: {  	[simem:s7], [sflag:s8] =	dma.local @!p0 [hbm:s6], $0xF7A  }
0x23: {  	s9 =	sor.u32 $0xD0000000, s2;
	s6 =	simm.s32 $0x108;
	_ =	swait.ge @!p0 [sflag:s8], $0x0  }
0x24: {  	s3 =	sadd.s32 $0x88, s3;
	s6 =	simm.s32 @!p1 $0x1082;
	[sflag:s4] =	ssyncset.s32 $0xFFFFF086  }
0x25: {  	[simem:s6], [sflag:s4] =	dma.local [hbm:s3], $0xF7A  }
0x26: {  	[smem:$0x3F93] =	sst s1;
	(tag) =	ssettag s2;
	_ =	strace s9  }
0x27: {  	s1 =	sld [smem:$0x3FA3]  }
0x28: {  	s2 =	sld [smem:$0x3FA4]  }
0x29: {  	s4 =	sld [smem:$0x3FA6]  }
0x2a: {  	p0 =	seq.s32 s5, $0x0;
	s5 =	sld [smem:$0x3FA7]  }
0x2b: {  	s6 =	sld [smem:$0x3FA8]  }
0x2c: {  	s7 =	sld [smem:$0x3FA9]  }
0x2d: {  	s3 =	simm.s32 $0x108;
	s8 =	sld [smem:$0x3FAA]  }
0x2e: {  	s3 =	simm.s32 @!p0 $0x1082;
	s9 =	sld [smem:$0x3FAB]  }
0x2f: {  	lr =	sadd.s32 s0, s3;
	s0 =	sld [smem:$0x3FA2]  }
0x30: {  	s3 =	sld [smem:$0x3FA5]  }
0x31: {  	[smem:$0x3FAE] =	sst s10  }
0x32: {  	s10 =	sld [smem:$0x3FAC];
	_ =	sdelay $0x3  }
0x33: {  	p0 =	seq.s32 s10, $0x1;
	s10 =	sld [smem:$0x3FAE];
	_ =	sdelay $0x3  }
0x34: {  	[smem:$0x3FAE] =	sst s10  }
0x35: {  	s10 =	sld [smem:$0x3FAD];
	_ =	sdelay $0x3  }
0x36: {  	p1 =	seq.s32 s10, $0x1;
	s10 =	sld [smem:$0x3FAE];
	_ =	sdelay $0x3  }
0x37: {  	[smem:$0x3FAE] =	sst s10  }
0x38: {  	s10 =	sld [smem:$0x3FAF]  }
0x39: {  	_ = 	snop;
	(pc) =	sbr.ind lr, $3  }
0x3a: {  	_ = 	snop  }
0x3b: {  	_ = 	snop  }
0x3c: {  	p2 =	seq.s32 s10, $0x1;
	s10 =	sld [smem:$0x3FAE]  }
0x3d: {  	_ =	shalt  }
0x3e: {  	_ =	shalt  }
0x3f: {  	_ =	shalt  }
0x40: {  	_ =	shalt  }
0x41: {  	_ =	shalt  }
0x42: {  	_ =	shalt  }
0x43: {  	_ =	shalt  }
0x44: {  	_ =	shalt  }
0x45: {  	_ =	shalt  }
0x46: {  	_ =	shalt  }
0x47: {  	_ =	shalt  }
0x48: {  	_ =	shalt  }
0x49: {  	_ =	shalt  }
0x4a: {  	_ =	shalt  }
0x4b: {  	_ =	shalt  }
0x4c: {  	_ =	shalt  }
0x4d: {  	_ =	shalt  }
0x4e: {  	_ =	shalt  }
0x4f: {  	_ =	shalt  }
0x50: {  	_ =	shalt  }
0x51: {  	_ =	shalt  }
0x52: {  	_ =	shalt  }
0x53: {  	_ =	shalt  }
0x54: {  	_ =	shalt  }
0x55: {  	_ =	shalt  }
0x56: {  	_ =	shalt  }
0x57: {  	_ =	shalt  }
0x58: {  	_ =	shalt  }
0x59: {  	_ =	shalt  }
0x5a: {  	_ =	shalt  }
0x5b: {  	_ =	shalt  }
0x5c: {  	_ =	shalt  }
0x5d: {  	_ =	shalt  }
0x5e: {  	_ =	shalt  }
0x5f: {  	_ =	shalt  }
0x60: {  	_ =	shalt  }
0x61: {  	_ =	shalt  }
0x62: {  	_ =	shalt  }
0x63: {  	_ =	shalt  }
0x64: {  	_ =	shalt  }
0x65: {  	_ =	shalt  }
0x66: {  	_ =	shalt  }
0x67: {  	_ =	shalt  }
0x68: {  	_ =	shalt  }
0x69: {  	_ =	shalt  }
0x6a: {  	_ =	shalt  }
0x6b: {  	_ =	shalt  }
0x6c: {  	_ =	shalt  }
0x6d: {  	_ =	shalt  }
0x6e: {  	_ =	shalt  }
0x6f: {  	_ =	shalt  }
0x70: {  	_ =	shalt  }
0x71: {  	_ =	shalt  }
0x72: {  	_ =	shalt  }
0x73: {  	_ =	shalt  }
0x74: {  	_ =	shalt  }
0x75: {  	_ =	shalt  }
0x76: {  	_ =	shalt  }
0x77: {  	_ =	shalt  }
0x78: {  	_ =	shalt  }
0x79: {  	_ =	shalt  }
0x7a: {  	_ =	shalt  }
0x7b: {  	_ =	shalt  }
0x7c: {  	_ =	shalt  }
0x7d: {  	_ =	shalt  }
0x7e: {  	_ =	shalt  }
0x7f: {  	_ =	shalt  }
0x80: {  	_ =	shalt  }
0x81: {  	_ =	shalt  }
0x82: {  	_ =	shalt  }
0x83: {  	_ =	shalt  }
0x84: {  	_ =	shalt  }
0x85: {  	_ =	shalt  }
0x86: {  	_ =	shalt  }
0x87: {  	_ =	shalt  }
.Lfunc_end0:
.L_simem_size_0:
called_computation_lowered:
.L_overlay_start_0:
0x88: {  	s2 =	sld [smem:$0x3FD9]  }
0x89: {  	s3 =	sld [smem:$0x3FFE];
	_ =	sdelay $0x1  }
0x8a: {  	s1 =	srdreg.scid  }
0x8b: {  	s0 =	sand.u32 $0x1, s1  }
0x8c: {  	s18 =	sshll.u32 s0, $0xA;
	s2 =	sadd.s32 s3, s2  }
0x8d: {  	s3 =	sadd.s32 s2, s18  }
0x8e: {  	[smem:$0x3FBA] =	sst s3  }
0x8f: {  	_ = 	snop  }
0x90: {  	s3 =	sld [smem:$0x3FC7]  }
0x91: {  	s4 =	sld [smem:$0x3FD0];
	(tm) =	ssettm $0x1  }
0x92: {  	s5 =	sld [smem:$0x3FFB];
	_ =	sdelay $0x3  }
0x93: {  	_ =	strace s5  }
0x94: {  	s5 =	sld [smem:$0x3FFC];
	_ =	sdelay $0x3  }
0x95: {  	_ =	strace s5  }
0x96: {  	s5 =	sld [smem:$0x3FFD];
	_ =	sdelay $0x3  }
0x97: {  	_ =	strace s5  }
0x98: {  	_ =	strace $0x8FFFFFFF  }
0x99: {  	s19 =	sld [smem:$0x3FDB];
	_ =	sdelay $0x1  }
0x9a: {  	s6 =	simm.s32 $_scs_section_size  }
0x9b: {  	s7 =	simm.s32 $_size__tile_overlayer_lowered;
	s8 =	simm.s32 $_tile_overlayer_lowered  }
0x9c: {  	s22 =	simm.s32 $0x1BFF;
	s21 =	sshll.u32 s8, $0x1;
	s5 =	sadd.s32 s6, s19  }
0x9d: {  	s9 =	simm.s32 $0x0;
	s20 =	sshll.u32 s7, $0x1;
	s7 =	sadd.s32 s21, s5  }
0x9e: {  	[timem:s9], [sflag:s22] =	dma.local [hbm:s7], s20  }
0x9f: {  	_ =	swait.ge [sflag:s22], s20  }
0xa0: {  	s6 =	ssub.s32 $0x0, s20;
	[sflag:s22] =	ssyncset.done $0x0  }
0xa1: {  	[sflag:s22] =	ssyncadd.s32 s6;
	_ =	sdelay $0x1  }
0xa2: {  	s23 =	simm.s32 $0x1B8B  }
0xa3: {  	_ =	swait.ge [sflag:s23], $0x1  }
0xa4: {  	[sflag:s23] =	ssyncset.done $0x0  }
0xa5: {  	s25 =	simm.s32 $0x1B8E;
	s24 =	sld [smem:$0x3FFE];
	[sflag:s23] =	ssyncadd.s32 $0xFFFFFFFF  }
0xa6: {  	s26 =	simm.s32 $execute0_lowered;
	[smem:$0x3FD2] =	sst s25  }
0xa7: {  	s7 =	sshll.u32 s26, $0x1;
	_ =	strace $0x80000046;
	[dreg:$0x1] =	wrdreg $0xFFFFFFFF  }
0xa8: {  	s28 =	simm.s32 $_size_execute0_lowered;
	s5 =	sadd.s32 s5, s7;
	[dreg:$0x0] =	wrdreg $0x0  }
0xa9: {  	s7 =	sshll.u32 s28, $0x1;
	[dreg:$0x2] =	wrdreg s5  }
0xaa: {  	[dreg:$0x3] =	wrdreg s7  }
0xab: {  	[dreg:$0x4] =	wrdreg $0xC0  }
0xac: {  	_ =	task [dreg:s9], $0x5FFFF  }
0xad: {  	[dreg:$0x1] =	wrdreg $0xFFFFFFFF  }
0xae: {  	[dreg:$0x0] =	wrdreg $0x60  }
0xaf: {  	[dreg:$0x2] =	wrdreg s24  }
0xb0: {  	[dreg:$0x3] =	wrdreg s3  }
0xb1: {  	s2 =	sadd.s32 $0x800, s2;
	[dreg:$0x4] =	wrdreg s4  }
0xb2: {  	[dreg:$0x5] =	wrdreg s2  }
0xb3: {  	[dreg:$0x6] =	wrdreg $0x0  }
0xb4: {  	[dreg:$0x7] =	wrdreg $0x9  }
0xb5: {  	_ =	task.clear_ibuf [dreg:s9], $0x8FFFF;
	_ =	strace $0x90000046  }
0xb6: {  	s29 =	simm.s32 $0x9;
	_ =	strace $0x80000048  }
0xb7: {  	_ =	swait.ge [sflag:s29], $0x1  }
0xb8: {  	[sflag:s29] =	ssyncadd.s32 $0xFFFFFFFF  }
0xb9: {  	_ =	strace $0x90000048  }
0xba: {  	_ =	sfence  }
0xbb: {  	s30 =	sld [smem:$0x0];
	_ =	sdelay $0x2  }
0xbc: {  	s31 =	sshll.u32 s1, $0xD;
	s1 =	sshrl.u32 s1, $0x2  }
0xbd: {  	s3 =	sand.u32 $0x4000, s31;
	s1 =	sadd.s32 s1, s30  }
0xbe: {  	s0 =	sor.u32 s3, s0;
	s1 =	sshll.u32 s1, $0x11  }
0xbf: {  	s0 =	sor.u32 s1, s0  }
0xc0: {  	s0 =	sadd.s32 $0x8F2B, s0  }
0xc1: {  	[sflag:s0] =	ssyncadd.remote.s32 $0x1  }
0xc2: {  	_ =	sfence.sel $0xFFFF  }
0xc3: {  	[dreg:$0x0] =	wrdreg $0xFFFFFFFF;
	(pc) =	sbr.abs _section_cstart, $3  }
0xc4: {  	[dreg:$0x1] =	wrdreg $0xFFFFFFFF  }
0xc5: {  	_ =	task.clear_ibuf [dreg:s9], $0x2FFFF;
	_ =	strace $0x9FFFFFFF  }
0xc6: {  	(tm) =	ssettm $0x7FFFFFFF  }
0xc7: {  	_ =	shalt  }
tec
execute0_lowered:
.L_overlay_start_1:
0x0: {  	(tag) =	ssettag $0x1  }
0x1: {  	s2 =	rddreg [dreg:$0x0]  }
0x2: {  	s6 =	rddreg [dreg:$0x1]  }
0x3: {  	s7 =	rddreg [dreg:$0x2]  }
0x4: {  	s0 =	rddreg [dreg:$0x3]  }
0x5: {  	s1 =	rddreg [dreg:$0x4];
	s21 =	stileid.u32  }
0x6: {  	s3 =	simm.s32 $0x0;
	s4 =	srdreg.scid;
	s10 =	smul.u32 $0x271, s21  }
0x7: {  	s31 =	simm.s32 $0x7;
	[smem:$0x7FF] =	sst s3;
	s23 =	smul.u32 $0x15F90, s21  }
0x8: {  	s8 =	sand.u32 $0x1, s4;
	s9 =	sadd.s32 $0x1A00, s2;
	s14 =	smul.u32 $0x2710, s21  }
0x9: {  	s11 =	sadd.s32 $0xBA00, s2;
	s13 =	sadd.s32 $0x15A00, s2;
	s28 =	smul.u32 $0xA0, s21  }
0xa: {  	s24 =	sshll.u32 s21, $0x1;
	_ =	strace $0x80000047;
	s12 =	smul.u32 $0x15F900, s8  }
0xb: {  	s4 =	ssub.s32 $0x2, s8;
	s16 =	sor.u32 s8, s24;
	s19 =	smul.u32 $0x50, s8  }
0xc: {  	s24 =	smul.u32 $0x16800, s21;
	p0 =	seq.s32 s8, $0x1;
	s5 =	sshrl.u32 s4, $0x1  }
0xd: {  	s15 =	sadd.s32 $0x7D, s10;
	s16 =	smul.u32 $0x500, s16;
	s10 =	sshll.u32 s10, $0x4  }
0xe: {  	s7 =	smov.u32 @p0 s13;
	s2 =	ssub.s32 s4, s5;
	s17 =	sadd.s32 s23, s12  }
0xf: {  	s18 =	smul.u32 $0x90, s15;
	s4 =	sadd.s32 s6, s14;
	s25 =	sshll.u32 s15, $0x4  }
0x10: {  	s22 =	sadd.s32 s19, s28;
	s23 =	sshrl.u32 s24, $0x3;
	s14 =	sshrl.u32 s17, $0x3  }
0x11: {  	s5 =	sadd.s32 s6, s25;
	s6 =	sadd.s32 s6, s10;
	s10 =	sadd.s32 $0x8CA0, s17  }
0x12: {  	s20 =	sadd.s32 s9, s16;
	s29 =	sadd.s32 s11, s16;
	[dreg:$0xc] =	wrdreg s4  }
0x13: {  	s30 =	sor.u32 $0x10, s16;
	s8 =	sshll.u32 s22, $0x4;
	[dreg:$0xe] =	wrdreg s20  }
0x14: {  	s7 =	sadd.s32 s7, s23;
	s26 =	sadd.s32 s12, s18;
	[dreg:$0xf] =	wrdreg s29  }
0x15: {  	s25 =	sadd.s32 s9, s30;
	[dreg:$0x11] =	wrdreg s7;
	s28 =	sadd.s32 s8, s11  }
0x16: {  	s29 =	sor.u32 $0x60, s8;
	s30 =	sadd.s32 s11, s30;
	[dreg:$0xd] =	wrdreg s5  }
0x17: {  	s20 =	sor.u32 $0x20, s16;
	s10 =	sshrl.u32 s10, $0x3;
	[dreg:$0x10] =	wrdreg s25  }
0x18: {  	s15 =	sshrl.u32 s26, $0x3;
	s26 =	sadd.s32 s8, s9;
	[dreg:$0x12] =	wrdreg s30  }
0x19: {  	[dreg:$0x7] =	wrdreg s28;
	s18 =	sadd.s32 s29, s9;
	s19 =	sadd.s32 s29, s11  }
0x1a: {  	s8 =	sor.u32 $0x40, s8;
	s23 =	sadd.s32 s9, s20;
	s25 =	sor.u32 $0x30, s16  }
0x1b: {  	s13 =	sadd.s32 s11, s20;
	s28 =	sadd.s32 $0xD2F0, s17;
	[dreg:$0x6] =	wrdreg s26  }
0x1c: {  	s29 =	sadd.s32 $0x11940, s17;
	s30 =	smul.u32 $0x5A000, s21;
	[dreg:$0x8] =	wrdreg s18  }
0x1d: {  	s16 =	sadd.s32 s14, s0;
	s10 =	sadd.s32 s10, s0;
	[dreg:$0x9] =	wrdreg s19  }
0x1e: {  	s21 =	sadd.s32 $0xFA0, s6;
	s14 =	simm.s32 $0x16B80;
	[dreg:$0x13] =	wrdreg s23  }
0x1f: {  	s22 =	sadd.s32 s8, s9;
	[dreg:$0x14] =	wrdreg s13;
	s9 =	sadd.s32 s9, s25  }
0x20: {  	s7 =	sadd.s32 s11, s25;
	s26 =	sadd.s32 s8, s11;
	[dreg:$0x17] =	wrdreg s16  }
0x21: {  	s8 =	sshrl.u32 s28, $0x3;
	s13 =	sshrl.u32 s12, $0x3;
	[dreg:$0x19] =	wrdreg s10  }
0x22: {  	s17 =	sadd.s32 s15, s0;
	s23 =	sadd.s32 $0x1F40, s6;
	[dreg:$0xa] =	wrdreg s22  }
0x23: {  	s25 =	sadd.s32 s24, s1;
	s10 =	simm.s32 $0x80;
	[dreg:$0x15] =	wrdreg s9  }
0x24: {  	s11 =	simm.s32 $0x16900;
	s12 =	simm.s32 $0x16B00;
	[dreg:$0x16] =	wrdreg s7  }
0x25: {  	s15 =	simm.s32 $0x1;
	s16 =	simm.s32 $0x5;
	[dreg:$0xb] =	wrdreg s26  }
0x26: {  	s24 =	simm.s32 $0x0;
	s9 =	sshrl.u32 s29, $0x3;
	[dreg:$0x18] =	wrdreg s17  }
0x27: {  	s8 =	sadd.s32 s8, s0;
	s20 =	sadd.s32 s13, s0;
	s19 =	sshrl.u32 s30, $0x2  }
0x28: {  	s22 =	sadd.s32 $0x1770, s6;
	[dreg:$0x1c] =	wrdreg s25;
	s30 =	smax.u32 s2, $0x1  }
0x29: {  	s2 =	simm.s32 $0x16C00;
	s6 =	simm.s32 $0x16800;
	s7 =	simm.s32 $0x16A00  }
0x2a: {  	s13 =	simm.s32 $0x16980;
	s17 =	simm.s32 $0x2;
	[dreg:$0x1a] =	wrdreg s8  }
0x2b: {  	s18 =	sadd.s32 s9, s0;
	s0 =	sadd.s32 s19, s1;
	[smem:$0x7FD] =	sst s30  }
0x2c: {  	s25 =	simm.s32 $0x4;
	[dreg:$0x1b] =	wrdreg s18;
	s26 =	sadd.s32 $0x4800, s0  }
0x2d: {  	s8 =	simm.s32 $0x16880;
	s28 =	sadd.s32 $0x9000, s0;
	[dreg:$0x1d] =	wrdreg s26  }
0x2e: {  	s9 =	simm.s32 $0x16A80;
	s29 =	sadd.s32 $0xD800, s0;
	[dreg:$0x1e] =	wrdreg s28  }
0x2f: {  	s19 =	simm.s32 $0x3;
	s0 =	sadd.s32 $0x12000, s0;
	[dreg:$0x1f] =	wrdreg s29  }
0x30: {  	v0 =	vimm.f32 $1.000000000e+00;
	v1 =	vimm.f32 $0.0e+00;
	s18 =	simm.s32 $0x6;
	[smem:$0x7FC] =	sst s0;
	s0 =	simm.s32 $0x1B400  }
.LBB2_1:
0x31: {  	[smem:$0x7FB] =	sst s24;
	s24 =	simm.s32 $0x200  }
.LBB2_2:
0x32: {  	p0 =	sne.s32 s24, $0x11900  }
.Ltmp0:
0x33: {  	_ = 	snop;
	(pc) =	sbr.rel @p0 .LBB2_2-.Ltmp0, $3  }
0x34: {  	_ =	sdelay $0x1  }
0x35: {  	s28 =	sshra.s32 s24, $0x2  }
0x36: {  	s24 =	sadd.s32 $0x240, s24;
	[tilespmem:s28+$0x1B400] =	vst v0  }
0x37: {  	s24 =	simm.s32 $0x1B400  }
0x38: {  	s28 =	simm.s32 $0x10;
	s30 =	sadd.s32 $0x0, s4;
	s29 =	simm.s32 $0x1B490  }
.LBB2_4:
0x39: {  	[tilespmem:s24], [sflag:$0x7] =	stream.linear.gather [hbm4b:s30+s3], $0x80, $0x38;
	[tilespmem:$0x1FC00] =	vst v63  }
0x3a: {  	s30 =	smov.u32 s28;
	s24 =	smov.u32 s29;
	p0 =	sne.s32 s28, $0x7C0  }
.Ltmp1:
0x3b: {  	s28 =	sadd.s32 $0x10, s28;
	(pc) =	sbr.rel @p0 .LBB2_4-.Ltmp1, $2  }
0x3c: {  	_ =	sdelay $0x2  }
0x3d: {  	s29 =	sadd.s32 $0x90, s29;
	s30 =	sadd.s32 s30, s4  }
0x3e: {  	[tilespmem:s24], [sflag:$0x7] =	stream.linear.gather [hbm4b:s30+s3], $0x80, $0x38;
	[tilespmem:$0x1FC00] =	vst v63  }
0x3f: {  	_ =	swait.ge [sflag:s31], $0x3E80  }
0x40: {  	s28 =	simm.s32 $0x0;
	[sflag:s31] =	ssyncset.done $0x0  }
0x41: {  	s24 =	simm.s32 $0x1B400;
	s26 =	rddreg [dreg:$0x17];
	[sflag:s31] =	ssyncadd.s32 $0xFFFFC180  }
0x42: {  	[hbm4b:s26+s28] =	stream.linear.scatter [tilespmem:s24], [sflag:$0x7], $0x4650, $0x38;
	[tilespmem:$0x1FC00] =	vst v63  }
0x43: {  	_ =	swait.ge [sflag:s31], $0x4650  }
0x44: {  	s30 =	sadd.s32 $0x0, s5;
	[sflag:s31] =	ssyncset.done $0x0  }
0x45: {  	s29 =	simm.s32 $0x1B490;
	s28 =	simm.s32 $0x10;
	[sflag:s31] =	ssyncadd.s32 $0xFFFFB9B0  }
.LBB2_6:
0x46: {  	[tilespmem:s24], [sflag:$0x7] =	stream.linear.gather [hbm4b:s30+s3], $0x80, $0x38;
	[tilespmem:$0x1FC00] =	vst v63  }
0x47: {  	s30 =	smov.u32 s28;
	s24 =	smov.u32 s29;
	p0 =	sne.s32 s28, $0x7C0  }
.Ltmp2:
0x48: {  	s28 =	sadd.s32 $0x10, s28;
	(pc) =	sbr.rel @p0 .LBB2_6-.Ltmp2, $2  }
0x49: {  	_ =	sdelay $0x2  }
0x4a: {  	s29 =	sadd.s32 $0x90, s29;
	s30 =	sadd.s32 s30, s5  }
0x4b: {  	[tilespmem:s24], [sflag:$0x7] =	stream.linear.gather [hbm4b:s30+s3], $0x80, $0x38;
	[tilespmem:$0x1FC00] =	vst v63  }
0x4c: {  	_ =	swait.ge [sflag:s31], $0x3E80  }
0x4d: {  	s28 =	simm.s32 $0x0;
	[sflag:s31] =	ssyncset.done $0x0  }
0x4e: {  	s24 =	simm.s32 $0x1B400;
	s26 =	rddreg [dreg:$0x18];
	[sflag:s31] =	ssyncadd.s32 $0xFFFFC180  }
0x4f: {  	[hbm4b:s26+s28] =	stream.linear.scatter [tilespmem:s24], [sflag:$0x7], $0x4650, $0x38;
	[tilespmem:$0x1FC00] =	vst v63  }
0x50: {  	_ =	swait.ge [sflag:s31], $0x4650  }
0x51: {  	s30 =	sadd.s32 $0x0, s21;
	[sflag:s31] =	ssyncset.done $0x0  }
0x52: {  	s29 =	simm.s32 $0x1B490;
	s28 =	simm.s32 $0x10;
	[sflag:s31] =	ssyncadd.s32 $0xFFFFB9B0  }
.LBB2_8:
0x53: {  	[tilespmem:s24], [sflag:$0x7] =	stream.linear.gather [hbm4b:s30+s3], $0x80, $0x38;
	[tilespmem:$0x1FC00] =	vst v63  }
0x54: {  	s30 =	smov.u32 s28;
	s24 =	smov.u32 s29;
	p0 =	sne.s32 s28, $0x7C0  }
.Ltmp3:
0x55: {  	s28 =	sadd.s32 $0x10, s28;
	(pc) =	sbr.rel @p0 .LBB2_8-.Ltmp3, $2  }
0x56: {  	_ =	sdelay $0x2  }
0x57: {  	s29 =	sadd.s32 $0x90, s29;
	s30 =	sadd.s32 s30, s21  }
0x58: {  	[tilespmem:s24], [sflag:$0x7] =	stream.linear.gather [hbm4b:s30+s3], $0x80, $0x38;
	[tilespmem:$0x1FC00] =	vst v63  }
0x59: {  	_ =	swait.ge [sflag:s31], $0x3E80  }
0x5a: {  	s28 =	simm.s32 $0x0;
	[sflag:s31] =	ssyncset.done $0x0  }
0x5b: {  	s24 =	simm.s32 $0x1B400;
	s26 =	rddreg [dreg:$0x19];
	[sflag:s31] =	ssyncadd.s32 $0xFFFFC180  }
0x5c: {  	[hbm4b:s26+s28] =	stream.linear.scatter [tilespmem:s24], [sflag:$0x7], $0x4650, $0x38;
	[tilespmem:$0x1FC00] =	vst v63  }
0x5d: {  	_ =	swait.ge [sflag:s31], $0x4650  }
0x5e: {  	s30 =	sadd.s32 $0x0, s22;
	[sflag:s31] =	ssyncset.done $0x0  }
0x5f: {  	s29 =	simm.s32 $0x1B490;
	s28 =	simm.s32 $0x10;
	[sflag:s31] =	ssyncadd.s32 $0xFFFFB9B0  }
.LBB2_10:
0x60: {  	[tilespmem:s24], [sflag:$0x7] =	stream.linear.gather [hbm4b:s30+s3], $0x80, $0x38;
	[tilespmem:$0x1FC00] =	vst v63  }
0x61: {  	s30 =	smov.u32 s28;
	s24 =	smov.u32 s29;
	p0 =	sne.s32 s28, $0x7C0  }
.Ltmp4:
0x62: {  	s28 =	sadd.s32 $0x10, s28;
	(pc) =	sbr.rel @p0 .LBB2_10-.Ltmp4, $2  }
0x63: {  	_ =	sdelay $0x2  }
0x64: {  	s29 =	sadd.s32 $0x90, s29;
	s30 =	sadd.s32 s30, s22  }
0x65: {  	[tilespmem:s24], [sflag:$0x7] =	stream.linear.gather [hbm4b:s30+s3], $0x80, $0x38;
	[tilespmem:$0x1FC00] =	vst v63  }
0x66: {  	_ =	swait.ge [sflag:s31], $0x3E80  }
0x67: {  	s28 =	simm.s32 $0x0;
	[sflag:s31] =	ssyncset.done $0x0  }
0x68: {  	s24 =	simm.s32 $0x1B400;
	s4 =	rddreg [dreg:$0x1a];
	[sflag:s31] =	ssyncadd.s32 $0xFFFFC180  }
0x69: {  	[hbm4b:s4+s28] =	stream.linear.scatter [tilespmem:s24], [sflag:$0x7], $0x4650, $0x38;
	[tilespmem:$0x1FC00] =	vst v63  }
0x6a: {  	_ =	swait.ge [sflag:s31], $0x4650  }
0x6b: {  	s30 =	sadd.s32 $0x0, s23;
	[sflag:s31] =	ssyncset.done $0x0  }
0x6c: {  	s29 =	simm.s32 $0x1B490;
	s28 =	simm.s32 $0x10;
	[sflag:s31] =	ssyncadd.s32 $0xFFFFB9B0  }
.LBB2_12:
0x6d: {  	[tilespmem:s24], [sflag:$0x7] =	stream.linear.gather [hbm4b:s30+s3], $0x80, $0x38;
	[tilespmem:$0x1FC00] =	vst v63  }
0x6e: {  	s30 =	smov.u32 s28;
	s24 =	smov.u32 s29;
	p0 =	sne.s32 s28, $0x7C0  }
.Ltmp5:
0x6f: {  	s28 =	sadd.s32 $0x10, s28;
	(pc) =	sbr.rel @p0 .LBB2_12-.Ltmp5, $2  }
0x70: {  	_ =	sdelay $0x2  }
0x71: {  	s29 =	sadd.s32 $0x90, s29;
	s30 =	sadd.s32 s30, s23  }
0x72: {  	[tilespmem:s24], [sflag:$0x7] =	stream.linear.gather [hbm4b:s30+s3], $0x80, $0x38;
	[tilespmem:$0x1FC00] =	vst v63  }
0x73: {  	_ =	swait.ge [sflag:s31], $0x3E80  }
0x74: {  	s28 =	simm.s32 $0x0;
	[sflag:s31] =	ssyncset.done $0x0  }
0x75: {  	s26 =	smul.u32 $0xE38F, s28;
	s4 =	rddreg [dreg:$0x1b];
	[sflag:s31] =	ssyncadd.s32 $0xFFFFC180  }
0x76: {  	[hbm4b:s4+s28] =	stream.linear.scatter [tilespmem:s0], [sflag:$0x7], $0x4650, $0x38;
	[tilespmem:$0x1FC00] =	vst v63  }
0x77: {  	_ =	swait.ge [sflag:s31], $0x4650  }
0x78: {  	s29 =	sshrl.u32 s26, $0x13;
	[sflag:s31] =	ssyncset.done $0x0  }
0x79: {  	s24 =	simm.s32 $0x1;
	s30 =	smul.u32 $0x9, s29;
	[sflag:s31] =	ssyncadd.s32 $0xFFFFB9B0  }
.LBB2_14:
0x7a: {  	s26 =	smul.u32 $0xE38F, s24  }
0x7b: {  	s4 =	smov.u32 s24;
	s29 =	smul.u32 $0x240, s29;
	p0 =	sne.s32 s24, $0x47F  }
.Ltmp6:
0x7c: {  	s28 =	ssub.s32 s28, s30;
	(pc) =	sbr.rel @p0 .LBB2_14-.Ltmp6, $4  }
0x7d: {  	s24 =	sadd.s32 $0x1, s24;
	s28 =	sand.u32 $0xFFFF, s28  }
0x7e: {  	s30 =	sshrl.u32 s29, $0x2;
	s5 =	sshll.u32 s28, $0x4;
	s28 =	smov.u32 s4  }
0x7f: {  	s29 =	sshrl.u32 s26, $0x13;
	s4 =	sadd.s32 s5, s30  }
0x80: {  	s30 =	smul.u32 $0x9, s29;
	[tilespmem:s4+$0x16C00] =	vst v1  }
0x81: {  	_ = 	snop  }
0x82: {  	s5 =	smul.u32 $0x240, s29;
	s4 =	ssub.s32 s28, s30  }
0x83: {  	s4 =	sand.u32 $0xFFFF, s4  }
0x84: {  	s5 =	sshrl.u32 s5, $0x2;
	s4 =	sshll.u32 s4, $0x4  }
0x85: {  	s4 =	sadd.s32 s4, s5  }
0x86: {  	s24 =	rddreg [dreg:$0x1c];
	[tilespmem:s4+$0x16C00] =	vst v1  }
0x87: {  	[spmem:s24] =	stream.linear.scatter [tilespmem:s2], [sflag:$0x7], $0x4800, $0x38;
	[tilespmem:$0x1FC00] =	vst v63  }
0x88: {  	_ =	swait.ge [sflag:s31], $0x4800  }
0x89: {  	[sflag:s31] =	ssyncset.done $0x0  }
0x8a: {  	s26 =	rddreg [dreg:$0x1d];
	[sflag:s31] =	ssyncadd.s32 $0xFFFFB800  }
0x8b: {  	[spmem:s26] =	stream.linear.scatter [tilespmem:s2], [sflag:$0x7], $0x4800, $0x38;
	[tilespmem:$0x1FC00] =	vst v63  }
0x8c: {  	_ =	swait.ge [sflag:s31], $0x4800  }
0x8d: {  	[sflag:s31] =	ssyncset.done $0x0  }
0x8e: {  	s29 =	rddreg [dreg:$0x1e];
	[sflag:s31] =	ssyncadd.s32 $0xFFFFB800  }
0x8f: {  	[spmem:s29] =	stream.linear.scatter [tilespmem:s2], [sflag:$0x7], $0x4800, $0x38;
	[tilespmem:$0x1FC00] =	vst v63  }
0x90: {  	_ =	swait.ge [sflag:s31], $0x4800  }
0x91: {  	[sflag:s31] =	ssyncset.done $0x0  }
0x92: {  	s30 =	rddreg [dreg:$0x1f];
	[sflag:s31] =	ssyncadd.s32 $0xFFFFB800  }
0x93: {  	[spmem:s30] =	stream.linear.scatter [tilespmem:s2], [sflag:$0x7], $0x4800, $0x38;
	[tilespmem:$0x1FC00] =	vst v63  }
0x94: {  	_ =	swait.ge [sflag:s31], $0x4800  }
0x95: {  	s5 =	sld [smem:$0x7FC]  }
0x96: {  	[sflag:s31] =	ssyncset.done $0x0  }
0x97: {  	[sflag:s31] =	ssyncadd.s32 $0xFFFFB800  }
0x98: {  	[spmem:s5] =	stream.linear.scatter [tilespmem:s2], [sflag:$0x7], $0x4800, $0x38;
	[tilespmem:$0x1FC00] =	vst v63  }
0x99: {  	_ =	swait.ge [sflag:s31], $0x4800  }
0x9a: {  	[sflag:s31] =	ssyncset.done $0x0  }
0x9b: {  	[sflag:s31] =	ssyncadd.s32 $0xFFFFB800  }
0x9c: {  	[bflag:$0x0] =	sbarrier.arrive $0xFFFF  }
0x9d: {  	s4 =	simm.s32 $0x0;
	s24 =	rddreg [dreg:$0xe]  }
0x9e: {  	[tilespmem:s6], [sflag:$0x7] =	stream.linear.gather [hbm4b:s24+s4], $0x80, $0x38;
	[tilespmem:$0x1FC00] =	vst v63  }
0x9f: {  	_ =	swait.ge [sflag:s31], $0x80  }
0xa0: {  	[sflag:s31] =	ssyncset.done $0x0  }
0xa1: {  	s26 =	rddreg [dreg:$0xf];
	[sflag:s31] =	ssyncadd.s32 $0xFFFFFF80  }
0xa2: {  	[tilespmem:s7], [sflag:$0x7] =	stream.linear.gather [hbm4b:s26+s4], $0x80, $0x38;
	[tilespmem:$0x1FC00] =	vst v63  }
0xa3: {  	_ =	swait.ge [sflag:s31], $0x80  }
0xa4: {  	[sflag:s31] =	ssyncset.done $0x0  }
0xa5: {  	s29 =	rddreg [dreg:$0x10];
	[sflag:s31] =	ssyncadd.s32 $0xFFFFFF80  }
0xa6: {  	[tilespmem:s8], [sflag:$0x7] =	stream.linear.gather [hbm4b:s29+s4], $0x80, $0x38;
	[tilespmem:$0x1FC00] =	vst v63  }
0xa7: {  	_ =	swait.ge [sflag:s31], $0x80  }
0xa8: {  	[sflag:s31] =	ssyncset.done $0x0  }
0xa9: {  	s30 =	rddreg [dreg:$0x12];
	[sflag:s31] =	ssyncadd.s32 $0xFFFFFF80  }
0xaa: {  	[tilespmem:s9], [sflag:$0x7] =	stream.linear.gather [hbm4b:s30+s4], $0x80, $0x38;
	[tilespmem:$0x1FC00] =	vst v63  }
0xab: {  	_ =	swait.ge [sflag:s31], $0x80  }
0xac: {  	[sflag:s31] =	ssyncset.done $0x0  }
0xad: {  	[sflag:s31] =	ssyncadd.s32 $0xFFFFFF80  }
0xae: {  	[tilespmem:s2], [sflag:$0x1] =	stream.indirect.gather [hbm4b:s20+s10], $0x90, s6, s10, $0xb8;
	[tilespmem:$0x1FC00] =	vst v63  }
0xaf: {  	_ = 	snop  }
0xb0: {  	[tilespmem:s0], [sflag:$0x2] =	stream.indirect.gather [hbm4b:s20+s10], $0x90, s8, s10, $0xb8;
	[tilespmem:$0x1FC00] =	vst v63  }
0xb1: {  	s24 =	rddreg [dreg:$0x13]  }
0xb2: {  	[tilespmem:s11], [sflag:$0x5] =	stream.linear.gather [hbm4b:s24+s4], $0x80, $0x38;
	[tilespmem:$0x1FC00] =	vst v63  }
0xb3: {  	s26 =	rddreg [dreg:$0x14]  }
0xb4: {  	[tilespmem:s12], [sflag:$0x5] =	stream.linear.gather [hbm4b:s26+s4], $0x80, $0x38;
	[tilespmem:$0x1FC00] =	vst v63  }
0xb5: {  	s29 =	rddreg [dreg:$0x15]  }
0xb6: {  	[tilespmem:s13], [sflag:$0x6] =	stream.linear.gather [hbm4b:s29+s4], $0x80, $0x38;
	[tilespmem:$0x1FC00] =	vst v63  }
0xb7: {  	s30 =	rddreg [dreg:$0x16]  }
0xb8: {  	[tilespmem:s14], [sflag:$0x6] =	stream.linear.gather [hbm4b:s30+s4], $0x80, $0x38;
	[tilespmem:$0x1FC00] =	vst v63  }
0xb9: {  	_ =	swait.ge [sflag:s15], $0x4800  }
0xba: {  	[sflag:s15] =	ssyncset.done $0x0  }
0xbb: {  	[sflag:s15] =	ssyncadd.s32 $0xFFFFB800  }
0xbc: {  	[spmem:s1] =	stream.indirect.scatter.add.f32 [tilespmem:s2], [sflag:$0x7], $0x90, s7, s10, $0xb8;
	[tilespmem:$0x1FC00] =	vst v63  }
0xbd: {  	_ =	swait.ge [sflag:s31], $0x4800  }
0xbe: {  	[sflag:s31] =	ssyncset.done $0x0  }
0xbf: {  	[sflag:s31] =	ssyncadd.s32 $0xFFFFB800  }
0xc0: {  	_ =	swait.ge [sflag:s16], $0x80  }
0xc1: {  	[sflag:s16] =	ssyncset.done $0x0  }
0xc2: {  	[sflag:s16] =	ssyncadd.s32 $0xFFFFFF80  }
0xc3: {  	_ =	swait.ge [sflag:s16], $0x80  }
0xc4: {  	[sflag:s16] =	ssyncset.done $0x0  }
0xc5: {  	s5 =	rddreg [dreg:$0xa];
	[sflag:s16] =	ssyncadd.s32 $0xFFFFFF80  }
0xc6: {  	[tilespmem:s2], [sflag:$0x1] =	stream.indirect.gather [hbm4b:s20+s10], $0x90, s11, s10, $0xb8;
	[tilespmem:$0x1FC00] =	vst v63  }
0xc7: {  	s24 =	rddreg [dreg:$0xb];
	s4 =	sadd.s32 $0x0, s5  }
0xc8: {  	[tilespmem:s6], [sflag:$0x3] =	stream.linear.gather [hbm4b:s4+s3], $0x80, $0x38;
	[tilespmem:$0x1FC00] =	vst v63  }
0xc9: {  	s26 =	sadd.s32 $0x0, s24  }
0xca: {  	[tilespmem:s7], [sflag:$0x3] =	stream.linear.gather [hbm4b:s26+s3], $0x80, $0x38;
	[tilespmem:$0x1FC00] =	vst v63  }
0xcb: {  	_ =	swait.ge [sflag:s17], $0x4800  }
0xcc: {  	[sflag:s17] =	ssyncset.done $0x0  }
0xcd: {  	[sflag:s17] =	ssyncadd.s32 $0xFFFFB800  }
0xce: {  	[spmem:s1] =	stream.indirect.scatter.add.f32 [tilespmem:s0], [sflag:$0x7], $0x90, s9, s10, $0xb8;
	[tilespmem:$0x1FC00] =	vst v63  }
0xcf: {  	_ =	swait.ge [sflag:s31], $0x4800  }
0xd0: {  	[sflag:s31] =	ssyncset.done $0x0  }
0xd1: {  	[sflag:s31] =	ssyncadd.s32 $0xFFFFB800  }
0xd2: {  	_ =	swait.ge [sflag:s18], $0x80  }
0xd3: {  	[sflag:s18] =	ssyncset.done $0x0  }
0xd4: {  	[sflag:s18] =	ssyncadd.s32 $0xFFFFFF80  }
0xd5: {  	_ =	swait.ge [sflag:s18], $0x80  }
0xd6: {  	[sflag:s18] =	ssyncset.done $0x0;
	s29 =	rddreg [dreg:$0x6]  }
0xd7: {  	s30 =	rddreg [dreg:$0x7];
	[sflag:s18] =	ssyncadd.s32 $0xFFFFFF80;
	s4 =	sadd.s32 $0x0, s29  }
0xd8: {  	[tilespmem:s0], [sflag:$0x2] =	stream.indirect.gather [hbm4b:s20+s10], $0x90, s13, s10, $0xb8;
	[tilespmem:$0x1FC00] =	vst v63  }
0xd9: {  	s5 =	sadd.s32 $0x0, s30;
	s24 =	sadd.s32 $0x50, s4  }
0xda: {  	[tilespmem:s8], [sflag:$0x4] =	stream.linear.gather [hbm4b:s24+s3], $0x80, $0x38;
	[tilespmem:$0x1FC00] =	vst v63  }
0xdb: {  	s26 =	sadd.s32 $0x50, s5  }
0xdc: {  	[tilespmem:s9], [sflag:$0x4] =	stream.linear.gather [hbm4b:s26+s3], $0x80, $0x38;
	[tilespmem:$0x1FC00] =	vst v63  }
0xdd: {  	_ =	swait.ge [sflag:s15], $0x4800  }
0xde: {  	[sflag:s15] =	ssyncset.done $0x0  }
0xdf: {  	[sflag:s15] =	ssyncadd.s32 $0xFFFFB800  }
0xe0: {  	[spmem:s1] =	stream.indirect.scatter.add.f32 [tilespmem:s2], [sflag:$0x7], $0x90, s12, s10, $0xb8;
	[tilespmem:$0x1FC00] =	vst v63  }
0xe1: {  	_ =	swait.ge [sflag:s31], $0x4800  }
0xe2: {  	[sflag:s31] =	ssyncset.done $0x0  }
0xe3: {  	[sflag:s31] =	ssyncadd.s32 $0xFFFFB800  }
0xe4: {  	_ =	swait.ge [sflag:s19], $0x80  }
0xe5: {  	[sflag:s19] =	ssyncset.done $0x0  }
0xe6: {  	[sflag:s19] =	ssyncadd.s32 $0xFFFFFF80  }
0xe7: {  	_ =	swait.ge [sflag:s19], $0x80  }
0xe8: {  	[sflag:s19] =	ssyncset.done $0x0  }
0xe9: {  	s29 =	rddreg [dreg:$0x8];
	[sflag:s19] =	ssyncadd.s32 $0xFFFFFF80  }
0xea: {  	[tilespmem:s2], [sflag:$0x1] =	stream.indirect.gather [hbm4b:s20+s10], $0x90, s6, s10, $0xb8;
	[tilespmem:$0x1FC00] =	vst v63  }
0xeb: {  	s26 =	rddreg [dreg:$0x9];
	s24 =	sadd.s32 $0x0, s29  }
0xec: {  	[tilespmem:s11], [sflag:$0x5] =	stream.linear.gather [hbm4b:s24+s3], $0x80, $0x38;
	[tilespmem:$0x1FC00] =	vst v63  }
0xed: {  	s30 =	sadd.s32 $0x0, s26  }
0xee: {  	[tilespmem:s12], [sflag:$0x5] =	stream.linear.gather [hbm4b:s30+s3], $0x80, $0x38;
	[tilespmem:$0x1FC00] =	vst v63  }
0xef: {  	_ =	swait.ge [sflag:s17], $0x4800  }
0xf0: {  	[sflag:s17] =	ssyncset.done $0x0  }
0xf1: {  	[sflag:s17] =	ssyncadd.s32 $0xFFFFB800  }
0xf2: {  	[spmem:s1] =	stream.indirect.scatter.add.f32 [tilespmem:s0], [sflag:$0x7], $0x90, s14, s10, $0xb8;
	[tilespmem:$0x1FC00] =	vst v63  }
0xf3: {  	_ =	swait.ge [sflag:s31], $0x4800  }
0xf4: {  	[sflag:s31] =	ssyncset.done $0x0  }
0xf5: {  	[sflag:s31] =	ssyncadd.s32 $0xFFFFB800  }
0xf6: {  	_ =	swait.ge [sflag:s25], $0x80  }
0xf7: {  	[sflag:s25] =	ssyncset.done $0x0  }
0xf8: {  	[sflag:s25] =	ssyncadd.s32 $0xFFFFFF80  }
0xf9: {  	_ =	swait.ge [sflag:s25], $0x80  }
0xfa: {  	[sflag:s25] =	ssyncset.done $0x0  }
0xfb: {  	[sflag:s25] =	ssyncadd.s32 $0xFFFFFF80  }
0xfc: {  	[tilespmem:s0], [sflag:$0x2] =	stream.indirect.gather [hbm4b:s20+s10], $0x90, s8, s10, $0xb8;
	[tilespmem:$0x1FC00] =	vst v63  }
0xfd: {  	s28 =	simm.s32 $0x40;
	s4 =	sadd.s32 $0x70, s4;
	s24 =	sadd.s32 $0x70, s5  }
0xfe: {  	[tilespmem:s13], [sflag:$0x6] =	stream.linear.gather [hbm4b:s4+s3], $0x80, $0x38;
	[tilespmem:$0x1FC00] =	vst v63  }
.LBB2_16:
0xff: {  	[tilespmem:s14], [sflag:$0x6] =	stream.linear.gather [hbm4b:s24+s3], $0x80, $0x38;
	[tilespmem:$0x1FC00] =	vst v63  }
0x100: {  	_ =	swait.ge [sflag:s15], $0x4800  }
0x101: {  	[sflag:s15] =	ssyncset.done $0x0  }
0x102: {  	[sflag:s15] =	ssyncadd.s32 $0xFFFFB800  }
0x103: {  	[spmem:s1] =	stream.indirect.scatter.add.f32 [tilespmem:s2], [sflag:$0x7], $0x90, s7, s10, $0xb8;
	[tilespmem:$0x1FC00] =	vst v63  }
0x104: {  	_ =	swait.ge [sflag:s31], $0x4800  }
0x105: {  	[sflag:s31] =	ssyncset.done $0x0  }
0x106: {  	[sflag:s31] =	ssyncadd.s32 $0xFFFFB800  }
0x107: {  	_ =	swait.ge [sflag:s16], $0x80  }
0x108: {  	[sflag:s16] =	ssyncset.done $0x0  }
0x109: {  	[sflag:s16] =	ssyncadd.s32 $0xFFFFFF80  }
0x10a: {  	_ =	swait.ge [sflag:s16], $0x80  }
0x10b: {  	[sflag:s16] =	ssyncset.done $0x0  }
0x10c: {  	s29 =	smov.u32 s28;
	s4 =	rddreg [dreg:$0xa];
	[sflag:s16] =	ssyncadd.s32 $0xFFFFFF80  }
0x10d: {  	[tilespmem:s2], [sflag:$0x1] =	stream.indirect.gather [hbm4b:s20+s10], $0x90, s11, s10, $0xb8;
	[tilespmem:$0x1FC00] =	vst v63  }
0x10e: {  	s5 =	rddreg [dreg:$0xb];
	s4 =	sadd.s32 s29, s4  }
0x10f: {  	[tilespmem:s6], [sflag:$0x3] =	stream.linear.gather [hbm4b:s4+s3], $0x80, $0x38;
	[tilespmem:$0x1FC00] =	vst v63  }
0x110: {  	s24 =	sadd.s32 s29, s5  }
0x111: {  	[tilespmem:s7], [sflag:$0x3] =	stream.linear.gather [hbm4b:s24+s3], $0x80, $0x38;
	[tilespmem:$0x1FC00] =	vst v63  }
0x112: {  	_ =	swait.ge [sflag:s17], $0x4800  }
0x113: {  	[sflag:s17] =	ssyncset.done $0x0  }
0x114: {  	[sflag:s17] =	ssyncadd.s32 $0xFFFFB800  }
0x115: {  	[spmem:s1] =	stream.indirect.scatter.add.f32 [tilespmem:s0], [sflag:$0x7], $0x90, s9, s10, $0xb8;
	[tilespmem:$0x1FC00] =	vst v63  }
0x116: {  	_ =	swait.ge [sflag:s31], $0x4800  }
0x117: {  	[sflag:s31] =	ssyncset.done $0x0  }
0x118: {  	[sflag:s31] =	ssyncadd.s32 $0xFFFFB800  }
0x119: {  	_ =	swait.ge [sflag:s18], $0x80  }
0x11a: {  	[sflag:s18] =	ssyncset.done $0x0  }
0x11b: {  	[sflag:s18] =	ssyncadd.s32 $0xFFFFFF80  }
0x11c: {  	_ =	swait.ge [sflag:s18], $0x80  }
0x11d: {  	[sflag:s18] =	ssyncset.done $0x0;
	s26 =	rddreg [dreg:$0x6]  }
0x11e: {  	s30 =	rddreg [dreg:$0x7];
	[sflag:s18] =	ssyncadd.s32 $0xFFFFFF80;
	s24 =	sadd.s32 s29, s26  }
0x11f: {  	[tilespmem:s0], [sflag:$0x2] =	stream.indirect.gather [hbm4b:s20+s10], $0x90, s13, s10, $0xb8;
	[tilespmem:$0x1FC00] =	vst v63  }
0x120: {  	s30 =	sadd.s32 s29, s30;
	s4 =	sadd.s32 $0x50, s24  }
0x121: {  	[tilespmem:s8], [sflag:$0x4] =	stream.linear.gather [hbm4b:s4+s3], $0x80, $0x38;
	[tilespmem:$0x1FC00] =	vst v63  }
0x122: {  	s26 =	sadd.s32 $0x50, s30  }
0x123: {  	[tilespmem:s9], [sflag:$0x4] =	stream.linear.gather [hbm4b:s26+s3], $0x80, $0x38;
	[tilespmem:$0x1FC00] =	vst v63  }
0x124: {  	_ =	swait.ge [sflag:s15], $0x4800  }
0x125: {  	[sflag:s15] =	ssyncset.done $0x0  }
0x126: {  	[sflag:s15] =	ssyncadd.s32 $0xFFFFB800  }
0x127: {  	[spmem:s1] =	stream.indirect.scatter.add.f32 [tilespmem:s2], [sflag:$0x7], $0x90, s12, s10, $0xb8;
	[tilespmem:$0x1FC00] =	vst v63  }
0x128: {  	_ =	swait.ge [sflag:s31], $0x4800  }
0x129: {  	[sflag:s31] =	ssyncset.done $0x0  }
0x12a: {  	[sflag:s31] =	ssyncadd.s32 $0xFFFFB800  }
0x12b: {  	_ =	swait.ge [sflag:s19], $0x80  }
0x12c: {  	[sflag:s19] =	ssyncset.done $0x0  }
0x12d: {  	[sflag:s19] =	ssyncadd.s32 $0xFFFFFF80  }
0x12e: {  	_ =	swait.ge [sflag:s19], $0x80  }
0x12f: {  	[sflag:s19] =	ssyncset.done $0x0  }
0x130: {  	s5 =	rddreg [dreg:$0x8];
	[sflag:s19] =	ssyncadd.s32 $0xFFFFFF80  }
0x131: {  	[tilespmem:s2], [sflag:$0x1] =	stream.indirect.gather [hbm4b:s20+s10], $0x90, s6, s10, $0xb8;
	[tilespmem:$0x1FC00] =	vst v63  }
0x132: {  	s26 =	rddreg [dreg:$0x9];
	s4 =	sadd.s32 s29, s5  }
0x133: {  	[tilespmem:s11], [sflag:$0x5] =	stream.linear.gather [hbm4b:s4+s3], $0x80, $0x38;
	[tilespmem:$0x1FC00] =	vst v63  }
0x134: {  	s26 =	sadd.s32 s29, s26  }
0x135: {  	[tilespmem:s12], [sflag:$0x5] =	stream.linear.gather [hbm4b:s26+s3], $0x80, $0x38;
	[tilespmem:$0x1FC00] =	vst v63  }
0x136: {  	_ =	swait.ge [sflag:s17], $0x4800  }
0x137: {  	[sflag:s17] =	ssyncset.done $0x0  }
0x138: {  	[sflag:s17] =	ssyncadd.s32 $0xFFFFB800  }
0x139: {  	[spmem:s1] =	stream.indirect.scatter.add.f32 [tilespmem:s0], [sflag:$0x7], $0x90, s14, s10, $0xb8;
	[tilespmem:$0x1FC00] =	vst v63  }
0x13a: {  	_ =	swait.ge [sflag:s31], $0x4800  }
0x13b: {  	[sflag:s31] =	ssyncset.done $0x0  }
0x13c: {  	[sflag:s31] =	ssyncadd.s32 $0xFFFFB800  }
0x13d: {  	_ =	swait.ge [sflag:s25], $0x80  }
0x13e: {  	[sflag:s25] =	ssyncset.done $0x0  }
0x13f: {  	[sflag:s25] =	ssyncadd.s32 $0xFFFFFF80  }
0x140: {  	p0 =	sne.s32 s28, $0x480;
	_ =	swait.ge [sflag:s25], $0x80  }
.Ltmp7:
0x141: {  	[sflag:s25] =	ssyncset.done $0x0;
	(pc) =	sbr.rel @p0 .LBB2_16-.Ltmp7, $4  }
0x142: {  	[sflag:s25] =	ssyncadd.s32 $0xFFFFFF80  }
0x143: {  	[tilespmem:s0], [sflag:$0x2] =	stream.indirect.gather [hbm4b:s20+s10], $0x90, s8, s10, $0xb8;
	[tilespmem:$0x1FC00] =	vst v63  }
0x144: {  	s28 =	sadd.s32 $0x40, s28;
	s29 =	sadd.s32 $0x70, s24;
	s24 =	sadd.s32 $0x70, s30  }
0x145: {  	[tilespmem:s13], [sflag:$0x6] =	stream.linear.gather [hbm4b:s29+s3], $0x80, $0x38;
	[tilespmem:$0x1FC00] =	vst v63  }
0x146: {  	[tilespmem:s14], [sflag:$0x6] =	stream.linear.gather [hbm4b:s24+s3], $0x80, $0x38;
	[tilespmem:$0x1FC00] =	vst v63  }
0x147: {  	_ =	swait.ge [sflag:s15], $0x4800  }
0x148: {  	[sflag:s15] =	ssyncset.done $0x0  }
0x149: {  	[sflag:s15] =	ssyncadd.s32 $0xFFFFB800  }
0x14a: {  	[spmem:s1] =	stream.indirect.scatter.add.f32 [tilespmem:s2], [sflag:$0x7], $0x90, s7, s10, $0xb8;
	[tilespmem:$0x1FC00] =	vst v63  }
0x14b: {  	_ =	swait.ge [sflag:s31], $0x4800  }
0x14c: {  	[sflag:s31] =	ssyncset.done $0x0  }
0x14d: {  	[sflag:s31] =	ssyncadd.s32 $0xFFFFB800  }
0x14e: {  	_ =	swait.ge [sflag:s16], $0x80  }
0x14f: {  	[sflag:s16] =	ssyncset.done $0x0  }
0x150: {  	[sflag:s16] =	ssyncadd.s32 $0xFFFFFF80  }
0x151: {  	_ =	swait.ge [sflag:s16], $0x80  }
0x152: {  	[sflag:s16] =	ssyncset.done $0x0  }
0x153: {  	[sflag:s16] =	ssyncadd.s32 $0xFFFFFF80  }
0x154: {  	[tilespmem:s2], [sflag:$0x1] =	stream.indirect.gather [hbm4b:s20+s10], $0x90, s11, s10, $0xb8;
	[tilespmem:$0x1FC00] =	vst v63  }
0x155: {  	_ =	swait.ge [sflag:s17], $0x4800  }
0x156: {  	[sflag:s17] =	ssyncset.done $0x0  }
0x157: {  	[sflag:s17] =	ssyncadd.s32 $0xFFFFB800  }
0x158: {  	[spmem:s1] =	stream.indirect.scatter.add.f32 [tilespmem:s0], [sflag:$0x7], $0x90, s9, s10, $0xb8;
	[tilespmem:$0x1FC00] =	vst v63  }
0x159: {  	_ =	swait.ge [sflag:s31], $0x4800  }
0x15a: {  	[sflag:s31] =	ssyncset.done $0x0  }
0x15b: {  	[sflag:s31] =	ssyncadd.s32 $0xFFFFB800  }
0x15c: {  	_ =	swait.ge [sflag:s18], $0x80  }
0x15d: {  	[sflag:s18] =	ssyncset.done $0x0  }
0x15e: {  	[sflag:s18] =	ssyncadd.s32 $0xFFFFFF80  }
0x15f: {  	_ =	swait.ge [sflag:s18], $0x80  }
0x160: {  	[sflag:s18] =	ssyncset.done $0x0  }
0x161: {  	[sflag:s18] =	ssyncadd.s32 $0xFFFFFF80  }
0x162: {  	[tilespmem:s0], [sflag:$0x2] =	stream.indirect.gather [hbm4b:s20+s10], $0x90, s13, s10, $0xb8;
	[tilespmem:$0x1FC00] =	vst v63  }
0x163: {  	_ =	swait.ge [sflag:s15], $0x4800  }
0x164: {  	[sflag:s15] =	ssyncset.done $0x0  }
0x165: {  	[sflag:s15] =	ssyncadd.s32 $0xFFFFB800  }
0x166: {  	[spmem:s1] =	stream.indirect.scatter.add.f32 [tilespmem:s2], [sflag:$0x7], $0x90, s12, s10, $0xb8;
	[tilespmem:$0x1FC00] =	vst v63  }
0x167: {  	_ =	swait.ge [sflag:s31], $0x4800  }
0x168: {  	[sflag:s31] =	ssyncset.done $0x0  }
0x169: {  	[sflag:s31] =	ssyncadd.s32 $0xFFFFB800  }
0x16a: {  	_ =	swait.ge [sflag:s17], $0x4800  }
0x16b: {  	[sflag:s17] =	ssyncset.done $0x0  }
0x16c: {  	[sflag:s17] =	ssyncadd.s32 $0xFFFFB800  }
0x16d: {  	[spmem:s1] =	stream.indirect.scatter.add.f32 [tilespmem:s0], [sflag:$0x7], $0x90, s14, s10, $0xb8;
	[tilespmem:$0x1FC00] =	vst v63  }
0x16e: {  	_ =	swait.ge [sflag:s31], $0x4800  }
0x16f: {  	[sflag:s31] =	ssyncset.done $0x0  }
0x170: {  	[sflag:s31] =	ssyncadd.s32 $0xFFFFB800  }
0x171: {  	s4 =	stileid.u32;
	[bflag:$0x0] =	sbarrier.arrive $0xFFFF  }
0x172: {  	s4 =	sshll.u32 s4, $0x6;
	s5 =	rddreg [dreg:$0x1c]  }
0x173: {  	s4 =	sor.u32 $0x1C07, s4;
	s28 =	rddreg [dreg:$0x11];
	s5 =	sshrl.u32 s5, $0x3  }
0x174: {  	[hbm:s28], [sflag:s4] =	dma.local [spmem:s5], $0x2D00  }
0x175: {  	_ =	swait.ge [sflag:s31], $0x2D00  }
0x176: {  	s29 =	sld [smem:$0x7FB]  }
0x177: {  	s30 =	sld [smem:$0x7FD];
	_ =	sdelay $0x1  }
0x178: {  	s24 =	sadd.s32 $0x1, s29  }
0x179: {  	p0 =	sne.s32 s24, s30  }
.Ltmp8:
0x17a: {  	_ = 	snop;
	(pc) =	sbr.rel @p0 .LBB2_1-.Ltmp8, $3  }
0x17b: {  	_ =	sdelay $0x1  }
0x17c: {  	[sflag:s31] =	ssyncset.done $0x0;
	s4 =	rddreg [dreg:$0xc]  }
0x17d: {  	s5 =	rddreg [dreg:$0xd];
	[sflag:s31] =	ssyncadd.s32 $0xFFFFD300  }
0x17e: {  	_ =	sfence.sel $0x180000  }
0x17f: {  	[bflag:$0x0] =	sbarrier.arrive $0xFFFF  }
0x180: {  	_ =	strace $0x90000047  }
0x181: {  	s0 =	stileid.u32;
	[bflag:$0x2] =	sbarrier.arrive $0xFFFF  }
0x182: {  	p0 =	sne.s32 s0, $0x0;
	s0 =	rddreg [dreg:$0x5]  }
0x183: {  	s0 =	sadd.s32 @!p0 $0x100000, s0  }
0x184: {  	[sflag:s0] =	ssyncadd.tile.s32 @!p0 $0x1;
	_ =	shalt  }
.Lfunc_end2:
_tile_overlayer_lowered:
.L_overlay_start_2:
0x185: {  	(tag) =	ssettag $0x2  }
0x186: {  	s0 =	rddreg [dreg:$0x0];
	s2 =	stileid.u32  }
0x187: {  	s1 =	rddreg [dreg:$0x1];
	p0 =	sne.s32 s2, $0x0  }
0x188: {  	s3 =	rddreg [dreg:$0x2];
	[bflag:$0x3] =	sbarrier.arrive $0xFFFF;
	s2 =	simm.s32 @!p0 $0x1C07  }
0x189: {  	[timem:s3], [sflag:s2] =	dma.local @!p0 [hbm:s0], s1  }
0x18a: {  	s0 =	simm.s32 @!p0 $0x7  }
0x18b: {  	_ =	swait.ge @!p0 [sflag:s0], s1  }
0x18c: {  	s1 =	ssub.s32 @!p0 $0x0, s1;
	[sflag:s0] =	ssyncset.done @!p0 $0x0  }
0x18d: {  	[sflag:s0] =	ssyncadd.s32 @!p0 s1  }
0x18e: {  	[bflag:$0x3] =	sbarrier.arrive $0xFFFF  }
0x18f: {  	_ =	shalt  }

// kernel: kernel.9.cloned.1.call-start
scs
__scs_entry_jumppad:
0x0: {  	(pc) =	sbr.rel $0x88, $3  }
0x1: {  	(tag) =	ssettag $0x0;
	lr =	simm.s32 $0x1  }
0x2: {  	[smem:$0x3F93] =	sst lr;
	_ =	strace $0xD0000000  }
0x3: {  	_ = 	snop  }
0x4: {  	_ = 	snop  }
0x5: {  	_ = 	snop  }
0x6: {  	_ = 	snop  }
0x7: {  	_ = 	snop  }
__scs_overlays_trampoline_lowered:
0x8: {  	[smem:$0x3FA2] =	sst s0  }
0x9: {  	[smem:$0x3FA3] =	sst s1  }
0xa: {  	[smem:$0x3FA4] =	sst s2  }
0xb: {  	[smem:$0x3FA5] =	sst s3  }
0xc: {  	[smem:$0x3FA6] =	sst s4  }
0xd: {  	[smem:$0x3FA7] =	sst s5  }
0xe: {  	[smem:$0x3FA8] =	sst s6  }
0xf: {  	[smem:$0x3FA9] =	sst s7  }
0x10: {  	[smem:$0x3FAA] =	sst s8  }
0x11: {  	[smem:$0x3FAB] =	sst s9;
	s0 =	simm.s32 @!p0 $0x0  }
0x12: {  	s1 =	sld [smem:$0x3F91];
	s0 =	simm.s32 @p0 $0x1  }
0x13: {  	[smem:$0x3FAC] =	sst s0;
	s0 =	simm.s32 @!p1 $0x0  }
0x14: {  	s2 =	sld [smem:$0x3F90];
	s0 =	simm.s32 @p1 $0x1  }
0x15: {  	[smem:$0x3FAD] =	sst s0;
	s0 =	simm.s32 @!p2 $0x0  }
0x16: {  	s3 =	sld [smem:$0x3FDB];
	s0 =	simm.s32 @p2 $0x1  }
0x17: {  	s4 =	simm.s32 $0x1BF5;
	[smem:$0x3FAF] =	sst s0  }
0x18: {  	s0 =	sld [smem:$0x3F92];
	_ =	swait.ge [sflag:s4], $0x0  }
0x19: {  	s7 =	sld [smem:$0x3F93]  }
0x1a: {  	s8 =	sadd.s32 $0xFFFFE003, lr  }
0x1b: {  	s9 =	sadd.s32 $0xFFFFFEF7, lr;
	s5 =	simm.s32 $0xFFFFFFFF;
	p2 =	slt.u32 s8, $0xFFFFF086  }
0x1c: {  	p1 =	slt.u32 s9, $0xF7A;
	s5 =	simm.s32 @!p2 $0x0  }
0x1d: {  	s5 =	simm.s32 @p1 $0x1;
	p0 =	seq.s32 s7, s2  }
0x1e: {  	s7 =	smul.u32 @!p0 $0xF7A, s2;
	p2 =	seq.s32 @!p0 s5, $0x0  }
0x1f: {  	s9 =	smul.u32 $0xF7A, s1;
	s8 =	simm.s32 @!p0 $0x1BF5;
	p2 =	por !p2, p0  }
0x20: {  	[sflag:s8] =	ssyncset.s32 @!p0 $0xFFFFF086;
	s6 =	sadd.s32 @!p0 s3, s7;
	s7 =	simm.s32 @!p0 $0x108  }
0x21: {  	s3 =	sadd.s32 s3, s9;
	s6 =	sadd.s32 @!p0 $0x88, s6;
	s7 =	simm.s32 @p2 $0x1082  }
0x22: {  	[simem:s7], [sflag:s8] =	dma.local @!p0 [hbm:s6], $0xF7A  }
0x23: {  	s9 =	sor.u32 $0xD0000000, s2;
	s6 =	simm.s32 $0x108;
	_ =	swait.ge @!p0 [sflag:s8], $0x0  }
0x24: {  	s3 =	sadd.s32 $0x88, s3;
	s6 =	simm.s32 @!p1 $0x1082;
	[sflag:s4] =	ssyncset.s32 $0xFFFFF086  }
0x25: {  	[simem:s6], [sflag:s4] =	dma.local [hbm:s3], $0xF7A  }
0x26: {  	[smem:$0x3F93] =	sst s1;
	(tag) =	ssettag s2;
	_ =	strace s9  }
0x27: {  	s1 =	sld [smem:$0x3FA3]  }
0x28: {  	s2 =	sld [smem:$0x3FA4]  }
0x29: {  	s4 =	sld [smem:$0x3FA6]  }
0x2a: {  	p0 =	seq.s32 s5, $0x0;
	s5 =	sld [smem:$0x3FA7]  }
0x2b: {  	s6 =	sld [smem:$0x3FA8]  }
0x2c: {  	s7 =	sld [smem:$0x3FA9]  }
0x2d: {  	s3 =	simm.s32 $0x108;
	s8 =	sld [smem:$0x3FAA]  }
0x2e: {  	s3 =	simm.s32 @!p0 $0x1082;
	s9 =	sld [smem:$0x3FAB]  }
0x2f: {  	lr =	sadd.s32 s0, s3;
	s0 =	sld [smem:$0x3FA2]  }
0x30: {  	s3 =	sld [smem:$0x3FA5]  }
0x31: {  	[smem:$0x3FAE] =	sst s10  }
0x32: {  	s10 =	sld [smem:$0x3FAC];
	_ =	sdelay $0x3  }
0x33: {  	p0 =	seq.s32 s10, $0x1;
	s10 =	sld [smem:$0x3FAE];
	_ =	sdelay $0x3  }
0x34: {  	[smem:$0x3FAE] =	sst s10  }
0x35: {  	s10 =	sld [smem:$0x3FAD];
	_ =	sdelay $0x3  }
0x36: {  	p1 =	seq.s32 s10, $0x1;
	s10 =	sld [smem:$0x3FAE];
	_ =	sdelay $0x3  }
0x37: {  	[smem:$0x3FAE] =	sst s10  }
0x38: {  	s10 =	sld [smem:$0x3FAF]  }
0x39: {  	_ = 	snop;
	(pc) =	sbr.ind lr, $3  }
0x3a: {  	_ = 	snop  }
0x3b: {  	_ = 	snop  }
0x3c: {  	p2 =	seq.s32 s10, $0x1;
	s10 =	sld [smem:$0x3FAE]  }
0x3d: {  	_ =	shalt  }
0x3e: {  	_ =	shalt  }
0x3f: {  	_ =	shalt  }
0x40: {  	_ =	shalt  }
0x41: {  	_ =	shalt  }
0x42: {  	_ =	shalt  }
0x43: {  	_ =	shalt  }
0x44: {  	_ =	shalt  }
0x45: {  	_ =	shalt  }
0x46: {  	_ =	shalt  }
0x47: {  	_ =	shalt  }
0x48: {  	_ =	shalt  }
0x49: {  	_ =	shalt  }
0x4a: {  	_ =	shalt  }
0x4b: {  	_ =	shalt  }
0x4c: {  	_ =	shalt  }
0x4d: {  	_ =	shalt  }
0x4e: {  	_ =	shalt  }
0x4f: {  	_ =	shalt  }
0x50: {  	_ =	shalt  }
0x51: {  	_ =	shalt  }
0x52: {  	_ =	shalt  }
0x53: {  	_ =	shalt  }
0x54: {  	_ =	shalt  }
0x55: {  	_ =	shalt  }
0x56: {  	_ =	shalt  }
0x57: {  	_ =	shalt  }
0x58: {  	_ =	shalt  }
0x59: {  	_ =	shalt  }
0x5a: {  	_ =	shalt  }
0x5b: {  	_ =	shalt  }
0x5c: {  	_ =	shalt  }
0x5d: {  	_ =	shalt  }
0x5e: {  	_ =	shalt  }
0x5f: {  	_ =	shalt  }
0x60: {  	_ =	shalt  }
0x61: {  	_ =	shalt  }
0x62: {  	_ =	shalt  }
0x63: {  	_ =	shalt  }
0x64: {  	_ =	shalt  }
0x65: {  	_ =	shalt  }
0x66: {  	_ =	shalt  }
0x67: {  	_ =	shalt  }
0x68: {  	_ =	shalt  }
0x69: {  	_ =	shalt  }
0x6a: {  	_ =	shalt  }
0x6b: {  	_ =	shalt  }
0x6c: {  	_ =	shalt  }
0x6d: {  	_ =	shalt  }
0x6e: {  	_ =	shalt  }
0x6f: {  	_ =	shalt  }
0x70: {  	_ =	shalt  }
0x71: {  	_ =	shalt  }
0x72: {  	_ =	shalt  }
0x73: {  	_ =	shalt  }
0x74: {  	_ =	shalt  }
0x75: {  	_ =	shalt  }
0x76: {  	_ =	shalt  }
0x77: {  	_ =	shalt  }
0x78: {  	_ =	shalt  }
0x79: {  	_ =	shalt  }
0x7a: {  	_ =	shalt  }
0x7b: {  	_ =	shalt  }
0x7c: {  	_ =	shalt  }
0x7d: {  	_ =	shalt  }
0x7e: {  	_ =	shalt  }
0x7f: {  	_ =	shalt  }
0x80: {  	_ =	shalt  }
0x81: {  	_ =	shalt  }
0x82: {  	_ =	shalt  }
0x83: {  	_ =	shalt  }
0x84: {  	_ =	shalt  }
0x85: {  	_ =	shalt  }
0x86: {  	_ =	shalt  }
0x87: {  	_ =	shalt  }
.Lfunc_end0:
.L_simem_size_0:
called_computation.1_lowered:
.L_overlay_start_0:
0x88: {  	s2 =	sld [smem:$0x3FD9]  }
0x89: {  	s3 =	sld [smem:$0x3FFE];
	_ =	sdelay $0x1  }
0x8a: {  	s1 =	srdreg.scid  }
0x8b: {  	s0 =	sand.u32 $0x1, s1  }
0x8c: {  	s17 =	sshll.u32 s0, $0xA;
	s2 =	sadd.s32 s3, s2  }
0x8d: {  	s2 =	sadd.s32 s2, s17  }
0x8e: {  	[smem:$0x3FBA] =	sst s2  }
0x8f: {  	_ = 	snop  }
0x90: {  	s2 =	sld [smem:$0x3FC9]  }
0x91: {  	s18 =	sld [smem:$0x3FC7]  }
0x92: {  	s4 =	sld [smem:$0x3FD0];
	(tm) =	ssettm $0x1  }
0x93: {  	s5 =	sld [smem:$0x3FFB];
	_ =	sdelay $0x3  }
0x94: {  	_ =	strace s5  }
0x95: {  	s5 =	sld [smem:$0x3FFC];
	_ =	sdelay $0x3  }
0x96: {  	_ =	strace s5  }
0x97: {  	s5 =	sld [smem:$0x3FFD];
	_ =	sdelay $0x3  }
0x98: {  	_ =	strace s5  }
0x99: {  	_ =	strace $0x8FFFFFFF  }
0x9a: {  	s19 =	sld [smem:$0x3FDB];
	_ =	sdelay $0x1  }
0x9b: {  	s6 =	simm.s32 $_scs_section_size  }
0x9c: {  	s7 =	simm.s32 $_size__tile_overlayer_lowered;
	s8 =	simm.s32 $_tile_overlayer_lowered  }
0x9d: {  	s22 =	simm.s32 $0x1BFF;
	s21 =	sshll.u32 s8, $0x1;
	s5 =	sadd.s32 s6, s19  }
0x9e: {  	s9 =	simm.s32 $0x0;
	s20 =	sshll.u32 s7, $0x1;
	s7 =	sadd.s32 s21, s5  }
0x9f: {  	[timem:s9], [sflag:s22] =	dma.local [hbm:s7], s20  }
0xa0: {  	_ =	swait.ge [sflag:s22], s20  }
0xa1: {  	s6 =	ssub.s32 $0x0, s20;
	[sflag:s22] =	ssyncset.done $0x0  }
0xa2: {  	[sflag:s22] =	ssyncadd.s32 s6;
	_ =	sdelay $0x1  }
0xa3: {  	s23 =	simm.s32 $0x1B8B  }
0xa4: {  	_ =	swait.ge [sflag:s23], $0x1  }
0xa5: {  	[sflag:s23] =	ssyncset.done $0x0  }
0xa6: {  	s25 =	simm.s32 $0x1B8E;
	s24 =	sld [smem:$0x3FFE];
	[sflag:s23] =	ssyncadd.s32 $0xFFFFFFFF  }
0xa7: {  	s26 =	simm.s32 $execute0_lowered;
	[smem:$0x3FD2] =	sst s25  }
0xa8: {  	s7 =	sshll.u32 s26, $0x1;
	_ =	strace $0x80000049;
	[dreg:$0x1] =	wrdreg $0xFFFFFFFF  }
0xa9: {  	s28 =	simm.s32 $_size_execute0_lowered;
	s5 =	sadd.s32 s5, s7;
	[dreg:$0x0] =	wrdreg $0x0  }
0xaa: {  	s7 =	sshll.u32 s28, $0x1;
	[dreg:$0x2] =	wrdreg s5  }
0xab: {  	[dreg:$0x3] =	wrdreg s7  }
0xac: {  	[dreg:$0x4] =	wrdreg $0xC0  }
0xad: {  	_ =	task [dreg:s9], $0x5FFFF  }
0xae: {  	[dreg:$0x1] =	wrdreg $0xFFFFFFFF  }
0xaf: {  	[dreg:$0x0] =	wrdreg $0x60  }
0xb0: {  	[dreg:$0x2] =	wrdreg s2  }
0xb1: {  	[dreg:$0x3] =	wrdreg s18  }
0xb2: {  	[dreg:$0x4] =	wrdreg s4  }
0xb3: {  	[dreg:$0x5] =	wrdreg s24  }
0xb4: {  	[dreg:$0x6] =	wrdreg $0x9  }
0xb5: {  	_ =	task.clear_ibuf [dreg:s9], $0x7FFFF;
	_ =	strace $0x90000049  }
0xb6: {  	s29 =	simm.s32 $0x9;
	_ =	strace $0x8000004B  }
0xb7: {  	_ =	swait.ge [sflag:s29], $0x1  }
0xb8: {  	[sflag:s29] =	ssyncadd.s32 $0xFFFFFFFF  }
0xb9: {  	_ =	strace $0x9000004B  }
0xba: {  	_ =	sfence  }
0xbb: {  	s30 =	sld [smem:$0x0];
	_ =	sdelay $0x2  }
0xbc: {  	s31 =	sshll.u32 s1, $0xD;
	s1 =	sshrl.u32 s1, $0x2  }
0xbd: {  	s3 =	sand.u32 $0x4000, s31;
	s1 =	sadd.s32 s1, s30  }
0xbe: {  	s0 =	sor.u32 s3, s0;
	s1 =	sshll.u32 s1, $0x11  }
0xbf: {  	s0 =	sor.u32 s1, s0  }
0xc0: {  	s0 =	sadd.s32 $0x8F2B, s0  }
0xc1: {  	[sflag:s0] =	ssyncadd.remote.s32 $0x1  }
0xc2: {  	_ =	sfence.sel $0xFFFF  }
0xc3: {  	[dreg:$0x0] =	wrdreg $0xFFFFFFFF;
	(pc) =	sbr.abs _section_cstart, $3  }
0xc4: {  	[dreg:$0x1] =	wrdreg $0xFFFFFFFF  }
0xc5: {  	_ =	task.clear_ibuf [dreg:s9], $0x2FFFF;
	_ =	strace $0x9FFFFFFF  }
0xc6: {  	(tm) =	ssettm $0x7FFFFFFF  }
0xc7: {  	_ =	shalt  }
tec
execute0_lowered:
.L_overlay_start_1:
0x0: {  	(tag) =	ssettag $0x1  }
0x1: {  	s3 =	rddreg [dreg:$0x3]  }
0x2: {  	s2 =	rddreg [dreg:$0x0]  }
0x3: {  	s4 =	srdreg.scid;
	s6 =	stileid.u32;
	s28 =	simm.s32 $0x5  }
0x4: {  	s31 =	simm.s32 $0x40;
	s0 =	sadd.s32 $0x42A00, s3;
	s4 =	sand.u32 $0x1, s4  }
0x5: {  	s6 =	sshll.u32 s6, $0xA;
	s5 =	ssub.s32 $0x2, s4;
	s4 =	sshll.u32 s4, $0x9  }
0x6: {  	s1 =	sadd.s32 $0x82A00, s3;
	s8 =	sshrl.u32 s5, $0x1;
	s6 =	sor.u32 s4, s6  }
0x7: {  	s7 =	sadd.s32 $0xC2A00, s3;
	s4 =	ssub.s32 s5, s8;
	s20 =	sshrl.u32 s6, $0x3  }
0x8: {  	s8 =	sor.u32 $0x40, s6;
	s9 =	sshll.u32 s6, $0x4;
	s12 =	sor.u32 $0xC0, s6  }
0x9: {  	s15 =	sor.u32 $0x100, s6;
	s18 =	sor.u32 $0x140, s6;
	s5 =	sadd.s32 s2, s20  }
0xa: {  	s21 =	sshrl.u32 s8, $0x3;
	s22 =	sadd.s32 s0, s9;
	s23 =	sshrl.u32 s12, $0x3  }
0xb: {  	s11 =	sshrl.u32 s15, $0x3;
	s14 =	sshll.u32 s8, $0x4;
	[dreg:$0x5] =	wrdreg s5  }
0xc: {  	s25 =	sshrl.u32 s18, $0x3;
	s5 =	sadd.s32 s2, s21;
	[dreg:$0x7] =	wrdreg s22  }
0xd: {  	s20 =	sshll.u32 s12, $0x4;
	s24 =	sadd.s32 s2, s11;
	[dreg:$0x6] =	wrdreg s5  }
0xe: {  	s21 =	sor.u32 $0x180, s6;
	s16 =	sadd.s32 s0, s14;
	[dreg:$0xa] =	wrdreg s24  }
0xf: {  	s22 =	sadd.s32 s0, s20;
	s5 =	sor.u32 $0x80, s6;
	[dreg:$0xe] =	wrdreg s16  }
0x10: {  	s24 =	sor.u32 $0x1C0, s6;
	s26 =	sshrl.u32 s21, $0x3;
	[dreg:$0x10] =	wrdreg s22  }
0x11: {  	s6 =	sshll.u32 s6, $0x1;
	s10 =	sshrl.u32 s5, $0x3;
	s13 =	sshrl.u32 s24, $0x3  }
0x12: {  	s11 =	sadd.s32 s2, s26;
	s17 =	sshll.u32 s5, $0x4;
	s5 =	sshll.u32 s5, $0x1  }
0x13: {  	s10 =	sadd.s32 s2, s10;
	[dreg:$0xc] =	wrdreg s11;
	s11 =	sadd.s32 s7, s9  }
0x14: {  	s19 =	sadd.s32 s0, s17;
	s16 =	sadd.s32 s1, s17;
	[dreg:$0x8] =	wrdreg s10  }
0x15: {  	s17 =	sadd.s32 s7, s17;
	s10 =	sadd.s32 s2, s23;
	[dreg:$0xf] =	wrdreg s19  }
0x16: {  	s23 =	sshll.u32 s15, $0x4;
	s19 =	sadd.s32 s1, s20;
	s20 =	sadd.s32 s7, s20  }
0x17: {  	[dreg:$0x9] =	wrdreg s10;
	s10 =	sadd.s32 s2, s25;
	s2 =	sadd.s32 s2, s13  }
0x18: {  	s13 =	sadd.s32 s1, s14;
	s14 =	sadd.s32 s7, s14;
	[dreg:$0xb] =	wrdreg s10  }
0x19: {  	s25 =	sadd.s32 s0, s23;
	s22 =	sadd.s32 s1, s23;
	[dreg:$0xd] =	wrdreg s2  }
0x1a: {  	s10 =	sadd.s32 s1, s9;
	[dreg:$0x11] =	wrdreg s25;
	s2 =	sshll.u32 s18, $0x4  }
0x1b: {  	s9 =	sshll.u32 s21, $0x4;
	s26 =	sadd.s32 s0, s2;
	s25 =	sadd.s32 s1, s2  }
0x1c: {  	[dreg:$0x12] =	wrdreg s26;
	s26 =	sadd.s32 s7, s2;
	s2 =	sadd.s32 s0, s9  }
0x1d: {  	s23 =	sadd.s32 s7, s23;
	[dreg:$0x13] =	wrdreg s2;
	s2 =	sshll.u32 s24, $0x4  }
0x1e: {  	s29 =	sadd.s32 s1, s9;
	s30 =	sadd.s32 s7, s9;
	s0 =	sadd.s32 s0, s2  }
0x1f: {  	s9 =	sshll.u32 s8, $0x1;
	[dreg:$0x14] =	wrdreg s0;
	s0 =	sadd.s32 s1, s2  }
0x20: {  	s1 =	sadd.s32 s7, s2;
	s2 =	simm.s32 $0x0;
	s7 =	sadd.s32 $0x1A00, s3  }
0x21: {  	s8 =	sshll.u32 s15, $0x1;
	[smem:$0x7FF] =	sst s2;
	s6 =	sadd.s32 s7, s6  }
0x22: {  	s15 =	sshll.u32 s21, $0x1;
	s5 =	sadd.s32 s7, s5;
	[dreg:$0x15] =	wrdreg s6  }
0x23: {  	s6 =	sadd.s32 s7, s9;
	[dreg:$0x17] =	wrdreg s5;
	s9 =	sshll.u32 s18, $0x1  }
0x24: {  	s18 =	sshll.u32 s24, $0x1;
	s24 =	smax.u32 s4, $0x1;
	s4 =	simm.s32 $0x2  }
0x25: {  	[dreg:$0x16] =	wrdreg s6;
	s6 =	sshll.u32 s12, $0x1;
	s12 =	sadd.s32 s7, s9  }
0x26: {  	s21 =	sadd.s32 s7, s18;
	s5 =	sadd.s32 s7, s6;
	[dreg:$0x1a] =	wrdreg s12  }
0x27: {  	[dreg:$0x1c] =	wrdreg s21;
	s21 =	sadd.s32 $0x15A00, s3;
	s3 =	simm.s32 $0x80  }
0x28: {  	s6 =	simm.s32 $0x2080;
	[dreg:$0x18] =	wrdreg s5;
	s5 =	sadd.s32 s7, s8  }
0x29: {  	s8 =	simm.s32 $0x0;
	[dreg:$0x19] =	wrdreg s5;
	s5 =	sadd.s32 s7, s15  }
0x2a: {  	s15 =	simm.s32 $0x1;
	s7 =	simm.s32 $0x4;
	[dreg:$0x1b] =	wrdreg s5  }
0x2b: {  	_ =	strace $0x8000004A;
	[dreg:$0x1d] =	wrdreg s24;
	s24 =	simm.s32 $0x3  }
.LBB2_1:
0x2c: {  	s5 =	rddreg [dreg:$0x5]  }
0x2d: {  	[tilespmem:s2], [sflag:$0x5] =	stream.linear.gather [hbm4b:s5+s2], $0x40, $0x38;
	[tilespmem:$0xD880] =	vst v63  }
0x2e: {  	_ =	swait.ge [sflag:s28], $0x40  }
0x2f: {  	[sflag:s28] =	ssyncset.done $0x0  }
0x30: {  	[sflag:s28] =	ssyncadd.s32 $0xFFFFFFC0  }
0x31: {  	s9 =	rddreg [dreg:$0x1]  }
0x32: {  	[tilespmem:s3], [sflag:$0x1] =	stream.indirect.gather [hbm4b:s9+s31], $0x80, s2, s31, $0xb8;
	[tilespmem:$0xD880] =	vst v63  }
0x33: {  	s18 =	simm.s32 $0x4080;
	s12 =	rddreg [dreg:$0x2]  }
0x34: {  	[tilespmem:s18], [sflag:$0x1] =	stream.indirect.gather [hbm4b:s12+s31], $0x90, s2, s31, $0xb8;
	[tilespmem:$0xD880] =	vst v63  }
0x35: {  	s18 =	simm.s32 $0x8880  }
0x36: {  	[tilespmem:s18], [sflag:$0x1] =	stream.indirect.gather [hbm4b:s21+s31], $0x90, s2, s31, $0xb8;
	[tilespmem:$0xD880] =	vst v63  }
0x37: {  	s18 =	rddreg [dreg:$0x6]  }
0x38: {  	[tilespmem:s31], [sflag:$0x5] =	stream.linear.gather [hbm4b:s18+s2], $0x40, $0x38;
	[tilespmem:$0xD880] =	vst v63  }
0x39: {  	_ =	swait.ge [sflag:s28], $0x40  }
0x3a: {  	[sflag:s28] =	ssyncset.done $0x0  }
0x3b: {  	[sflag:s28] =	ssyncadd.s32 $0xFFFFFFC0  }
0x3c: {  	[tilespmem:s6], [sflag:$0x2] =	stream.indirect.gather [hbm4b:s9+s31], $0x80, s31, s31, $0xb8;
	[tilespmem:$0xD880] =	vst v63  }
0x3d: {  	s18 =	simm.s32 $0x6480  }
0x3e: {  	[tilespmem:s18], [sflag:$0x2] =	stream.indirect.gather [hbm4b:s12+s31], $0x90, s31, s31, $0xb8;
	[tilespmem:$0xD880] =	vst v63  }
0x3f: {  	s9 =	simm.s32 $0xAC80  }
0x40: {  	[tilespmem:s9], [sflag:$0x2] =	stream.indirect.gather [hbm4b:s21+s31], $0x90, s31, s31, $0xb8;
	[tilespmem:$0xD880] =	vst v63  }
0x41: {  	_ =	swait.ge [sflag:s15], $0x2000  }
0x42: {  	[sflag:s15] =	ssyncset.done $0x0  }
0x43: {  	[sflag:s15] =	ssyncadd.s32 $0xFFFFE000  }
0x44: {  	_ =	swait.ge [sflag:s15], $0x2400  }
0x45: {  	[sflag:s15] =	ssyncset.done $0x0  }
0x46: {  	[sflag:s15] =	ssyncadd.s32 $0xFFFFDC00  }
0x47: {  	_ =	swait.ge [sflag:s15], $0x2400  }
0x48: {  	[sflag:s15] =	ssyncset.done $0x0  }
0x49: {  	s12 =	simm.s32 $0x80;
	[sflag:s15] =	ssyncadd.s32 $0xFFFFDC00  }
0x4a: {  	v0 =	vld [tilespmem:s12+$0x8880]  }
0x4b: {  	v1 =	vld [tilespmem:s12+$0x4080];
	_ =	sdelay $0x4  }
0x4c: {  	v0 =	vadd.f32 v0, v1;
	_ =	sdelay $0x1  }
0x4d: {  	v0 =	vmax.f32 v0, $1.000000000e+00  }
0x4e: {  	(erf) = vrcp.f32 v0;
	_ =	sdelay $0x8  }
0x4f: {  	s18 =	simm.s32 $0xD080;
	v0 =	vpop (erf)  }
0x50: {  	s9 =	simm.s32 $0x110;
	[tilespmem:s18+$0x0] =	vst v0  }
0x51: {  	s5 =	simm.s32 $0xD080;
	s18 =	simm.s32 $0x680;
	v0 =	vld [tilespmem:s9+$0x8880]  }
.LBB2_2:
0x52: {  	p0 =	sne.s32 s18, $0x8FC0;
	v1 =	vld [tilespmem:s9+$0x4080];
	_ =	sdelay $0x4  }
0x53: {  	v0 =	vadd.f32 v0, v1;
	_ =	sdelay $0x1  }
0x54: {  	v0 =	vmax.f32 v0, $1.000000000e+00  }
0x55: {  	(erf) = vrcp.f32 v0;
	_ =	sdelay $0x6  }
.Ltmp0:
0x56: {  	(pc) =	sbr.rel @p0 .LBB2_2-.Ltmp0, $4  }
0x57: {  	_ = 	snop  }
0x58: {  	s5 =	sadd.s32 $0x10, s5;
	v0 =	vpop (erf)  }
0x59: {  	s9 =	sshra.s32 s18, $0x2;
	[tilespmem:s5+$0x0] =	vst v0  }
0x5a: {  	s18 =	sadd.s32 $0x240, s18;
	v0 =	vld [tilespmem:s9+$0x8880]  }
0x5b: {  	v1 =	vld [tilespmem:s9+$0x4080];
	_ =	sdelay $0x4  }
0x5c: {  	v0 =	vadd.f32 v0, v1;
	_ =	sdelay $0x1  }
0x5d: {  	v0 =	vmax.f32 v0, $1.000000000e+00  }
0x5e: {  	(erf) = vrcp.f32 v0;
	_ =	sdelay $0x8  }
0x5f: {  	s5 =	sadd.s32 $0x10, s5;
	v0 =	vpop (erf)  }
0x60: {  	s12 =	simm.s32 $0x0;
	s18 =	rddreg [dreg:$0x7];
	s9 =	simm.s32 $0x4110;
	[tilespmem:s5+$0x0] =	vst v0  }
0x61: {  	[hbm4b:s18+s12] =	stream.linear.scatter [tilespmem:s3], [sflag:$0x3], $0x2000, $0x38;
	[tilespmem:$0xD880] =	vst v63  }
0x62: {  	s5 =	simm.s32 $0x4080;
	s18 =	simm.s32 $0x10;
	s12 =	sadd.s32 $0x0, s10  }
.LBB2_4:
0x63: {  	[hbm4b:s12+s2] =	stream.linear.scatter [tilespmem:s5], [sflag:$0x3], $0x80, $0x38;
	[tilespmem:$0xD880] =	vst v63  }
0x64: {  	s12 =	smov.u32 s18;
	s5 =	smov.u32 s9;
	p0 =	sne.s32 s18, $0x3F0  }
.Ltmp1:
0x65: {  	s18 =	sadd.s32 $0x10, s18;
	(pc) =	sbr.rel @p0 .LBB2_4-.Ltmp1, $2  }
0x66: {  	_ =	sdelay $0x2  }
0x67: {  	s9 =	sadd.s32 $0x90, s9;
	s12 =	sadd.s32 s12, s10  }
0x68: {  	[hbm4b:s12+s2] =	stream.linear.scatter [tilespmem:s5], [sflag:$0x3], $0x80, $0x38;
	[tilespmem:$0xD880] =	vst v63  }
0x69: {  	s5 =	simm.s32 $0x8880  }
0x6a: {  	s18 =	simm.s32 $0x10;
	s12 =	sadd.s32 $0x0, s11;
	s9 =	simm.s32 $0x8910  }
.LBB2_6:
0x6b: {  	[hbm4b:s12+s2] =	stream.linear.scatter [tilespmem:s5], [sflag:$0x3], $0x80, $0x38;
	[tilespmem:$0xD880] =	vst v63  }
0x6c: {  	s12 =	smov.u32 s18;
	s5 =	smov.u32 s9;
	p0 =	sne.s32 s18, $0x3F0  }
.Ltmp2:
0x6d: {  	s18 =	sadd.s32 $0x10, s18;
	(pc) =	sbr.rel @p0 .LBB2_6-.Ltmp2, $2  }
0x6e: {  	_ =	sdelay $0x2  }
0x6f: {  	s9 =	sadd.s32 $0x90, s9;
	s12 =	sadd.s32 s12, s11  }
0x70: {  	[hbm4b:s12+s2] =	stream.linear.scatter [tilespmem:s5], [sflag:$0x3], $0x80, $0x38;
	[tilespmem:$0xD880] =	vst v63  }
0x71: {  	s12 =	rddreg [dreg:$0x15];
	s9 =	simm.s32 $0xD080  }
0x72: {  	[hbm4b:s12+s2] =	stream.linear.scatter [tilespmem:s9], [sflag:$0x3], $0x400, $0x38;
	[tilespmem:$0xD880] =	vst v63  }
0x73: {  	_ =	swait.ge [sflag:s24], $0x2000  }
0x74: {  	[sflag:s24] =	ssyncset.done $0x0  }
0x75: {  	[sflag:s24] =	ssyncadd.s32 $0xFFFFE000  }
0x76: {  	_ =	swait.ge [sflag:s24], $0x2000  }
0x77: {  	[sflag:s24] =	ssyncset.done $0x0  }
0x78: {  	[sflag:s24] =	ssyncadd.s32 $0xFFFFE000  }
0x79: {  	_ =	swait.ge [sflag:s24], $0x2000  }
0x7a: {  	[sflag:s24] =	ssyncset.done $0x0  }
0x7b: {  	[sflag:s24] =	ssyncadd.s32 $0xFFFFE000  }
0x7c: {  	_ =	swait.ge [sflag:s24], $0x400  }
0x7d: {  	[sflag:s24] =	ssyncset.done $0x0  }
0x7e: {  	s18 =	rddreg [dreg:$0x8];
	[sflag:s24] =	ssyncadd.s32 $0xFFFFFC00  }
0x7f: {  	[tilespmem:s2], [sflag:$0x5] =	stream.linear.gather [hbm4b:s18+s2], $0x40, $0x38;
	[tilespmem:$0xD880] =	vst v63  }
0x80: {  	_ =	swait.ge [sflag:s28], $0x40  }
0x81: {  	[sflag:s28] =	ssyncset.done $0x0  }
0x82: {  	[sflag:s28] =	ssyncadd.s32 $0xFFFFFFC0  }
0x83: {  	s9 =	rddreg [dreg:$0x1]  }
0x84: {  	[tilespmem:s3], [sflag:$0x1] =	stream.indirect.gather [hbm4b:s9+s31], $0x80, s2, s31, $0xb8;
	[tilespmem:$0xD880] =	vst v63  }
0x85: {  	s18 =	simm.s32 $0x4080;
	s12 =	rddreg [dreg:$0x2]  }
0x86: {  	[tilespmem:s18], [sflag:$0x1] =	stream.indirect.gather [hbm4b:s12+s31], $0x90, s2, s31, $0xb8;
	[tilespmem:$0xD880] =	vst v63  }
0x87: {  	s12 =	simm.s32 $0x8880  }
0x88: {  	[tilespmem:s12], [sflag:$0x1] =	stream.indirect.gather [hbm4b:s21+s31], $0x90, s2, s31, $0xb8;
	[tilespmem:$0xD880] =	vst v63  }
0x89: {  	_ =	swait.ge [sflag:s4], $0x2000  }
0x8a: {  	[sflag:s4] =	ssyncset.done $0x0  }
0x8b: {  	[sflag:s4] =	ssyncadd.s32 $0xFFFFE000  }
0x8c: {  	_ =	swait.ge [sflag:s4], $0x2400  }
0x8d: {  	[sflag:s4] =	ssyncset.done $0x0  }
0x8e: {  	[sflag:s4] =	ssyncadd.s32 $0xFFFFDC00  }
0x8f: {  	_ =	swait.ge [sflag:s4], $0x2400  }
0x90: {  	[sflag:s4] =	ssyncset.done $0x0  }
0x91: {  	s18 =	simm.s32 $0x80;
	[sflag:s4] =	ssyncadd.s32 $0xFFFFDC00  }
0x92: {  	v0 =	vld [tilespmem:s18+$0xAC80]  }
0x93: {  	v1 =	vld [tilespmem:s18+$0x6480];
	_ =	sdelay $0x4  }
0x94: {  	v0 =	vadd.f32 v0, v1;
	_ =	sdelay $0x1  }
0x95: {  	v0 =	vmax.f32 v0, $1.000000000e+00  }
0x96: {  	(erf) = vrcp.f32 v0;
	_ =	sdelay $0x8  }
0x97: {  	s5 =	simm.s32 $0xD480;
	v0 =	vpop (erf)  }
0x98: {  	s9 =	simm.s32 $0x110;
	[tilespmem:s5+$0x0] =	vst v0  }
0x99: {  	s18 =	simm.s32 $0x680;
	v0 =	vld [tilespmem:s9+$0xAC80]  }
.LBB2_8:
0x9a: {  	p0 =	sne.s32 s18, $0x8FC0;
	v1 =	vld [tilespmem:s9+$0x6480];
	_ =	sdelay $0x4  }
0x9b: {  	v0 =	vadd.f32 v0, v1;
	_ =	sdelay $0x1  }
0x9c: {  	v0 =	vmax.f32 v0, $1.000000000e+00  }
0x9d: {  	(erf) = vrcp.f32 v0;
	_ =	sdelay $0x6  }
.Ltmp3:
0x9e: {  	(pc) =	sbr.rel @p0 .LBB2_8-.Ltmp3, $4  }
0x9f: {  	_ = 	snop  }
0xa0: {  	s5 =	sadd.s32 $0x10, s5;
	v0 =	vpop (erf)  }
0xa1: {  	s9 =	sshra.s32 s18, $0x2;
	[tilespmem:s5+$0x0] =	vst v0  }
0xa2: {  	s18 =	sadd.s32 $0x240, s18;
	v0 =	vld [tilespmem:s9+$0xAC80]  }
0xa3: {  	v1 =	vld [tilespmem:s9+$0x6480];
	_ =	sdelay $0x4  }
0xa4: {  	v0 =	vadd.f32 v0, v1;
	_ =	sdelay $0x1  }
0xa5: {  	v0 =	vmax.f32 v0, $1.000000000e+00  }
0xa6: {  	(erf) = vrcp.f32 v0;
	_ =	sdelay $0x8  }
0xa7: {  	s5 =	sadd.s32 $0x10, s5;
	v0 =	vpop (erf)  }
0xa8: {  	s12 =	simm.s32 $0x0;
	s18 =	rddreg [dreg:$0xe];
	s9 =	simm.s32 $0x6510;
	[tilespmem:s5+$0x0] =	vst v0  }
0xa9: {  	[hbm4b:s18+s12] =	stream.linear.scatter [tilespmem:s6], [sflag:$0x4], $0x2000, $0x38;
	[tilespmem:$0xD880] =	vst v63  }
0xaa: {  	s5 =	simm.s32 $0x6480;
	s18 =	simm.s32 $0x10;
	s12 =	sadd.s32 $0x0, s13  }
.LBB2_10:
0xab: {  	[hbm4b:s12+s2] =	stream.linear.scatter [tilespmem:s5], [sflag:$0x4], $0x80, $0x38;
	[tilespmem:$0xD880] =	vst v63  }
0xac: {  	s12 =	smov.u32 s18;
	s5 =	smov.u32 s9;
	p0 =	sne.s32 s18, $0x3F0  }
.Ltmp4:
0xad: {  	s18 =	sadd.s32 $0x10, s18;
	(pc) =	sbr.rel @p0 .LBB2_10-.Ltmp4, $2  }
0xae: {  	_ =	sdelay $0x2  }
0xaf: {  	s9 =	sadd.s32 $0x90, s9;
	s12 =	sadd.s32 s12, s13  }
0xb0: {  	[hbm4b:s12+s2] =	stream.linear.scatter [tilespmem:s5], [sflag:$0x4], $0x80, $0x38;
	[tilespmem:$0xD880] =	vst v63  }
0xb1: {  	s5 =	simm.s32 $0xAC80  }
0xb2: {  	s18 =	simm.s32 $0x10;
	s12 =	sadd.s32 $0x0, s14;
	s9 =	simm.s32 $0xAD10  }
.LBB2_12:
0xb3: {  	[hbm4b:s12+s2] =	stream.linear.scatter [tilespmem:s5], [sflag:$0x4], $0x80, $0x38;
	[tilespmem:$0xD880] =	vst v63  }
0xb4: {  	s12 =	smov.u32 s18;
	s5 =	smov.u32 s9;
	p0 =	sne.s32 s18, $0x3F0  }
.Ltmp5:
0xb5: {  	s18 =	sadd.s32 $0x10, s18;
	(pc) =	sbr.rel @p0 .LBB2_12-.Ltmp5, $2  }
0xb6: {  	_ =	sdelay $0x2  }
0xb7: {  	s9 =	sadd.s32 $0x90, s9;
	s12 =	sadd.s32 s12, s14  }
0xb8: {  	[hbm4b:s12+s2] =	stream.linear.scatter [tilespmem:s5], [sflag:$0x4], $0x80, $0x38;
	[tilespmem:$0xD880] =	vst v63  }
0xb9: {  	s12 =	rddreg [dreg:$0x16];
	s9 =	simm.s32 $0xD480  }
0xba: {  	[hbm4b:s12+s2] =	stream.linear.scatter [tilespmem:s9], [sflag:$0x4], $0x400, $0x38;
	[tilespmem:$0xD880] =	vst v63  }
0xbb: {  	_ =	swait.ge [sflag:s7], $0x2000  }
0xbc: {  	[sflag:s7] =	ssyncset.done $0x0  }
0xbd: {  	[sflag:s7] =	ssyncadd.s32 $0xFFFFE000  }
0xbe: {  	_ =	swait.ge [sflag:s7], $0x2000  }
0xbf: {  	[sflag:s7] =	ssyncset.done $0x0  }
0xc0: {  	[sflag:s7] =	ssyncadd.s32 $0xFFFFE000  }
0xc1: {  	_ =	swait.ge [sflag:s7], $0x2000  }
0xc2: {  	[sflag:s7] =	ssyncset.done $0x0  }
0xc3: {  	[sflag:s7] =	ssyncadd.s32 $0xFFFFE000  }
0xc4: {  	_ =	swait.ge [sflag:s7], $0x400  }
0xc5: {  	[sflag:s7] =	ssyncset.done $0x0  }
0xc6: {  	s18 =	rddreg [dreg:$0x9];
	[sflag:s7] =	ssyncadd.s32 $0xFFFFFC00  }
0xc7: {  	[tilespmem:s31], [sflag:$0x5] =	stream.linear.gather [hbm4b:s18+s2], $0x40, $0x38;
	[tilespmem:$0xD880] =	vst v63  }
0xc8: {  	_ =	swait.ge [sflag:s28], $0x40  }
0xc9: {  	[sflag:s28] =	ssyncset.done $0x0  }
0xca: {  	[sflag:s28] =	ssyncadd.s32 $0xFFFFFFC0  }
0xcb: {  	s9 =	rddreg [dreg:$0x1]  }
0xcc: {  	[tilespmem:s6], [sflag:$0x2] =	stream.indirect.gather [hbm4b:s9+s31], $0x80, s31, s31, $0xb8;
	[tilespmem:$0xD880] =	vst v63  }
0xcd: {  	s18 =	simm.s32 $0x6480;
	s12 =	rddreg [dreg:$0x2]  }
0xce: {  	[tilespmem:s18], [sflag:$0x2] =	stream.indirect.gather [hbm4b:s12+s31], $0x90, s31, s31, $0xb8;
	[tilespmem:$0xD880] =	vst v63  }
0xcf: {  	s12 =	simm.s32 $0xAC80  }
0xd0: {  	[tilespmem:s12], [sflag:$0x2] =	stream.indirect.gather [hbm4b:s21+s31], $0x90, s31, s31, $0xb8;
	[tilespmem:$0xD880] =	vst v63  }
0xd1: {  	_ =	swait.ge [sflag:s15], $0x2000  }
0xd2: {  	[sflag:s15] =	ssyncset.done $0x0  }
0xd3: {  	[sflag:s15] =	ssyncadd.s32 $0xFFFFE000  }
0xd4: {  	_ =	swait.ge [sflag:s15], $0x2400  }
0xd5: {  	[sflag:s15] =	ssyncset.done $0x0  }
0xd6: {  	[sflag:s15] =	ssyncadd.s32 $0xFFFFDC00  }
0xd7: {  	_ =	swait.ge [sflag:s15], $0x2400  }
0xd8: {  	[sflag:s15] =	ssyncset.done $0x0  }
0xd9: {  	s18 =	simm.s32 $0x80;
	[sflag:s15] =	ssyncadd.s32 $0xFFFFDC00  }
0xda: {  	v0 =	vld [tilespmem:s18+$0x8880]  }
0xdb: {  	v1 =	vld [tilespmem:s18+$0x4080];
	_ =	sdelay $0x4  }
0xdc: {  	v0 =	vadd.f32 v0, v1;
	_ =	sdelay $0x1  }
0xdd: {  	v0 =	vmax.f32 v0, $1.000000000e+00  }
0xde: {  	(erf) = vrcp.f32 v0;
	_ =	sdelay $0x8  }
0xdf: {  	s5 =	simm.s32 $0xD080;
	v0 =	vpop (erf)  }
0xe0: {  	s9 =	simm.s32 $0x110;
	[tilespmem:s5+$0x0] =	vst v0  }
0xe1: {  	s18 =	simm.s32 $0x680;
	v0 =	vld [tilespmem:s9+$0x8880]  }
.LBB2_14:
0xe2: {  	p0 =	sne.s32 s18, $0x8FC0;
	v1 =	vld [tilespmem:s9+$0x4080];
	_ =	sdelay $0x4  }
0xe3: {  	v0 =	vadd.f32 v0, v1;
	_ =	sdelay $0x1  }
0xe4: {  	v0 =	vmax.f32 v0, $1.000000000e+00  }
0xe5: {  	(erf) = vrcp.f32 v0;
	_ =	sdelay $0x6  }
.Ltmp6:
0xe6: {  	(pc) =	sbr.rel @p0 .LBB2_14-.Ltmp6, $4  }
0xe7: {  	_ = 	snop  }
0xe8: {  	s5 =	sadd.s32 $0x10, s5;
	v0 =	vpop (erf)  }
0xe9: {  	s9 =	sshra.s32 s18, $0x2;
	[tilespmem:s5+$0x0] =	vst v0  }
0xea: {  	s18 =	sadd.s32 $0x240, s18;
	v0 =	vld [tilespmem:s9+$0x8880]  }
0xeb: {  	v1 =	vld [tilespmem:s9+$0x4080];
	_ =	sdelay $0x4  }
0xec: {  	v0 =	vadd.f32 v0, v1;
	_ =	sdelay $0x1  }
0xed: {  	v0 =	vmax.f32 v0, $1.000000000e+00  }
0xee: {  	(erf) = vrcp.f32 v0;
	_ =	sdelay $0x8  }
0xef: {  	s5 =	sadd.s32 $0x10, s5;
	v0 =	vpop (erf)  }
0xf0: {  	s12 =	simm.s32 $0x0;
	s18 =	rddreg [dreg:$0xf];
	s9 =	simm.s32 $0x4110;
	[tilespmem:s5+$0x0] =	vst v0  }
0xf1: {  	[hbm4b:s18+s12] =	stream.linear.scatter [tilespmem:s3], [sflag:$0x3], $0x2000, $0x38;
	[tilespmem:$0xD880] =	vst v63  }
0xf2: {  	s5 =	simm.s32 $0x4080;
	s18 =	simm.s32 $0x10;
	s12 =	sadd.s32 $0x0, s16  }
.LBB2_16:
0xf3: {  	[hbm4b:s12+s2] =	stream.linear.scatter [tilespmem:s5], [sflag:$0x3], $0x80, $0x38;
	[tilespmem:$0xD880] =	vst v63  }
0xf4: {  	s12 =	smov.u32 s18;
	s5 =	smov.u32 s9;
	p0 =	sne.s32 s18, $0x3F0  }
.Ltmp7:
0xf5: {  	s18 =	sadd.s32 $0x10, s18;
	(pc) =	sbr.rel @p0 .LBB2_16-.Ltmp7, $2  }
0xf6: {  	_ =	sdelay $0x2  }
0xf7: {  	s9 =	sadd.s32 $0x90, s9;
	s12 =	sadd.s32 s12, s16  }
0xf8: {  	[hbm4b:s12+s2] =	stream.linear.scatter [tilespmem:s5], [sflag:$0x3], $0x80, $0x38;
	[tilespmem:$0xD880] =	vst v63  }
0xf9: {  	s5 =	simm.s32 $0x8880  }
0xfa: {  	s18 =	simm.s32 $0x10;
	s12 =	sadd.s32 $0x0, s17;
	s9 =	simm.s32 $0x8910  }
.LBB2_18:
0xfb: {  	[hbm4b:s12+s2] =	stream.linear.scatter [tilespmem:s5], [sflag:$0x3], $0x80, $0x38;
	[tilespmem:$0xD880] =	vst v63  }
0xfc: {  	s12 =	smov.u32 s18;
	s5 =	smov.u32 s9;
	p0 =	sne.s32 s18, $0x3F0  }
.Ltmp8:
0xfd: {  	s18 =	sadd.s32 $0x10, s18;
	(pc) =	sbr.rel @p0 .LBB2_18-.Ltmp8, $2  }
0xfe: {  	_ =	sdelay $0x2  }
0xff: {  	s9 =	sadd.s32 $0x90, s9;
	s12 =	sadd.s32 s12, s17  }
0x100: {  	[hbm4b:s12+s2] =	stream.linear.scatter [tilespmem:s5], [sflag:$0x3], $0x80, $0x38;
	[tilespmem:$0xD880] =	vst v63  }
0x101: {  	s12 =	rddreg [dreg:$0x17];
	s9 =	simm.s32 $0xD080  }
0x102: {  	[hbm4b:s12+s2] =	stream.linear.scatter [tilespmem:s9], [sflag:$0x3], $0x400, $0x38;
	[tilespmem:$0xD880] =	vst v63  }
0x103: {  	_ =	swait.ge [sflag:s24], $0x2000  }
0x104: {  	[sflag:s24] =	ssyncset.done $0x0  }
0x105: {  	[sflag:s24] =	ssyncadd.s32 $0xFFFFE000  }
0x106: {  	_ =	swait.ge [sflag:s24], $0x2000  }
0x107: {  	[sflag:s24] =	ssyncset.done $0x0  }
0x108: {  	[sflag:s24] =	ssyncadd.s32 $0xFFFFE000  }
0x109: {  	_ =	swait.ge [sflag:s24], $0x2000  }
0x10a: {  	[sflag:s24] =	ssyncset.done $0x0  }
0x10b: {  	[sflag:s24] =	ssyncadd.s32 $0xFFFFE000  }
0x10c: {  	_ =	swait.ge [sflag:s24], $0x400  }
0x10d: {  	[sflag:s24] =	ssyncset.done $0x0  }
0x10e: {  	s18 =	rddreg [dreg:$0xa];
	[sflag:s24] =	ssyncadd.s32 $0xFFFFFC00  }
0x10f: {  	[tilespmem:s2], [sflag:$0x5] =	stream.linear.gather [hbm4b:s18+s2], $0x40, $0x38;
	[tilespmem:$0xD880] =	vst v63  }
0x110: {  	_ =	swait.ge [sflag:s28], $0x40  }
0x111: {  	[sflag:s28] =	ssyncset.done $0x0  }
0x112: {  	[sflag:s28] =	ssyncadd.s32 $0xFFFFFFC0  }
0x113: {  	s9 =	rddreg [dreg:$0x1]  }
0x114: {  	[tilespmem:s3], [sflag:$0x1] =	stream.indirect.gather [hbm4b:s9+s31], $0x80, s2, s31, $0xb8;
	[tilespmem:$0xD880] =	vst v63  }
0x115: {  	s18 =	simm.s32 $0x4080;
	s12 =	rddreg [dreg:$0x2]  }
0x116: {  	[tilespmem:s18], [sflag:$0x1] =	stream.indirect.gather [hbm4b:s12+s31], $0x90, s2, s31, $0xb8;
	[tilespmem:$0xD880] =	vst v63  }
0x117: {  	s12 =	simm.s32 $0x8880  }
0x118: {  	[tilespmem:s12], [sflag:$0x1] =	stream.indirect.gather [hbm4b:s21+s31], $0x90, s2, s31, $0xb8;
	[tilespmem:$0xD880] =	vst v63  }
0x119: {  	_ =	swait.ge [sflag:s4], $0x2000  }
0x11a: {  	[sflag:s4] =	ssyncset.done $0x0  }
0x11b: {  	[sflag:s4] =	ssyncadd.s32 $0xFFFFE000  }
0x11c: {  	_ =	swait.ge [sflag:s4], $0x2400  }
0x11d: {  	[sflag:s4] =	ssyncset.done $0x0  }
0x11e: {  	[sflag:s4] =	ssyncadd.s32 $0xFFFFDC00  }
0x11f: {  	_ =	swait.ge [sflag:s4], $0x2400  }
0x120: {  	[sflag:s4] =	ssyncset.done $0x0  }
0x121: {  	s18 =	simm.s32 $0x80;
	[sflag:s4] =	ssyncadd.s32 $0xFFFFDC00  }
0x122: {  	v0 =	vld [tilespmem:s18+$0xAC80]  }
0x123: {  	v1 =	vld [tilespmem:s18+$0x6480];
	_ =	sdelay $0x4  }
0x124: {  	v0 =	vadd.f32 v0, v1;
	_ =	sdelay $0x1  }
0x125: {  	v0 =	vmax.f32 v0, $1.000000000e+00  }
0x126: {  	(erf) = vrcp.f32 v0;
	_ =	sdelay $0x8  }
0x127: {  	s5 =	simm.s32 $0xD480;
	v0 =	vpop (erf)  }
0x128: {  	s9 =	simm.s32 $0x110;
	[tilespmem:s5+$0x0] =	vst v0  }
0x129: {  	s18 =	simm.s32 $0x680;
	v0 =	vld [tilespmem:s9+$0xAC80]  }
.LBB2_20:
0x12a: {  	p0 =	sne.s32 s18, $0x8FC0;
	v1 =	vld [tilespmem:s9+$0x6480];
	_ =	sdelay $0x4  }
0x12b: {  	v0 =	vadd.f32 v0, v1;
	_ =	sdelay $0x1  }
0x12c: {  	v0 =	vmax.f32 v0, $1.000000000e+00  }
0x12d: {  	(erf) = vrcp.f32 v0;
	_ =	sdelay $0x6  }
.Ltmp9:
0x12e: {  	(pc) =	sbr.rel @p0 .LBB2_20-.Ltmp9, $4  }
0x12f: {  	_ = 	snop  }
0x130: {  	s5 =	sadd.s32 $0x10, s5;
	v0 =	vpop (erf)  }
0x131: {  	s9 =	sshra.s32 s18, $0x2;
	[tilespmem:s5+$0x0] =	vst v0  }
0x132: {  	s18 =	sadd.s32 $0x240, s18;
	v0 =	vld [tilespmem:s9+$0xAC80]  }
0x133: {  	v1 =	vld [tilespmem:s9+$0x6480];
	_ =	sdelay $0x4  }
0x134: {  	v0 =	vadd.f32 v0, v1;
	_ =	sdelay $0x1  }
0x135: {  	v0 =	vmax.f32 v0, $1.000000000e+00  }
0x136: {  	(erf) = vrcp.f32 v0;
	_ =	sdelay $0x8  }
0x137: {  	s5 =	sadd.s32 $0x10, s5;
	v0 =	vpop (erf)  }
0x138: {  	s12 =	simm.s32 $0x0;
	s18 =	rddreg [dreg:$0x10];
	s9 =	simm.s32 $0x6510;
	[tilespmem:s5+$0x0] =	vst v0  }
0x139: {  	[hbm4b:s18+s12] =	stream.linear.scatter [tilespmem:s6], [sflag:$0x4], $0x2000, $0x38;
	[tilespmem:$0xD880] =	vst v63  }
0x13a: {  	s5 =	simm.s32 $0x6480;
	s18 =	simm.s32 $0x10;
	s12 =	sadd.s32 $0x0, s19  }
.LBB2_22:
0x13b: {  	[hbm4b:s12+s2] =	stream.linear.scatter [tilespmem:s5], [sflag:$0x4], $0x80, $0x38;
	[tilespmem:$0xD880] =	vst v63  }
0x13c: {  	s12 =	smov.u32 s18;
	s5 =	smov.u32 s9;
	p0 =	sne.s32 s18, $0x3F0  }
.Ltmp10:
0x13d: {  	s18 =	sadd.s32 $0x10, s18;
	(pc) =	sbr.rel @p0 .LBB2_22-.Ltmp10, $2  }
0x13e: {  	_ =	sdelay $0x2  }
0x13f: {  	s9 =	sadd.s32 $0x90, s9;
	s12 =	sadd.s32 s12, s19  }
0x140: {  	[hbm4b:s12+s2] =	stream.linear.scatter [tilespmem:s5], [sflag:$0x4], $0x80, $0x38;
	[tilespmem:$0xD880] =	vst v63  }
0x141: {  	s5 =	simm.s32 $0xAC80  }
0x142: {  	s18 =	simm.s32 $0x10;
	s12 =	sadd.s32 $0x0, s20;
	s9 =	simm.s32 $0xAD10  }
.LBB2_24:
0x143: {  	[hbm4b:s12+s2] =	stream.linear.scatter [tilespmem:s5], [sflag:$0x4], $0x80, $0x38;
	[tilespmem:$0xD880] =	vst v63  }
0x144: {  	s12 =	smov.u32 s18;
	s5 =	smov.u32 s9;
	p0 =	sne.s32 s18, $0x3F0  }
.Ltmp11:
0x145: {  	s18 =	sadd.s32 $0x10, s18;
	(pc) =	sbr.rel @p0 .LBB2_24-.Ltmp11, $2  }
0x146: {  	_ =	sdelay $0x2  }
0x147: {  	s9 =	sadd.s32 $0x90, s9;
	s12 =	sadd.s32 s12, s20  }
0x148: {  	[hbm4b:s12+s2] =	stream.linear.scatter [tilespmem:s5], [sflag:$0x4], $0x80, $0x38;
	[tilespmem:$0xD880] =	vst v63  }
0x149: {  	s12 =	rddreg [dreg:$0x18];
	s9 =	simm.s32 $0xD480  }
0x14a: {  	[hbm4b:s12+s2] =	stream.linear.scatter [tilespmem:s9], [sflag:$0x4], $0x400, $0x38;
	[tilespmem:$0xD880] =	vst v63  }
0x14b: {  	_ =	swait.ge [sflag:s7], $0x2000  }
0x14c: {  	[sflag:s7] =	ssyncset.done $0x0  }
0x14d: {  	[sflag:s7] =	ssyncadd.s32 $0xFFFFE000  }
0x14e: {  	_ =	swait.ge [sflag:s7], $0x2000  }
0x14f: {  	[sflag:s7] =	ssyncset.done $0x0  }
0x150: {  	[sflag:s7] =	ssyncadd.s32 $0xFFFFE000  }
0x151: {  	_ =	swait.ge [sflag:s7], $0x2000  }
0x152: {  	[sflag:s7] =	ssyncset.done $0x0  }
0x153: {  	[sflag:s7] =	ssyncadd.s32 $0xFFFFE000  }
0x154: {  	_ =	swait.ge [sflag:s7], $0x400  }
0x155: {  	[sflag:s7] =	ssyncset.done $0x0  }
0x156: {  	s18 =	rddreg [dreg:$0xb];
	[sflag:s7] =	ssyncadd.s32 $0xFFFFFC00  }
0x157: {  	[tilespmem:s31], [sflag:$0x5] =	stream.linear.gather [hbm4b:s18+s2], $0x40, $0x38;
	[tilespmem:$0xD880] =	vst v63  }
0x158: {  	_ =	swait.ge [sflag:s28], $0x40  }
0x159: {  	[sflag:s28] =	ssyncset.done $0x0  }
0x15a: {  	[sflag:s28] =	ssyncadd.s32 $0xFFFFFFC0  }
0x15b: {  	s9 =	rddreg [dreg:$0x1]  }
0x15c: {  	[tilespmem:s6], [sflag:$0x2] =	stream.indirect.gather [hbm4b:s9+s31], $0x80, s31, s31, $0xb8;
	[tilespmem:$0xD880] =	vst v63  }
0x15d: {  	s18 =	simm.s32 $0x6480;
	s12 =	rddreg [dreg:$0x2]  }
0x15e: {  	[tilespmem:s18], [sflag:$0x2] =	stream.indirect.gather [hbm4b:s12+s31], $0x90, s31, s31, $0xb8;
	[tilespmem:$0xD880] =	vst v63  }
0x15f: {  	s12 =	simm.s32 $0xAC80  }
0x160: {  	[tilespmem:s12], [sflag:$0x2] =	stream.indirect.gather [hbm4b:s21+s31], $0x90, s31, s31, $0xb8;
	[tilespmem:$0xD880] =	vst v63  }
0x161: {  	_ =	swait.ge [sflag:s15], $0x2000  }
0x162: {  	[sflag:s15] =	ssyncset.done $0x0  }
0x163: {  	[sflag:s15] =	ssyncadd.s32 $0xFFFFE000  }
0x164: {  	_ =	swait.ge [sflag:s15], $0x2400  }
0x165: {  	[sflag:s15] =	ssyncset.done $0x0  }
0x166: {  	[sflag:s15] =	ssyncadd.s32 $0xFFFFDC00  }
0x167: {  	_ =	swait.ge [sflag:s15], $0x2400  }
0x168: {  	[sflag:s15] =	ssyncset.done $0x0  }
0x169: {  	s18 =	simm.s32 $0x80;
	[sflag:s15] =	ssyncadd.s32 $0xFFFFDC00  }
0x16a: {  	v0 =	vld [tilespmem:s18+$0x8880]  }
0x16b: {  	v1 =	vld [tilespmem:s18+$0x4080];
	_ =	sdelay $0x4  }
0x16c: {  	v0 =	vadd.f32 v0, v1;
	_ =	sdelay $0x1  }
0x16d: {  	v0 =	vmax.f32 v0, $1.000000000e+00  }
0x16e: {  	(erf) = vrcp.f32 v0;
	_ =	sdelay $0x8  }
0x16f: {  	s5 =	simm.s32 $0xD080;
	v0 =	vpop (erf)  }
0x170: {  	s9 =	simm.s32 $0x110;
	[tilespmem:s5+$0x0] =	vst v0  }
0x171: {  	s18 =	simm.s32 $0x680;
	v0 =	vld [tilespmem:s9+$0x8880]  }
.LBB2_26:
0x172: {  	p0 =	sne.s32 s18, $0x8FC0;
	v1 =	vld [tilespmem:s9+$0x4080];
	_ =	sdelay $0x4  }
0x173: {  	v0 =	vadd.f32 v0, v1;
	_ =	sdelay $0x1  }
0x174: {  	v0 =	vmax.f32 v0, $1.000000000e+00  }
0x175: {  	(erf) = vrcp.f32 v0;
	_ =	sdelay $0x6  }
.Ltmp12:
0x176: {  	(pc) =	sbr.rel @p0 .LBB2_26-.Ltmp12, $4  }
0x177: {  	_ = 	snop  }
0x178: {  	s5 =	sadd.s32 $0x10, s5;
	v0 =	vpop (erf)  }
0x179: {  	s9 =	sshra.s32 s18, $0x2;
	[tilespmem:s5+$0x0] =	vst v0  }
0x17a: {  	s18 =	sadd.s32 $0x240, s18;
	v0 =	vld [tilespmem:s9+$0x8880]  }
0x17b: {  	v1 =	vld [tilespmem:s9+$0x4080];
	_ =	sdelay $0x4  }
0x17c: {  	v0 =	vadd.f32 v0, v1;
	_ =	sdelay $0x1  }
0x17d: {  	v0 =	vmax.f32 v0, $1.000000000e+00  }
0x17e: {  	(erf) = vrcp.f32 v0;
	_ =	sdelay $0x8  }
0x17f: {  	s5 =	sadd.s32 $0x10, s5;
	v0 =	vpop (erf)  }
0x180: {  	s12 =	simm.s32 $0x0;
	s18 =	rddreg [dreg:$0x11];
	s9 =	simm.s32 $0x4110;
	[tilespmem:s5+$0x0] =	vst v0  }
0x181: {  	[hbm4b:s18+s12] =	stream.linear.scatter [tilespmem:s3], [sflag:$0x3], $0x2000, $0x38;
	[tilespmem:$0xD880] =	vst v63  }
0x182: {  	s5 =	simm.s32 $0x4080;
	s18 =	simm.s32 $0x10;
	s12 =	sadd.s32 $0x0, s22  }
.LBB2_28:
0x183: {  	[hbm4b:s12+s2] =	stream.linear.scatter [tilespmem:s5], [sflag:$0x3], $0x80, $0x38;
	[tilespmem:$0xD880] =	vst v63  }
0x184: {  	s12 =	smov.u32 s18;
	s5 =	smov.u32 s9;
	p0 =	sne.s32 s18, $0x3F0  }
.Ltmp13:
0x185: {  	s18 =	sadd.s32 $0x10, s18;
	(pc) =	sbr.rel @p0 .LBB2_28-.Ltmp13, $2  }
0x186: {  	_ =	sdelay $0x2  }
0x187: {  	s9 =	sadd.s32 $0x90, s9;
	s12 =	sadd.s32 s12, s22  }
0x188: {  	[hbm4b:s12+s2] =	stream.linear.scatter [tilespmem:s5], [sflag:$0x3], $0x80, $0x38;
	[tilespmem:$0xD880] =	vst v63  }
0x189: {  	s5 =	simm.s32 $0x8880  }
0x18a: {  	s18 =	simm.s32 $0x10;
	s12 =	sadd.s32 $0x0, s23;
	s9 =	simm.s32 $0x8910  }
.LBB2_30:
0x18b: {  	[hbm4b:s12+s2] =	stream.linear.scatter [tilespmem:s5], [sflag:$0x3], $0x80, $0x38;
	[tilespmem:$0xD880] =	vst v63  }
0x18c: {  	s12 =	smov.u32 s18;
	s5 =	smov.u32 s9;
	p0 =	sne.s32 s18, $0x3F0  }
.Ltmp14:
0x18d: {  	s18 =	sadd.s32 $0x10, s18;
	(pc) =	sbr.rel @p0 .LBB2_30-.Ltmp14, $2  }
0x18e: {  	_ =	sdelay $0x2  }
0x18f: {  	s9 =	sadd.s32 $0x90, s9;
	s12 =	sadd.s32 s12, s23  }
0x190: {  	[hbm4b:s12+s2] =	stream.linear.scatter [tilespmem:s5], [sflag:$0x3], $0x80, $0x38;
	[tilespmem:$0xD880] =	vst v63  }
0x191: {  	s12 =	rddreg [dreg:$0x19];
	s9 =	simm.s32 $0xD080  }
0x192: {  	[hbm4b:s12+s2] =	stream.linear.scatter [tilespmem:s9], [sflag:$0x3], $0x400, $0x38;
	[tilespmem:$0xD880] =	vst v63  }
0x193: {  	_ =	swait.ge [sflag:s24], $0x2000  }
0x194: {  	[sflag:s24] =	ssyncset.done $0x0  }
0x195: {  	[sflag:s24] =	ssyncadd.s32 $0xFFFFE000  }
0x196: {  	_ =	swait.ge [sflag:s24], $0x2000  }
0x197: {  	[sflag:s24] =	ssyncset.done $0x0  }
0x198: {  	[sflag:s24] =	ssyncadd.s32 $0xFFFFE000  }
0x199: {  	_ =	swait.ge [sflag:s24], $0x2000  }
0x19a: {  	[sflag:s24] =	ssyncset.done $0x0  }
0x19b: {  	[sflag:s24] =	ssyncadd.s32 $0xFFFFE000  }
0x19c: {  	_ =	swait.ge [sflag:s24], $0x400  }
0x19d: {  	[sflag:s24] =	ssyncset.done $0x0  }
0x19e: {  	s18 =	rddreg [dreg:$0xc];
	[sflag:s24] =	ssyncadd.s32 $0xFFFFFC00  }
0x19f: {  	[tilespmem:s2], [sflag:$0x5] =	stream.linear.gather [hbm4b:s18+s2], $0x40, $0x38;
	[tilespmem:$0xD880] =	vst v63  }
0x1a0: {  	_ =	swait.ge [sflag:s28], $0x40  }
0x1a1: {  	[sflag:s28] =	ssyncset.done $0x0  }
0x1a2: {  	[sflag:s28] =	ssyncadd.s32 $0xFFFFFFC0  }
0x1a3: {  	s9 =	rddreg [dreg:$0x1]  }
0x1a4: {  	[tilespmem:s3], [sflag:$0x1] =	stream.indirect.gather [hbm4b:s9+s31], $0x80, s2, s31, $0xb8;
	[tilespmem:$0xD880] =	vst v63  }
0x1a5: {  	s18 =	simm.s32 $0x4080;
	s12 =	rddreg [dreg:$0x2]  }
0x1a6: {  	[tilespmem:s18], [sflag:$0x1] =	stream.indirect.gather [hbm4b:s12+s31], $0x90, s2, s31, $0xb8;
	[tilespmem:$0xD880] =	vst v63  }
0x1a7: {  	s12 =	simm.s32 $0x8880  }
0x1a8: {  	[tilespmem:s12], [sflag:$0x1] =	stream.indirect.gather [hbm4b:s21+s31], $0x90, s2, s31, $0xb8;
	[tilespmem:$0xD880] =	vst v63  }
0x1a9: {  	_ =	swait.ge [sflag:s4], $0x2000  }
0x1aa: {  	[sflag:s4] =	ssyncset.done $0x0  }
0x1ab: {  	[sflag:s4] =	ssyncadd.s32 $0xFFFFE000  }
0x1ac: {  	_ =	swait.ge [sflag:s4], $0x2400  }
0x1ad: {  	[sflag:s4] =	ssyncset.done $0x0  }
0x1ae: {  	[sflag:s4] =	ssyncadd.s32 $0xFFFFDC00  }
0x1af: {  	_ =	swait.ge [sflag:s4], $0x2400  }
0x1b0: {  	[sflag:s4] =	ssyncset.done $0x0  }
0x1b1: {  	s18 =	simm.s32 $0x80;
	[sflag:s4] =	ssyncadd.s32 $0xFFFFDC00  }
0x1b2: {  	v0 =	vld [tilespmem:s18+$0xAC80]  }
0x1b3: {  	v1 =	vld [tilespmem:s18+$0x6480];
	_ =	sdelay $0x4  }
0x1b4: {  	v0 =	vadd.f32 v0, v1;
	_ =	sdelay $0x1  }
0x1b5: {  	v0 =	vmax.f32 v0, $1.000000000e+00  }
0x1b6: {  	(erf) = vrcp.f32 v0;
	_ =	sdelay $0x8  }
0x1b7: {  	s5 =	simm.s32 $0xD480;
	v0 =	vpop (erf)  }
0x1b8: {  	s9 =	simm.s32 $0x110;
	[tilespmem:s5+$0x0] =	vst v0  }
0x1b9: {  	s18 =	simm.s32 $0x680;
	v0 =	vld [tilespmem:s9+$0xAC80]  }
.LBB2_32:
0x1ba: {  	p0 =	sne.s32 s18, $0x8FC0;
	v1 =	vld [tilespmem:s9+$0x6480];
	_ =	sdelay $0x4  }
0x1bb: {  	v0 =	vadd.f32 v0, v1;
	_ =	sdelay $0x1  }
0x1bc: {  	v0 =	vmax.f32 v0, $1.000000000e+00  }
0x1bd: {  	(erf) = vrcp.f32 v0;
	_ =	sdelay $0x6  }
.Ltmp15:
0x1be: {  	(pc) =	sbr.rel @p0 .LBB2_32-.Ltmp15, $4  }
0x1bf: {  	_ = 	snop  }
0x1c0: {  	s5 =	sadd.s32 $0x10, s5;
	v0 =	vpop (erf)  }
0x1c1: {  	s9 =	sshra.s32 s18, $0x2;
	[tilespmem:s5+$0x0] =	vst v0  }
0x1c2: {  	s18 =	sadd.s32 $0x240, s18;
	v0 =	vld [tilespmem:s9+$0xAC80]  }
0x1c3: {  	v1 =	vld [tilespmem:s9+$0x6480];
	_ =	sdelay $0x4  }
0x1c4: {  	v0 =	vadd.f32 v0, v1;
	_ =	sdelay $0x1  }
0x1c5: {  	v0 =	vmax.f32 v0, $1.000000000e+00  }
0x1c6: {  	(erf) = vrcp.f32 v0;
	_ =	sdelay $0x8  }
0x1c7: {  	s5 =	sadd.s32 $0x10, s5;
	v0 =	vpop (erf)  }
0x1c8: {  	s12 =	simm.s32 $0x0;
	s18 =	rddreg [dreg:$0x12];
	s9 =	simm.s32 $0x6510;
	[tilespmem:s5+$0x0] =	vst v0  }
0x1c9: {  	[hbm4b:s18+s12] =	stream.linear.scatter [tilespmem:s6], [sflag:$0x4], $0x2000, $0x38;
	[tilespmem:$0xD880] =	vst v63  }
0x1ca: {  	s5 =	simm.s32 $0x6480;
	s18 =	simm.s32 $0x10;
	s12 =	sadd.s32 $0x0, s25  }
.LBB2_34:
0x1cb: {  	[hbm4b:s12+s2] =	stream.linear.scatter [tilespmem:s5], [sflag:$0x4], $0x80, $0x38;
	[tilespmem:$0xD880] =	vst v63  }
0x1cc: {  	s12 =	smov.u32 s18;
	s5 =	smov.u32 s9;
	p0 =	sne.s32 s18, $0x3F0  }
.Ltmp16:
0x1cd: {  	s18 =	sadd.s32 $0x10, s18;
	(pc) =	sbr.rel @p0 .LBB2_34-.Ltmp16, $2  }
0x1ce: {  	_ =	sdelay $0x2  }
0x1cf: {  	s9 =	sadd.s32 $0x90, s9;
	s12 =	sadd.s32 s12, s25  }
0x1d0: {  	[hbm4b:s12+s2] =	stream.linear.scatter [tilespmem:s5], [sflag:$0x4], $0x80, $0x38;
	[tilespmem:$0xD880] =	vst v63  }
0x1d1: {  	s5 =	simm.s32 $0xAC80  }
0x1d2: {  	s18 =	simm.s32 $0x10;
	s12 =	sadd.s32 $0x0, s26;
	s9 =	simm.s32 $0xAD10  }
.LBB2_36:
0x1d3: {  	[hbm4b:s12+s2] =	stream.linear.scatter [tilespmem:s5], [sflag:$0x4], $0x80, $0x38;
	[tilespmem:$0xD880] =	vst v63  }
0x1d4: {  	s12 =	smov.u32 s18;
	s5 =	smov.u32 s9;
	p0 =	sne.s32 s18, $0x3F0  }
.Ltmp17:
0x1d5: {  	s18 =	sadd.s32 $0x10, s18;
	(pc) =	sbr.rel @p0 .LBB2_36-.Ltmp17, $2  }
0x1d6: {  	_ =	sdelay $0x2  }
0x1d7: {  	s9 =	sadd.s32 $0x90, s9;
	s12 =	sadd.s32 s12, s26  }
0x1d8: {  	[hbm4b:s12+s2] =	stream.linear.scatter [tilespmem:s5], [sflag:$0x4], $0x80, $0x38;
	[tilespmem:$0xD880] =	vst v63  }
0x1d9: {  	s12 =	rddreg [dreg:$0x1a];
	s9 =	simm.s32 $0xD480  }
0x1da: {  	[hbm4b:s12+s2] =	stream.linear.scatter [tilespmem:s9], [sflag:$0x4], $0x400, $0x38;
	[tilespmem:$0xD880] =	vst v63  }
0x1db: {  	_ =	swait.ge [sflag:s7], $0x2000  }
0x1dc: {  	[sflag:s7] =	ssyncset.done $0x0  }
0x1dd: {  	[sflag:s7] =	ssyncadd.s32 $0xFFFFE000  }
0x1de: {  	_ =	swait.ge [sflag:s7], $0x2000  }
0x1df: {  	[sflag:s7] =	ssyncset.done $0x0  }
0x1e0: {  	[sflag:s7] =	ssyncadd.s32 $0xFFFFE000  }
0x1e1: {  	_ =	swait.ge [sflag:s7], $0x2000  }
0x1e2: {  	[sflag:s7] =	ssyncset.done $0x0  }
0x1e3: {  	[sflag:s7] =	ssyncadd.s32 $0xFFFFE000  }
0x1e4: {  	_ =	swait.ge [sflag:s7], $0x400  }
0x1e5: {  	[sflag:s7] =	ssyncset.done $0x0  }
0x1e6: {  	s18 =	rddreg [dreg:$0xd];
	[sflag:s7] =	ssyncadd.s32 $0xFFFFFC00  }
0x1e7: {  	[tilespmem:s31], [sflag:$0x5] =	stream.linear.gather [hbm4b:s18+s2], $0x40, $0x38;
	[tilespmem:$0xD880] =	vst v63  }
0x1e8: {  	_ =	swait.ge [sflag:s28], $0x40  }
0x1e9: {  	[sflag:s28] =	ssyncset.done $0x0  }
0x1ea: {  	[sflag:s28] =	ssyncadd.s32 $0xFFFFFFC0  }
0x1eb: {  	s9 =	rddreg [dreg:$0x1]  }
0x1ec: {  	[tilespmem:s6], [sflag:$0x2] =	stream.indirect.gather [hbm4b:s9+s31], $0x80, s31, s31, $0xb8;
	[tilespmem:$0xD880] =	vst v63  }
0x1ed: {  	s18 =	simm.s32 $0x6480;
	s12 =	rddreg [dreg:$0x2]  }
0x1ee: {  	[tilespmem:s18], [sflag:$0x2] =	stream.indirect.gather [hbm4b:s12+s31], $0x90, s31, s31, $0xb8;
	[tilespmem:$0xD880] =	vst v63  }
0x1ef: {  	s12 =	simm.s32 $0xAC80  }
0x1f0: {  	[tilespmem:s12], [sflag:$0x2] =	stream.indirect.gather [hbm4b:s21+s31], $0x90, s31, s31, $0xb8;
	[tilespmem:$0xD880] =	vst v63  }
0x1f1: {  	_ =	swait.ge [sflag:s15], $0x2000  }
0x1f2: {  	[sflag:s15] =	ssyncset.done $0x0  }
0x1f3: {  	[sflag:s15] =	ssyncadd.s32 $0xFFFFE000  }
0x1f4: {  	_ =	swait.ge [sflag:s15], $0x2400  }
0x1f5: {  	[sflag:s15] =	ssyncset.done $0x0  }
0x1f6: {  	[sflag:s15] =	ssyncadd.s32 $0xFFFFDC00  }
0x1f7: {  	_ =	swait.ge [sflag:s15], $0x2400  }
0x1f8: {  	[sflag:s15] =	ssyncset.done $0x0  }
0x1f9: {  	s18 =	simm.s32 $0x80;
	[sflag:s15] =	ssyncadd.s32 $0xFFFFDC00  }
0x1fa: {  	v0 =	vld [tilespmem:s18+$0x8880]  }
0x1fb: {  	v1 =	vld [tilespmem:s18+$0x4080];
	_ =	sdelay $0x4  }
0x1fc: {  	v0 =	vadd.f32 v0, v1;
	_ =	sdelay $0x1  }
0x1fd: {  	v0 =	vmax.f32 v0, $1.000000000e+00  }
0x1fe: {  	(erf) = vrcp.f32 v0;
	_ =	sdelay $0x8  }
0x1ff: {  	s5 =	simm.s32 $0xD080;
	v0 =	vpop (erf)  }
0x200: {  	s9 =	simm.s32 $0x110;
	[tilespmem:s5+$0x0] =	vst v0  }
0x201: {  	s18 =	simm.s32 $0x680;
	v0 =	vld [tilespmem:s9+$0x8880]  }
.LBB2_38:
0x202: {  	p0 =	sne.s32 s18, $0x8FC0;
	v1 =	vld [tilespmem:s9+$0x4080];
	_ =	sdelay $0x4  }
0x203: {  	v0 =	vadd.f32 v0, v1;
	_ =	sdelay $0x1  }
0x204: {  	v0 =	vmax.f32 v0, $1.000000000e+00  }
0x205: {  	(erf) = vrcp.f32 v0;
	_ =	sdelay $0x6  }
.Ltmp18:
0x206: {  	(pc) =	sbr.rel @p0 .LBB2_38-.Ltmp18, $4  }
0x207: {  	_ = 	snop  }
0x208: {  	s5 =	sadd.s32 $0x10, s5;
	v0 =	vpop (erf)  }
0x209: {  	s9 =	sshra.s32 s18, $0x2;
	[tilespmem:s5+$0x0] =	vst v0  }
0x20a: {  	s18 =	sadd.s32 $0x240, s18;
	v0 =	vld [tilespmem:s9+$0x8880]  }
0x20b: {  	v1 =	vld [tilespmem:s9+$0x4080];
	_ =	sdelay $0x4  }
0x20c: {  	v0 =	vadd.f32 v0, v1;
	_ =	sdelay $0x1  }
0x20d: {  	v0 =	vmax.f32 v0, $1.000000000e+00  }
0x20e: {  	(erf) = vrcp.f32 v0;
	_ =	sdelay $0x8  }
0x20f: {  	s5 =	sadd.s32 $0x10, s5;
	v0 =	vpop (erf)  }
0x210: {  	s12 =	simm.s32 $0x0;
	s18 =	rddreg [dreg:$0x13];
	s9 =	simm.s32 $0x4110;
	[tilespmem:s5+$0x0] =	vst v0  }
0x211: {  	[hbm4b:s18+s12] =	stream.linear.scatter [tilespmem:s3], [sflag:$0x3], $0x2000, $0x38;
	[tilespmem:$0xD880] =	vst v63  }
0x212: {  	s5 =	simm.s32 $0x4080;
	s18 =	simm.s32 $0x10;
	s12 =	sadd.s32 $0x0, s29  }
.LBB2_40:
0x213: {  	[hbm4b:s12+s2] =	stream.linear.scatter [tilespmem:s5], [sflag:$0x3], $0x80, $0x38;
	[tilespmem:$0xD880] =	vst v63  }
0x214: {  	s12 =	smov.u32 s18;
	s5 =	smov.u32 s9;
	p0 =	sne.s32 s18, $0x3F0  }
.Ltmp19:
0x215: {  	s18 =	sadd.s32 $0x10, s18;
	(pc) =	sbr.rel @p0 .LBB2_40-.Ltmp19, $2  }
0x216: {  	_ =	sdelay $0x2  }
0x217: {  	s9 =	sadd.s32 $0x90, s9;
	s12 =	sadd.s32 s12, s29  }
0x218: {  	[hbm4b:s12+s2] =	stream.linear.scatter [tilespmem:s5], [sflag:$0x3], $0x80, $0x38;
	[tilespmem:$0xD880] =	vst v63  }
0x219: {  	s5 =	simm.s32 $0x8880  }
0x21a: {  	s18 =	simm.s32 $0x10;
	s12 =	sadd.s32 $0x0, s30;
	s9 =	simm.s32 $0x8910  }
.LBB2_42:
0x21b: {  	[hbm4b:s12+s2] =	stream.linear.scatter [tilespmem:s5], [sflag:$0x3], $0x80, $0x38;
	[tilespmem:$0xD880] =	vst v63  }
0x21c: {  	s12 =	smov.u32 s18;
	s5 =	smov.u32 s9;
	p0 =	sne.s32 s18, $0x3F0  }
.Ltmp20:
0x21d: {  	s18 =	sadd.s32 $0x10, s18;
	(pc) =	sbr.rel @p0 .LBB2_42-.Ltmp20, $2  }
0x21e: {  	_ =	sdelay $0x2  }
0x21f: {  	s9 =	sadd.s32 $0x90, s9;
	s12 =	sadd.s32 s12, s30  }
0x220: {  	[hbm4b:s12+s2] =	stream.linear.scatter [tilespmem:s5], [sflag:$0x3], $0x80, $0x38;
	[tilespmem:$0xD880] =	vst v63  }
0x221: {  	s12 =	rddreg [dreg:$0x1b];
	s9 =	simm.s32 $0xD080  }
0x222: {  	[hbm4b:s12+s2] =	stream.linear.scatter [tilespmem:s9], [sflag:$0x3], $0x400, $0x38;
	[tilespmem:$0xD880] =	vst v63  }
0x223: {  	_ =	swait.ge [sflag:s4], $0x2000  }
0x224: {  	[sflag:s4] =	ssyncset.done $0x0  }
0x225: {  	[sflag:s4] =	ssyncadd.s32 $0xFFFFE000  }
0x226: {  	_ =	swait.ge [sflag:s4], $0x2400  }
0x227: {  	[sflag:s4] =	ssyncset.done $0x0  }
0x228: {  	[sflag:s4] =	ssyncadd.s32 $0xFFFFDC00  }
0x229: {  	_ =	swait.ge [sflag:s4], $0x2400  }
0x22a: {  	[sflag:s4] =	ssyncset.done $0x0  }
0x22b: {  	s18 =	simm.s32 $0x80;
	[sflag:s4] =	ssyncadd.s32 $0xFFFFDC00  }
0x22c: {  	v0 =	vld [tilespmem:s18+$0xAC80]  }
0x22d: {  	v1 =	vld [tilespmem:s18+$0x6480];
	_ =	sdelay $0x4  }
0x22e: {  	v0 =	vadd.f32 v0, v1;
	_ =	sdelay $0x1  }
0x22f: {  	v0 =	vmax.f32 v0, $1.000000000e+00  }
0x230: {  	(erf) = vrcp.f32 v0;
	_ =	sdelay $0x8  }
0x231: {  	s5 =	simm.s32 $0xD480;
	v0 =	vpop (erf)  }
0x232: {  	s9 =	simm.s32 $0x110;
	[tilespmem:s5+$0x0] =	vst v0  }
0x233: {  	s18 =	simm.s32 $0x680;
	v0 =	vld [tilespmem:s9+$0xAC80]  }
.LBB2_44:
0x234: {  	p0 =	sne.s32 s18, $0x8FC0;
	v1 =	vld [tilespmem:s9+$0x6480];
	_ =	sdelay $0x4  }
0x235: {  	v0 =	vadd.f32 v0, v1;
	_ =	sdelay $0x1  }
0x236: {  	v0 =	vmax.f32 v0, $1.000000000e+00  }
0x237: {  	(erf) = vrcp.f32 v0;
	_ =	sdelay $0x6  }
.Ltmp21:
0x238: {  	(pc) =	sbr.rel @p0 .LBB2_44-.Ltmp21, $4  }
0x239: {  	_ = 	snop  }
0x23a: {  	s5 =	sadd.s32 $0x10, s5;
	v0 =	vpop (erf)  }
0x23b: {  	s9 =	sshra.s32 s18, $0x2;
	[tilespmem:s5+$0x0] =	vst v0  }
0x23c: {  	s18 =	sadd.s32 $0x240, s18;
	v0 =	vld [tilespmem:s9+$0xAC80]  }
0x23d: {  	v1 =	vld [tilespmem:s9+$0x6480];
	_ =	sdelay $0x4  }
0x23e: {  	v0 =	vadd.f32 v0, v1;
	_ =	sdelay $0x1  }
0x23f: {  	v0 =	vmax.f32 v0, $1.000000000e+00  }
0x240: {  	(erf) = vrcp.f32 v0;
	_ =	sdelay $0x8  }
0x241: {  	s5 =	sadd.s32 $0x10, s5;
	v0 =	vpop (erf)  }
0x242: {  	s12 =	simm.s32 $0x0;
	s18 =	rddreg [dreg:$0x14];
	s9 =	simm.s32 $0x6510;
	[tilespmem:s5+$0x0] =	vst v0  }
0x243: {  	[hbm4b:s18+s12] =	stream.linear.scatter [tilespmem:s6], [sflag:$0x4], $0x2000, $0x38;
	[tilespmem:$0xD880] =	vst v63  }
0x244: {  	s5 =	simm.s32 $0x6480;
	s18 =	simm.s32 $0x10;
	s12 =	sadd.s32 $0x0, s0  }
.LBB2_46:
0x245: {  	[hbm4b:s12+s2] =	stream.linear.scatter [tilespmem:s5], [sflag:$0x4], $0x80, $0x38;
	[tilespmem:$0xD880] =	vst v63  }
0x246: {  	s12 =	smov.u32 s18;
	s5 =	smov.u32 s9;
	p0 =	sne.s32 s18, $0x3F0  }
.Ltmp22:
0x247: {  	s18 =	sadd.s32 $0x10, s18;
	(pc) =	sbr.rel @p0 .LBB2_46-.Ltmp22, $2  }
0x248: {  	_ =	sdelay $0x2  }
0x249: {  	s9 =	sadd.s32 $0x90, s9;
	s12 =	sadd.s32 s12, s0  }
0x24a: {  	[hbm4b:s12+s2] =	stream.linear.scatter [tilespmem:s5], [sflag:$0x4], $0x80, $0x38;
	[tilespmem:$0xD880] =	vst v63  }
0x24b: {  	s5 =	simm.s32 $0xAC80  }
0x24c: {  	s18 =	simm.s32 $0x10;
	s12 =	sadd.s32 $0x0, s1;
	s9 =	simm.s32 $0xAD10  }
.LBB2_48:
0x24d: {  	[hbm4b:s12+s2] =	stream.linear.scatter [tilespmem:s5], [sflag:$0x4], $0x80, $0x38;
	[tilespmem:$0xD880] =	vst v63  }
0x24e: {  	s12 =	smov.u32 s18;
	s5 =	smov.u32 s9;
	p0 =	sne.s32 s18, $0x3F0  }
.Ltmp23:
0x24f: {  	s18 =	sadd.s32 $0x10, s18;
	(pc) =	sbr.rel @p0 .LBB2_48-.Ltmp23, $2  }
0x250: {  	_ =	sdelay $0x2  }
0x251: {  	s9 =	sadd.s32 $0x90, s9;
	s12 =	sadd.s32 s12, s1  }
0x252: {  	[hbm4b:s12+s2] =	stream.linear.scatter [tilespmem:s5], [sflag:$0x4], $0x80, $0x38;
	[tilespmem:$0xD880] =	vst v63  }
0x253: {  	s12 =	rddreg [dreg:$0x1c];
	s9 =	simm.s32 $0xD480  }
0x254: {  	[hbm4b:s12+s2] =	stream.linear.scatter [tilespmem:s9], [sflag:$0x4], $0x400, $0x38;
	[tilespmem:$0xD880] =	vst v63  }
0x255: {  	_ =	swait.ge [sflag:s24], $0x2000  }
0x256: {  	[sflag:s24] =	ssyncset.done $0x0  }
0x257: {  	[sflag:s24] =	ssyncadd.s32 $0xFFFFE000  }
0x258: {  	_ =	swait.ge [sflag:s24], $0x2000  }
0x259: {  	[sflag:s24] =	ssyncset.done $0x0  }
0x25a: {  	[sflag:s24] =	ssyncadd.s32 $0xFFFFE000  }
0x25b: {  	_ =	swait.ge [sflag:s24], $0x2000  }
0x25c: {  	[sflag:s24] =	ssyncset.done $0x0  }
0x25d: {  	[sflag:s24] =	ssyncadd.s32 $0xFFFFE000  }
0x25e: {  	_ =	swait.ge [sflag:s24], $0x400  }
0x25f: {  	[sflag:s24] =	ssyncset.done $0x0  }
0x260: {  	[sflag:s24] =	ssyncadd.s32 $0xFFFFFC00  }
0x261: {  	_ =	swait.ge [sflag:s7], $0x2000  }
0x262: {  	[sflag:s7] =	ssyncset.done $0x0  }
0x263: {  	[sflag:s7] =	ssyncadd.s32 $0xFFFFE000  }
0x264: {  	_ =	swait.ge [sflag:s7], $0x2000  }
0x265: {  	[sflag:s7] =	ssyncset.done $0x0  }
0x266: {  	[sflag:s7] =	ssyncadd.s32 $0xFFFFE000  }
0x267: {  	_ =	swait.ge [sflag:s7], $0x2000  }
0x268: {  	[sflag:s7] =	ssyncset.done $0x0  }
0x269: {  	[sflag:s7] =	ssyncadd.s32 $0xFFFFE000  }
0x26a: {  	_ =	swait.ge [sflag:s7], $0x400  }
0x26b: {  	s8 =	sadd.s32 $0x1, s8;
	s18 =	rddreg [dreg:$0x1d]  }
0x26c: {  	p0 =	sne.s32 s8, s18  }
.Ltmp24:
0x26d: {  	_ = 	snop;
	(pc) =	sbr.rel @p0 .LBB2_1-.Ltmp24, $3  }
0x26e: {  	_ =	sdelay $0x1  }
0x26f: {  	[sflag:s7] =	ssyncset.done $0x0  }
0x270: {  	[sflag:s7] =	ssyncadd.s32 $0xFFFFFC00  }
0x271: {  	_ =	sfence.sel $0x180000  }
0x272: {  	[bflag:$0x0] =	sbarrier.arrive $0xFFFF  }
0x273: {  	_ =	strace $0x9000004A  }
0x274: {  	s0 =	stileid.u32;
	[bflag:$0x2] =	sbarrier.arrive $0xFFFF  }
0x275: {  	p0 =	sne.s32 s0, $0x0;
	s0 =	rddreg [dreg:$0x4]  }
0x276: {  	s0 =	sadd.s32 @!p0 $0x100000, s0  }
0x277: {  	[sflag:s0] =	ssyncadd.tile.s32 @!p0 $0x1;
	_ =	shalt  }
.Lfunc_end2:
_tile_overlayer_lowered:
.L_overlay_start_2:
0x278: {  	(tag) =	ssettag $0x2  }
0x279: {  	s0 =	rddreg [dreg:$0x0];
	s2 =	stileid.u32  }
0x27a: {  	s1 =	rddreg [dreg:$0x1];
	p0 =	sne.s32 s2, $0x0  }
0x27b: {  	s3 =	rddreg [dreg:$0x2];
	[bflag:$0x3] =	sbarrier.arrive $0xFFFF;
	s2 =	simm.s32 @!p0 $0x1C05  }
0x27c: {  	[timem:s3], [sflag:s2] =	dma.local @!p0 [hbm:s0], s1  }
0x27d: {  	s0 =	simm.s32 @!p0 $0x5  }
0x27e: {  	_ =	swait.ge @!p0 [sflag:s0], s1  }
0x27f: {  	s1 =	ssub.s32 @!p0 $0x0, s1;
	[sflag:s0] =	ssyncset.done @!p0 $0x0  }
0x280: {  	[sflag:s0] =	ssyncadd.s32 @!p0 s1  }
0x281: {  	[bflag:$0x3] =	sbarrier.arrive $0xFFFF  }
0x282: {  	_ =	shalt  }

</sc_bundles>
